<compile_context>
chip_gen: v7x
topology: tpu7x:2x2x1
jax: 0.10.2.dev20260603
libtpu: 0.0.44.dev20260713+nightly
codegen_flags: <defaults>
</compile_context>

<pallas_src>
import functools

import jax
import jax.numpy as jnp
from jax import lax
from jax.experimental import pallas as pl
from jax.experimental.pallas import tpu as pltpu
from jax.experimental.pallas import tpu_sc as plsc

NC = 2
NS = 16
NW = NC * NS
L = 16
C = 128
NBUF = 10
LAG = 2


def _make_gather(V, D, B):
    b_per_w = B // NW
    n_chunks = b_per_w // C
    mesh = plsc.VectorSubcoreMesh(core_axis_name="c", subcore_axis_name="s")

    @functools.partial(
        pl.kernel,
        mesh=mesh,
        out_type=jax.ShapeDtypeStruct((B, D), jnp.float32),
        compiler_params=pltpu.CompilerParams(use_tc_tiling_on_sc=False),
        scratch_types=[
            pltpu.VMEM((n_chunks, C), jnp.int32),
            pltpu.VMEM((NBUF, C, D), jnp.float32),
            pltpu.SemaphoreType.DMA((NBUF,)),
            pltpu.SemaphoreType.DMA((NBUF,)),
        ],
    )
    def k(table_hbm, idx_hbm, out_hbm, idx_v, rows_v, gsem, osem):
        wid = lax.axis_index("s") * NC + lax.axis_index("c")
        base = wid * b_per_w
        pltpu.sync_copy(idx_hbm.at[wid], idx_v)

        def issue_gathers(g, b):
            for v in range(C // L):
                iv = idx_v[g, pl.ds(v * L, L)]
                pltpu.async_copy(table_hbm.at[iv],
                                 rows_v.at[b].at[pl.ds(v * L, L)],
                                 gsem.at[b])

        def wait_gathers(b):
            pltpu.make_async_copy(table_hbm.at[pl.ds(0, C)], rows_v.at[b],
                                  gsem.at[b]).wait()

        def wait_write(b):
            pltpu.make_async_copy(table_hbm.at[pl.ds(0, C)], rows_v.at[b],
                                  osem.at[b]).wait()

        for b in range(NBUF):
            issue_gathers(b, b)

        def body(t, carry):
            for b in range(NBUF):
                g = t * NBUF + b
                wait_gathers(b)
                pltpu.async_copy(rows_v.at[b],
                                 out_hbm.at[pl.ds(base + g * C, C)],
                                 osem.at[b])
                b2 = (b + NBUF - LAG) % NBUF
                g2 = g + NBUF - LAG

                @pl.when(jnp.logical_and(g >= LAG, g2 < n_chunks))
                def _():
                    wait_write(b2)
                    issue_gathers(g2, b2)

            return carry

        lax.fori_loop(0, n_chunks // NBUF, body, 0)

        for b in range(NBUF):
            wait_write(b)

    return k


def kernel(x, embeddings):
    Bx, H = x.shape
    V, D = embeddings.shape
    B = Bx * H
    idx = x.reshape(NW, (B // NW) // C, C).astype(jnp.int32)
    out = _make_gather(V, D, B)(embeddings, idx)
    return out.reshape(Bx, H, D)

# --- scband reference (transcript-rebuilt; emitter-appended) ---
"""Pipeline reference for scband-embedding-22892175687735 (READ-ONLY COPY).

The authoritative reference and input builder live on the scoring server;
editing this copy changes nothing except your own understanding.
"""

import jax, jax.numpy as jnp
import numpy as np

VOCAB = 1000000
DIM = 64
BATCH = 4096
HIST = 200
INIT_STD = 0.02

def _trunc_normal(key, shape, std, dtype=jnp.float32):
    # truncated normal in [-2, 2] std units, matching trunc_normal_init semantics
    return jax.random.truncated_normal(key, -2.0, 2.0, shape, dtype) * std

def setup_inputs(seed: int = 0) -> dict:
    key = jax.random.key(seed)
    k_idx, k_emb = jax.random.split(key)
    x = jax.random.randint(k_idx, (BATCH, HIST), 0, VOCAB, dtype=jnp.int64 if jax.config.jax_enable_x64 else jnp.int32)
    embeddings = _trunc_normal(k_emb, (VOCAB, DIM), INIT_STD)
    return {"x": x, "embeddings": embeddings}

def reference(x, embeddings):
    # Faithful translation of: return self.embeddings[x]
    return jnp.take(embeddings, x, axis=0)

if __name__ == "__main__":
    import jax
    _d = setup_inputs()
    print(jax.jit(kernel)(*tuple(_d.values())))

</pallas_src>

<mosaic_0001>
#map = affine_map<(d0, d1) -> (0, 0)>
#map1 = affine_map<(d0, d1) -> (0, 0, 0)>
module attributes {stable_mosaic.version = 14 : i64} {
  func.func @k(%arg0: i32, %arg1: i32, %arg2: memref<1000000x64xf32, #tpu.memory_space<hbm>>, %arg3: memref<32x200x128xi32, #tpu.memory_space<hbm>>, %arg4: memref<819200x64xf32, #tpu.memory_space<hbm>>, %arg5: memref<200x128xi32, #tpu.memory_space<vmem>>, %arg6: memref<10x128x64xf32, #tpu.memory_space<vmem>>, %arg7: memref<10x!tpu.dma_semaphore, #tpu.memory_space<semaphore_mem>>, %arg8: memref<10x!tpu.dma_semaphore, #tpu.memory_space<semaphore_mem>>) attributes {dimension_semantics = [#tpu.dimension_semantics<core_parallel>, #tpu.dimension_semantics<subcore_parallel>], iteration_bounds = array<i64: 2, 16>, scalar_prefetch = 0 : i64, scratch_operands = 4 : i64, tpu.core_type = #tpu.core_type<sc_vector_subcore>, window_params = [{transform_indices = #map}, {transform_indices = #map1}, {transform_indices = #map}]} {
    %mul3A = arith.constant 2 : i32
    %mul3A_0 = arith.muli %arg1, %mul3A : i32
    %add3A = arith.addi %mul3A_0, %arg0 : i32
    %mul3A_1 = arith.constant 25600 : i32
    %mul3A_2 = arith.muli %add3A, %mul3A_1 : i32
    "tpu.region"() ({
      %run_scoped3A = tpu.sem_alloc : memref<!tpu.dma_semaphore, #tpu.memory_space<semaphore_mem>>
      %dma_start3A_1705 = arith.constant 0 : i32
      %dma_start3A_1706 = arith.constant 0 : i32
      %dma_start3A_1707 = tpu.memref_slice %arg3[%add3A, %dma_start3A_1705, %dma_start3A_1706] : memref<32x200x128xi32, #tpu.memory_space<hbm>> -> memref<1x200x128xi32, #tpu.memory_space<hbm>>
      %dma_start3A_1708 = tpu.memref_squeeze %dma_start3A_1707 : memref<1x200x128xi32, #tpu.memory_space<hbm>> -> memref<200x128xi32, #tpu.memory_space<hbm>>
      %dma_start3A_1709 = arith.constant 0 : i32
      %dma_start3A_1710 = arith.constant 0 : i32
      %dma_start3A_1711 = tpu.memref_slice %arg3[%add3A, %dma_start3A_1709, %dma_start3A_1710] : memref<32x200x128xi32, #tpu.memory_space<hbm>> -> memref<1x200x128xi32, #tpu.memory_space<hbm>>
      %dma_start3A_1712 = tpu.memref_squeeze %dma_start3A_1711 : memref<1x200x128xi32, #tpu.memory_space<hbm>> -> memref<200x128xi32, #tpu.memory_space<hbm>>
      tpu.enqueue_dma source(%dma_start3A_1712 : memref<200x128xi32, #tpu.memory_space<hbm>>) target(%arg5 : memref<200x128xi32, #tpu.memory_space<vmem>>) target_semaphore(%run_scoped3A : memref<!tpu.dma_semaphore, #tpu.memory_space<semaphore_mem>>)
      %dma_wait3A_1713 = arith.constant 0 : i32
      %dma_wait3A_1714 = arith.constant 0 : i32
      %dma_wait3A_1715 = tpu.memref_slice %arg3[%add3A, %dma_wait3A_1713, %dma_wait3A_1714] : memref<32x200x128xi32, #tpu.memory_space<hbm>> -> memref<1x200x128xi32, #tpu.memory_space<hbm>>
      %dma_wait3A_1716 = tpu.memref_squeeze %dma_wait3A_1715 : memref<1x200x128xi32, #tpu.memory_space<hbm>> -> memref<200x128xi32, #tpu.memory_space<hbm>>
      %dma_wait3A_1717 = arith.constant 0 : i32
      %dma_wait3A_1718 = arith.constant 0 : i32
      %dma_wait3A_1719 = tpu.memref_slice %arg3[%add3A, %dma_wait3A_1717, %dma_wait3A_1718] : memref<32x200x128xi32, #tpu.memory_space<hbm>> -> memref<1x200x128xi32, #tpu.memory_space<hbm>>
      %dma_wait3A_1720 = tpu.memref_squeeze %dma_wait3A_1719 : memref<1x200x128xi32, #tpu.memory_space<hbm>> -> memref<200x128xi32, #tpu.memory_space<hbm>>
      tpu.wait_dma2 semaphore(%run_scoped3A : memref<!tpu.dma_semaphore, #tpu.memory_space<semaphore_mem>>) src(%dma_wait3A_1720 : memref<200x128xi32, #tpu.memory_space<hbm>>) dst(%arg5 : memref<200x128xi32, #tpu.memory_space<vmem>>)
      tpu.yield
    }) : () -> ()
    %get3A = arith.constant 0 : i32
    %get3A_3 = arith.index_cast %get3A : i32 to index
    %get3A_4 = arith.constant 0 : index
    %get3A_5 = tpu.vector_load %arg5[%get3A_3, %get3A_4] {strides = array<i32>} : memref<200x128xi32, #tpu.memory_space<vmem>>, vector<1x16xi32>,
    %get3A_6 = vector.shape_cast %get3A_5 : vector<1x16xi32> to vector<16xi32>
    %dma_start3A = arith.constant 0 : i32
    %dma_start3A_7 = arith.constant 0 : i32
    %dma_start3A_8 = arith.constant 0 : i32
    %dma_start3A_9 = arith.constant 0 : i32
    %dma_start3A_10 = tpu.memref_slice %arg6[%dma_start3A, %dma_start3A_8, %dma_start3A_9] : memref<10x128x64xf32, #tpu.memory_space<vmem>> -> memref<1x128x64xf32, #tpu.memory_space<vmem>>
    %dma_start3A_11 = tpu.memref_squeeze %dma_start3A_10 : memref<1x128x64xf32, #tpu.memory_space<vmem>> -> memref<128x64xf32, #tpu.memory_space<vmem>>
    %dma_start3A_12 = arith.constant 0 : i32
    %dma_start3A_13 = arith.constant 0 : i32
    %dma_start3A_14 = tpu.memref_slice %dma_start3A_11[%dma_start3A_12, %dma_start3A_13] : memref<128x64xf32, #tpu.memory_space<vmem>> -> memref<16x64xf32, #tpu.memory_space<vmem>>
    %dma_start3A_15 = arith.constant 0 : i32
    %dma_start3A_16 = arith.constant 0 : i32
    %dma_start3A_17 = tpu.memref_slice %arg2[%dma_start3A_15, %dma_start3A_16] : memref<1000000x64xf32, #tpu.memory_space<hbm>> -> memref<1000000x64xf32, #tpu.memory_space<hbm>>
    %dma_start3A_18 = tpu.memref_slice %arg7[%dma_start3A_7] : memref<10x!tpu.dma_semaphore, #tpu.memory_space<semaphore_mem>> -> memref<1x!tpu.dma_semaphore, #tpu.memory_space<semaphore_mem>>
    %dma_start3A_19 = tpu.memref_squeeze %dma_start3A_18 : memref<1x!tpu.dma_semaphore, #tpu.memory_space<semaphore_mem>> -> memref<!tpu.dma_semaphore, #tpu.memory_space<semaphore_mem>>
    tpu.enqueue_indirect_dma source(%dma_start3A_17 : memref<1000000x64xf32, #tpu.memory_space<hbm>>) target(%dma_start3A_14 : memref<16x64xf32, #tpu.memory_space<vmem>>) offsets(%get3A_6 : vector<16xi32>) semaphore(%dma_start3A_19 : memref<!tpu.dma_semaphore, #tpu.memory_space<semaphore_mem>>)
    %get3A_20 = arith.constant 0 : i32
    %get3A_21 = arith.index_cast %get3A_20 : i32 to index
    %get3A_22 = arith.constant 16 : index
    %get3A_23 = tpu.vector_load %arg5[%get3A_21, %get3A_22] {strides = array<i32>} : memref<200x128xi32, #tpu.memory_space<vmem>>, vector<1x16xi32>,
    %get3A_24 = vector.shape_cast %get3A_23 : vector<1x16xi32> to vector<16xi32>
    %dma_start3A_25 = arith.constant 0 : i32
    %dma_start3A_26 = arith.constant 0 : i32
    %dma_start3A_27 = arith.constant 0 : i32
    %dma_start3A_28 = arith.constant 0 : i32
    %dma_start3A_29 = tpu.memref_slice %arg6[%dma_start3A_25, %dma_start3A_27, %dma_start3A_28] : memref<10x128x64xf32, #tpu.memory_space<vmem>> -> memref<1x128x64xf32, #tpu.memory_space<vmem>>
    %dma_start3A_30 = tpu.memref_squeeze %dma_start3A_29 : memref<1x128x64xf32, #tpu.memory_space<vmem>> -> memref<128x64xf32, #tpu.memory_space<vmem>>
    %dma_start3A_31 = arith.constant 16 : i32
    %dma_start3A_32 = arith.constant 0 : i32
    %dma_start3A_33 = tpu.memref_slice %dma_start3A_30[%dma_start3A_31, %dma_start3A_32] : memref<128x64xf32, #tpu.memory_space<vmem>> -> memref<16x64xf32, #tpu.memory_space<vmem>>
    %dma_start3A_34 = arith.constant 0 : i32
    %dma_start3A_35 = arith.constant 0 : i32
    %dma_start3A_36 = tpu.memref_slice %arg2[%dma_start3A_34, %dma_start3A_35] : memref<1000000x64xf32, #tpu.memory_space<hbm>> -> memref<1000000x64xf32, #tpu.memory_space<hbm>>
    %dma_start3A_37 = tpu.memref_slice %arg7[%dma_start3A_26] : memref<10x!tpu.dma_semaphore, #tpu.memory_space<semaphore_mem>> -> memref<1x!tpu.dma_semaphore, #tpu.memory_space<semaphore_mem>>
    %dma_start3A_38 = tpu.memref_squeeze %dma_start3A_37 : memref<1x!tpu.dma_semaphore, #tpu.memory_space<semaphore_mem>> -> memref<!tpu.dma_semaphore, #tpu.memory_space<semaphore_mem>>
    tpu.enqueue_indirect_dma source(%dma_start3A_36 : memref<1000000x64xf32, #tpu.memory_space<hbm>>) target(%dma_start3A_33 : memref<16x64xf32, #tpu.memory_space<vmem>>) offsets(%get3A_24 : vector<16xi32>) semaphore(%dma_start3A_38 : memref<!tpu.dma_semaphore, #tpu.memory_space<semaphore_mem>>)
    %get3A_39 = arith.constant 0 : i32
    %get3A_40 = arith.index_cast %get3A_39 : i32 to index
    %get3A_41 = arith.constant 32 : index
    %get3A_42 = tpu.vector_load %arg5[%get3A_40, %get3A_41] {strides = array<i32>} : memref<200x128xi32, #tpu.memory_space<vmem>>, vector<1x16xi32>,
    %get3A_43 = vector.shape_cast %get3A_42 : vector<1x16xi32> to vector<16xi32>
    %dma_start3A_44 = arith.constant 0 : i32
    %dma_start3A_45 = arith.constant 0 : i32
    %dma_start3A_46 = arith.constant 0 : i32
    %dma_start3A_47 = arith.constant 0 : i32
    %dma_start3A_48 = tpu.memref_slice %arg6[%dma_start3A_44, %dma_start3A_46, %dma_start3A_47] : memref<10x128x64xf32, #tpu.memory_space<vmem>> -> memref<1x128x64xf32, #tpu.memory_space<vmem>>
    %dma_start3A_49 = tpu.memref_squeeze %dma_start3A_48 : memref<1x128x64xf32, #tpu.memory_space<vmem>> -> memref<128x64xf32, #tpu.memory_space<vmem>>
    %dma_start3A_50 = arith.constant 32 : i32
    %dma_start3A_51 = arith.constant 0 : i32
    %dma_start3A_52 = tpu.memref_slice %dma_start3A_49[%dma_start3A_50, %dma_start3A_51] : memref<128x64xf32, #tpu.memory_space<vmem>> -> memref<16x64xf32, #tpu.memory_space<vmem>>
    %dma_start3A_53 = arith.constant 0 : i32
    %dma_start3A_54 = arith.constant 0 : i32
    %dma_start3A_55 = tpu.memref_slice %arg2[%dma_start3A_53, %dma_start3A_54] : memref<1000000x64xf32, #tpu.memory_space<hbm>> -> memref<1000000x64xf32, #tpu.memory_space<hbm>>
    %dma_start3A_56 = tpu.memref_slice %arg7[%dma_start3A_45] : memref<10x!tpu.dma_semaphore, #tpu.memory_space<semaphore_mem>> -> memref<1x!tpu.dma_semaphore, #tpu.memory_space<semaphore_mem>>
    %dma_start3A_57 = tpu.memref_squeeze %dma_start3A_56 : memref<1x!tpu.dma_semaphore, #tpu.memory_space<semaphore_mem>> -> memref<!tpu.dma_semaphore, #tpu.memory_space<semaphore_mem>>
    tpu.enqueue_indirect_dma source(%dma_start3A_55 : memref<1000000x64xf32, #tpu.memory_space<hbm>>) target(%dma_start3A_52 : memref<16x64xf32, #tpu.memory_space<vmem>>) offsets(%get3A_43 : vector<16xi32>) semaphore(%dma_start3A_57 : memref<!tpu.dma_semaphore, #tpu.memory_space<semaphore_mem>>)
    %get3A_58 = arith.constant 0 : i32
    %get3A_59 = arith.index_cast %get3A_58 : i32 to index
    %get3A_60 = arith.constant 48 : index
    %get3A_61 = tpu.vector_load %arg5[%get3A_59, %get3A_60] {strides = array<i32>} : memref<200x128xi32, #tpu.memory_space<vmem>>, vector<1x16xi32>,
    %get3A_62 = vector.shape_cast %get3A_61 : vector<1x16xi32> to vector<16xi32>
    %dma_start3A_63 = arith.constant 0 : i32
    %dma_start3A_64 = arith.constant 0 : i32
    %dma_start3A_65 = arith.constant 0 : i32
    %dma_start3A_66 = arith.constant 0 : i32
    %dma_start3A_67 = tpu.memref_slice %arg6[%dma_start3A_63, %dma_start3A_65, %dma_start3A_66] : memref<10x128x64xf32, #tpu.memory_space<vmem>> -> memref<1x128x64xf32, #tpu.memory_space<vmem>>
    %dma_start3A_68 = tpu.memref_squeeze %dma_start3A_67 : memref<1x128x64xf32, #tpu.memory_space<vmem>> -> memref<128x64xf32, #tpu.memory_space<vmem>>
    %dma_start3A_69 = arith.constant 48 : i32
    %dma_start3A_70 = arith.constant 0 : i32
    %dma_start3A_71 = tpu.memref_slice %dma_start3A_68[%dma_start3A_69, %dma_start3A_70] : memref<128x64xf32, #tpu.memory_space<vmem>> -> memref<16x64xf32, #tpu.memory_space<vmem>>
    %dma_start3A_72 = arith.constant 0 : i32
    %dma_start3A_73 = arith.constant 0 : i32
    %dma_start3A_74 = tpu.memref_slice %arg2[%dma_start3A_72, %dma_start3A_73] : memref<1000000x64xf32, #tpu.memory_space<hbm>> -> memref<1000000x64xf32, #tpu.memory_space<hbm>>
    %dma_start3A_75 = tpu.memref_slice %arg7[%dma_start3A_64] : memref<10x!tpu.dma_semaphore, #tpu.memory_space<semaphore_mem>> -> memref<1x!tpu.dma_semaphore, #tpu.memory_space<semaphore_mem>>
    %dma_start3A_76 = tpu.memref_squeeze %dma_start3A_75 : memref<1x!tpu.dma_semaphore, #tpu.memory_space<semaphore_mem>> -> memref<!tpu.dma_semaphore, #tpu.memory_space<semaphore_mem>>
    tpu.enqueue_indirect_dma source(%dma_start3A_74 : memref<1000000x64xf32, #tpu.memory_space<hbm>>) target(%dma_start3A_71 : memref<16x64xf32, #tpu.memory_space<vmem>>) offsets(%get3A_62 : vector<16xi32>) semaphore(%dma_start3A_76 : memref<!tpu.dma_semaphore, #tpu.memory_space<semaphore_mem>>)
    %get3A_77 = arith.constant 0 : i32
    %get3A_78 = arith.index_cast %get3A_77 : i32 to index
    %get3A_79 = arith.constant 64 : index
    %get3A_80 = tpu.vector_load %arg5[%get3A_78, %get3A_79] {strides = array<i32>} : memref<200x128xi32, #tpu.memory_space<vmem>>, vector<1x16xi32>,
    %get3A_81 = vector.shape_cast %get3A_80 : vector<1x16xi32> to vector<16xi32>
    %dma_start3A_82 = arith.constant 0 : i32
    %dma_start3A_83 = arith.constant 0 : i32
    %dma_start3A_84 = arith.constant 0 : i32
    %dma_start3A_85 = arith.constant 0 : i32
    %dma_start3A_86 = tpu.memref_slice %arg6[%dma_start3A_82, %dma_start3A_84, %dma_start3A_85] : memref<10x128x64xf32, #tpu.memory_space<vmem>> -> memref<1x128x64xf32, #tpu.memory_space<vmem>>
    %dma_start3A_87 = tpu.memref_squeeze %dma_start3A_86 : memref<1x128x64xf32, #tpu.memory_space<vmem>> -> memref<128x64xf32, #tpu.memory_space<vmem>>
    %dma_start3A_88 = arith.constant 64 : i32
    %dma_start3A_89 = arith.constant 0 : i32
    %dma_start3A_90 = tpu.memref_slice %dma_start3A_87[%dma_start3A_88, %dma_start3A_89] : memref<128x64xf32, #tpu.memory_space<vmem>> -> memref<16x64xf32, #tpu.memory_space<vmem>>
    %dma_start3A_91 = arith.constant 0 : i32
    %dma_start3A_92 = arith.constant 0 : i32
    %dma_start3A_93 = tpu.memref_slice %arg2[%dma_start3A_91, %dma_start3A_92] : memref<1000000x64xf32, #tpu.memory_space<hbm>> -> memref<1000000x64xf32, #tpu.memory_space<hbm>>
    %dma_start3A_94 = tpu.memref_slice %arg7[%dma_start3A_83] : memref<10x!tpu.dma_semaphore, #tpu.memory_space<semaphore_mem>> -> memref<1x!tpu.dma_semaphore, #tpu.memory_space<semaphore_mem>>
    %dma_start3A_95 = tpu.memref_squeeze %dma_start3A_94 : memref<1x!tpu.dma_semaphore, #tpu.memory_space<semaphore_mem>> -> memref<!tpu.dma_semaphore, #tpu.memory_space<semaphore_mem>>
    tpu.enqueue_indirect_dma source(%dma_start3A_93 : memref<1000000x64xf32, #tpu.memory_space<hbm>>) target(%dma_start3A_90 : memref<16x64xf32, #tpu.memory_space<vmem>>) offsets(%get3A_81 : vector<16xi32>) semaphore(%dma_start3A_95 : memref<!tpu.dma_semaphore, #tpu.memory_space<semaphore_mem>>)
    %get3A_96 = arith.constant 0 : i32
    %get3A_97 = arith.index_cast %get3A_96 : i32 to index
    %get3A_98 = arith.constant 80 : index
    %get3A_99 = tpu.vector_load %arg5[%get3A_97, %get3A_98] {strides = array<i32>} : memref<200x128xi32, #tpu.memory_space<vmem>>, vector<1x16xi32>,
    %get3A_100 = vector.shape_cast %get3A_99 : vector<1x16xi32> to vector<16xi32>
    %dma_start3A_101 = arith.constant 0 : i32
    %dma_start3A_102 = arith.constant 0 : i32
    %dma_start3A_103 = arith.constant 0 : i32
    %dma_start3A_104 = arith.constant 0 : i32
    %dma_start3A_105 = tpu.memref_slice %arg6[%dma_start3A_101, %dma_start3A_103, %dma_start3A_104] : memref<10x128x64xf32, #tpu.memory_space<vmem>> -> memref<1x128x64xf32, #tpu.memory_space<vmem>>
    %dma_start3A_106 = tpu.memref_squeeze %dma_start3A_105 : memref<1x128x64xf32, #tpu.memory_space<vmem>> -> memref<128x64xf32, #tpu.memory_space<vmem>>
    %dma_start3A_107 = arith.constant 80 : i32
    %dma_start3A_108 = arith.constant 0 : i32
    %dma_start3A_109 = tpu.memref_slice %dma_start3A_106[%dma_start3A_107, %dma_start3A_108] : memref<128x64xf32, #tpu.memory_space<vmem>> -> memref<16x64xf32, #tpu.memory_space<vmem>>
    %dma_start3A_110 = arith.constant 0 : i32
    %dma_start3A_111 = arith.constant 0 : i32
    %dma_start3A_112 = tpu.memref_slice %arg2[%dma_start3A_110, %dma_start3A_111] : memref<1000000x64xf32, #tpu.memory_space<hbm>> -> memref<1000000x64xf32, #tpu.memory_space<hbm>>
    %dma_start3A_113 = tpu.memref_slice %arg7[%dma_start3A_102] : memref<10x!tpu.dma_semaphore, #tpu.memory_space<semaphore_mem>> -> memref<1x!tpu.dma_semaphore, #tpu.memory_space<semaphore_mem>>
    %dma_start3A_114 = tpu.memref_squeeze %dma_start3A_113 : memref<1x!tpu.dma_semaphore, #tpu.memory_space<semaphore_mem>> -> memref<!tpu.dma_semaphore, #tpu.memory_space<semaphore_mem>>
    tpu.enqueue_indirect_dma source(%dma_start3A_112 : memref<1000000x64xf32, #tpu.memory_space<hbm>>) target(%dma_start3A_109 : memref<16x64xf32, #tpu.memory_space<vmem>>) offsets(%get3A_100 : vector<16xi32>) semaphore(%dma_start3A_114 : memref<!tpu.dma_semaphore, #tpu.memory_space<semaphore_mem>>)
    %get3A_115 = arith.constant 0 : i32
    %get3A_116 = arith.index_cast %get3A_115 : i32 to index
    %get3A_117 = arith.constant 96 : index
    %get3A_118 = tpu.vector_load %arg5[%get3A_116, %get3A_117] {strides = array<i32>} : memref<200x128xi32, #tpu.memory_space<vmem>>, vector<1x16xi32>,
    %get3A_119 = vector.shape_cast %get3A_118 : vector<1x16xi32> to vector<16xi32>
    %dma_start3A_120 = arith.constant 0 : i32
    %dma_start3A_121 = arith.constant 0 : i32
    %dma_start3A_122 = arith.constant 0 : i32
    %dma_start3A_123 = arith.constant 0 : i32
    %dma_start3A_124 = tpu.memref_slice %arg6[%dma_start3A_120, %dma_start3A_122, %dma_start3A_123] : memref<10x128x64xf32, #tpu.memory_space<vmem>> -> memref<1x128x64xf32, #tpu.memory_space<vmem>>
    %dma_start3A_125 = tpu.memref_squeeze %dma_start3A_124 : memref<1x128x64xf32, #tpu.memory_space<vmem>> -> memref<128x64xf32, #tpu.memory_space<vmem>>
    %dma_start3A_126 = arith.constant 96 : i32
    %dma_start3A_127 = arith.constant 0 : i32
    %dma_start3A_128 = tpu.memref_slice %dma_start3A_125[%dma_start3A_126, %dma_start3A_127] : memref<128x64xf32, #tpu.memory_space<vmem>> -> memref<16x64xf32, #tpu.memory_space<vmem>>
    %dma_start3A_129 = arith.constant 0 : i32
    %dma_start3A_130 = arith.constant 0 : i32
    %dma_start3A_131 = tpu.memref_slice %arg2[%dma_start3A_129, %dma_start3A_130] : memref<1000000x64xf32, #tpu.memory_space<hbm>> -> memref<1000000x64xf32, #tpu.memory_space<hbm>>
    %dma_start3A_132 = tpu.memref_slice %arg7[%dma_start3A_121] : memref<10x!tpu.dma_semaphore, #tpu.memory_space<semaphore_mem>> -> memref<1x!tpu.dma_semaphore, #tpu.memory_space<semaphore_mem>>
    %dma_start3A_133 = tpu.memref_squeeze %dma_start3A_132 : memref<1x!tpu.dma_semaphore, #tpu.memory_space<semaphore_mem>> -> memref<!tpu.dma_semaphore, #tpu.memory_space<semaphore_mem>>
    tpu.enqueue_indirect_dma source(%dma_start3A_131 : memref<1000000x64xf32, #tpu.memory_space<hbm>>) target(%dma_start3A_128 : memref<16x64xf32, #tpu.memory_space<vmem>>) offsets(%get3A_119 : vector<16xi32>) semaphore(%dma_start3A_133 : memref<!tpu.dma_semaphore, #tpu.memory_space<semaphore_mem>>)
    %get3A_134 = arith.constant 0 : i32
    %get3A_135 = arith.index_cast %get3A_134 : i32 to index
    %get3A_136 = arith.constant 112 : index
    %get3A_137 = tpu.vector_load %arg5[%get3A_135, %get3A_136] {strides = array<i32>} : memref<200x128xi32, #tpu.memory_space<vmem>>, vector<1x16xi32>,
    %get3A_138 = vector.shape_cast %get3A_137 : vector<1x16xi32> to vector<16xi32>
    %dma_start3A_139 = arith.constant 0 : i32
    %dma_start3A_140 = arith.constant 0 : i32
    %dma_start3A_141 = arith.constant 0 : i32
    %dma_start3A_142 = arith.constant 0 : i32
    %dma_start3A_143 = tpu.memref_slice %arg6[%dma_start3A_139, %dma_start3A_141, %dma_start3A_142] : memref<10x128x64xf32, #tpu.memory_space<vmem>> -> memref<1x128x64xf32, #tpu.memory_space<vmem>>
    %dma_start3A_144 = tpu.memref_squeeze %dma_start3A_143 : memref<1x128x64xf32, #tpu.memory_space<vmem>> -> memref<128x64xf32, #tpu.memory_space<vmem>>
    %dma_start3A_145 = arith.constant 112 : i32
    %dma_start3A_146 = arith.constant 0 : i32
    %dma_start3A_147 = tpu.memref_slice %dma_start3A_144[%dma_start3A_145, %dma_start3A_146] : memref<128x64xf32, #tpu.memory_space<vmem>> -> memref<16x64xf32, #tpu.memory_space<vmem>>
    %dma_start3A_148 = arith.constant 0 : i32
    %dma_start3A_149 = arith.constant 0 : i32
    %dma_start3A_150 = tpu.memref_slice %arg2[%dma_start3A_148, %dma_start3A_149] : memref<1000000x64xf32, #tpu.memory_space<hbm>> -> memref<1000000x64xf32, #tpu.memory_space<hbm>>
    %dma_start3A_151 = tpu.memref_slice %arg7[%dma_start3A_140] : memref<10x!tpu.dma_semaphore, #tpu.memory_space<semaphore_mem>> -> memref<1x!tpu.dma_semaphore, #tpu.memory_space<semaphore_mem>>
    %dma_start3A_152 = tpu.memref_squeeze %dma_start3A_151 : memref<1x!tpu.dma_semaphore, #tpu.memory_space<semaphore_mem>> -> memref<!tpu.dma_semaphore, #tpu.memory_space<semaphore_mem>>
    tpu.enqueue_indirect_dma source(%dma_start3A_150 : memref<1000000x64xf32, #tpu.memory_space<hbm>>) target(%dma_start3A_147 : memref<16x64xf32, #tpu.memory_space<vmem>>) offsets(%get3A_138 : vector<16xi32>) semaphore(%dma_start3A_152 : memref<!tpu.dma_semaphore, #tpu.memory_space<semaphore_mem>>)
    %get3A_153 = arith.constant 1 : i32
    %get3A_154 = arith.index_cast %get3A_153 : i32 to index
    %get3A_155 = arith.constant 0 : index
    %get3A_156 = tpu.vector_load %arg5[%get3A_154, %get3A_155] {strides = array<i32>} : memref<200x128xi32, #tpu.memory_space<vmem>>, vector<1x16xi32>,
    %get3A_157 = vector.shape_cast %get3A_156 : vector<1x16xi32> to vector<16xi32>
    %dma_start3A_158 = arith.constant 1 : i32
    %dma_start3A_159 = arith.constant 1 : i32
    %dma_start3A_160 = arith.constant 0 : i32
    %dma_start3A_161 = arith.constant 0 : i32
    %dma_start3A_162 = tpu.memref_slice %arg6[%dma_start3A_158, %dma_start3A_160, %dma_start3A_161] : memref<10x128x64xf32, #tpu.memory_space<vmem>> -> memref<1x128x64xf32, #tpu.memory_space<vmem>>
    %dma_start3A_163 = tpu.memref_squeeze %dma_start3A_162 : memref<1x128x64xf32, #tpu.memory_space<vmem>> -> memref<128x64xf32, #tpu.memory_space<vmem>>
    %dma_start3A_164 = arith.constant 0 : i32
    %dma_start3A_165 = arith.constant 0 : i32
    %dma_start3A_166 = tpu.memref_slice %dma_start3A_163[%dma_start3A_164, %dma_start3A_165] : memref<128x64xf32, #tpu.memory_space<vmem>> -> memref<16x64xf32, #tpu.memory_space<vmem>>
    %dma_start3A_167 = arith.constant 0 : i32
    %dma_start3A_168 = arith.constant 0 : i32
    %dma_start3A_169 = tpu.memref_slice %arg2[%dma_start3A_167, %dma_start3A_168] : memref<1000000x64xf32, #tpu.memory_space<hbm>> -> memref<1000000x64xf32, #tpu.memory_space<hbm>>
    %dma_start3A_170 = tpu.memref_slice %arg7[%dma_start3A_159] : memref<10x!tpu.dma_semaphore, #tpu.memory_space<semaphore_mem>> -> memref<1x!tpu.dma_semaphore, #tpu.memory_space<semaphore_mem>>
    %dma_start3A_171 = tpu.memref_squeeze %dma_start3A_170 : memref<1x!tpu.dma_semaphore, #tpu.memory_space<semaphore_mem>> -> memref<!tpu.dma_semaphore, #tpu.memory_space<semaphore_mem>>
    tpu.enqueue_indirect_dma source(%dma_start3A_169 : memref<1000000x64xf32, #tpu.memory_space<hbm>>) target(%dma_start3A_166 : memref<16x64xf32, #tpu.memory_space<vmem>>) offsets(%get3A_157 : vector<16xi32>) semaphore(%dma_start3A_171 : memref<!tpu.dma_semaphore, #tpu.memory_space<semaphore_mem>>)
    %get3A_172 = arith.constant 1 : i32
    %get3A_173 = arith.index_cast %get3A_172 : i32 to index
    %get3A_174 = arith.constant 16 : index
    %get3A_175 = tpu.vector_load %arg5[%get3A_173, %get3A_174] {strides = array<i32>} : memref<200x128xi32, #tpu.memory_space<vmem>>, vector<1x16xi32>,
    %get3A_176 = vector.shape_cast %get3A_175 : vector<1x16xi32> to vector<16xi32>
    %dma_start3A_177 = arith.constant 1 : i32
    %dma_start3A_178 = arith.constant 1 : i32
    %dma_start3A_179 = arith.constant 0 : i32
    %dma_start3A_180 = arith.constant 0 : i32
    %dma_start3A_181 = tpu.memref_slice %arg6[%dma_start3A_177, %dma_start3A_179, %dma_start3A_180] : memref<10x128x64xf32, #tpu.memory_space<vmem>> -> memref<1x128x64xf32, #tpu.memory_space<vmem>>
    %dma_start3A_182 = tpu.memref_squeeze %dma_start3A_181 : memref<1x128x64xf32, #tpu.memory_space<vmem>> -> memref<128x64xf32, #tpu.memory_space<vmem>>
    %dma_start3A_183 = arith.constant 16 : i32
    %dma_start3A_184 = arith.constant 0 : i32
    %dma_start3A_185 = tpu.memref_slice %dma_start3A_182[%dma_start3A_183, %dma_start3A_184] : memref<128x64xf32, #tpu.memory_space<vmem>> -> memref<16x64xf32, #tpu.memory_space<vmem>>
    %dma_start3A_186 = arith.constant 0 : i32
    %dma_start3A_187 = arith.constant 0 : i32
    %dma_start3A_188 = tpu.memref_slice %arg2[%dma_start3A_186, %dma_start3A_187] : memref<1000000x64xf32, #tpu.memory_space<hbm>> -> memref<1000000x64xf32, #tpu.memory_space<hbm>>
    %dma_start3A_189 = tpu.memref_slice %arg7[%dma_start3A_178] : memref<10x!tpu.dma_semaphore, #tpu.memory_space<semaphore_mem>> -> memref<1x!tpu.dma_semaphore, #tpu.memory_space<semaphore_mem>>
    %dma_start3A_190 = tpu.memref_squeeze %dma_start3A_189 : memref<1x!tpu.dma_semaphore, #tpu.memory_space<semaphore_mem>> -> memref<!tpu.dma_semaphore, #tpu.memory_space<semaphore_mem>>
    tpu.enqueue_indirect_dma source(%dma_start3A_188 : memref<1000000x64xf32, #tpu.memory_space<hbm>>) target(%dma_start3A_185 : memref<16x64xf32, #tpu.memory_space<vmem>>) offsets(%get3A_176 : vector<16xi32>) semaphore(%dma_start3A_190 : memref<!tpu.dma_semaphore, #tpu.memory_space<semaphore_mem>>)
    %get3A_191 = arith.constant 1 : i32
    %get3A_192 = arith.index_cast %get3A_191 : i32 to index
    %get3A_193 = arith.constant 32 : index
    %get3A_194 = tpu.vector_load %arg5[%get3A_192, %get3A_193] {strides = array<i32>} : memref<200x128xi32, #tpu.memory_space<vmem>>, vector<1x16xi32>,
    %get3A_195 = vector.shape_cast %get3A_194 : vector<1x16xi32> to vector<16xi32>
    %dma_start3A_196 = arith.constant 1 : i32
    %dma_start3A_197 = arith.constant 1 : i32
    %dma_start3A_198 = arith.constant 0 : i32
    %dma_start3A_199 = arith.constant 0 : i32
    %dma_start3A_200 = tpu.memref_slice %arg6[%dma_start3A_196, %dma_start3A_198, %dma_start3A_199] : memref<10x128x64xf32, #tpu.memory_space<vmem>> -> memref<1x128x64xf32, #tpu.memory_space<vmem>>
    %dma_start3A_201 = tpu.memref_squeeze %dma_start3A_200 : memref<1x128x64xf32, #tpu.memory_space<vmem>> -> memref<128x64xf32, #tpu.memory_space<vmem>>
    %dma_start3A_202 = arith.constant 32 : i32
    %dma_start3A_203 = arith.constant 0 : i32
    %dma_start3A_204 = tpu.memref_slice %dma_start3A_201[%dma_start3A_202, %dma_start3A_203] : memref<128x64xf32, #tpu.memory_space<vmem>> -> memref<16x64xf32, #tpu.memory_space<vmem>>
    %dma_start3A_205 = arith.constant 0 : i32
    %dma_start3A_206 = arith.constant 0 : i32
    %dma_start3A_207 = tpu.memref_slice %arg2[%dma_start3A_205, %dma_start3A_206] : memref<1000000x64xf32, #tpu.memory_space<hbm>> -> memref<1000000x64xf32, #tpu.memory_space<hbm>>
    %dma_start3A_208 = tpu.memref_slice %arg7[%dma_start3A_197] : memref<10x!tpu.dma_semaphore, #tpu.memory_space<semaphore_mem>> -> memref<1x!tpu.dma_semaphore, #tpu.memory_space<semaphore_mem>>
    %dma_start3A_209 = tpu.memref_squeeze %dma_start3A_208 : memref<1x!tpu.dma_semaphore, #tpu.memory_space<semaphore_mem>> -> memref<!tpu.dma_semaphore, #tpu.memory_space<semaphore_mem>>
    tpu.enqueue_indirect_dma source(%dma_start3A_207 : memref<1000000x64xf32, #tpu.memory_space<hbm>>) target(%dma_start3A_204 : memref<16x64xf32, #tpu.memory_space<vmem>>) offsets(%get3A_195 : vector<16xi32>) semaphore(%dma_start3A_209 : memref<!tpu.dma_semaphore, #tpu.memory_space<semaphore_mem>>)
    %get3A_210 = arith.constant 1 : i32
    %get3A_211 = arith.index_cast %get3A_210 : i32 to index
    %get3A_212 = arith.constant 48 : index
    %get3A_213 = tpu.vector_load %arg5[%get3A_211, %get3A_212] {strides = array<i32>} : memref<200x128xi32, #tpu.memory_space<vmem>>, vector<1x16xi32>,
    %get3A_214 = vector.shape_cast %get3A_213 : vector<1x16xi32> to vector<16xi32>
    %dma_start3A_215 = arith.constant 1 : i32
    %dma_start3A_216 = arith.constant 1 : i32
    %dma_start3A_217 = arith.constant 0 : i32
    %dma_start3A_218 = arith.constant 0 : i32
    %dma_start3A_219 = tpu.memref_slice %arg6[%dma_start3A_215, %dma_start3A_217, %dma_start3A_218] : memref<10x128x64xf32, #tpu.memory_space<vmem>> -> memref<1x128x64xf32, #tpu.memory_space<vmem>>
    %dma_start3A_220 = tpu.memref_squeeze %dma_start3A_219 : memref<1x128x64xf32, #tpu.memory_space<vmem>> -> memref<128x64xf32, #tpu.memory_space<vmem>>
    %dma_start3A_221 = arith.constant 48 : i32
    %dma_start3A_222 = arith.constant 0 : i32
    %dma_start3A_223 = tpu.memref_slice %dma_start3A_220[%dma_start3A_221, %dma_start3A_222] : memref<128x64xf32, #tpu.memory_space<vmem>> -> memref<16x64xf32, #tpu.memory_space<vmem>>
    %dma_start3A_224 = arith.constant 0 : i32
    %dma_start3A_225 = arith.constant 0 : i32
    %dma_start3A_226 = tpu.memref_slice %arg2[%dma_start3A_224, %dma_start3A_225] : memref<1000000x64xf32, #tpu.memory_space<hbm>> -> memref<1000000x64xf32, #tpu.memory_space<hbm>>
    %dma_start3A_227 = tpu.memref_slice %arg7[%dma_start3A_216] : memref<10x!tpu.dma_semaphore, #tpu.memory_space<semaphore_mem>> -> memref<1x!tpu.dma_semaphore, #tpu.memory_space<semaphore_mem>>
    %dma_start3A_228 = tpu.memref_squeeze %dma_start3A_227 : memref<1x!tpu.dma_semaphore, #tpu.memory_space<semaphore_mem>> -> memref<!tpu.dma_semaphore, #tpu.memory_space<semaphore_mem>>
    tpu.enqueue_indirect_dma source(%dma_start3A_226 : memref<1000000x64xf32, #tpu.memory_space<hbm>>) target(%dma_start3A_223 : memref<16x64xf32, #tpu.memory_space<vmem>>) offsets(%get3A_214 : vector<16xi32>) semaphore(%dma_start3A_228 : memref<!tpu.dma_semaphore, #tpu.memory_space<semaphore_mem>>)
    %get3A_229 = arith.constant 1 : i32
    %get3A_230 = arith.index_cast %get3A_229 : i32 to index
    %get3A_231 = arith.constant 64 : index
    %get3A_232 = tpu.vector_load %arg5[%get3A_230, %get3A_231] {strides = array<i32>} : memref<200x128xi32, #tpu.memory_space<vmem>>, vector<1x16xi32>,
    %get3A_233 = vector.shape_cast %get3A_232 : vector<1x16xi32> to vector<16xi32>
    %dma_start3A_234 = arith.constant 1 : i32
    %dma_start3A_235 = arith.constant 1 : i32
    %dma_start3A_236 = arith.constant 0 : i32
    %dma_start3A_237 = arith.constant 0 : i32
    %dma_start3A_238 = tpu.memref_slice %arg6[%dma_start3A_234, %dma_start3A_236, %dma_start3A_237] : memref<10x128x64xf32, #tpu.memory_space<vmem>> -> memref<1x128x64xf32, #tpu.memory_space<vmem>>
    %dma_start3A_239 = tpu.memref_squeeze %dma_start3A_238 : memref<1x128x64xf32, #tpu.memory_space<vmem>> -> memref<128x64xf32, #tpu.memory_space<vmem>>
    %dma_start3A_240 = arith.constant 64 : i32
    %dma_start3A_241 = arith.constant 0 : i32
    %dma_start3A_242 = tpu.memref_slice %dma_start3A_239[%dma_start3A_240, %dma_start3A_241] : memref<128x64xf32, #tpu.memory_space<vmem>> -> memref<16x64xf32, #tpu.memory_space<vmem>>
    %dma_start3A_243 = arith.constant 0 : i32
    %dma_start3A_244 = arith.constant 0 : i32
    %dma_start3A_245 = tpu.memref_slice %arg2[%dma_start3A_243, %dma_start3A_244] : memref<1000000x64xf32, #tpu.memory_space<hbm>> -> memref<1000000x64xf32, #tpu.memory_space<hbm>>
    %dma_start3A_246 = tpu.memref_slice %arg7[%dma_start3A_235] : memref<10x!tpu.dma_semaphore, #tpu.memory_space<semaphore_mem>> -> memref<1x!tpu.dma_semaphore, #tpu.memory_space<semaphore_mem>>
    %dma_start3A_247 = tpu.memref_squeeze %dma_start3A_246 : memref<1x!tpu.dma_semaphore, #tpu.memory_space<semaphore_mem>> -> memref<!tpu.dma_semaphore, #tpu.memory_space<semaphore_mem>>
    tpu.enqueue_indirect_dma source(%dma_start3A_245 : memref<1000000x64xf32, #tpu.memory_space<hbm>>) target(%dma_start3A_242 : memref<16x64xf32, #tpu.memory_space<vmem>>) offsets(%get3A_233 : vector<16xi32>) semaphore(%dma_start3A_247 : memref<!tpu.dma_semaphore, #tpu.memory_space<semaphore_mem>>)
    %get3A_248 = arith.constant 1 : i32
    %get3A_249 = arith.index_cast %get3A_248 : i32 to index
    %get3A_250 = arith.constant 80 : index
    %get3A_251 = tpu.vector_load %arg5[%get3A_249, %get3A_250] {strides = array<i32>} : memref<200x128xi32, #tpu.memory_space<vmem>>, vector<1x16xi32>,
    %get3A_252 = vector.shape_cast %get3A_251 : vector<1x16xi32> to vector<16xi32>
    %dma_start3A_253 = arith.constant 1 : i32
    %dma_start3A_254 = arith.constant 1 : i32
    %dma_start3A_255 = arith.constant 0 : i32
    %dma_start3A_256 = arith.constant 0 : i32
    %dma_start3A_257 = tpu.memref_slice %arg6[%dma_start3A_253, %dma_start3A_255, %dma_start3A_256] : memref<10x128x64xf32, #tpu.memory_space<vmem>> -> memref<1x128x64xf32, #tpu.memory_space<vmem>>
    %dma_start3A_258 = tpu.memref_squeeze %dma_start3A_257 : memref<1x128x64xf32, #tpu.memory_space<vmem>> -> memref<128x64xf32, #tpu.memory_space<vmem>>
    %dma_start3A_259 = arith.constant 80 : i32
    %dma_start3A_260 = arith.constant 0 : i32
    %dma_start3A_261 = tpu.memref_slice %dma_start3A_258[%dma_start3A_259, %dma_start3A_260] : memref<128x64xf32, #tpu.memory_space<vmem>> -> memref<16x64xf32, #tpu.memory_space<vmem>>
    %dma_start3A_262 = arith.constant 0 : i32
    %dma_start3A_263 = arith.constant 0 : i32
    %dma_start3A_264 = tpu.memref_slice %arg2[%dma_start3A_262, %dma_start3A_263] : memref<1000000x64xf32, #tpu.memory_space<hbm>> -> memref<1000000x64xf32, #tpu.memory_space<hbm>>
    %dma_start3A_265 = tpu.memref_slice %arg7[%dma_start3A_254] : memref<10x!tpu.dma_semaphore, #tpu.memory_space<semaphore_mem>> -> memref<1x!tpu.dma_semaphore, #tpu.memory_space<semaphore_mem>>
    %dma_start3A_266 = tpu.memref_squeeze %dma_start3A_265 : memref<1x!tpu.dma_semaphore, #tpu.memory_space<semaphore_mem>> -> memref<!tpu.dma_semaphore, #tpu.memory_space<semaphore_mem>>
    tpu.enqueue_indirect_dma source(%dma_start3A_264 : memref<1000000x64xf32, #tpu.memory_space<hbm>>) target(%dma_start3A_261 : memref<16x64xf32, #tpu.memory_space<vmem>>) offsets(%get3A_252 : vector<16xi32>) semaphore(%dma_start3A_266 : memref<!tpu.dma_semaphore, #tpu.memory_space<semaphore_mem>>)
    %get3A_267 = arith.constant 1 : i32
    %get3A_268 = arith.index_cast %get3A_267 : i32 to index
    %get3A_269 = arith.constant 96 : index
    %get3A_270 = tpu.vector_load %arg5[%get3A_268, %get3A_269] {strides = array<i32>} : memref<200x128xi32, #tpu.memory_space<vmem>>, vector<1x16xi32>,
    %get3A_271 = vector.shape_cast %get3A_270 : vector<1x16xi32> to vector<16xi32>
    %dma_start3A_272 = arith.constant 1 : i32
    %dma_start3A_273 = arith.constant 1 : i32
    %dma_start3A_274 = arith.constant 0 : i32
    %dma_start3A_275 = arith.constant 0 : i32
    %dma_start3A_276 = tpu.memref_slice %arg6[%dma_start3A_272, %dma_start3A_274, %dma_start3A_275] : memref<10x128x64xf32, #tpu.memory_space<vmem>> -> memref<1x128x64xf32, #tpu.memory_space<vmem>>
    %dma_start3A_277 = tpu.memref_squeeze %dma_start3A_276 : memref<1x128x64xf32, #tpu.memory_space<vmem>> -> memref<128x64xf32, #tpu.memory_space<vmem>>
    %dma_start3A_278 = arith.constant 96 : i32
    %dma_start3A_279 = arith.constant 0 : i32
    %dma_start3A_280 = tpu.memref_slice %dma_start3A_277[%dma_start3A_278, %dma_start3A_279] : memref<128x64xf32, #tpu.memory_space<vmem>> -> memref<16x64xf32, #tpu.memory_space<vmem>>
    %dma_start3A_281 = arith.constant 0 : i32
    %dma_start3A_282 = arith.constant 0 : i32
    %dma_start3A_283 = tpu.memref_slice %arg2[%dma_start3A_281, %dma_start3A_282] : memref<1000000x64xf32, #tpu.memory_space<hbm>> -> memref<1000000x64xf32, #tpu.memory_space<hbm>>
    %dma_start3A_284 = tpu.memref_slice %arg7[%dma_start3A_273] : memref<10x!tpu.dma_semaphore, #tpu.memory_space<semaphore_mem>> -> memref<1x!tpu.dma_semaphore, #tpu.memory_space<semaphore_mem>>
    %dma_start3A_285 = tpu.memref_squeeze %dma_start3A_284 : memref<1x!tpu.dma_semaphore, #tpu.memory_space<semaphore_mem>> -> memref<!tpu.dma_semaphore, #tpu.memory_space<semaphore_mem>>
    tpu.enqueue_indirect_dma source(%dma_start3A_283 : memref<1000000x64xf32, #tpu.memory_space<hbm>>) target(%dma_start3A_280 : memref<16x64xf32, #tpu.memory_space<vmem>>) offsets(%get3A_271 : vector<16xi32>) semaphore(%dma_start3A_285 : memref<!tpu.dma_semaphore, #tpu.memory_space<semaphore_mem>>)
    %get3A_286 = arith.constant 1 : i32
    %get3A_287 = arith.index_cast %get3A_286 : i32 to index
    %get3A_288 = arith.constant 112 : index
    %get3A_289 = tpu.vector_load %arg5[%get3A_287, %get3A_288] {strides = array<i32>} : memref<200x128xi32, #tpu.memory_space<vmem>>, vector<1x16xi32>,
    %get3A_290 = vector.shape_cast %get3A_289 : vector<1x16xi32> to vector<16xi32>
    %dma_start3A_291 = arith.constant 1 : i32
    %dma_start3A_292 = arith.constant 1 : i32
    %dma_start3A_293 = arith.constant 0 : i32
    %dma_start3A_294 = arith.constant 0 : i32
    %dma_start3A_295 = tpu.memref_slice %arg6[%dma_start3A_291, %dma_start3A_293, %dma_start3A_294] : memref<10x128x64xf32, #tpu.memory_space<vmem>> -> memref<1x128x64xf32, #tpu.memory_space<vmem>>
    %dma_start3A_296 = tpu.memref_squeeze %dma_start3A_295 : memref<1x128x64xf32, #tpu.memory_space<vmem>> -> memref<128x64xf32, #tpu.memory_space<vmem>>
    %dma_start3A_297 = arith.constant 112 : i32
    %dma_start3A_298 = arith.constant 0 : i32
    %dma_start3A_299 = tpu.memref_slice %dma_start3A_296[%dma_start3A_297, %dma_start3A_298] : memref<128x64xf32, #tpu.memory_space<vmem>> -> memref<16x64xf32, #tpu.memory_space<vmem>>
    %dma_start3A_300 = arith.constant 0 : i32
    %dma_start3A_301 = arith.constant 0 : i32
    %dma_start3A_302 = tpu.memref_slice %arg2[%dma_start3A_300, %dma_start3A_301] : memref<1000000x64xf32, #tpu.memory_space<hbm>> -> memref<1000000x64xf32, #tpu.memory_space<hbm>>
    %dma_start3A_303 = tpu.memref_slice %arg7[%dma_start3A_292] : memref<10x!tpu.dma_semaphore, #tpu.memory_space<semaphore_mem>> -> memref<1x!tpu.dma_semaphore, #tpu.memory_space<semaphore_mem>>
    %dma_start3A_304 = tpu.memref_squeeze %dma_start3A_303 : memref<1x!tpu.dma_semaphore, #tpu.memory_space<semaphore_mem>> -> memref<!tpu.dma_semaphore, #tpu.memory_space<semaphore_mem>>
    tpu.enqueue_indirect_dma source(%dma_start3A_302 : memref<1000000x64xf32, #tpu.memory_space<hbm>>) target(%dma_start3A_299 : memref<16x64xf32, #tpu.memory_space<vmem>>) offsets(%get3A_290 : vector<16xi32>) semaphore(%dma_start3A_304 : memref<!tpu.dma_semaphore, #tpu.memory_space<semaphore_mem>>)
    %get3A_305 = arith.constant 2 : i32
    %get3A_306 = arith.index_cast %get3A_305 : i32 to index
    %get3A_307 = arith.constant 0 : index
    %get3A_308 = tpu.vector_load %arg5[%get3A_306, %get3A_307] {strides = array<i32>} : memref<200x128xi32, #tpu.memory_space<vmem>>, vector<1x16xi32>,
    %get3A_309 = vector.shape_cast %get3A_308 : vector<1x16xi32> to vector<16xi32>
    %dma_start3A_310 = arith.constant 2 : i32
    %dma_start3A_311 = arith.constant 2 : i32
    %dma_start3A_312 = arith.constant 0 : i32
    %dma_start3A_313 = arith.constant 0 : i32
    %dma_start3A_314 = tpu.memref_slice %arg6[%dma_start3A_310, %dma_start3A_312, %dma_start3A_313] : memref<10x128x64xf32, #tpu.memory_space<vmem>> -> memref<1x128x64xf32, #tpu.memory_space<vmem>>
    %dma_start3A_315 = tpu.memref_squeeze %dma_start3A_314 : memref<1x128x64xf32, #tpu.memory_space<vmem>> -> memref<128x64xf32, #tpu.memory_space<vmem>>
    %dma_start3A_316 = arith.constant 0 : i32
    %dma_start3A_317 = arith.constant 0 : i32
    %dma_start3A_318 = tpu.memref_slice %dma_start3A_315[%dma_start3A_316, %dma_start3A_317] : memref<128x64xf32, #tpu.memory_space<vmem>> -> memref<16x64xf32, #tpu.memory_space<vmem>>
    %dma_start3A_319 = arith.constant 0 : i32
    %dma_start3A_320 = arith.constant 0 : i32
    %dma_start3A_321 = tpu.memref_slice %arg2[%dma_start3A_319, %dma_start3A_320] : memref<1000000x64xf32, #tpu.memory_space<hbm>> -> memref<1000000x64xf32, #tpu.memory_space<hbm>>
    %dma_start3A_322 = tpu.memref_slice %arg7[%dma_start3A_311] : memref<10x!tpu.dma_semaphore, #tpu.memory_space<semaphore_mem>> -> memref<1x!tpu.dma_semaphore, #tpu.memory_space<semaphore_mem>>
    %dma_start3A_323 = tpu.memref_squeeze %dma_start3A_322 : memref<1x!tpu.dma_semaphore, #tpu.memory_space<semaphore_mem>> -> memref<!tpu.dma_semaphore, #tpu.memory_space<semaphore_mem>>
    tpu.enqueue_indirect_dma source(%dma_start3A_321 : memref<1000000x64xf32, #tpu.memory_space<hbm>>) target(%dma_start3A_318 : memref<16x64xf32, #tpu.memory_space<vmem>>) offsets(%get3A_309 : vector<16xi32>) semaphore(%dma_start3A_323 : memref<!tpu.dma_semaphore, #tpu.memory_space<semaphore_mem>>)
    %get3A_324 = arith.constant 2 : i32
    %get3A_325 = arith.index_cast %get3A_324 : i32 to index
    %get3A_326 = arith.constant 16 : index
    %get3A_327 = tpu.vector_load %arg5[%get3A_325, %get3A_326] {strides = array<i32>} : memref<200x128xi32, #tpu.memory_space<vmem>>, vector<1x16xi32>,
    %get3A_328 = vector.shape_cast %get3A_327 : vector<1x16xi32> to vector<16xi32>
    %dma_start3A_329 = arith.constant 2 : i32
    %dma_start3A_330 = arith.constant 2 : i32
    %dma_start3A_331 = arith.constant 0 : i32
    %dma_start3A_332 = arith.constant 0 : i32
    %dma_start3A_333 = tpu.memref_slice %arg6[%dma_start3A_329, %dma_start3A_331, %dma_start3A_332] : memref<10x128x64xf32, #tpu.memory_space<vmem>> -> memref<1x128x64xf32, #tpu.memory_space<vmem>>
    %dma_start3A_334 = tpu.memref_squeeze %dma_start3A_333 : memref<1x128x64xf32, #tpu.memory_space<vmem>> -> memref<128x64xf32, #tpu.memory_space<vmem>>
    %dma_start3A_335 = arith.constant 16 : i32
    %dma_start3A_336 = arith.constant 0 : i32
    %dma_start3A_337 = tpu.memref_slice %dma_start3A_334[%dma_start3A_335, %dma_start3A_336] : memref<128x64xf32, #tpu.memory_space<vmem>> -> memref<16x64xf32, #tpu.memory_space<vmem>>
    %dma_start3A_338 = arith.constant 0 : i32
    %dma_start3A_339 = arith.constant 0 : i32
    %dma_start3A_340 = tpu.memref_slice %arg2[%dma_start3A_338, %dma_start3A_339] : memref<1000000x64xf32, #tpu.memory_space<hbm>> -> memref<1000000x64xf32, #tpu.memory_space<hbm>>
    %dma_start3A_341 = tpu.memref_slice %arg7[%dma_start3A_330] : memref<10x!tpu.dma_semaphore, #tpu.memory_space<semaphore_mem>> -> memref<1x!tpu.dma_semaphore, #tpu.memory_space<semaphore_mem>>
    %dma_start3A_342 = tpu.memref_squeeze %dma_start3A_341 : memref<1x!tpu.dma_semaphore, #tpu.memory_space<semaphore_mem>> -> memref<!tpu.dma_semaphore, #tpu.memory_space<semaphore_mem>>
    tpu.enqueue_indirect_dma source(%dma_start3A_340 : memref<1000000x64xf32, #tpu.memory_space<hbm>>) target(%dma_start3A_337 : memref<16x64xf32, #tpu.memory_space<vmem>>) offsets(%get3A_328 : vector<16xi32>) semaphore(%dma_start3A_342 : memref<!tpu.dma_semaphore, #tpu.memory_space<semaphore_mem>>)
    %get3A_343 = arith.constant 2 : i32
    %get3A_344 = arith.index_cast %get3A_343 : i32 to index
    %get3A_345 = arith.constant 32 : index
    %get3A_346 = tpu.vector_load %arg5[%get3A_344, %get3A_345] {strides = array<i32>} : memref<200x128xi32, #tpu.memory_space<vmem>>, vector<1x16xi32>,
    %get3A_347 = vector.shape_cast %get3A_346 : vector<1x16xi32> to vector<16xi32>
    %dma_start3A_348 = arith.constant 2 : i32
    %dma_start3A_349 = arith.constant 2 : i32
    %dma_start3A_350 = arith.constant 0 : i32
    %dma_start3A_351 = arith.constant 0 : i32
    %dma_start3A_352 = tpu.memref_slice %arg6[%dma_start3A_348, %dma_start3A_350, %dma_start3A_351] : memref<10x128x64xf32, #tpu.memory_space<vmem>> -> memref<1x128x64xf32, #tpu.memory_space<vmem>>
    %dma_start3A_353 = tpu.memref_squeeze %dma_start3A_352 : memref<1x128x64xf32, #tpu.memory_space<vmem>> -> memref<128x64xf32, #tpu.memory_space<vmem>>
    %dma_start3A_354 = arith.constant 32 : i32
    %dma_start3A_355 = arith.constant 0 : i32
    %dma_start3A_356 = tpu.memref_slice %dma_start3A_353[%dma_start3A_354, %dma_start3A_355] : memref<128x64xf32, #tpu.memory_space<vmem>> -> memref<16x64xf32, #tpu.memory_space<vmem>>
    %dma_start3A_357 = arith.constant 0 : i32
    %dma_start3A_358 = arith.constant 0 : i32
    %dma_start3A_359 = tpu.memref_slice %arg2[%dma_start3A_357, %dma_start3A_358] : memref<1000000x64xf32, #tpu.memory_space<hbm>> -> memref<1000000x64xf32, #tpu.memory_space<hbm>>
    %dma_start3A_360 = tpu.memref_slice %arg7[%dma_start3A_349] : memref<10x!tpu.dma_semaphore, #tpu.memory_space<semaphore_mem>> -> memref<1x!tpu.dma_semaphore, #tpu.memory_space<semaphore_mem>>
    %dma_start3A_361 = tpu.memref_squeeze %dma_start3A_360 : memref<1x!tpu.dma_semaphore, #tpu.memory_space<semaphore_mem>> -> memref<!tpu.dma_semaphore, #tpu.memory_space<semaphore_mem>>
    tpu.enqueue_indirect_dma source(%dma_start3A_359 : memref<1000000x64xf32, #tpu.memory_space<hbm>>) target(%dma_start3A_356 : memref<16x64xf32, #tpu.memory_space<vmem>>) offsets(%get3A_347 : vector<16xi32>) semaphore(%dma_start3A_361 : memref<!tpu.dma_semaphore, #tpu.memory_space<semaphore_mem>>)
    %get3A_362 = arith.constant 2 : i32
    %get3A_363 = arith.index_cast %get3A_362 : i32 to index
    %get3A_364 = arith.constant 48 : index
    %get3A_365 = tpu.vector_load %arg5[%get3A_363, %get3A_364] {strides = array<i32>} : memref<200x128xi32, #tpu.memory_space<vmem>>, vector<1x16xi32>,
    %get3A_366 = vector.shape_cast %get3A_365 : vector<1x16xi32> to vector<16xi32>
    %dma_start3A_367 = arith.constant 2 : i32
    %dma_start3A_368 = arith.constant 2 : i32
    %dma_start3A_369 = arith.constant 0 : i32
    %dma_start3A_370 = arith.constant 0 : i32
    %dma_start3A_371 = tpu.memref_slice %arg6[%dma_start3A_367, %dma_start3A_369, %dma_start3A_370] : memref<10x128x64xf32, #tpu.memory_space<vmem>> -> memref<1x128x64xf32, #tpu.memory_space<vmem>>
    %dma_start3A_372 = tpu.memref_squeeze %dma_start3A_371 : memref<1x128x64xf32, #tpu.memory_space<vmem>> -> memref<128x64xf32, #tpu.memory_space<vmem>>
    %dma_start3A_373 = arith.constant 48 : i32
    %dma_start3A_374 = arith.constant 0 : i32
    %dma_start3A_375 = tpu.memref_slice %dma_start3A_372[%dma_start3A_373, %dma_start3A_374] : memref<128x64xf32, #tpu.memory_space<vmem>> -> memref<16x64xf32, #tpu.memory_space<vmem>>
    %dma_start3A_376 = arith.constant 0 : i32
    %dma_start3A_377 = arith.constant 0 : i32
    %dma_start3A_378 = tpu.memref_slice %arg2[%dma_start3A_376, %dma_start3A_377] : memref<1000000x64xf32, #tpu.memory_space<hbm>> -> memref<1000000x64xf32, #tpu.memory_space<hbm>>
    %dma_start3A_379 = tpu.memref_slice %arg7[%dma_start3A_368] : memref<10x!tpu.dma_semaphore, #tpu.memory_space<semaphore_mem>> -> memref<1x!tpu.dma_semaphore, #tpu.memory_space<semaphore_mem>>
    %dma_start3A_380 = tpu.memref_squeeze %dma_start3A_379 : memref<1x!tpu.dma_semaphore, #tpu.memory_space<semaphore_mem>> -> memref<!tpu.dma_semaphore, #tpu.memory_space<semaphore_mem>>
    tpu.enqueue_indirect_dma source(%dma_start3A_378 : memref<1000000x64xf32, #tpu.memory_space<hbm>>) target(%dma_start3A_375 : memref<16x64xf32, #tpu.memory_space<vmem>>) offsets(%get3A_366 : vector<16xi32>) semaphore(%dma_start3A_380 : memref<!tpu.dma_semaphore, #tpu.memory_space<semaphore_mem>>)
    %get3A_381 = arith.constant 2 : i32
    %get3A_382 = arith.index_cast %get3A_381 : i32 to index
    %get3A_383 = arith.constant 64 : index
    %get3A_384 = tpu.vector_load %arg5[%get3A_382, %get3A_383] {strides = array<i32>} : memref<200x128xi32, #tpu.memory_space<vmem>>, vector<1x16xi32>,
    %get3A_385 = vector.shape_cast %get3A_384 : vector<1x16xi32> to vector<16xi32>
    %dma_start3A_386 = arith.constant 2 : i32
    %dma_start3A_387 = arith.constant 2 : i32
    %dma_start3A_388 = arith.constant 0 : i32
    %dma_start3A_389 = arith.constant 0 : i32
    %dma_start3A_390 = tpu.memref_slice %arg6[%dma_start3A_386, %dma_start3A_388, %dma_start3A_389] : memref<10x128x64xf32, #tpu.memory_space<vmem>> -> memref<1x128x64xf32, #tpu.memory_space<vmem>>
    %dma_start3A_391 = tpu.memref_squeeze %dma_start3A_390 : memref<1x128x64xf32, #tpu.memory_space<vmem>> -> memref<128x64xf32, #tpu.memory_space<vmem>>
    %dma_start3A_392 = arith.constant 64 : i32
    %dma_start3A_393 = arith.constant 0 : i32
    %dma_start3A_394 = tpu.memref_slice %dma_start3A_391[%dma_start3A_392, %dma_start3A_393] : memref<128x64xf32, #tpu.memory_space<vmem>> -> memref<16x64xf32, #tpu.memory_space<vmem>>
    %dma_start3A_395 = arith.constant 0 : i32
    %dma_start3A_396 = arith.constant 0 : i32
    %dma_start3A_397 = tpu.memref_slice %arg2[%dma_start3A_395, %dma_start3A_396] : memref<1000000x64xf32, #tpu.memory_space<hbm>> -> memref<1000000x64xf32, #tpu.memory_space<hbm>>
    %dma_start3A_398 = tpu.memref_slice %arg7[%dma_start3A_387] : memref<10x!tpu.dma_semaphore, #tpu.memory_space<semaphore_mem>> -> memref<1x!tpu.dma_semaphore, #tpu.memory_space<semaphore_mem>>
    %dma_start3A_399 = tpu.memref_squeeze %dma_start3A_398 : memref<1x!tpu.dma_semaphore, #tpu.memory_space<semaphore_mem>> -> memref<!tpu.dma_semaphore, #tpu.memory_space<semaphore_mem>>
    tpu.enqueue_indirect_dma source(%dma_start3A_397 : memref<1000000x64xf32, #tpu.memory_space<hbm>>) target(%dma_start3A_394 : memref<16x64xf32, #tpu.memory_space<vmem>>) offsets(%get3A_385 : vector<16xi32>) semaphore(%dma_start3A_399 : memref<!tpu.dma_semaphore, #tpu.memory_space<semaphore_mem>>)
    %get3A_400 = arith.constant 2 : i32
    %get3A_401 = arith.index_cast %get3A_400 : i32 to index
    %get3A_402 = arith.constant 80 : index
    %get3A_403 = tpu.vector_load %arg5[%get3A_401, %get3A_402] {strides = array<i32>} : memref<200x128xi32, #tpu.memory_space<vmem>>, vector<1x16xi32>,
    %get3A_404 = vector.shape_cast %get3A_403 : vector<1x16xi32> to vector<16xi32>
    %dma_start3A_405 = arith.constant 2 : i32
    %dma_start3A_406 = arith.constant 2 : i32
    %dma_start3A_407 = arith.constant 0 : i32
    %dma_start3A_408 = arith.constant 0 : i32
    %dma_start3A_409 = tpu.memref_slice %arg6[%dma_start3A_405, %dma_start3A_407, %dma_start3A_408] : memref<10x128x64xf32, #tpu.memory_space<vmem>> -> memref<1x128x64xf32, #tpu.memory_space<vmem>>
    %dma_start3A_410 = tpu.memref_squeeze %dma_start3A_409 : memref<1x128x64xf32, #tpu.memory_space<vmem>> -> memref<128x64xf32, #tpu.memory_space<vmem>>
    %dma_start3A_411 = arith.constant 80 : i32
    %dma_start3A_412 = arith.constant 0 : i32
    %dma_start3A_413 = tpu.memref_slice %dma_start3A_410[%dma_start3A_411, %dma_start3A_412] : memref<128x64xf32, #tpu.memory_space<vmem>> -> memref<16x64xf32, #tpu.memory_space<vmem>>
    %dma_start3A_414 = arith.constant 0 : i32
    %dma_start3A_415 = arith.constant 0 : i32
    %dma_start3A_416 = tpu.memref_slice %arg2[%dma_start3A_414, %dma_start3A_415] : memref<1000000x64xf32, #tpu.memory_space<hbm>> -> memref<1000000x64xf32, #tpu.memory_space<hbm>>
    %dma_start3A_417 = tpu.memref_slice %arg7[%dma_start3A_406] : memref<10x!tpu.dma_semaphore, #tpu.memory_space<semaphore_mem>> -> memref<1x!tpu.dma_semaphore, #tpu.memory_space<semaphore_mem>>
    %dma_start3A_418 = tpu.memref_squeeze %dma_start3A_417 : memref<1x!tpu.dma_semaphore, #tpu.memory_space<semaphore_mem>> -> memref<!tpu.dma_semaphore, #tpu.memory_space<semaphore_mem>>
    tpu.enqueue_indirect_dma source(%dma_start3A_416 : memref<1000000x64xf32, #tpu.memory_space<hbm>>) target(%dma_start3A_413 : memref<16x64xf32, #tpu.memory_space<vmem>>) offsets(%get3A_404 : vector<16xi32>) semaphore(%dma_start3A_418 : memref<!tpu.dma_semaphore, #tpu.memory_space<semaphore_mem>>)
    %get3A_419 = arith.constant 2 : i32
    %get3A_420 = arith.index_cast %get3A_419 : i32 to index
    %get3A_421 = arith.constant 96 : index
    %get3A_422 = tpu.vector_load %arg5[%get3A_420, %get3A_421] {strides = array<i32>} : memref<200x128xi32, #tpu.memory_space<vmem>>, vector<1x16xi32>,
    %get3A_423 = vector.shape_cast %get3A_422 : vector<1x16xi32> to vector<16xi32>
    %dma_start3A_424 = arith.constant 2 : i32
    %dma_start3A_425 = arith.constant 2 : i32
    %dma_start3A_426 = arith.constant 0 : i32
    %dma_start3A_427 = arith.constant 0 : i32
    %dma_start3A_428 = tpu.memref_slice %arg6[%dma_start3A_424, %dma_start3A_426, %dma_start3A_427] : memref<10x128x64xf32, #tpu.memory_space<vmem>> -> memref<1x128x64xf32, #tpu.memory_space<vmem>>
    %dma_start3A_429 = tpu.memref_squeeze %dma_start3A_428 : memref<1x128x64xf32, #tpu.memory_space<vmem>> -> memref<128x64xf32, #tpu.memory_space<vmem>>
    %dma_start3A_430 = arith.constant 96 : i32
    %dma_start3A_431 = arith.constant 0 : i32
    %dma_start3A_432 = tpu.memref_slice %dma_start3A_429[%dma_start3A_430, %dma_start3A_431] : memref<128x64xf32, #tpu.memory_space<vmem>> -> memref<16x64xf32, #tpu.memory_space<vmem>>
    %dma_start3A_433 = arith.constant 0 : i32
    %dma_start3A_434 = arith.constant 0 : i32
    %dma_start3A_435 = tpu.memref_slice %arg2[%dma_start3A_433, %dma_start3A_434] : memref<1000000x64xf32, #tpu.memory_space<hbm>> -> memref<1000000x64xf32, #tpu.memory_space<hbm>>
    %dma_start3A_436 = tpu.memref_slice %arg7[%dma_start3A_425] : memref<10x!tpu.dma_semaphore, #tpu.memory_space<semaphore_mem>> -> memref<1x!tpu.dma_semaphore, #tpu.memory_space<semaphore_mem>>
    %dma_start3A_437 = tpu.memref_squeeze %dma_start3A_436 : memref<1x!tpu.dma_semaphore, #tpu.memory_space<semaphore_mem>> -> memref<!tpu.dma_semaphore, #tpu.memory_space<semaphore_mem>>
    tpu.enqueue_indirect_dma source(%dma_start3A_435 : memref<1000000x64xf32, #tpu.memory_space<hbm>>) target(%dma_start3A_432 : memref<16x64xf32, #tpu.memory_space<vmem>>) offsets(%get3A_423 : vector<16xi32>) semaphore(%dma_start3A_437 : memref<!tpu.dma_semaphore, #tpu.memory_space<semaphore_mem>>)
    %get3A_438 = arith.constant 2 : i32
    %get3A_439 = arith.index_cast %get3A_438 : i32 to index
    %get3A_440 = arith.constant 112 : index
    %get3A_441 = tpu.vector_load %arg5[%get3A_439, %get3A_440] {strides = array<i32>} : memref<200x128xi32, #tpu.memory_space<vmem>>, vector<1x16xi32>,
    %get3A_442 = vector.shape_cast %get3A_441 : vector<1x16xi32> to vector<16xi32>
    %dma_start3A_443 = arith.constant 2 : i32
    %dma_start3A_444 = arith.constant 2 : i32
    %dma_start3A_445 = arith.constant 0 : i32
    %dma_start3A_446 = arith.constant 0 : i32
    %dma_start3A_447 = tpu.memref_slice %arg6[%dma_start3A_443, %dma_start3A_445, %dma_start3A_446] : memref<10x128x64xf32, #tpu.memory_space<vmem>> -> memref<1x128x64xf32, #tpu.memory_space<vmem>>
    %dma_start3A_448 = tpu.memref_squeeze %dma_start3A_447 : memref<1x128x64xf32, #tpu.memory_space<vmem>> -> memref<128x64xf32, #tpu.memory_space<vmem>>
    %dma_start3A_449 = arith.constant 112 : i32
    %dma_start3A_450 = arith.constant 0 : i32
    %dma_start3A_451 = tpu.memref_slice %dma_start3A_448[%dma_start3A_449, %dma_start3A_450] : memref<128x64xf32, #tpu.memory_space<vmem>> -> memref<16x64xf32, #tpu.memory_space<vmem>>
    %dma_start3A_452 = arith.constant 0 : i32
    %dma_start3A_453 = arith.constant 0 : i32
    %dma_start3A_454 = tpu.memref_slice %arg2[%dma_start3A_452, %dma_start3A_453] : memref<1000000x64xf32, #tpu.memory_space<hbm>> -> memref<1000000x64xf32, #tpu.memory_space<hbm>>
    %dma_start3A_455 = tpu.memref_slice %arg7[%dma_start3A_444] : memref<10x!tpu.dma_semaphore, #tpu.memory_space<semaphore_mem>> -> memref<1x!tpu.dma_semaphore, #tpu.memory_space<semaphore_mem>>
    %dma_start3A_456 = tpu.memref_squeeze %dma_start3A_455 : memref<1x!tpu.dma_semaphore, #tpu.memory_space<semaphore_mem>> -> memref<!tpu.dma_semaphore, #tpu.memory_space<semaphore_mem>>
    tpu.enqueue_indirect_dma source(%dma_start3A_454 : memref<1000000x64xf32, #tpu.memory_space<hbm>>) target(%dma_start3A_451 : memref<16x64xf32, #tpu.memory_space<vmem>>) offsets(%get3A_442 : vector<16xi32>) semaphore(%dma_start3A_456 : memref<!tpu.dma_semaphore, #tpu.memory_space<semaphore_mem>>)
    %get3A_457 = arith.constant 3 : i32
    %get3A_458 = arith.index_cast %get3A_457 : i32 to index
    %get3A_459 = arith.constant 0 : index
    %get3A_460 = tpu.vector_load %arg5[%get3A_458, %get3A_459] {strides = array<i32>} : memref<200x128xi32, #tpu.memory_space<vmem>>, vector<1x16xi32>,
    %get3A_461 = vector.shape_cast %get3A_460 : vector<1x16xi32> to vector<16xi32>
    %dma_start3A_462 = arith.constant 3 : i32
    %dma_start3A_463 = arith.constant 3 : i32
    %dma_start3A_464 = arith.constant 0 : i32
    %dma_start3A_465 = arith.constant 0 : i32
    %dma_start3A_466 = tpu.memref_slice %arg6[%dma_start3A_462, %dma_start3A_464, %dma_start3A_465] : memref<10x128x64xf32, #tpu.memory_space<vmem>> -> memref<1x128x64xf32, #tpu.memory_space<vmem>>
    %dma_start3A_467 = tpu.memref_squeeze %dma_start3A_466 : memref<1x128x64xf32, #tpu.memory_space<vmem>> -> memref<128x64xf32, #tpu.memory_space<vmem>>
    %dma_start3A_468 = arith.constant 0 : i32
    %dma_start3A_469 = arith.constant 0 : i32
    %dma_start3A_470 = tpu.memref_slice %dma_start3A_467[%dma_start3A_468, %dma_start3A_469] : memref<128x64xf32, #tpu.memory_space<vmem>> -> memref<16x64xf32, #tpu.memory_space<vmem>>
    %dma_start3A_471 = arith.constant 0 : i32
    %dma_start3A_472 = arith.constant 0 : i32
    %dma_start3A_473 = tpu.memref_slice %arg2[%dma_start3A_471, %dma_start3A_472] : memref<1000000x64xf32, #tpu.memory_space<hbm>> -> memref<1000000x64xf32, #tpu.memory_space<hbm>>
    %dma_start3A_474 = tpu.memref_slice %arg7[%dma_start3A_463] : memref<10x!tpu.dma_semaphore, #tpu.memory_space<semaphore_mem>> -> memref<1x!tpu.dma_semaphore, #tpu.memory_space<semaphore_mem>>
    %dma_start3A_475 = tpu.memref_squeeze %dma_start3A_474 : memref<1x!tpu.dma_semaphore, #tpu.memory_space<semaphore_mem>> -> memref<!tpu.dma_semaphore, #tpu.memory_space<semaphore_mem>>
    tpu.enqueue_indirect_dma source(%dma_start3A_473 : memref<1000000x64xf32, #tpu.memory_space<hbm>>) target(%dma_start3A_470 : memref<16x64xf32, #tpu.memory_space<vmem>>) offsets(%get3A_461 : vector<16xi32>) semaphore(%dma_start3A_475 : memref<!tpu.dma_semaphore, #tpu.memory_space<semaphore_mem>>)
    %get3A_476 = arith.constant 3 : i32
    %get3A_477 = arith.index_cast %get3A_476 : i32 to index
    %get3A_478 = arith.constant 16 : index
    %get3A_479 = tpu.vector_load %arg5[%get3A_477, %get3A_478] {strides = array<i32>} : memref<200x128xi32, #tpu.memory_space<vmem>>, vector<1x16xi32>,
    %get3A_480 = vector.shape_cast %get3A_479 : vector<1x16xi32> to vector<16xi32>
    %dma_start3A_481 = arith.constant 3 : i32
    %dma_start3A_482 = arith.constant 3 : i32
    %dma_start3A_483 = arith.constant 0 : i32
    %dma_start3A_484 = arith.constant 0 : i32
    %dma_start3A_485 = tpu.memref_slice %arg6[%dma_start3A_481, %dma_start3A_483, %dma_start3A_484] : memref<10x128x64xf32, #tpu.memory_space<vmem>> -> memref<1x128x64xf32, #tpu.memory_space<vmem>>
    %dma_start3A_486 = tpu.memref_squeeze %dma_start3A_485 : memref<1x128x64xf32, #tpu.memory_space<vmem>> -> memref<128x64xf32, #tpu.memory_space<vmem>>
    %dma_start3A_487 = arith.constant 16 : i32
    %dma_start3A_488 = arith.constant 0 : i32
    %dma_start3A_489 = tpu.memref_slice %dma_start3A_486[%dma_start3A_487, %dma_start3A_488] : memref<128x64xf32, #tpu.memory_space<vmem>> -> memref<16x64xf32, #tpu.memory_space<vmem>>
    %dma_start3A_490 = arith.constant 0 : i32
    %dma_start3A_491 = arith.constant 0 : i32
    %dma_start3A_492 = tpu.memref_slice %arg2[%dma_start3A_490, %dma_start3A_491] : memref<1000000x64xf32, #tpu.memory_space<hbm>> -> memref<1000000x64xf32, #tpu.memory_space<hbm>>
    %dma_start3A_493 = tpu.memref_slice %arg7[%dma_start3A_482] : memref<10x!tpu.dma_semaphore, #tpu.memory_space<semaphore_mem>> -> memref<1x!tpu.dma_semaphore, #tpu.memory_space<semaphore_mem>>
    %dma_start3A_494 = tpu.memref_squeeze %dma_start3A_493 : memref<1x!tpu.dma_semaphore, #tpu.memory_space<semaphore_mem>> -> memref<!tpu.dma_semaphore, #tpu.memory_space<semaphore_mem>>
    tpu.enqueue_indirect_dma source(%dma_start3A_492 : memref<1000000x64xf32, #tpu.memory_space<hbm>>) target(%dma_start3A_489 : memref<16x64xf32, #tpu.memory_space<vmem>>) offsets(%get3A_480 : vector<16xi32>) semaphore(%dma_start3A_494 : memref<!tpu.dma_semaphore, #tpu.memory_space<semaphore_mem>>)
    %get3A_495 = arith.constant 3 : i32
    %get3A_496 = arith.index_cast %get3A_495 : i32 to index
    %get3A_497 = arith.constant 32 : index
    %get3A_498 = tpu.vector_load %arg5[%get3A_496, %get3A_497] {strides = array<i32>} : memref<200x128xi32, #tpu.memory_space<vmem>>, vector<1x16xi32>,
    %get3A_499 = vector.shape_cast %get3A_498 : vector<1x16xi32> to vector<16xi32>
    %dma_start3A_500 = arith.constant 3 : i32
    %dma_start3A_501 = arith.constant 3 : i32
    %dma_start3A_502 = arith.constant 0 : i32
    %dma_start3A_503 = arith.constant 0 : i32
    %dma_start3A_504 = tpu.memref_slice %arg6[%dma_start3A_500, %dma_start3A_502, %dma_start3A_503] : memref<10x128x64xf32, #tpu.memory_space<vmem>> -> memref<1x128x64xf32, #tpu.memory_space<vmem>>
    %dma_start3A_505 = tpu.memref_squeeze %dma_start3A_504 : memref<1x128x64xf32, #tpu.memory_space<vmem>> -> memref<128x64xf32, #tpu.memory_space<vmem>>
    %dma_start3A_506 = arith.constant 32 : i32
    %dma_start3A_507 = arith.constant 0 : i32
    %dma_start3A_508 = tpu.memref_slice %dma_start3A_505[%dma_start3A_506, %dma_start3A_507] : memref<128x64xf32, #tpu.memory_space<vmem>> -> memref<16x64xf32, #tpu.memory_space<vmem>>
    %dma_start3A_509 = arith.constant 0 : i32
    %dma_start3A_510 = arith.constant 0 : i32
    %dma_start3A_511 = tpu.memref_slice %arg2[%dma_start3A_509, %dma_start3A_510] : memref<1000000x64xf32, #tpu.memory_space<hbm>> -> memref<1000000x64xf32, #tpu.memory_space<hbm>>
    %dma_start3A_512 = tpu.memref_slice %arg7[%dma_start3A_501] : memref<10x!tpu.dma_semaphore, #tpu.memory_space<semaphore_mem>> -> memref<1x!tpu.dma_semaphore, #tpu.memory_space<semaphore_mem>>
    %dma_start3A_513 = tpu.memref_squeeze %dma_start3A_512 : memref<1x!tpu.dma_semaphore, #tpu.memory_space<semaphore_mem>> -> memref<!tpu.dma_semaphore, #tpu.memory_space<semaphore_mem>>
    tpu.enqueue_indirect_dma source(%dma_start3A_511 : memref<1000000x64xf32, #tpu.memory_space<hbm>>) target(%dma_start3A_508 : memref<16x64xf32, #tpu.memory_space<vmem>>) offsets(%get3A_499 : vector<16xi32>) semaphore(%dma_start3A_513 : memref<!tpu.dma_semaphore, #tpu.memory_space<semaphore_mem>>)
    %get3A_514 = arith.constant 3 : i32
    %get3A_515 = arith.index_cast %get3A_514 : i32 to index
    %get3A_516 = arith.constant 48 : index
    %get3A_517 = tpu.vector_load %arg5[%get3A_515, %get3A_516] {strides = array<i32>} : memref<200x128xi32, #tpu.memory_space<vmem>>, vector<1x16xi32>,
    %get3A_518 = vector.shape_cast %get3A_517 : vector<1x16xi32> to vector<16xi32>
    %dma_start3A_519 = arith.constant 3 : i32
    %dma_start3A_520 = arith.constant 3 : i32
    %dma_start3A_521 = arith.constant 0 : i32
    %dma_start3A_522 = arith.constant 0 : i32
    %dma_start3A_523 = tpu.memref_slice %arg6[%dma_start3A_519, %dma_start3A_521, %dma_start3A_522] : memref<10x128x64xf32, #tpu.memory_space<vmem>> -> memref<1x128x64xf32, #tpu.memory_space<vmem>>
    %dma_start3A_524 = tpu.memref_squeeze %dma_start3A_523 : memref<1x128x64xf32, #tpu.memory_space<vmem>> -> memref<128x64xf32, #tpu.memory_space<vmem>>
    %dma_start3A_525 = arith.constant 48 : i32
    %dma_start3A_526 = arith.constant 0 : i32
    %dma_start3A_527 = tpu.memref_slice %dma_start3A_524[%dma_start3A_525, %dma_start3A_526] : memref<128x64xf32, #tpu.memory_space<vmem>> -> memref<16x64xf32, #tpu.memory_space<vmem>>
    %dma_start3A_528 = arith.constant 0 : i32
    %dma_start3A_529 = arith.constant 0 : i32
    %dma_start3A_530 = tpu.memref_slice %arg2[%dma_start3A_528, %dma_start3A_529] : memref<1000000x64xf32, #tpu.memory_space<hbm>> -> memref<1000000x64xf32, #tpu.memory_space<hbm>>
    %dma_start3A_531 = tpu.memref_slice %arg7[%dma_start3A_520] : memref<10x!tpu.dma_semaphore, #tpu.memory_space<semaphore_mem>> -> memref<1x!tpu.dma_semaphore, #tpu.memory_space<semaphore_mem>>
    %dma_start3A_532 = tpu.memref_squeeze %dma_start3A_531 : memref<1x!tpu.dma_semaphore, #tpu.memory_space<semaphore_mem>> -> memref<!tpu.dma_semaphore, #tpu.memory_space<semaphore_mem>>
    tpu.enqueue_indirect_dma source(%dma_start3A_530 : memref<1000000x64xf32, #tpu.memory_space<hbm>>) target(%dma_start3A_527 : memref<16x64xf32, #tpu.memory_space<vmem>>) offsets(%get3A_518 : vector<16xi32>) semaphore(%dma_start3A_532 : memref<!tpu.dma_semaphore, #tpu.memory_space<semaphore_mem>>)
    %get3A_533 = arith.constant 3 : i32
    %get3A_534 = arith.index_cast %get3A_533 : i32 to index
    %get3A_535 = arith.constant 64 : index
    %get3A_536 = tpu.vector_load %arg5[%get3A_534, %get3A_535] {strides = array<i32>} : memref<200x128xi32, #tpu.memory_space<vmem>>, vector<1x16xi32>,
    %get3A_537 = vector.shape_cast %get3A_536 : vector<1x16xi32> to vector<16xi32>
    %dma_start3A_538 = arith.constant 3 : i32
    %dma_start3A_539 = arith.constant 3 : i32
    %dma_start3A_540 = arith.constant 0 : i32
    %dma_start3A_541 = arith.constant 0 : i32
    %dma_start3A_542 = tpu.memref_slice %arg6[%dma_start3A_538, %dma_start3A_540, %dma_start3A_541] : memref<10x128x64xf32, #tpu.memory_space<vmem>> -> memref<1x128x64xf32, #tpu.memory_space<vmem>>
    %dma_start3A_543 = tpu.memref_squeeze %dma_start3A_542 : memref<1x128x64xf32, #tpu.memory_space<vmem>> -> memref<128x64xf32, #tpu.memory_space<vmem>>
    %dma_start3A_544 = arith.constant 64 : i32
    %dma_start3A_545 = arith.constant 0 : i32
    %dma_start3A_546 = tpu.memref_slice %dma_start3A_543[%dma_start3A_544, %dma_start3A_545] : memref<128x64xf32, #tpu.memory_space<vmem>> -> memref<16x64xf32, #tpu.memory_space<vmem>>
    %dma_start3A_547 = arith.constant 0 : i32
    %dma_start3A_548 = arith.constant 0 : i32
    %dma_start3A_549 = tpu.memref_slice %arg2[%dma_start3A_547, %dma_start3A_548] : memref<1000000x64xf32, #tpu.memory_space<hbm>> -> memref<1000000x64xf32, #tpu.memory_space<hbm>>
    %dma_start3A_550 = tpu.memref_slice %arg7[%dma_start3A_539] : memref<10x!tpu.dma_semaphore, #tpu.memory_space<semaphore_mem>> -> memref<1x!tpu.dma_semaphore, #tpu.memory_space<semaphore_mem>>
    %dma_start3A_551 = tpu.memref_squeeze %dma_start3A_550 : memref<1x!tpu.dma_semaphore, #tpu.memory_space<semaphore_mem>> -> memref<!tpu.dma_semaphore, #tpu.memory_space<semaphore_mem>>
    tpu.enqueue_indirect_dma source(%dma_start3A_549 : memref<1000000x64xf32, #tpu.memory_space<hbm>>) target(%dma_start3A_546 : memref<16x64xf32, #tpu.memory_space<vmem>>) offsets(%get3A_537 : vector<16xi32>) semaphore(%dma_start3A_551 : memref<!tpu.dma_semaphore, #tpu.memory_space<semaphore_mem>>)
    %get3A_552 = arith.constant 3 : i32
    %get3A_553 = arith.index_cast %get3A_552 : i32 to index
    %get3A_554 = arith.constant 80 : index
    %get3A_555 = tpu.vector_load %arg5[%get3A_553, %get3A_554] {strides = array<i32>} : memref<200x128xi32, #tpu.memory_space<vmem>>, vector<1x16xi32>,
    %get3A_556 = vector.shape_cast %get3A_555 : vector<1x16xi32> to vector<16xi32>
    %dma_start3A_557 = arith.constant 3 : i32
    %dma_start3A_558 = arith.constant 3 : i32
    %dma_start3A_559 = arith.constant 0 : i32
    %dma_start3A_560 = arith.constant 0 : i32
    %dma_start3A_561 = tpu.memref_slice %arg6[%dma_start3A_557, %dma_start3A_559, %dma_start3A_560] : memref<10x128x64xf32, #tpu.memory_space<vmem>> -> memref<1x128x64xf32, #tpu.memory_space<vmem>>
    %dma_start3A_562 = tpu.memref_squeeze %dma_start3A_561 : memref<1x128x64xf32, #tpu.memory_space<vmem>> -> memref<128x64xf32, #tpu.memory_space<vmem>>
    %dma_start3A_563 = arith.constant 80 : i32
    %dma_start3A_564 = arith.constant 0 : i32
    %dma_start3A_565 = tpu.memref_slice %dma_start3A_562[%dma_start3A_563, %dma_start3A_564] : memref<128x64xf32, #tpu.memory_space<vmem>> -> memref<16x64xf32, #tpu.memory_space<vmem>>
    %dma_start3A_566 = arith.constant 0 : i32
    %dma_start3A_567 = arith.constant 0 : i32
    %dma_start3A_568 = tpu.memref_slice %arg2[%dma_start3A_566, %dma_start3A_567] : memref<1000000x64xf32, #tpu.memory_space<hbm>> -> memref<1000000x64xf32, #tpu.memory_space<hbm>>
    %dma_start3A_569 = tpu.memref_slice %arg7[%dma_start3A_558] : memref<10x!tpu.dma_semaphore, #tpu.memory_space<semaphore_mem>> -> memref<1x!tpu.dma_semaphore, #tpu.memory_space<semaphore_mem>>
    %dma_start3A_570 = tpu.memref_squeeze %dma_start3A_569 : memref<1x!tpu.dma_semaphore, #tpu.memory_space<semaphore_mem>> -> memref<!tpu.dma_semaphore, #tpu.memory_space<semaphore_mem>>
    tpu.enqueue_indirect_dma source(%dma_start3A_568 : memref<1000000x64xf32, #tpu.memory_space<hbm>>) target(%dma_start3A_565 : memref<16x64xf32, #tpu.memory_space<vmem>>) offsets(%get3A_556 : vector<16xi32>) semaphore(%dma_start3A_570 : memref<!tpu.dma_semaphore, #tpu.memory_space<semaphore_mem>>)
    %get3A_571 = arith.constant 3 : i32
    %get3A_572 = arith.index_cast %get3A_571 : i32 to index
    %get3A_573 = arith.constant 96 : index
    %get3A_574 = tpu.vector_load %arg5[%get3A_572, %get3A_573] {strides = array<i32>} : memref<200x128xi32, #tpu.memory_space<vmem>>, vector<1x16xi32>,
    %get3A_575 = vector.shape_cast %get3A_574 : vector<1x16xi32> to vector<16xi32>
    %dma_start3A_576 = arith.constant 3 : i32
    %dma_start3A_577 = arith.constant 3 : i32
    %dma_start3A_578 = arith.constant 0 : i32
    %dma_start3A_579 = arith.constant 0 : i32
    %dma_start3A_580 = tpu.memref_slice %arg6[%dma_start3A_576, %dma_start3A_578, %dma_start3A_579] : memref<10x128x64xf32, #tpu.memory_space<vmem>> -> memref<1x128x64xf32, #tpu.memory_space<vmem>>
    %dma_start3A_581 = tpu.memref_squeeze %dma_start3A_580 : memref<1x128x64xf32, #tpu.memory_space<vmem>> -> memref<128x64xf32, #tpu.memory_space<vmem>>
    %dma_start3A_582 = arith.constant 96 : i32
    %dma_start3A_583 = arith.constant 0 : i32
    %dma_start3A_584 = tpu.memref_slice %dma_start3A_581[%dma_start3A_582, %dma_start3A_583] : memref<128x64xf32, #tpu.memory_space<vmem>> -> memref<16x64xf32, #tpu.memory_space<vmem>>
    %dma_start3A_585 = arith.constant 0 : i32
    %dma_start3A_586 = arith.constant 0 : i32
    %dma_start3A_587 = tpu.memref_slice %arg2[%dma_start3A_585, %dma_start3A_586] : memref<1000000x64xf32, #tpu.memory_space<hbm>> -> memref<1000000x64xf32, #tpu.memory_space<hbm>>
    %dma_start3A_588 = tpu.memref_slice %arg7[%dma_start3A_577] : memref<10x!tpu.dma_semaphore, #tpu.memory_space<semaphore_mem>> -> memref<1x!tpu.dma_semaphore, #tpu.memory_space<semaphore_mem>>
    %dma_start3A_589 = tpu.memref_squeeze %dma_start3A_588 : memref<1x!tpu.dma_semaphore, #tpu.memory_space<semaphore_mem>> -> memref<!tpu.dma_semaphore, #tpu.memory_space<semaphore_mem>>
    tpu.enqueue_indirect_dma source(%dma_start3A_587 : memref<1000000x64xf32, #tpu.memory_space<hbm>>) target(%dma_start3A_584 : memref<16x64xf32, #tpu.memory_space<vmem>>) offsets(%get3A_575 : vector<16xi32>) semaphore(%dma_start3A_589 : memref<!tpu.dma_semaphore, #tpu.memory_space<semaphore_mem>>)
    %get3A_590 = arith.constant 3 : i32
    %get3A_591 = arith.index_cast %get3A_590 : i32 to index
    %get3A_592 = arith.constant 112 : index
    %get3A_593 = tpu.vector_load %arg5[%get3A_591, %get3A_592] {strides = array<i32>} : memref<200x128xi32, #tpu.memory_space<vmem>>, vector<1x16xi32>,
    %get3A_594 = vector.shape_cast %get3A_593 : vector<1x16xi32> to vector<16xi32>
    %dma_start3A_595 = arith.constant 3 : i32
    %dma_start3A_596 = arith.constant 3 : i32
    %dma_start3A_597 = arith.constant 0 : i32
    %dma_start3A_598 = arith.constant 0 : i32
    %dma_start3A_599 = tpu.memref_slice %arg6[%dma_start3A_595, %dma_start3A_597, %dma_start3A_598] : memref<10x128x64xf32, #tpu.memory_space<vmem>> -> memref<1x128x64xf32, #tpu.memory_space<vmem>>
    %dma_start3A_600 = tpu.memref_squeeze %dma_start3A_599 : memref<1x128x64xf32, #tpu.memory_space<vmem>> -> memref<128x64xf32, #tpu.memory_space<vmem>>
    %dma_start3A_601 = arith.constant 112 : i32
    %dma_start3A_602 = arith.constant 0 : i32
    %dma_start3A_603 = tpu.memref_slice %dma_start3A_600[%dma_start3A_601, %dma_start3A_602] : memref<128x64xf32, #tpu.memory_space<vmem>> -> memref<16x64xf32, #tpu.memory_space<vmem>>
    %dma_start3A_604 = arith.constant 0 : i32
    %dma_start3A_605 = arith.constant 0 : i32
    %dma_start3A_606 = tpu.memref_slice %arg2[%dma_start3A_604, %dma_start3A_605] : memref<1000000x64xf32, #tpu.memory_space<hbm>> -> memref<1000000x64xf32, #tpu.memory_space<hbm>>
    %dma_start3A_607 = tpu.memref_slice %arg7[%dma_start3A_596] : memref<10x!tpu.dma_semaphore, #tpu.memory_space<semaphore_mem>> -> memref<1x!tpu.dma_semaphore, #tpu.memory_space<semaphore_mem>>
    %dma_start3A_608 = tpu.memref_squeeze %dma_start3A_607 : memref<1x!tpu.dma_semaphore, #tpu.memory_space<semaphore_mem>> -> memref<!tpu.dma_semaphore, #tpu.memory_space<semaphore_mem>>
    tpu.enqueue_indirect_dma source(%dma_start3A_606 : memref<1000000x64xf32, #tpu.memory_space<hbm>>) target(%dma_start3A_603 : memref<16x64xf32, #tpu.memory_space<vmem>>) offsets(%get3A_594 : vector<16xi32>) semaphore(%dma_start3A_608 : memref<!tpu.dma_semaphore, #tpu.memory_space<semaphore_mem>>)
    %get3A_609 = arith.constant 4 : i32
    %get3A_610 = arith.index_cast %get3A_609 : i32 to index
    %get3A_611 = arith.constant 0 : index
    %get3A_612 = tpu.vector_load %arg5[%get3A_610, %get3A_611] {strides = array<i32>} : memref<200x128xi32, #tpu.memory_space<vmem>>, vector<1x16xi32>,
    %get3A_613 = vector.shape_cast %get3A_612 : vector<1x16xi32> to vector<16xi32>
    %dma_start3A_614 = arith.constant 4 : i32
    %dma_start3A_615 = arith.constant 4 : i32
    %dma_start3A_616 = arith.constant 0 : i32
    %dma_start3A_617 = arith.constant 0 : i32
    %dma_start3A_618 = tpu.memref_slice %arg6[%dma_start3A_614, %dma_start3A_616, %dma_start3A_617] : memref<10x128x64xf32, #tpu.memory_space<vmem>> -> memref<1x128x64xf32, #tpu.memory_space<vmem>>
    %dma_start3A_619 = tpu.memref_squeeze %dma_start3A_618 : memref<1x128x64xf32, #tpu.memory_space<vmem>> -> memref<128x64xf32, #tpu.memory_space<vmem>>
    %dma_start3A_620 = arith.constant 0 : i32
    %dma_start3A_621 = arith.constant 0 : i32
    %dma_start3A_622 = tpu.memref_slice %dma_start3A_619[%dma_start3A_620, %dma_start3A_621] : memref<128x64xf32, #tpu.memory_space<vmem>> -> memref<16x64xf32, #tpu.memory_space<vmem>>
    %dma_start3A_623 = arith.constant 0 : i32
    %dma_start3A_624 = arith.constant 0 : i32
    %dma_start3A_625 = tpu.memref_slice %arg2[%dma_start3A_623, %dma_start3A_624] : memref<1000000x64xf32, #tpu.memory_space<hbm>> -> memref<1000000x64xf32, #tpu.memory_space<hbm>>
    %dma_start3A_626 = tpu.memref_slice %arg7[%dma_start3A_615] : memref<10x!tpu.dma_semaphore, #tpu.memory_space<semaphore_mem>> -> memref<1x!tpu.dma_semaphore, #tpu.memory_space<semaphore_mem>>
    %dma_start3A_627 = tpu.memref_squeeze %dma_start3A_626 : memref<1x!tpu.dma_semaphore, #tpu.memory_space<semaphore_mem>> -> memref<!tpu.dma_semaphore, #tpu.memory_space<semaphore_mem>>
    tpu.enqueue_indirect_dma source(%dma_start3A_625 : memref<1000000x64xf32, #tpu.memory_space<hbm>>) target(%dma_start3A_622 : memref<16x64xf32, #tpu.memory_space<vmem>>) offsets(%get3A_613 : vector<16xi32>) semaphore(%dma_start3A_627 : memref<!tpu.dma_semaphore, #tpu.memory_space<semaphore_mem>>)
    %get3A_628 = arith.constant 4 : i32
    %get3A_629 = arith.index_cast %get3A_628 : i32 to index
    %get3A_630 = arith.constant 16 : index
    %get3A_631 = tpu.vector_load %arg5[%get3A_629, %get3A_630] {strides = array<i32>} : memref<200x128xi32, #tpu.memory_space<vmem>>, vector<1x16xi32>,
    %get3A_632 = vector.shape_cast %get3A_631 : vector<1x16xi32> to vector<16xi32>
    %dma_start3A_633 = arith.constant 4 : i32
    %dma_start3A_634 = arith.constant 4 : i32
    %dma_start3A_635 = arith.constant 0 : i32
    %dma_start3A_636 = arith.constant 0 : i32
    %dma_start3A_637 = tpu.memref_slice %arg6[%dma_start3A_633, %dma_start3A_635, %dma_start3A_636] : memref<10x128x64xf32, #tpu.memory_space<vmem>> -> memref<1x128x64xf32, #tpu.memory_space<vmem>>
    %dma_start3A_638 = tpu.memref_squeeze %dma_start3A_637 : memref<1x128x64xf32, #tpu.memory_space<vmem>> -> memref<128x64xf32, #tpu.memory_space<vmem>>
    %dma_start3A_639 = arith.constant 16 : i32
    %dma_start3A_640 = arith.constant 0 : i32
    %dma_start3A_641 = tpu.memref_slice %dma_start3A_638[%dma_start3A_639, %dma_start3A_640] : memref<128x64xf32, #tpu.memory_space<vmem>> -> memref<16x64xf32, #tpu.memory_space<vmem>>
    %dma_start3A_642 = arith.constant 0 : i32
    %dma_start3A_643 = arith.constant 0 : i32
    %dma_start3A_644 = tpu.memref_slice %arg2[%dma_start3A_642, %dma_start3A_643] : memref<1000000x64xf32, #tpu.memory_space<hbm>> -> memref<1000000x64xf32, #tpu.memory_space<hbm>>
    %dma_start3A_645 = tpu.memref_slice %arg7[%dma_start3A_634] : memref<10x!tpu.dma_semaphore, #tpu.memory_space<semaphore_mem>> -> memref<1x!tpu.dma_semaphore, #tpu.memory_space<semaphore_mem>>
    %dma_start3A_646 = tpu.memref_squeeze %dma_start3A_645 : memref<1x!tpu.dma_semaphore, #tpu.memory_space<semaphore_mem>> -> memref<!tpu.dma_semaphore, #tpu.memory_space<semaphore_mem>>
    tpu.enqueue_indirect_dma source(%dma_start3A_644 : memref<1000000x64xf32, #tpu.memory_space<hbm>>) target(%dma_start3A_641 : memref<16x64xf32, #tpu.memory_space<vmem>>) offsets(%get3A_632 : vector<16xi32>) semaphore(%dma_start3A_646 : memref<!tpu.dma_semaphore, #tpu.memory_space<semaphore_mem>>)
    %get3A_647 = arith.constant 4 : i32
    %get3A_648 = arith.index_cast %get3A_647 : i32 to index
    %get3A_649 = arith.constant 32 : index
    %get3A_650 = tpu.vector_load %arg5[%get3A_648, %get3A_649] {strides = array<i32>} : memref<200x128xi32, #tpu.memory_space<vmem>>, vector<1x16xi32>,
    %get3A_651 = vector.shape_cast %get3A_650 : vector<1x16xi32> to vector<16xi32>
    %dma_start3A_652 = arith.constant 4 : i32
    %dma_start3A_653 = arith.constant 4 : i32
    %dma_start3A_654 = arith.constant 0 : i32
    %dma_start3A_655 = arith.constant 0 : i32
    %dma_start3A_656 = tpu.memref_slice %arg6[%dma_start3A_652, %dma_start3A_654, %dma_start3A_655] : memref<10x128x64xf32, #tpu.memory_space<vmem>> -> memref<1x128x64xf32, #tpu.memory_space<vmem>>
    %dma_start3A_657 = tpu.memref_squeeze %dma_start3A_656 : memref<1x128x64xf32, #tpu.memory_space<vmem>> -> memref<128x64xf32, #tpu.memory_space<vmem>>
    %dma_start3A_658 = arith.constant 32 : i32
    %dma_start3A_659 = arith.constant 0 : i32
    %dma_start3A_660 = tpu.memref_slice %dma_start3A_657[%dma_start3A_658, %dma_start3A_659] : memref<128x64xf32, #tpu.memory_space<vmem>> -> memref<16x64xf32, #tpu.memory_space<vmem>>
    %dma_start3A_661 = arith.constant 0 : i32
    %dma_start3A_662 = arith.constant 0 : i32
    %dma_start3A_663 = tpu.memref_slice %arg2[%dma_start3A_661, %dma_start3A_662] : memref<1000000x64xf32, #tpu.memory_space<hbm>> -> memref<1000000x64xf32, #tpu.memory_space<hbm>>
    %dma_start3A_664 = tpu.memref_slice %arg7[%dma_start3A_653] : memref<10x!tpu.dma_semaphore, #tpu.memory_space<semaphore_mem>> -> memref<1x!tpu.dma_semaphore, #tpu.memory_space<semaphore_mem>>
    %dma_start3A_665 = tpu.memref_squeeze %dma_start3A_664 : memref<1x!tpu.dma_semaphore, #tpu.memory_space<semaphore_mem>> -> memref<!tpu.dma_semaphore, #tpu.memory_space<semaphore_mem>>
    tpu.enqueue_indirect_dma source(%dma_start3A_663 : memref<1000000x64xf32, #tpu.memory_space<hbm>>) target(%dma_start3A_660 : memref<16x64xf32, #tpu.memory_space<vmem>>) offsets(%get3A_651 : vector<16xi32>) semaphore(%dma_start3A_665 : memref<!tpu.dma_semaphore, #tpu.memory_space<semaphore_mem>>)
    %get3A_666 = arith.constant 4 : i32
    %get3A_667 = arith.index_cast %get3A_666 : i32 to index
    %get3A_668 = arith.constant 48 : index
    %get3A_669 = tpu.vector_load %arg5[%get3A_667, %get3A_668] {strides = array<i32>} : memref<200x128xi32, #tpu.memory_space<vmem>>, vector<1x16xi32>,
    %get3A_670 = vector.shape_cast %get3A_669 : vector<1x16xi32> to vector<16xi32>
    %dma_start3A_671 = arith.constant 4 : i32
    %dma_start3A_672 = arith.constant 4 : i32
    %dma_start3A_673 = arith.constant 0 : i32
    %dma_start3A_674 = arith.constant 0 : i32
    %dma_start3A_675 = tpu.memref_slice %arg6[%dma_start3A_671, %dma_start3A_673, %dma_start3A_674] : memref<10x128x64xf32, #tpu.memory_space<vmem>> -> memref<1x128x64xf32, #tpu.memory_space<vmem>>
    %dma_start3A_676 = tpu.memref_squeeze %dma_start3A_675 : memref<1x128x64xf32, #tpu.memory_space<vmem>> -> memref<128x64xf32, #tpu.memory_space<vmem>>
    %dma_start3A_677 = arith.constant 48 : i32
    %dma_start3A_678 = arith.constant 0 : i32
    %dma_start3A_679 = tpu.memref_slice %dma_start3A_676[%dma_start3A_677, %dma_start3A_678] : memref<128x64xf32, #tpu.memory_space<vmem>> -> memref<16x64xf32, #tpu.memory_space<vmem>>
    %dma_start3A_680 = arith.constant 0 : i32
    %dma_start3A_681 = arith.constant 0 : i32
    %dma_start3A_682 = tpu.memref_slice %arg2[%dma_start3A_680, %dma_start3A_681] : memref<1000000x64xf32, #tpu.memory_space<hbm>> -> memref<1000000x64xf32, #tpu.memory_space<hbm>>
    %dma_start3A_683 = tpu.memref_slice %arg7[%dma_start3A_672] : memref<10x!tpu.dma_semaphore, #tpu.memory_space<semaphore_mem>> -> memref<1x!tpu.dma_semaphore, #tpu.memory_space<semaphore_mem>>
    %dma_start3A_684 = tpu.memref_squeeze %dma_start3A_683 : memref<1x!tpu.dma_semaphore, #tpu.memory_space<semaphore_mem>> -> memref<!tpu.dma_semaphore, #tpu.memory_space<semaphore_mem>>
    tpu.enqueue_indirect_dma source(%dma_start3A_682 : memref<1000000x64xf32, #tpu.memory_space<hbm>>) target(%dma_start3A_679 : memref<16x64xf32, #tpu.memory_space<vmem>>) offsets(%get3A_670 : vector<16xi32>) semaphore(%dma_start3A_684 : memref<!tpu.dma_semaphore, #tpu.memory_space<semaphore_mem>>)
    %get3A_685 = arith.constant 4 : i32
    %get3A_686 = arith.index_cast %get3A_685 : i32 to index
    %get3A_687 = arith.constant 64 : index
    %get3A_688 = tpu.vector_load %arg5[%get3A_686, %get3A_687] {strides = array<i32>} : memref<200x128xi32, #tpu.memory_space<vmem>>, vector<1x16xi32>,
    %get3A_689 = vector.shape_cast %get3A_688 : vector<1x16xi32> to vector<16xi32>
    %dma_start3A_690 = arith.constant 4 : i32
    %dma_start3A_691 = arith.constant 4 : i32
    %dma_start3A_692 = arith.constant 0 : i32
    %dma_start3A_693 = arith.constant 0 : i32
    %dma_start3A_694 = tpu.memref_slice %arg6[%dma_start3A_690, %dma_start3A_692, %dma_start3A_693] : memref<10x128x64xf32, #tpu.memory_space<vmem>> -> memref<1x128x64xf32, #tpu.memory_space<vmem>>
    %dma_start3A_695 = tpu.memref_squeeze %dma_start3A_694 : memref<1x128x64xf32, #tpu.memory_space<vmem>> -> memref<128x64xf32, #tpu.memory_space<vmem>>
    %dma_start3A_696 = arith.constant 64 : i32
    %dma_start3A_697 = arith.constant 0 : i32
    %dma_start3A_698 = tpu.memref_slice %dma_start3A_695[%dma_start3A_696, %dma_start3A_697] : memref<128x64xf32, #tpu.memory_space<vmem>> -> memref<16x64xf32, #tpu.memory_space<vmem>>
    %dma_start3A_699 = arith.constant 0 : i32
    %dma_start3A_700 = arith.constant 0 : i32
    %dma_start3A_701 = tpu.memref_slice %arg2[%dma_start3A_699, %dma_start3A_700] : memref<1000000x64xf32, #tpu.memory_space<hbm>> -> memref<1000000x64xf32, #tpu.memory_space<hbm>>
    %dma_start3A_702 = tpu.memref_slice %arg7[%dma_start3A_691] : memref<10x!tpu.dma_semaphore, #tpu.memory_space<semaphore_mem>> -> memref<1x!tpu.dma_semaphore, #tpu.memory_space<semaphore_mem>>
    %dma_start3A_703 = tpu.memref_squeeze %dma_start3A_702 : memref<1x!tpu.dma_semaphore, #tpu.memory_space<semaphore_mem>> -> memref<!tpu.dma_semaphore, #tpu.memory_space<semaphore_mem>>
    tpu.enqueue_indirect_dma source(%dma_start3A_701 : memref<1000000x64xf32, #tpu.memory_space<hbm>>) target(%dma_start3A_698 : memref<16x64xf32, #tpu.memory_space<vmem>>) offsets(%get3A_689 : vector<16xi32>) semaphore(%dma_start3A_703 : memref<!tpu.dma_semaphore, #tpu.memory_space<semaphore_mem>>)
    %get3A_704 = arith.constant 4 : i32
    %get3A_705 = arith.index_cast %get3A_704 : i32 to index
    %get3A_706 = arith.constant 80 : index
    %get3A_707 = tpu.vector_load %arg5[%get3A_705, %get3A_706] {strides = array<i32>} : memref<200x128xi32, #tpu.memory_space<vmem>>, vector<1x16xi32>,
    %get3A_708 = vector.shape_cast %get3A_707 : vector<1x16xi32> to vector<16xi32>
    %dma_start3A_709 = arith.constant 4 : i32
    %dma_start3A_710 = arith.constant 4 : i32
    %dma_start3A_711 = arith.constant 0 : i32
    %dma_start3A_712 = arith.constant 0 : i32
    %dma_start3A_713 = tpu.memref_slice %arg6[%dma_start3A_709, %dma_start3A_711, %dma_start3A_712] : memref<10x128x64xf32, #tpu.memory_space<vmem>> -> memref<1x128x64xf32, #tpu.memory_space<vmem>>
    %dma_start3A_714 = tpu.memref_squeeze %dma_start3A_713 : memref<1x128x64xf32, #tpu.memory_space<vmem>> -> memref<128x64xf32, #tpu.memory_space<vmem>>
    %dma_start3A_715 = arith.constant 80 : i32
    %dma_start3A_716 = arith.constant 0 : i32
    %dma_start3A_717 = tpu.memref_slice %dma_start3A_714[%dma_start3A_715, %dma_start3A_716] : memref<128x64xf32, #tpu.memory_space<vmem>> -> memref<16x64xf32, #tpu.memory_space<vmem>>
    %dma_start3A_718 = arith.constant 0 : i32
    %dma_start3A_719 = arith.constant 0 : i32
    %dma_start3A_720 = tpu.memref_slice %arg2[%dma_start3A_718, %dma_start3A_719] : memref<1000000x64xf32, #tpu.memory_space<hbm>> -> memref<1000000x64xf32, #tpu.memory_space<hbm>>
    %dma_start3A_721 = tpu.memref_slice %arg7[%dma_start3A_710] : memref<10x!tpu.dma_semaphore, #tpu.memory_space<semaphore_mem>> -> memref<1x!tpu.dma_semaphore, #tpu.memory_space<semaphore_mem>>
    %dma_start3A_722 = tpu.memref_squeeze %dma_start3A_721 : memref<1x!tpu.dma_semaphore, #tpu.memory_space<semaphore_mem>> -> memref<!tpu.dma_semaphore, #tpu.memory_space<semaphore_mem>>
    tpu.enqueue_indirect_dma source(%dma_start3A_720 : memref<1000000x64xf32, #tpu.memory_space<hbm>>) target(%dma_start3A_717 : memref<16x64xf32, #tpu.memory_space<vmem>>) offsets(%get3A_708 : vector<16xi32>) semaphore(%dma_start3A_722 : memref<!tpu.dma_semaphore, #tpu.memory_space<semaphore_mem>>)
    %get3A_723 = arith.constant 4 : i32
    %get3A_724 = arith.index_cast %get3A_723 : i32 to index
    %get3A_725 = arith.constant 96 : index
    %get3A_726 = tpu.vector_load %arg5[%get3A_724, %get3A_725] {strides = array<i32>} : memref<200x128xi32, #tpu.memory_space<vmem>>, vector<1x16xi32>,
    %get3A_727 = vector.shape_cast %get3A_726 : vector<1x16xi32> to vector<16xi32>
    %dma_start3A_728 = arith.constant 4 : i32
    %dma_start3A_729 = arith.constant 4 : i32
    %dma_start3A_730 = arith.constant 0 : i32
    %dma_start3A_731 = arith.constant 0 : i32
    %dma_start3A_732 = tpu.memref_slice %arg6[%dma_start3A_728, %dma_start3A_730, %dma_start3A_731] : memref<10x128x64xf32, #tpu.memory_space<vmem>> -> memref<1x128x64xf32, #tpu.memory_space<vmem>>
    %dma_start3A_733 = tpu.memref_squeeze %dma_start3A_732 : memref<1x128x64xf32, #tpu.memory_space<vmem>> -> memref<128x64xf32, #tpu.memory_space<vmem>>
    %dma_start3A_734 = arith.constant 96 : i32
    %dma_start3A_735 = arith.constant 0 : i32
    %dma_start3A_736 = tpu.memref_slice %dma_start3A_733[%dma_start3A_734, %dma_start3A_735] : memref<128x64xf32, #tpu.memory_space<vmem>> -> memref<16x64xf32, #tpu.memory_space<vmem>>
    %dma_start3A_737 = arith.constant 0 : i32
    %dma_start3A_738 = arith.constant 0 : i32
    %dma_start3A_739 = tpu.memref_slice %arg2[%dma_start3A_737, %dma_start3A_738] : memref<1000000x64xf32, #tpu.memory_space<hbm>> -> memref<1000000x64xf32, #tpu.memory_space<hbm>>
    %dma_start3A_740 = tpu.memref_slice %arg7[%dma_start3A_729] : memref<10x!tpu.dma_semaphore, #tpu.memory_space<semaphore_mem>> -> memref<1x!tpu.dma_semaphore, #tpu.memory_space<semaphore_mem>>
    %dma_start3A_741 = tpu.memref_squeeze %dma_start3A_740 : memref<1x!tpu.dma_semaphore, #tpu.memory_space<semaphore_mem>> -> memref<!tpu.dma_semaphore, #tpu.memory_space<semaphore_mem>>
    tpu.enqueue_indirect_dma source(%dma_start3A_739 : memref<1000000x64xf32, #tpu.memory_space<hbm>>) target(%dma_start3A_736 : memref<16x64xf32, #tpu.memory_space<vmem>>) offsets(%get3A_727 : vector<16xi32>) semaphore(%dma_start3A_741 : memref<!tpu.dma_semaphore, #tpu.memory_space<semaphore_mem>>)
    %get3A_742 = arith.constant 4 : i32
    %get3A_743 = arith.index_cast %get3A_742 : i32 to index
    %get3A_744 = arith.constant 112 : index
    %get3A_745 = tpu.vector_load %arg5[%get3A_743, %get3A_744] {strides = array<i32>} : memref<200x128xi32, #tpu.memory_space<vmem>>, vector<1x16xi32>,
    %get3A_746 = vector.shape_cast %get3A_745 : vector<1x16xi32> to vector<16xi32>
    %dma_start3A_747 = arith.constant 4 : i32
    %dma_start3A_748 = arith.constant 4 : i32
    %dma_start3A_749 = arith.constant 0 : i32
    %dma_start3A_750 = arith.constant 0 : i32
    %dma_start3A_751 = tpu.memref_slice %arg6[%dma_start3A_747, %dma_start3A_749, %dma_start3A_750] : memref<10x128x64xf32, #tpu.memory_space<vmem>> -> memref<1x128x64xf32, #tpu.memory_space<vmem>>
    %dma_start3A_752 = tpu.memref_squeeze %dma_start3A_751 : memref<1x128x64xf32, #tpu.memory_space<vmem>> -> memref<128x64xf32, #tpu.memory_space<vmem>>
    %dma_start3A_753 = arith.constant 112 : i32
    %dma_start3A_754 = arith.constant 0 : i32
    %dma_start3A_755 = tpu.memref_slice %dma_start3A_752[%dma_start3A_753, %dma_start3A_754] : memref<128x64xf32, #tpu.memory_space<vmem>> -> memref<16x64xf32, #tpu.memory_space<vmem>>
    %dma_start3A_756 = arith.constant 0 : i32
    %dma_start3A_757 = arith.constant 0 : i32
    %dma_start3A_758 = tpu.memref_slice %arg2[%dma_start3A_756, %dma_start3A_757] : memref<1000000x64xf32, #tpu.memory_space<hbm>> -> memref<1000000x64xf32, #tpu.memory_space<hbm>>
    %dma_start3A_759 = tpu.memref_slice %arg7[%dma_start3A_748] : memref<10x!tpu.dma_semaphore, #tpu.memory_space<semaphore_mem>> -> memref<1x!tpu.dma_semaphore, #tpu.memory_space<semaphore_mem>>
    %dma_start3A_760 = tpu.memref_squeeze %dma_start3A_759 : memref<1x!tpu.dma_semaphore, #tpu.memory_space<semaphore_mem>> -> memref<!tpu.dma_semaphore, #tpu.memory_space<semaphore_mem>>
    tpu.enqueue_indirect_dma source(%dma_start3A_758 : memref<1000000x64xf32, #tpu.memory_space<hbm>>) target(%dma_start3A_755 : memref<16x64xf32, #tpu.memory_space<vmem>>) offsets(%get3A_746 : vector<16xi32>) semaphore(%dma_start3A_760 : memref<!tpu.dma_semaphore, #tpu.memory_space<semaphore_mem>>)
    %get3A_761 = arith.constant 5 : i32
    %get3A_762 = arith.index_cast %get3A_761 : i32 to index
    %get3A_763 = arith.constant 0 : index
    %get3A_764 = tpu.vector_load %arg5[%get3A_762, %get3A_763] {strides = array<i32>} : memref<200x128xi32, #tpu.memory_space<vmem>>, vector<1x16xi32>,
    %get3A_765 = vector.shape_cast %get3A_764 : vector<1x16xi32> to vector<16xi32>
    %dma_start3A_766 = arith.constant 5 : i32
    %dma_start3A_767 = arith.constant 5 : i32
    %dma_start3A_768 = arith.constant 0 : i32
    %dma_start3A_769 = arith.constant 0 : i32
    %dma_start3A_770 = tpu.memref_slice %arg6[%dma_start3A_766, %dma_start3A_768, %dma_start3A_769] : memref<10x128x64xf32, #tpu.memory_space<vmem>> -> memref<1x128x64xf32, #tpu.memory_space<vmem>>
    %dma_start3A_771 = tpu.memref_squeeze %dma_start3A_770 : memref<1x128x64xf32, #tpu.memory_space<vmem>> -> memref<128x64xf32, #tpu.memory_space<vmem>>
    %dma_start3A_772 = arith.constant 0 : i32
    %dma_start3A_773 = arith.constant 0 : i32
    %dma_start3A_774 = tpu.memref_slice %dma_start3A_771[%dma_start3A_772, %dma_start3A_773] : memref<128x64xf32, #tpu.memory_space<vmem>> -> memref<16x64xf32, #tpu.memory_space<vmem>>
    %dma_start3A_775 = arith.constant 0 : i32
    %dma_start3A_776 = arith.constant 0 : i32
    %dma_start3A_777 = tpu.memref_slice %arg2[%dma_start3A_775, %dma_start3A_776] : memref<1000000x64xf32, #tpu.memory_space<hbm>> -> memref<1000000x64xf32, #tpu.memory_space<hbm>>
    %dma_start3A_778 = tpu.memref_slice %arg7[%dma_start3A_767] : memref<10x!tpu.dma_semaphore, #tpu.memory_space<semaphore_mem>> -> memref<1x!tpu.dma_semaphore, #tpu.memory_space<semaphore_mem>>
    %dma_start3A_779 = tpu.memref_squeeze %dma_start3A_778 : memref<1x!tpu.dma_semaphore, #tpu.memory_space<semaphore_mem>> -> memref<!tpu.dma_semaphore, #tpu.memory_space<semaphore_mem>>
    tpu.enqueue_indirect_dma source(%dma_start3A_777 : memref<1000000x64xf32, #tpu.memory_space<hbm>>) target(%dma_start3A_774 : memref<16x64xf32, #tpu.memory_space<vmem>>) offsets(%get3A_765 : vector<16xi32>) semaphore(%dma_start3A_779 : memref<!tpu.dma_semaphore, #tpu.memory_space<semaphore_mem>>)
    %get3A_780 = arith.constant 5 : i32
    %get3A_781 = arith.index_cast %get3A_780 : i32 to index
    %get3A_782 = arith.constant 16 : index
    %get3A_783 = tpu.vector_load %arg5[%get3A_781, %get3A_782] {strides = array<i32>} : memref<200x128xi32, #tpu.memory_space<vmem>>, vector<1x16xi32>,
    %get3A_784 = vector.shape_cast %get3A_783 : vector<1x16xi32> to vector<16xi32>
    %dma_start3A_785 = arith.constant 5 : i32
    %dma_start3A_786 = arith.constant 5 : i32
    %dma_start3A_787 = arith.constant 0 : i32
    %dma_start3A_788 = arith.constant 0 : i32
    %dma_start3A_789 = tpu.memref_slice %arg6[%dma_start3A_785, %dma_start3A_787, %dma_start3A_788] : memref<10x128x64xf32, #tpu.memory_space<vmem>> -> memref<1x128x64xf32, #tpu.memory_space<vmem>>
    %dma_start3A_790 = tpu.memref_squeeze %dma_start3A_789 : memref<1x128x64xf32, #tpu.memory_space<vmem>> -> memref<128x64xf32, #tpu.memory_space<vmem>>
    %dma_start3A_791 = arith.constant 16 : i32
    %dma_start3A_792 = arith.constant 0 : i32
    %dma_start3A_793 = tpu.memref_slice %dma_start3A_790[%dma_start3A_791, %dma_start3A_792] : memref<128x64xf32, #tpu.memory_space<vmem>> -> memref<16x64xf32, #tpu.memory_space<vmem>>
    %dma_start3A_794 = arith.constant 0 : i32
    %dma_start3A_795 = arith.constant 0 : i32
    %dma_start3A_796 = tpu.memref_slice %arg2[%dma_start3A_794, %dma_start3A_795] : memref<1000000x64xf32, #tpu.memory_space<hbm>> -> memref<1000000x64xf32, #tpu.memory_space<hbm>>
    %dma_start3A_797 = tpu.memref_slice %arg7[%dma_start3A_786] : memref<10x!tpu.dma_semaphore, #tpu.memory_space<semaphore_mem>> -> memref<1x!tpu.dma_semaphore, #tpu.memory_space<semaphore_mem>>
    %dma_start3A_798 = tpu.memref_squeeze %dma_start3A_797 : memref<1x!tpu.dma_semaphore, #tpu.memory_space<semaphore_mem>> -> memref<!tpu.dma_semaphore, #tpu.memory_space<semaphore_mem>>
    tpu.enqueue_indirect_dma source(%dma_start3A_796 : memref<1000000x64xf32, #tpu.memory_space<hbm>>) target(%dma_start3A_793 : memref<16x64xf32, #tpu.memory_space<vmem>>) offsets(%get3A_784 : vector<16xi32>) semaphore(%dma_start3A_798 : memref<!tpu.dma_semaphore, #tpu.memory_space<semaphore_mem>>)
    %get3A_799 = arith.constant 5 : i32
    %get3A_800 = arith.index_cast %get3A_799 : i32 to index
    %get3A_801 = arith.constant 32 : index
    %get3A_802 = tpu.vector_load %arg5[%get3A_800, %get3A_801] {strides = array<i32>} : memref<200x128xi32, #tpu.memory_space<vmem>>, vector<1x16xi32>,
    %get3A_803 = vector.shape_cast %get3A_802 : vector<1x16xi32> to vector<16xi32>
    %dma_start3A_804 = arith.constant 5 : i32
    %dma_start3A_805 = arith.constant 5 : i32
    %dma_start3A_806 = arith.constant 0 : i32
    %dma_start3A_807 = arith.constant 0 : i32
    %dma_start3A_808 = tpu.memref_slice %arg6[%dma_start3A_804, %dma_start3A_806, %dma_start3A_807] : memref<10x128x64xf32, #tpu.memory_space<vmem>> -> memref<1x128x64xf32, #tpu.memory_space<vmem>>
    %dma_start3A_809 = tpu.memref_squeeze %dma_start3A_808 : memref<1x128x64xf32, #tpu.memory_space<vmem>> -> memref<128x64xf32, #tpu.memory_space<vmem>>
    %dma_start3A_810 = arith.constant 32 : i32
    %dma_start3A_811 = arith.constant 0 : i32
    %dma_start3A_812 = tpu.memref_slice %dma_start3A_809[%dma_start3A_810, %dma_start3A_811] : memref<128x64xf32, #tpu.memory_space<vmem>> -> memref<16x64xf32, #tpu.memory_space<vmem>>
    %dma_start3A_813 = arith.constant 0 : i32
    %dma_start3A_814 = arith.constant 0 : i32
    %dma_start3A_815 = tpu.memref_slice %arg2[%dma_start3A_813, %dma_start3A_814] : memref<1000000x64xf32, #tpu.memory_space<hbm>> -> memref<1000000x64xf32, #tpu.memory_space<hbm>>
    %dma_start3A_816 = tpu.memref_slice %arg7[%dma_start3A_805] : memref<10x!tpu.dma_semaphore, #tpu.memory_space<semaphore_mem>> -> memref<1x!tpu.dma_semaphore, #tpu.memory_space<semaphore_mem>>
    %dma_start3A_817 = tpu.memref_squeeze %dma_start3A_816 : memref<1x!tpu.dma_semaphore, #tpu.memory_space<semaphore_mem>> -> memref<!tpu.dma_semaphore, #tpu.memory_space<semaphore_mem>>
    tpu.enqueue_indirect_dma source(%dma_start3A_815 : memref<1000000x64xf32, #tpu.memory_space<hbm>>) target(%dma_start3A_812 : memref<16x64xf32, #tpu.memory_space<vmem>>) offsets(%get3A_803 : vector<16xi32>) semaphore(%dma_start3A_817 : memref<!tpu.dma_semaphore, #tpu.memory_space<semaphore_mem>>)
    %get3A_818 = arith.constant 5 : i32
    %get3A_819 = arith.index_cast %get3A_818 : i32 to index
    %get3A_820 = arith.constant 48 : index
    %get3A_821 = tpu.vector_load %arg5[%get3A_819, %get3A_820] {strides = array<i32>} : memref<200x128xi32, #tpu.memory_space<vmem>>, vector<1x16xi32>,
    %get3A_822 = vector.shape_cast %get3A_821 : vector<1x16xi32> to vector<16xi32>
    %dma_start3A_823 = arith.constant 5 : i32
    %dma_start3A_824 = arith.constant 5 : i32
    %dma_start3A_825 = arith.constant 0 : i32
    %dma_start3A_826 = arith.constant 0 : i32
    %dma_start3A_827 = tpu.memref_slice %arg6[%dma_start3A_823, %dma_start3A_825, %dma_start3A_826] : memref<10x128x64xf32, #tpu.memory_space<vmem>> -> memref<1x128x64xf32, #tpu.memory_space<vmem>>
    %dma_start3A_828 = tpu.memref_squeeze %dma_start3A_827 : memref<1x128x64xf32, #tpu.memory_space<vmem>> -> memref<128x64xf32, #tpu.memory_space<vmem>>
    %dma_start3A_829 = arith.constant 48 : i32
    %dma_start3A_830 = arith.constant 0 : i32
    %dma_start3A_831 = tpu.memref_slice %dma_start3A_828[%dma_start3A_829, %dma_start3A_830] : memref<128x64xf32, #tpu.memory_space<vmem>> -> memref<16x64xf32, #tpu.memory_space<vmem>>
    %dma_start3A_832 = arith.constant 0 : i32
    %dma_start3A_833 = arith.constant 0 : i32
    %dma_start3A_834 = tpu.memref_slice %arg2[%dma_start3A_832, %dma_start3A_833] : memref<1000000x64xf32, #tpu.memory_space<hbm>> -> memref<1000000x64xf32, #tpu.memory_space<hbm>>
    %dma_start3A_835 = tpu.memref_slice %arg7[%dma_start3A_824] : memref<10x!tpu.dma_semaphore, #tpu.memory_space<semaphore_mem>> -> memref<1x!tpu.dma_semaphore, #tpu.memory_space<semaphore_mem>>
    %dma_start3A_836 = tpu.memref_squeeze %dma_start3A_835 : memref<1x!tpu.dma_semaphore, #tpu.memory_space<semaphore_mem>> -> memref<!tpu.dma_semaphore, #tpu.memory_space<semaphore_mem>>
    tpu.enqueue_indirect_dma source(%dma_start3A_834 : memref<1000000x64xf32, #tpu.memory_space<hbm>>) target(%dma_start3A_831 : memref<16x64xf32, #tpu.memory_space<vmem>>) offsets(%get3A_822 : vector<16xi32>) semaphore(%dma_start3A_836 : memref<!tpu.dma_semaphore, #tpu.memory_space<semaphore_mem>>)
    %get3A_837 = arith.constant 5 : i32
    %get3A_838 = arith.index_cast %get3A_837 : i32 to index
    %get3A_839 = arith.constant 64 : index
    %get3A_840 = tpu.vector_load %arg5[%get3A_838, %get3A_839] {strides = array<i32>} : memref<200x128xi32, #tpu.memory_space<vmem>>, vector<1x16xi32>,
    %get3A_841 = vector.shape_cast %get3A_840 : vector<1x16xi32> to vector<16xi32>
    %dma_start3A_842 = arith.constant 5 : i32
    %dma_start3A_843 = arith.constant 5 : i32
    %dma_start3A_844 = arith.constant 0 : i32
    %dma_start3A_845 = arith.constant 0 : i32
    %dma_start3A_846 = tpu.memref_slice %arg6[%dma_start3A_842, %dma_start3A_844, %dma_start3A_845] : memref<10x128x64xf32, #tpu.memory_space<vmem>> -> memref<1x128x64xf32, #tpu.memory_space<vmem>>
    %dma_start3A_847 = tpu.memref_squeeze %dma_start3A_846 : memref<1x128x64xf32, #tpu.memory_space<vmem>> -> memref<128x64xf32, #tpu.memory_space<vmem>>
    %dma_start3A_848 = arith.constant 64 : i32
    %dma_start3A_849 = arith.constant 0 : i32
    %dma_start3A_850 = tpu.memref_slice %dma_start3A_847[%dma_start3A_848, %dma_start3A_849] : memref<128x64xf32, #tpu.memory_space<vmem>> -> memref<16x64xf32, #tpu.memory_space<vmem>>
    %dma_start3A_851 = arith.constant 0 : i32
    %dma_start3A_852 = arith.constant 0 : i32
    %dma_start3A_853 = tpu.memref_slice %arg2[%dma_start3A_851, %dma_start3A_852] : memref<1000000x64xf32, #tpu.memory_space<hbm>> -> memref<1000000x64xf32, #tpu.memory_space<hbm>>
    %dma_start3A_854 = tpu.memref_slice %arg7[%dma_start3A_843] : memref<10x!tpu.dma_semaphore, #tpu.memory_space<semaphore_mem>> -> memref<1x!tpu.dma_semaphore, #tpu.memory_space<semaphore_mem>>
    %dma_start3A_855 = tpu.memref_squeeze %dma_start3A_854 : memref<1x!tpu.dma_semaphore, #tpu.memory_space<semaphore_mem>> -> memref<!tpu.dma_semaphore, #tpu.memory_space<semaphore_mem>>
    tpu.enqueue_indirect_dma source(%dma_start3A_853 : memref<1000000x64xf32, #tpu.memory_space<hbm>>) target(%dma_start3A_850 : memref<16x64xf32, #tpu.memory_space<vmem>>) offsets(%get3A_841 : vector<16xi32>) semaphore(%dma_start3A_855 : memref<!tpu.dma_semaphore, #tpu.memory_space<semaphore_mem>>)
    %get3A_856 = arith.constant 5 : i32
    %get3A_857 = arith.index_cast %get3A_856 : i32 to index
    %get3A_858 = arith.constant 80 : index
    %get3A_859 = tpu.vector_load %arg5[%get3A_857, %get3A_858] {strides = array<i32>} : memref<200x128xi32, #tpu.memory_space<vmem>>, vector<1x16xi32>,
    %get3A_860 = vector.shape_cast %get3A_859 : vector<1x16xi32> to vector<16xi32>
    %dma_start3A_861 = arith.constant 5 : i32
    %dma_start3A_862 = arith.constant 5 : i32
    %dma_start3A_863 = arith.constant 0 : i32
    %dma_start3A_864 = arith.constant 0 : i32
    %dma_start3A_865 = tpu.memref_slice %arg6[%dma_start3A_861, %dma_start3A_863, %dma_start3A_864] : memref<10x128x64xf32, #tpu.memory_space<vmem>> -> memref<1x128x64xf32, #tpu.memory_space<vmem>>
    %dma_start3A_866 = tpu.memref_squeeze %dma_start3A_865 : memref<1x128x64xf32, #tpu.memory_space<vmem>> -> memref<128x64xf32, #tpu.memory_space<vmem>>
    %dma_start3A_867 = arith.constant 80 : i32
    %dma_start3A_868 = arith.constant 0 : i32
    %dma_start3A_869 = tpu.memref_slice %dma_start3A_866[%dma_start3A_867, %dma_start3A_868] : memref<128x64xf32, #tpu.memory_space<vmem>> -> memref<16x64xf32, #tpu.memory_space<vmem>>
    %dma_start3A_870 = arith.constant 0 : i32
    %dma_start3A_871 = arith.constant 0 : i32
    %dma_start3A_872 = tpu.memref_slice %arg2[%dma_start3A_870, %dma_start3A_871] : memref<1000000x64xf32, #tpu.memory_space<hbm>> -> memref<1000000x64xf32, #tpu.memory_space<hbm>>
    %dma_start3A_873 = tpu.memref_slice %arg7[%dma_start3A_862] : memref<10x!tpu.dma_semaphore, #tpu.memory_space<semaphore_mem>> -> memref<1x!tpu.dma_semaphore, #tpu.memory_space<semaphore_mem>>
    %dma_start3A_874 = tpu.memref_squeeze %dma_start3A_873 : memref<1x!tpu.dma_semaphore, #tpu.memory_space<semaphore_mem>> -> memref<!tpu.dma_semaphore, #tpu.memory_space<semaphore_mem>>
    tpu.enqueue_indirect_dma source(%dma_start3A_872 : memref<1000000x64xf32, #tpu.memory_space<hbm>>) target(%dma_start3A_869 : memref<16x64xf32, #tpu.memory_space<vmem>>) offsets(%get3A_860 : vector<16xi32>) semaphore(%dma_start3A_874 : memref<!tpu.dma_semaphore, #tpu.memory_space<semaphore_mem>>)
    %get3A_875 = arith.constant 5 : i32
    %get3A_876 = arith.index_cast %get3A_875 : i32 to index
    %get3A_877 = arith.constant 96 : index
    %get3A_878 = tpu.vector_load %arg5[%get3A_876, %get3A_877] {strides = array<i32>} : memref<200x128xi32, #tpu.memory_space<vmem>>, vector<1x16xi32>,
    %get3A_879 = vector.shape_cast %get3A_878 : vector<1x16xi32> to vector<16xi32>
    %dma_start3A_880 = arith.constant 5 : i32
    %dma_start3A_881 = arith.constant 5 : i32
    %dma_start3A_882 = arith.constant 0 : i32
    %dma_start3A_883 = arith.constant 0 : i32
    %dma_start3A_884 = tpu.memref_slice %arg6[%dma_start3A_880, %dma_start3A_882, %dma_start3A_883] : memref<10x128x64xf32, #tpu.memory_space<vmem>> -> memref<1x128x64xf32, #tpu.memory_space<vmem>>
    %dma_start3A_885 = tpu.memref_squeeze %dma_start3A_884 : memref<1x128x64xf32, #tpu.memory_space<vmem>> -> memref<128x64xf32, #tpu.memory_space<vmem>>
    %dma_start3A_886 = arith.constant 96 : i32
    %dma_start3A_887 = arith.constant 0 : i32
    %dma_start3A_888 = tpu.memref_slice %dma_start3A_885[%dma_start3A_886, %dma_start3A_887] : memref<128x64xf32, #tpu.memory_space<vmem>> -> memref<16x64xf32, #tpu.memory_space<vmem>>
    %dma_start3A_889 = arith.constant 0 : i32
    %dma_start3A_890 = arith.constant 0 : i32
    %dma_start3A_891 = tpu.memref_slice %arg2[%dma_start3A_889, %dma_start3A_890] : memref<1000000x64xf32, #tpu.memory_space<hbm>> -> memref<1000000x64xf32, #tpu.memory_space<hbm>>
    %dma_start3A_892 = tpu.memref_slice %arg7[%dma_start3A_881] : memref<10x!tpu.dma_semaphore, #tpu.memory_space<semaphore_mem>> -> memref<1x!tpu.dma_semaphore, #tpu.memory_space<semaphore_mem>>
    %dma_start3A_893 = tpu.memref_squeeze %dma_start3A_892 : memref<1x!tpu.dma_semaphore, #tpu.memory_space<semaphore_mem>> -> memref<!tpu.dma_semaphore, #tpu.memory_space<semaphore_mem>>
    tpu.enqueue_indirect_dma source(%dma_start3A_891 : memref<1000000x64xf32, #tpu.memory_space<hbm>>) target(%dma_start3A_888 : memref<16x64xf32, #tpu.memory_space<vmem>>) offsets(%get3A_879 : vector<16xi32>) semaphore(%dma_start3A_893 : memref<!tpu.dma_semaphore, #tpu.memory_space<semaphore_mem>>)
    %get3A_894 = arith.constant 5 : i32
    %get3A_895 = arith.index_cast %get3A_894 : i32 to index
    %get3A_896 = arith.constant 112 : index
    %get3A_897 = tpu.vector_load %arg5[%get3A_895, %get3A_896] {strides = array<i32>} : memref<200x128xi32, #tpu.memory_space<vmem>>, vector<1x16xi32>,
    %get3A_898 = vector.shape_cast %get3A_897 : vector<1x16xi32> to vector<16xi32>
    %dma_start3A_899 = arith.constant 5 : i32
    %dma_start3A_900 = arith.constant 5 : i32
    %dma_start3A_901 = arith.constant 0 : i32
    %dma_start3A_902 = arith.constant 0 : i32
    %dma_start3A_903 = tpu.memref_slice %arg6[%dma_start3A_899, %dma_start3A_901, %dma_start3A_902] : memref<10x128x64xf32, #tpu.memory_space<vmem>> -> memref<1x128x64xf32, #tpu.memory_space<vmem>>
    %dma_start3A_904 = tpu.memref_squeeze %dma_start3A_903 : memref<1x128x64xf32, #tpu.memory_space<vmem>> -> memref<128x64xf32, #tpu.memory_space<vmem>>
    %dma_start3A_905 = arith.constant 112 : i32
    %dma_start3A_906 = arith.constant 0 : i32
    %dma_start3A_907 = tpu.memref_slice %dma_start3A_904[%dma_start3A_905, %dma_start3A_906] : memref<128x64xf32, #tpu.memory_space<vmem>> -> memref<16x64xf32, #tpu.memory_space<vmem>>
    %dma_start3A_908 = arith.constant 0 : i32
    %dma_start3A_909 = arith.constant 0 : i32
    %dma_start3A_910 = tpu.memref_slice %arg2[%dma_start3A_908, %dma_start3A_909] : memref<1000000x64xf32, #tpu.memory_space<hbm>> -> memref<1000000x64xf32, #tpu.memory_space<hbm>>
    %dma_start3A_911 = tpu.memref_slice %arg7[%dma_start3A_900] : memref<10x!tpu.dma_semaphore, #tpu.memory_space<semaphore_mem>> -> memref<1x!tpu.dma_semaphore, #tpu.memory_space<semaphore_mem>>
    %dma_start3A_912 = tpu.memref_squeeze %dma_start3A_911 : memref<1x!tpu.dma_semaphore, #tpu.memory_space<semaphore_mem>> -> memref<!tpu.dma_semaphore, #tpu.memory_space<semaphore_mem>>
    tpu.enqueue_indirect_dma source(%dma_start3A_910 : memref<1000000x64xf32, #tpu.memory_space<hbm>>) target(%dma_start3A_907 : memref<16x64xf32, #tpu.memory_space<vmem>>) offsets(%get3A_898 : vector<16xi32>) semaphore(%dma_start3A_912 : memref<!tpu.dma_semaphore, #tpu.memory_space<semaphore_mem>>)
    %get3A_913 = arith.constant 6 : i32
    %get3A_914 = arith.index_cast %get3A_913 : i32 to index
    %get3A_915 = arith.constant 0 : index
    %get3A_916 = tpu.vector_load %arg5[%get3A_914, %get3A_915] {strides = array<i32>} : memref<200x128xi32, #tpu.memory_space<vmem>>, vector<1x16xi32>,
    %get3A_917 = vector.shape_cast %get3A_916 : vector<1x16xi32> to vector<16xi32>
    %dma_start3A_918 = arith.constant 6 : i32
    %dma_start3A_919 = arith.constant 6 : i32
    %dma_start3A_920 = arith.constant 0 : i32
    %dma_start3A_921 = arith.constant 0 : i32
    %dma_start3A_922 = tpu.memref_slice %arg6[%dma_start3A_918, %dma_start3A_920, %dma_start3A_921] : memref<10x128x64xf32, #tpu.memory_space<vmem>> -> memref<1x128x64xf32, #tpu.memory_space<vmem>>
    %dma_start3A_923 = tpu.memref_squeeze %dma_start3A_922 : memref<1x128x64xf32, #tpu.memory_space<vmem>> -> memref<128x64xf32, #tpu.memory_space<vmem>>
    %dma_start3A_924 = arith.constant 0 : i32
    %dma_start3A_925 = arith.constant 0 : i32
    %dma_start3A_926 = tpu.memref_slice %dma_start3A_923[%dma_start3A_924, %dma_start3A_925] : memref<128x64xf32, #tpu.memory_space<vmem>> -> memref<16x64xf32, #tpu.memory_space<vmem>>
    %dma_start3A_927 = arith.constant 0 : i32
    %dma_start3A_928 = arith.constant 0 : i32
    %dma_start3A_929 = tpu.memref_slice %arg2[%dma_start3A_927, %dma_start3A_928] : memref<1000000x64xf32, #tpu.memory_space<hbm>> -> memref<1000000x64xf32, #tpu.memory_space<hbm>>
    %dma_start3A_930 = tpu.memref_slice %arg7[%dma_start3A_919] : memref<10x!tpu.dma_semaphore, #tpu.memory_space<semaphore_mem>> -> memref<1x!tpu.dma_semaphore, #tpu.memory_space<semaphore_mem>>
    %dma_start3A_931 = tpu.memref_squeeze %dma_start3A_930 : memref<1x!tpu.dma_semaphore, #tpu.memory_space<semaphore_mem>> -> memref<!tpu.dma_semaphore, #tpu.memory_space<semaphore_mem>>
    tpu.enqueue_indirect_dma source(%dma_start3A_929 : memref<1000000x64xf32, #tpu.memory_space<hbm>>) target(%dma_start3A_926 : memref<16x64xf32, #tpu.memory_space<vmem>>) offsets(%get3A_917 : vector<16xi32>) semaphore(%dma_start3A_931 : memref<!tpu.dma_semaphore, #tpu.memory_space<semaphore_mem>>)
    %get3A_932 = arith.constant 6 : i32
    %get3A_933 = arith.index_cast %get3A_932 : i32 to index
    %get3A_934 = arith.constant 16 : index
    %get3A_935 = tpu.vector_load %arg5[%get3A_933, %get3A_934] {strides = array<i32>} : memref<200x128xi32, #tpu.memory_space<vmem>>, vector<1x16xi32>,
    %get3A_936 = vector.shape_cast %get3A_935 : vector<1x16xi32> to vector<16xi32>
    %dma_start3A_937 = arith.constant 6 : i32
    %dma_start3A_938 = arith.constant 6 : i32
    %dma_start3A_939 = arith.constant 0 : i32
    %dma_start3A_940 = arith.constant 0 : i32
    %dma_start3A_941 = tpu.memref_slice %arg6[%dma_start3A_937, %dma_start3A_939, %dma_start3A_940] : memref<10x128x64xf32, #tpu.memory_space<vmem>> -> memref<1x128x64xf32, #tpu.memory_space<vmem>>
    %dma_start3A_942 = tpu.memref_squeeze %dma_start3A_941 : memref<1x128x64xf32, #tpu.memory_space<vmem>> -> memref<128x64xf32, #tpu.memory_space<vmem>>
    %dma_start3A_943 = arith.constant 16 : i32
    %dma_start3A_944 = arith.constant 0 : i32
    %dma_start3A_945 = tpu.memref_slice %dma_start3A_942[%dma_start3A_943, %dma_start3A_944] : memref<128x64xf32, #tpu.memory_space<vmem>> -> memref<16x64xf32, #tpu.memory_space<vmem>>
    %dma_start3A_946 = arith.constant 0 : i32
    %dma_start3A_947 = arith.constant 0 : i32
    %dma_start3A_948 = tpu.memref_slice %arg2[%dma_start3A_946, %dma_start3A_947] : memref<1000000x64xf32, #tpu.memory_space<hbm>> -> memref<1000000x64xf32, #tpu.memory_space<hbm>>
    %dma_start3A_949 = tpu.memref_slice %arg7[%dma_start3A_938] : memref<10x!tpu.dma_semaphore, #tpu.memory_space<semaphore_mem>> -> memref<1x!tpu.dma_semaphore, #tpu.memory_space<semaphore_mem>>
    %dma_start3A_950 = tpu.memref_squeeze %dma_start3A_949 : memref<1x!tpu.dma_semaphore, #tpu.memory_space<semaphore_mem>> -> memref<!tpu.dma_semaphore, #tpu.memory_space<semaphore_mem>>
    tpu.enqueue_indirect_dma source(%dma_start3A_948 : memref<1000000x64xf32, #tpu.memory_space<hbm>>) target(%dma_start3A_945 : memref<16x64xf32, #tpu.memory_space<vmem>>) offsets(%get3A_936 : vector<16xi32>) semaphore(%dma_start3A_950 : memref<!tpu.dma_semaphore, #tpu.memory_space<semaphore_mem>>)
    %get3A_951 = arith.constant 6 : i32
    %get3A_952 = arith.index_cast %get3A_951 : i32 to index
    %get3A_953 = arith.constant 32 : index
    %get3A_954 = tpu.vector_load %arg5[%get3A_952, %get3A_953] {strides = array<i32>} : memref<200x128xi32, #tpu.memory_space<vmem>>, vector<1x16xi32>,
    %get3A_955 = vector.shape_cast %get3A_954 : vector<1x16xi32> to vector<16xi32>
    %dma_start3A_956 = arith.constant 6 : i32
    %dma_start3A_957 = arith.constant 6 : i32
    %dma_start3A_958 = arith.constant 0 : i32
    %dma_start3A_959 = arith.constant 0 : i32
    %dma_start3A_960 = tpu.memref_slice %arg6[%dma_start3A_956, %dma_start3A_958, %dma_start3A_959] : memref<10x128x64xf32, #tpu.memory_space<vmem>> -> memref<1x128x64xf32, #tpu.memory_space<vmem>>
    %dma_start3A_961 = tpu.memref_squeeze %dma_start3A_960 : memref<1x128x64xf32, #tpu.memory_space<vmem>> -> memref<128x64xf32, #tpu.memory_space<vmem>>
    %dma_start3A_962 = arith.constant 32 : i32
    %dma_start3A_963 = arith.constant 0 : i32
    %dma_start3A_964 = tpu.memref_slice %dma_start3A_961[%dma_start3A_962, %dma_start3A_963] : memref<128x64xf32, #tpu.memory_space<vmem>> -> memref<16x64xf32, #tpu.memory_space<vmem>>
    %dma_start3A_965 = arith.constant 0 : i32
    %dma_start3A_966 = arith.constant 0 : i32
    %dma_start3A_967 = tpu.memref_slice %arg2[%dma_start3A_965, %dma_start3A_966] : memref<1000000x64xf32, #tpu.memory_space<hbm>> -> memref<1000000x64xf32, #tpu.memory_space<hbm>>
    %dma_start3A_968 = tpu.memref_slice %arg7[%dma_start3A_957] : memref<10x!tpu.dma_semaphore, #tpu.memory_space<semaphore_mem>> -> memref<1x!tpu.dma_semaphore, #tpu.memory_space<semaphore_mem>>
    %dma_start3A_969 = tpu.memref_squeeze %dma_start3A_968 : memref<1x!tpu.dma_semaphore, #tpu.memory_space<semaphore_mem>> -> memref<!tpu.dma_semaphore, #tpu.memory_space<semaphore_mem>>
    tpu.enqueue_indirect_dma source(%dma_start3A_967 : memref<1000000x64xf32, #tpu.memory_space<hbm>>) target(%dma_start3A_964 : memref<16x64xf32, #tpu.memory_space<vmem>>) offsets(%get3A_955 : vector<16xi32>) semaphore(%dma_start3A_969 : memref<!tpu.dma_semaphore, #tpu.memory_space<semaphore_mem>>)
    %get3A_970 = arith.constant 6 : i32
    %get3A_971 = arith.index_cast %get3A_970 : i32 to index
    %get3A_972 = arith.constant 48 : index
    %get3A_973 = tpu.vector_load %arg5[%get3A_971, %get3A_972] {strides = array<i32>} : memref<200x128xi32, #tpu.memory_space<vmem>>, vector<1x16xi32>,
    %get3A_974 = vector.shape_cast %get3A_973 : vector<1x16xi32> to vector<16xi32>
    %dma_start3A_975 = arith.constant 6 : i32
    %dma_start3A_976 = arith.constant 6 : i32
    %dma_start3A_977 = arith.constant 0 : i32
    %dma_start3A_978 = arith.constant 0 : i32
    %dma_start3A_979 = tpu.memref_slice %arg6[%dma_start3A_975, %dma_start3A_977, %dma_start3A_978] : memref<10x128x64xf32, #tpu.memory_space<vmem>> -> memref<1x128x64xf32, #tpu.memory_space<vmem>>
    %dma_start3A_980 = tpu.memref_squeeze %dma_start3A_979 : memref<1x128x64xf32, #tpu.memory_space<vmem>> -> memref<128x64xf32, #tpu.memory_space<vmem>>
    %dma_start3A_981 = arith.constant 48 : i32
    %dma_start3A_982 = arith.constant 0 : i32
    %dma_start3A_983 = tpu.memref_slice %dma_start3A_980[%dma_start3A_981, %dma_start3A_982] : memref<128x64xf32, #tpu.memory_space<vmem>> -> memref<16x64xf32, #tpu.memory_space<vmem>>
    %dma_start3A_984 = arith.constant 0 : i32
    %dma_start3A_985 = arith.constant 0 : i32
    %dma_start3A_986 = tpu.memref_slice %arg2[%dma_start3A_984, %dma_start3A_985] : memref<1000000x64xf32, #tpu.memory_space<hbm>> -> memref<1000000x64xf32, #tpu.memory_space<hbm>>
    %dma_start3A_987 = tpu.memref_slice %arg7[%dma_start3A_976] : memref<10x!tpu.dma_semaphore, #tpu.memory_space<semaphore_mem>> -> memref<1x!tpu.dma_semaphore, #tpu.memory_space<semaphore_mem>>
    %dma_start3A_988 = tpu.memref_squeeze %dma_start3A_987 : memref<1x!tpu.dma_semaphore, #tpu.memory_space<semaphore_mem>> -> memref<!tpu.dma_semaphore, #tpu.memory_space<semaphore_mem>>
    tpu.enqueue_indirect_dma source(%dma_start3A_986 : memref<1000000x64xf32, #tpu.memory_space<hbm>>) target(%dma_start3A_983 : memref<16x64xf32, #tpu.memory_space<vmem>>) offsets(%get3A_974 : vector<16xi32>) semaphore(%dma_start3A_988 : memref<!tpu.dma_semaphore, #tpu.memory_space<semaphore_mem>>)
    %get3A_989 = arith.constant 6 : i32
    %get3A_990 = arith.index_cast %get3A_989 : i32 to index
    %get3A_991 = arith.constant 64 : index
    %get3A_992 = tpu.vector_load %arg5[%get3A_990, %get3A_991] {strides = array<i32>} : memref<200x128xi32, #tpu.memory_space<vmem>>, vector<1x16xi32>,
    %get3A_993 = vector.shape_cast %get3A_992 : vector<1x16xi32> to vector<16xi32>
    %dma_start3A_994 = arith.constant 6 : i32
    %dma_start3A_995 = arith.constant 6 : i32
    %dma_start3A_996 = arith.constant 0 : i32
    %dma_start3A_997 = arith.constant 0 : i32
    %dma_start3A_998 = tpu.memref_slice %arg6[%dma_start3A_994, %dma_start3A_996, %dma_start3A_997] : memref<10x128x64xf32, #tpu.memory_space<vmem>> -> memref<1x128x64xf32, #tpu.memory_space<vmem>>
    %dma_start3A_999 = tpu.memref_squeeze %dma_start3A_998 : memref<1x128x64xf32, #tpu.memory_space<vmem>> -> memref<128x64xf32, #tpu.memory_space<vmem>>
    %dma_start3A_1000 = arith.constant 64 : i32
    %dma_start3A_1001 = arith.constant 0 : i32
    %dma_start3A_1002 = tpu.memref_slice %dma_start3A_999[%dma_start3A_1000, %dma_start3A_1001] : memref<128x64xf32, #tpu.memory_space<vmem>> -> memref<16x64xf32, #tpu.memory_space<vmem>>
    %dma_start3A_1003 = arith.constant 0 : i32
    %dma_start3A_1004 = arith.constant 0 : i32
    %dma_start3A_1005 = tpu.memref_slice %arg2[%dma_start3A_1003, %dma_start3A_1004] : memref<1000000x64xf32, #tpu.memory_space<hbm>> -> memref<1000000x64xf32, #tpu.memory_space<hbm>>
    %dma_start3A_1006 = tpu.memref_slice %arg7[%dma_start3A_995] : memref<10x!tpu.dma_semaphore, #tpu.memory_space<semaphore_mem>> -> memref<1x!tpu.dma_semaphore, #tpu.memory_space<semaphore_mem>>
    %dma_start3A_1007 = tpu.memref_squeeze %dma_start3A_1006 : memref<1x!tpu.dma_semaphore, #tpu.memory_space<semaphore_mem>> -> memref<!tpu.dma_semaphore, #tpu.memory_space<semaphore_mem>>
    tpu.enqueue_indirect_dma source(%dma_start3A_1005 : memref<1000000x64xf32, #tpu.memory_space<hbm>>) target(%dma_start3A_1002 : memref<16x64xf32, #tpu.memory_space<vmem>>) offsets(%get3A_993 : vector<16xi32>) semaphore(%dma_start3A_1007 : memref<!tpu.dma_semaphore, #tpu.memory_space<semaphore_mem>>)
    %get3A_1008 = arith.constant 6 : i32
    %get3A_1009 = arith.index_cast %get3A_1008 : i32 to index
    %get3A_1010 = arith.constant 80 : index
    %get3A_1011 = tpu.vector_load %arg5[%get3A_1009, %get3A_1010] {strides = array<i32>} : memref<200x128xi32, #tpu.memory_space<vmem>>, vector<1x16xi32>,
    %get3A_1012 = vector.shape_cast %get3A_1011 : vector<1x16xi32> to vector<16xi32>
    %dma_start3A_1013 = arith.constant 6 : i32
    %dma_start3A_1014 = arith.constant 6 : i32
    %dma_start3A_1015 = arith.constant 0 : i32
    %dma_start3A_1016 = arith.constant 0 : i32
    %dma_start3A_1017 = tpu.memref_slice %arg6[%dma_start3A_1013, %dma_start3A_1015, %dma_start3A_1016] : memref<10x128x64xf32, #tpu.memory_space<vmem>> -> memref<1x128x64xf32, #tpu.memory_space<vmem>>
    %dma_start3A_1018 = tpu.memref_squeeze %dma_start3A_1017 : memref<1x128x64xf32, #tpu.memory_space<vmem>> -> memref<128x64xf32, #tpu.memory_space<vmem>>
    %dma_start3A_1019 = arith.constant 80 : i32
    %dma_start3A_1020 = arith.constant 0 : i32
    %dma_start3A_1021 = tpu.memref_slice %dma_start3A_1018[%dma_start3A_1019, %dma_start3A_1020] : memref<128x64xf32, #tpu.memory_space<vmem>> -> memref<16x64xf32, #tpu.memory_space<vmem>>
    %dma_start3A_1022 = arith.constant 0 : i32
    %dma_start3A_1023 = arith.constant 0 : i32
    %dma_start3A_1024 = tpu.memref_slice %arg2[%dma_start3A_1022, %dma_start3A_1023] : memref<1000000x64xf32, #tpu.memory_space<hbm>> -> memref<1000000x64xf32, #tpu.memory_space<hbm>>
    %dma_start3A_1025 = tpu.memref_slice %arg7[%dma_start3A_1014] : memref<10x!tpu.dma_semaphore, #tpu.memory_space<semaphore_mem>> -> memref<1x!tpu.dma_semaphore, #tpu.memory_space<semaphore_mem>>
    %dma_start3A_1026 = tpu.memref_squeeze %dma_start3A_1025 : memref<1x!tpu.dma_semaphore, #tpu.memory_space<semaphore_mem>> -> memref<!tpu.dma_semaphore, #tpu.memory_space<semaphore_mem>>
    tpu.enqueue_indirect_dma source(%dma_start3A_1024 : memref<1000000x64xf32, #tpu.memory_space<hbm>>) target(%dma_start3A_1021 : memref<16x64xf32, #tpu.memory_space<vmem>>) offsets(%get3A_1012 : vector<16xi32>) semaphore(%dma_start3A_1026 : memref<!tpu.dma_semaphore, #tpu.memory_space<semaphore_mem>>)
    %get3A_1027 = arith.constant 6 : i32
    %get3A_1028 = arith.index_cast %get3A_1027 : i32 to index
    %get3A_1029 = arith.constant 96 : index
    %get3A_1030 = tpu.vector_load %arg5[%get3A_1028, %get3A_1029] {strides = array<i32>} : memref<200x128xi32, #tpu.memory_space<vmem>>, vector<1x16xi32>,
    %get3A_1031 = vector.shape_cast %get3A_1030 : vector<1x16xi32> to vector<16xi32>
    %dma_start3A_1032 = arith.constant 6 : i32
    %dma_start3A_1033 = arith.constant 6 : i32
    %dma_start3A_1034 = arith.constant 0 : i32
    %dma_start3A_1035 = arith.constant 0 : i32
    %dma_start3A_1036 = tpu.memref_slice %arg6[%dma_start3A_1032, %dma_start3A_1034, %dma_start3A_1035] : memref<10x128x64xf32, #tpu.memory_space<vmem>> -> memref<1x128x64xf32, #tpu.memory_space<vmem>>
    %dma_start3A_1037 = tpu.memref_squeeze %dma_start3A_1036 : memref<1x128x64xf32, #tpu.memory_space<vmem>> -> memref<128x64xf32, #tpu.memory_space<vmem>>
    %dma_start3A_1038 = arith.constant 96 : i32
    %dma_start3A_1039 = arith.constant 0 : i32
    %dma_start3A_1040 = tpu.memref_slice %dma_start3A_1037[%dma_start3A_1038, %dma_start3A_1039] : memref<128x64xf32, #tpu.memory_space<vmem>> -> memref<16x64xf32, #tpu.memory_space<vmem>>
    %dma_start3A_1041 = arith.constant 0 : i32
    %dma_start3A_1042 = arith.constant 0 : i32
    %dma_start3A_1043 = tpu.memref_slice %arg2[%dma_start3A_1041, %dma_start3A_1042] : memref<1000000x64xf32, #tpu.memory_space<hbm>> -> memref<1000000x64xf32, #tpu.memory_space<hbm>>
    %dma_start3A_1044 = tpu.memref_slice %arg7[%dma_start3A_1033] : memref<10x!tpu.dma_semaphore, #tpu.memory_space<semaphore_mem>> -> memref<1x!tpu.dma_semaphore, #tpu.memory_space<semaphore_mem>>
    %dma_start3A_1045 = tpu.memref_squeeze %dma_start3A_1044 : memref<1x!tpu.dma_semaphore, #tpu.memory_space<semaphore_mem>> -> memref<!tpu.dma_semaphore, #tpu.memory_space<semaphore_mem>>
    tpu.enqueue_indirect_dma source(%dma_start3A_1043 : memref<1000000x64xf32, #tpu.memory_space<hbm>>) target(%dma_start3A_1040 : memref<16x64xf32, #tpu.memory_space<vmem>>) offsets(%get3A_1031 : vector<16xi32>) semaphore(%dma_start3A_1045 : memref<!tpu.dma_semaphore, #tpu.memory_space<semaphore_mem>>)
    %get3A_1046 = arith.constant 6 : i32
    %get3A_1047 = arith.index_cast %get3A_1046 : i32 to index
    %get3A_1048 = arith.constant 112 : index
    %get3A_1049 = tpu.vector_load %arg5[%get3A_1047, %get3A_1048] {strides = array<i32>} : memref<200x128xi32, #tpu.memory_space<vmem>>, vector<1x16xi32>,
    %get3A_1050 = vector.shape_cast %get3A_1049 : vector<1x16xi32> to vector<16xi32>
    %dma_start3A_1051 = arith.constant 6 : i32
    %dma_start3A_1052 = arith.constant 6 : i32
    %dma_start3A_1053 = arith.constant 0 : i32
    %dma_start3A_1054 = arith.constant 0 : i32
    %dma_start3A_1055 = tpu.memref_slice %arg6[%dma_start3A_1051, %dma_start3A_1053, %dma_start3A_1054] : memref<10x128x64xf32, #tpu.memory_space<vmem>> -> memref<1x128x64xf32, #tpu.memory_space<vmem>>
    %dma_start3A_1056 = tpu.memref_squeeze %dma_start3A_1055 : memref<1x128x64xf32, #tpu.memory_space<vmem>> -> memref<128x64xf32, #tpu.memory_space<vmem>>
    %dma_start3A_1057 = arith.constant 112 : i32
    %dma_start3A_1058 = arith.constant 0 : i32
    %dma_start3A_1059 = tpu.memref_slice %dma_start3A_1056[%dma_start3A_1057, %dma_start3A_1058] : memref<128x64xf32, #tpu.memory_space<vmem>> -> memref<16x64xf32, #tpu.memory_space<vmem>>
    %dma_start3A_1060 = arith.constant 0 : i32
    %dma_start3A_1061 = arith.constant 0 : i32
    %dma_start3A_1062 = tpu.memref_slice %arg2[%dma_start3A_1060, %dma_start3A_1061] : memref<1000000x64xf32, #tpu.memory_space<hbm>> -> memref<1000000x64xf32, #tpu.memory_space<hbm>>
    %dma_start3A_1063 = tpu.memref_slice %arg7[%dma_start3A_1052] : memref<10x!tpu.dma_semaphore, #tpu.memory_space<semaphore_mem>> -> memref<1x!tpu.dma_semaphore, #tpu.memory_space<semaphore_mem>>
    %dma_start3A_1064 = tpu.memref_squeeze %dma_start3A_1063 : memref<1x!tpu.dma_semaphore, #tpu.memory_space<semaphore_mem>> -> memref<!tpu.dma_semaphore, #tpu.memory_space<semaphore_mem>>
    tpu.enqueue_indirect_dma source(%dma_start3A_1062 : memref<1000000x64xf32, #tpu.memory_space<hbm>>) target(%dma_start3A_1059 : memref<16x64xf32, #tpu.memory_space<vmem>>) offsets(%get3A_1050 : vector<16xi32>) semaphore(%dma_start3A_1064 : memref<!tpu.dma_semaphore, #tpu.memory_space<semaphore_mem>>)
    %get3A_1065 = arith.constant 7 : i32
    %get3A_1066 = arith.index_cast %get3A_1065 : i32 to index
    %get3A_1067 = arith.constant 0 : index
    %get3A_1068 = tpu.vector_load %arg5[%get3A_1066, %get3A_1067] {strides = array<i32>} : memref<200x128xi32, #tpu.memory_space<vmem>>, vector<1x16xi32>,
    %get3A_1069 = vector.shape_cast %get3A_1068 : vector<1x16xi32> to vector<16xi32>
    %dma_start3A_1070 = arith.constant 7 : i32
    %dma_start3A_1071 = arith.constant 7 : i32
    %dma_start3A_1072 = arith.constant 0 : i32
    %dma_start3A_1073 = arith.constant 0 : i32
    %dma_start3A_1074 = tpu.memref_slice %arg6[%dma_start3A_1070, %dma_start3A_1072, %dma_start3A_1073] : memref<10x128x64xf32, #tpu.memory_space<vmem>> -> memref<1x128x64xf32, #tpu.memory_space<vmem>>
    %dma_start3A_1075 = tpu.memref_squeeze %dma_start3A_1074 : memref<1x128x64xf32, #tpu.memory_space<vmem>> -> memref<128x64xf32, #tpu.memory_space<vmem>>
    %dma_start3A_1076 = arith.constant 0 : i32
    %dma_start3A_1077 = arith.constant 0 : i32
    %dma_start3A_1078 = tpu.memref_slice %dma_start3A_1075[%dma_start3A_1076, %dma_start3A_1077] : memref<128x64xf32, #tpu.memory_space<vmem>> -> memref<16x64xf32, #tpu.memory_space<vmem>>
    %dma_start3A_1079 = arith.constant 0 : i32
    %dma_start3A_1080 = arith.constant 0 : i32
    %dma_start3A_1081 = tpu.memref_slice %arg2[%dma_start3A_1079, %dma_start3A_1080] : memref<1000000x64xf32, #tpu.memory_space<hbm>> -> memref<1000000x64xf32, #tpu.memory_space<hbm>>
    %dma_start3A_1082 = tpu.memref_slice %arg7[%dma_start3A_1071] : memref<10x!tpu.dma_semaphore, #tpu.memory_space<semaphore_mem>> -> memref<1x!tpu.dma_semaphore, #tpu.memory_space<semaphore_mem>>
    %dma_start3A_1083 = tpu.memref_squeeze %dma_start3A_1082 : memref<1x!tpu.dma_semaphore, #tpu.memory_space<semaphore_mem>> -> memref<!tpu.dma_semaphore, #tpu.memory_space<semaphore_mem>>
    tpu.enqueue_indirect_dma source(%dma_start3A_1081 : memref<1000000x64xf32, #tpu.memory_space<hbm>>) target(%dma_start3A_1078 : memref<16x64xf32, #tpu.memory_space<vmem>>) offsets(%get3A_1069 : vector<16xi32>) semaphore(%dma_start3A_1083 : memref<!tpu.dma_semaphore, #tpu.memory_space<semaphore_mem>>)
    %get3A_1084 = arith.constant 7 : i32
    %get3A_1085 = arith.index_cast %get3A_1084 : i32 to index
    %get3A_1086 = arith.constant 16 : index
    %get3A_1087 = tpu.vector_load %arg5[%get3A_1085, %get3A_1086] {strides = array<i32>} : memref<200x128xi32, #tpu.memory_space<vmem>>, vector<1x16xi32>,
    %get3A_1088 = vector.shape_cast %get3A_1087 : vector<1x16xi32> to vector<16xi32>
    %dma_start3A_1089 = arith.constant 7 : i32
    %dma_start3A_1090 = arith.constant 7 : i32
    %dma_start3A_1091 = arith.constant 0 : i32
    %dma_start3A_1092 = arith.constant 0 : i32
    %dma_start3A_1093 = tpu.memref_slice %arg6[%dma_start3A_1089, %dma_start3A_1091, %dma_start3A_1092] : memref<10x128x64xf32, #tpu.memory_space<vmem>> -> memref<1x128x64xf32, #tpu.memory_space<vmem>>
    %dma_start3A_1094 = tpu.memref_squeeze %dma_start3A_1093 : memref<1x128x64xf32, #tpu.memory_space<vmem>> -> memref<128x64xf32, #tpu.memory_space<vmem>>
    %dma_start3A_1095 = arith.constant 16 : i32
    %dma_start3A_1096 = arith.constant 0 : i32
    %dma_start3A_1097 = tpu.memref_slice %dma_start3A_1094[%dma_start3A_1095, %dma_start3A_1096] : memref<128x64xf32, #tpu.memory_space<vmem>> -> memref<16x64xf32, #tpu.memory_space<vmem>>
    %dma_start3A_1098 = arith.constant 0 : i32
    %dma_start3A_1099 = arith.constant 0 : i32
    %dma_start3A_1100 = tpu.memref_slice %arg2[%dma_start3A_1098, %dma_start3A_1099] : memref<1000000x64xf32, #tpu.memory_space<hbm>> -> memref<1000000x64xf32, #tpu.memory_space<hbm>>
    %dma_start3A_1101 = tpu.memref_slice %arg7[%dma_start3A_1090] : memref<10x!tpu.dma_semaphore, #tpu.memory_space<semaphore_mem>> -> memref<1x!tpu.dma_semaphore, #tpu.memory_space<semaphore_mem>>
    %dma_start3A_1102 = tpu.memref_squeeze %dma_start3A_1101 : memref<1x!tpu.dma_semaphore, #tpu.memory_space<semaphore_mem>> -> memref<!tpu.dma_semaphore, #tpu.memory_space<semaphore_mem>>
    tpu.enqueue_indirect_dma source(%dma_start3A_1100 : memref<1000000x64xf32, #tpu.memory_space<hbm>>) target(%dma_start3A_1097 : memref<16x64xf32, #tpu.memory_space<vmem>>) offsets(%get3A_1088 : vector<16xi32>) semaphore(%dma_start3A_1102 : memref<!tpu.dma_semaphore, #tpu.memory_space<semaphore_mem>>)
    %get3A_1103 = arith.constant 7 : i32
    %get3A_1104 = arith.index_cast %get3A_1103 : i32 to index
    %get3A_1105 = arith.constant 32 : index
    %get3A_1106 = tpu.vector_load %arg5[%get3A_1104, %get3A_1105] {strides = array<i32>} : memref<200x128xi32, #tpu.memory_space<vmem>>, vector<1x16xi32>,
    %get3A_1107 = vector.shape_cast %get3A_1106 : vector<1x16xi32> to vector<16xi32>
    %dma_start3A_1108 = arith.constant 7 : i32
    %dma_start3A_1109 = arith.constant 7 : i32
    %dma_start3A_1110 = arith.constant 0 : i32
    %dma_start3A_1111 = arith.constant 0 : i32
    %dma_start3A_1112 = tpu.memref_slice %arg6[%dma_start3A_1108, %dma_start3A_1110, %dma_start3A_1111] : memref<10x128x64xf32, #tpu.memory_space<vmem>> -> memref<1x128x64xf32, #tpu.memory_space<vmem>>
    %dma_start3A_1113 = tpu.memref_squeeze %dma_start3A_1112 : memref<1x128x64xf32, #tpu.memory_space<vmem>> -> memref<128x64xf32, #tpu.memory_space<vmem>>
    %dma_start3A_1114 = arith.constant 32 : i32
    %dma_start3A_1115 = arith.constant 0 : i32
    %dma_start3A_1116 = tpu.memref_slice %dma_start3A_1113[%dma_start3A_1114, %dma_start3A_1115] : memref<128x64xf32, #tpu.memory_space<vmem>> -> memref<16x64xf32, #tpu.memory_space<vmem>>
    %dma_start3A_1117 = arith.constant 0 : i32
    %dma_start3A_1118 = arith.constant 0 : i32
    %dma_start3A_1119 = tpu.memref_slice %arg2[%dma_start3A_1117, %dma_start3A_1118] : memref<1000000x64xf32, #tpu.memory_space<hbm>> -> memref<1000000x64xf32, #tpu.memory_space<hbm>>
    %dma_start3A_1120 = tpu.memref_slice %arg7[%dma_start3A_1109] : memref<10x!tpu.dma_semaphore, #tpu.memory_space<semaphore_mem>> -> memref<1x!tpu.dma_semaphore, #tpu.memory_space<semaphore_mem>>
    %dma_start3A_1121 = tpu.memref_squeeze %dma_start3A_1120 : memref<1x!tpu.dma_semaphore, #tpu.memory_space<semaphore_mem>> -> memref<!tpu.dma_semaphore, #tpu.memory_space<semaphore_mem>>
    tpu.enqueue_indirect_dma source(%dma_start3A_1119 : memref<1000000x64xf32, #tpu.memory_space<hbm>>) target(%dma_start3A_1116 : memref<16x64xf32, #tpu.memory_space<vmem>>) offsets(%get3A_1107 : vector<16xi32>) semaphore(%dma_start3A_1121 : memref<!tpu.dma_semaphore, #tpu.memory_space<semaphore_mem>>)
    %get3A_1122 = arith.constant 7 : i32
    %get3A_1123 = arith.index_cast %get3A_1122 : i32 to index
    %get3A_1124 = arith.constant 48 : index
    %get3A_1125 = tpu.vector_load %arg5[%get3A_1123, %get3A_1124] {strides = array<i32>} : memref<200x128xi32, #tpu.memory_space<vmem>>, vector<1x16xi32>,
    %get3A_1126 = vector.shape_cast %get3A_1125 : vector<1x16xi32> to vector<16xi32>
    %dma_start3A_1127 = arith.constant 7 : i32
    %dma_start3A_1128 = arith.constant 7 : i32
    %dma_start3A_1129 = arith.constant 0 : i32
    %dma_start3A_1130 = arith.constant 0 : i32
    %dma_start3A_1131 = tpu.memref_slice %arg6[%dma_start3A_1127, %dma_start3A_1129, %dma_start3A_1130] : memref<10x128x64xf32, #tpu.memory_space<vmem>> -> memref<1x128x64xf32, #tpu.memory_space<vmem>>
    %dma_start3A_1132 = tpu.memref_squeeze %dma_start3A_1131 : memref<1x128x64xf32, #tpu.memory_space<vmem>> -> memref<128x64xf32, #tpu.memory_space<vmem>>
    %dma_start3A_1133 = arith.constant 48 : i32
    %dma_start3A_1134 = arith.constant 0 : i32
    %dma_start3A_1135 = tpu.memref_slice %dma_start3A_1132[%dma_start3A_1133, %dma_start3A_1134] : memref<128x64xf32, #tpu.memory_space<vmem>> -> memref<16x64xf32, #tpu.memory_space<vmem>>
    %dma_start3A_1136 = arith.constant 0 : i32
    %dma_start3A_1137 = arith.constant 0 : i32
    %dma_start3A_1138 = tpu.memref_slice %arg2[%dma_start3A_1136, %dma_start3A_1137] : memref<1000000x64xf32, #tpu.memory_space<hbm>> -> memref<1000000x64xf32, #tpu.memory_space<hbm>>
    %dma_start3A_1139 = tpu.memref_slice %arg7[%dma_start3A_1128] : memref<10x!tpu.dma_semaphore, #tpu.memory_space<semaphore_mem>> -> memref<1x!tpu.dma_semaphore, #tpu.memory_space<semaphore_mem>>
    %dma_start3A_1140 = tpu.memref_squeeze %dma_start3A_1139 : memref<1x!tpu.dma_semaphore, #tpu.memory_space<semaphore_mem>> -> memref<!tpu.dma_semaphore, #tpu.memory_space<semaphore_mem>>
    tpu.enqueue_indirect_dma source(%dma_start3A_1138 : memref<1000000x64xf32, #tpu.memory_space<hbm>>) target(%dma_start3A_1135 : memref<16x64xf32, #tpu.memory_space<vmem>>) offsets(%get3A_1126 : vector<16xi32>) semaphore(%dma_start3A_1140 : memref<!tpu.dma_semaphore, #tpu.memory_space<semaphore_mem>>)
    %get3A_1141 = arith.constant 7 : i32
    %get3A_1142 = arith.index_cast %get3A_1141 : i32 to index
    %get3A_1143 = arith.constant 64 : index
    %get3A_1144 = tpu.vector_load %arg5[%get3A_1142, %get3A_1143] {strides = array<i32>} : memref<200x128xi32, #tpu.memory_space<vmem>>, vector<1x16xi32>,
    %get3A_1145 = vector.shape_cast %get3A_1144 : vector<1x16xi32> to vector<16xi32>
    %dma_start3A_1146 = arith.constant 7 : i32
    %dma_start3A_1147 = arith.constant 7 : i32
    %dma_start3A_1148 = arith.constant 0 : i32
    %dma_start3A_1149 = arith.constant 0 : i32
    %dma_start3A_1150 = tpu.memref_slice %arg6[%dma_start3A_1146, %dma_start3A_1148, %dma_start3A_1149] : memref<10x128x64xf32, #tpu.memory_space<vmem>> -> memref<1x128x64xf32, #tpu.memory_space<vmem>>
    %dma_start3A_1151 = tpu.memref_squeeze %dma_start3A_1150 : memref<1x128x64xf32, #tpu.memory_space<vmem>> -> memref<128x64xf32, #tpu.memory_space<vmem>>
    %dma_start3A_1152 = arith.constant 64 : i32
    %dma_start3A_1153 = arith.constant 0 : i32
    %dma_start3A_1154 = tpu.memref_slice %dma_start3A_1151[%dma_start3A_1152, %dma_start3A_1153] : memref<128x64xf32, #tpu.memory_space<vmem>> -> memref<16x64xf32, #tpu.memory_space<vmem>>
    %dma_start3A_1155 = arith.constant 0 : i32
    %dma_start3A_1156 = arith.constant 0 : i32
    %dma_start3A_1157 = tpu.memref_slice %arg2[%dma_start3A_1155, %dma_start3A_1156] : memref<1000000x64xf32, #tpu.memory_space<hbm>> -> memref<1000000x64xf32, #tpu.memory_space<hbm>>
    %dma_start3A_1158 = tpu.memref_slice %arg7[%dma_start3A_1147] : memref<10x!tpu.dma_semaphore, #tpu.memory_space<semaphore_mem>> -> memref<1x!tpu.dma_semaphore, #tpu.memory_space<semaphore_mem>>
    %dma_start3A_1159 = tpu.memref_squeeze %dma_start3A_1158 : memref<1x!tpu.dma_semaphore, #tpu.memory_space<semaphore_mem>> -> memref<!tpu.dma_semaphore, #tpu.memory_space<semaphore_mem>>
    tpu.enqueue_indirect_dma source(%dma_start3A_1157 : memref<1000000x64xf32, #tpu.memory_space<hbm>>) target(%dma_start3A_1154 : memref<16x64xf32, #tpu.memory_space<vmem>>) offsets(%get3A_1145 : vector<16xi32>) semaphore(%dma_start3A_1159 : memref<!tpu.dma_semaphore, #tpu.memory_space<semaphore_mem>>)
    %get3A_1160 = arith.constant 7 : i32
    %get3A_1161 = arith.index_cast %get3A_1160 : i32 to index
    %get3A_1162 = arith.constant 80 : index
    %get3A_1163 = tpu.vector_load %arg5[%get3A_1161, %get3A_1162] {strides = array<i32>} : memref<200x128xi32, #tpu.memory_space<vmem>>, vector<1x16xi32>,
    %get3A_1164 = vector.shape_cast %get3A_1163 : vector<1x16xi32> to vector<16xi32>
    %dma_start3A_1165 = arith.constant 7 : i32
    %dma_start3A_1166 = arith.constant 7 : i32
    %dma_start3A_1167 = arith.constant 0 : i32
    %dma_start3A_1168 = arith.constant 0 : i32
    %dma_start3A_1169 = tpu.memref_slice %arg6[%dma_start3A_1165, %dma_start3A_1167, %dma_start3A_1168] : memref<10x128x64xf32, #tpu.memory_space<vmem>> -> memref<1x128x64xf32, #tpu.memory_space<vmem>>
    %dma_start3A_1170 = tpu.memref_squeeze %dma_start3A_1169 : memref<1x128x64xf32, #tpu.memory_space<vmem>> -> memref<128x64xf32, #tpu.memory_space<vmem>>
    %dma_start3A_1171 = arith.constant 80 : i32
    %dma_start3A_1172 = arith.constant 0 : i32
    %dma_start3A_1173 = tpu.memref_slice %dma_start3A_1170[%dma_start3A_1171, %dma_start3A_1172] : memref<128x64xf32, #tpu.memory_space<vmem>> -> memref<16x64xf32, #tpu.memory_space<vmem>>
    %dma_start3A_1174 = arith.constant 0 : i32
    %dma_start3A_1175 = arith.constant 0 : i32
    %dma_start3A_1176 = tpu.memref_slice %arg2[%dma_start3A_1174, %dma_start3A_1175] : memref<1000000x64xf32, #tpu.memory_space<hbm>> -> memref<1000000x64xf32, #tpu.memory_space<hbm>>
    %dma_start3A_1177 = tpu.memref_slice %arg7[%dma_start3A_1166] : memref<10x!tpu.dma_semaphore, #tpu.memory_space<semaphore_mem>> -> memref<1x!tpu.dma_semaphore, #tpu.memory_space<semaphore_mem>>
    %dma_start3A_1178 = tpu.memref_squeeze %dma_start3A_1177 : memref<1x!tpu.dma_semaphore, #tpu.memory_space<semaphore_mem>> -> memref<!tpu.dma_semaphore, #tpu.memory_space<semaphore_mem>>
    tpu.enqueue_indirect_dma source(%dma_start3A_1176 : memref<1000000x64xf32, #tpu.memory_space<hbm>>) target(%dma_start3A_1173 : memref<16x64xf32, #tpu.memory_space<vmem>>) offsets(%get3A_1164 : vector<16xi32>) semaphore(%dma_start3A_1178 : memref<!tpu.dma_semaphore, #tpu.memory_space<semaphore_mem>>)
    %get3A_1179 = arith.constant 7 : i32
    %get3A_1180 = arith.index_cast %get3A_1179 : i32 to index
    %get3A_1181 = arith.constant 96 : index
    %get3A_1182 = tpu.vector_load %arg5[%get3A_1180, %get3A_1181] {strides = array<i32>} : memref<200x128xi32, #tpu.memory_space<vmem>>, vector<1x16xi32>,
    %get3A_1183 = vector.shape_cast %get3A_1182 : vector<1x16xi32> to vector<16xi32>
    %dma_start3A_1184 = arith.constant 7 : i32
    %dma_start3A_1185 = arith.constant 7 : i32
    %dma_start3A_1186 = arith.constant 0 : i32
    %dma_start3A_1187 = arith.constant 0 : i32
    %dma_start3A_1188 = tpu.memref_slice %arg6[%dma_start3A_1184, %dma_start3A_1186, %dma_start3A_1187] : memref<10x128x64xf32, #tpu.memory_space<vmem>> -> memref<1x128x64xf32, #tpu.memory_space<vmem>>
    %dma_start3A_1189 = tpu.memref_squeeze %dma_start3A_1188 : memref<1x128x64xf32, #tpu.memory_space<vmem>> -> memref<128x64xf32, #tpu.memory_space<vmem>>
    %dma_start3A_1190 = arith.constant 96 : i32
    %dma_start3A_1191 = arith.constant 0 : i32
    %dma_start3A_1192 = tpu.memref_slice %dma_start3A_1189[%dma_start3A_1190, %dma_start3A_1191] : memref<128x64xf32, #tpu.memory_space<vmem>> -> memref<16x64xf32, #tpu.memory_space<vmem>>
    %dma_start3A_1193 = arith.constant 0 : i32
    %dma_start3A_1194 = arith.constant 0 : i32
    %dma_start3A_1195 = tpu.memref_slice %arg2[%dma_start3A_1193, %dma_start3A_1194] : memref<1000000x64xf32, #tpu.memory_space<hbm>> -> memref<1000000x64xf32, #tpu.memory_space<hbm>>
    %dma_start3A_1196 = tpu.memref_slice %arg7[%dma_start3A_1185] : memref<10x!tpu.dma_semaphore, #tpu.memory_space<semaphore_mem>> -> memref<1x!tpu.dma_semaphore, #tpu.memory_space<semaphore_mem>>
    %dma_start3A_1197 = tpu.memref_squeeze %dma_start3A_1196 : memref<1x!tpu.dma_semaphore, #tpu.memory_space<semaphore_mem>> -> memref<!tpu.dma_semaphore, #tpu.memory_space<semaphore_mem>>
    tpu.enqueue_indirect_dma source(%dma_start3A_1195 : memref<1000000x64xf32, #tpu.memory_space<hbm>>) target(%dma_start3A_1192 : memref<16x64xf32, #tpu.memory_space<vmem>>) offsets(%get3A_1183 : vector<16xi32>) semaphore(%dma_start3A_1197 : memref<!tpu.dma_semaphore, #tpu.memory_space<semaphore_mem>>)
    %get3A_1198 = arith.constant 7 : i32
    %get3A_1199 = arith.index_cast %get3A_1198 : i32 to index
    %get3A_1200 = arith.constant 112 : index
    %get3A_1201 = tpu.vector_load %arg5[%get3A_1199, %get3A_1200] {strides = array<i32>} : memref<200x128xi32, #tpu.memory_space<vmem>>, vector<1x16xi32>,
    %get3A_1202 = vector.shape_cast %get3A_1201 : vector<1x16xi32> to vector<16xi32>
    %dma_start3A_1203 = arith.constant 7 : i32
    %dma_start3A_1204 = arith.constant 7 : i32
    %dma_start3A_1205 = arith.constant 0 : i32
    %dma_start3A_1206 = arith.constant 0 : i32
    %dma_start3A_1207 = tpu.memref_slice %arg6[%dma_start3A_1203, %dma_start3A_1205, %dma_start3A_1206] : memref<10x128x64xf32, #tpu.memory_space<vmem>> -> memref<1x128x64xf32, #tpu.memory_space<vmem>>
    %dma_start3A_1208 = tpu.memref_squeeze %dma_start3A_1207 : memref<1x128x64xf32, #tpu.memory_space<vmem>> -> memref<128x64xf32, #tpu.memory_space<vmem>>
    %dma_start3A_1209 = arith.constant 112 : i32
    %dma_start3A_1210 = arith.constant 0 : i32
    %dma_start3A_1211 = tpu.memref_slice %dma_start3A_1208[%dma_start3A_1209, %dma_start3A_1210] : memref<128x64xf32, #tpu.memory_space<vmem>> -> memref<16x64xf32, #tpu.memory_space<vmem>>
    %dma_start3A_1212 = arith.constant 0 : i32
    %dma_start3A_1213 = arith.constant 0 : i32
    %dma_start3A_1214 = tpu.memref_slice %arg2[%dma_start3A_1212, %dma_start3A_1213] : memref<1000000x64xf32, #tpu.memory_space<hbm>> -> memref<1000000x64xf32, #tpu.memory_space<hbm>>
    %dma_start3A_1215 = tpu.memref_slice %arg7[%dma_start3A_1204] : memref<10x!tpu.dma_semaphore, #tpu.memory_space<semaphore_mem>> -> memref<1x!tpu.dma_semaphore, #tpu.memory_space<semaphore_mem>>
    %dma_start3A_1216 = tpu.memref_squeeze %dma_start3A_1215 : memref<1x!tpu.dma_semaphore, #tpu.memory_space<semaphore_mem>> -> memref<!tpu.dma_semaphore, #tpu.memory_space<semaphore_mem>>
    tpu.enqueue_indirect_dma source(%dma_start3A_1214 : memref<1000000x64xf32, #tpu.memory_space<hbm>>) target(%dma_start3A_1211 : memref<16x64xf32, #tpu.memory_space<vmem>>) offsets(%get3A_1202 : vector<16xi32>) semaphore(%dma_start3A_1216 : memref<!tpu.dma_semaphore, #tpu.memory_space<semaphore_mem>>)
    %get3A_1217 = arith.constant 8 : i32
    %get3A_1218 = arith.index_cast %get3A_1217 : i32 to index
    %get3A_1219 = arith.constant 0 : index
    %get3A_1220 = tpu.vector_load %arg5[%get3A_1218, %get3A_1219] {strides = array<i32>} : memref<200x128xi32, #tpu.memory_space<vmem>>, vector<1x16xi32>,
    %get3A_1221 = vector.shape_cast %get3A_1220 : vector<1x16xi32> to vector<16xi32>
    %dma_start3A_1222 = arith.constant 8 : i32
    %dma_start3A_1223 = arith.constant 8 : i32
    %dma_start3A_1224 = arith.constant 0 : i32
    %dma_start3A_1225 = arith.constant 0 : i32
    %dma_start3A_1226 = tpu.memref_slice %arg6[%dma_start3A_1222, %dma_start3A_1224, %dma_start3A_1225] : memref<10x128x64xf32, #tpu.memory_space<vmem>> -> memref<1x128x64xf32, #tpu.memory_space<vmem>>
    %dma_start3A_1227 = tpu.memref_squeeze %dma_start3A_1226 : memref<1x128x64xf32, #tpu.memory_space<vmem>> -> memref<128x64xf32, #tpu.memory_space<vmem>>
    %dma_start3A_1228 = arith.constant 0 : i32
    %dma_start3A_1229 = arith.constant 0 : i32
    %dma_start3A_1230 = tpu.memref_slice %dma_start3A_1227[%dma_start3A_1228, %dma_start3A_1229] : memref<128x64xf32, #tpu.memory_space<vmem>> -> memref<16x64xf32, #tpu.memory_space<vmem>>
    %dma_start3A_1231 = arith.constant 0 : i32
    %dma_start3A_1232 = arith.constant 0 : i32
    %dma_start3A_1233 = tpu.memref_slice %arg2[%dma_start3A_1231, %dma_start3A_1232] : memref<1000000x64xf32, #tpu.memory_space<hbm>> -> memref<1000000x64xf32, #tpu.memory_space<hbm>>
    %dma_start3A_1234 = tpu.memref_slice %arg7[%dma_start3A_1223] : memref<10x!tpu.dma_semaphore, #tpu.memory_space<semaphore_mem>> -> memref<1x!tpu.dma_semaphore, #tpu.memory_space<semaphore_mem>>
    %dma_start3A_1235 = tpu.memref_squeeze %dma_start3A_1234 : memref<1x!tpu.dma_semaphore, #tpu.memory_space<semaphore_mem>> -> memref<!tpu.dma_semaphore, #tpu.memory_space<semaphore_mem>>
    tpu.enqueue_indirect_dma source(%dma_start3A_1233 : memref<1000000x64xf32, #tpu.memory_space<hbm>>) target(%dma_start3A_1230 : memref<16x64xf32, #tpu.memory_space<vmem>>) offsets(%get3A_1221 : vector<16xi32>) semaphore(%dma_start3A_1235 : memref<!tpu.dma_semaphore, #tpu.memory_space<semaphore_mem>>)
    %get3A_1236 = arith.constant 8 : i32
    %get3A_1237 = arith.index_cast %get3A_1236 : i32 to index
    %get3A_1238 = arith.constant 16 : index
    %get3A_1239 = tpu.vector_load %arg5[%get3A_1237, %get3A_1238] {strides = array<i32>} : memref<200x128xi32, #tpu.memory_space<vmem>>, vector<1x16xi32>,
    %get3A_1240 = vector.shape_cast %get3A_1239 : vector<1x16xi32> to vector<16xi32>
    %dma_start3A_1241 = arith.constant 8 : i32
    %dma_start3A_1242 = arith.constant 8 : i32
    %dma_start3A_1243 = arith.constant 0 : i32
    %dma_start3A_1244 = arith.constant 0 : i32
    %dma_start3A_1245 = tpu.memref_slice %arg6[%dma_start3A_1241, %dma_start3A_1243, %dma_start3A_1244] : memref<10x128x64xf32, #tpu.memory_space<vmem>> -> memref<1x128x64xf32, #tpu.memory_space<vmem>>
    %dma_start3A_1246 = tpu.memref_squeeze %dma_start3A_1245 : memref<1x128x64xf32, #tpu.memory_space<vmem>> -> memref<128x64xf32, #tpu.memory_space<vmem>>
    %dma_start3A_1247 = arith.constant 16 : i32
    %dma_start3A_1248 = arith.constant 0 : i32
    %dma_start3A_1249 = tpu.memref_slice %dma_start3A_1246[%dma_start3A_1247, %dma_start3A_1248] : memref<128x64xf32, #tpu.memory_space<vmem>> -> memref<16x64xf32, #tpu.memory_space<vmem>>
    %dma_start3A_1250 = arith.constant 0 : i32
    %dma_start3A_1251 = arith.constant 0 : i32
    %dma_start3A_1252 = tpu.memref_slice %arg2[%dma_start3A_1250, %dma_start3A_1251] : memref<1000000x64xf32, #tpu.memory_space<hbm>> -> memref<1000000x64xf32, #tpu.memory_space<hbm>>
    %dma_start3A_1253 = tpu.memref_slice %arg7[%dma_start3A_1242] : memref<10x!tpu.dma_semaphore, #tpu.memory_space<semaphore_mem>> -> memref<1x!tpu.dma_semaphore, #tpu.memory_space<semaphore_mem>>
    %dma_start3A_1254 = tpu.memref_squeeze %dma_start3A_1253 : memref<1x!tpu.dma_semaphore, #tpu.memory_space<semaphore_mem>> -> memref<!tpu.dma_semaphore, #tpu.memory_space<semaphore_mem>>
    tpu.enqueue_indirect_dma source(%dma_start3A_1252 : memref<1000000x64xf32, #tpu.memory_space<hbm>>) target(%dma_start3A_1249 : memref<16x64xf32, #tpu.memory_space<vmem>>) offsets(%get3A_1240 : vector<16xi32>) semaphore(%dma_start3A_1254 : memref<!tpu.dma_semaphore, #tpu.memory_space<semaphore_mem>>)
    %get3A_1255 = arith.constant 8 : i32
    %get3A_1256 = arith.index_cast %get3A_1255 : i32 to index
    %get3A_1257 = arith.constant 32 : index
    %get3A_1258 = tpu.vector_load %arg5[%get3A_1256, %get3A_1257] {strides = array<i32>} : memref<200x128xi32, #tpu.memory_space<vmem>>, vector<1x16xi32>,
    %get3A_1259 = vector.shape_cast %get3A_1258 : vector<1x16xi32> to vector<16xi32>
    %dma_start3A_1260 = arith.constant 8 : i32
    %dma_start3A_1261 = arith.constant 8 : i32
    %dma_start3A_1262 = arith.constant 0 : i32
    %dma_start3A_1263 = arith.constant 0 : i32
    %dma_start3A_1264 = tpu.memref_slice %arg6[%dma_start3A_1260, %dma_start3A_1262, %dma_start3A_1263] : memref<10x128x64xf32, #tpu.memory_space<vmem>> -> memref<1x128x64xf32, #tpu.memory_space<vmem>>
    %dma_start3A_1265 = tpu.memref_squeeze %dma_start3A_1264 : memref<1x128x64xf32, #tpu.memory_space<vmem>> -> memref<128x64xf32, #tpu.memory_space<vmem>>
    %dma_start3A_1266 = arith.constant 32 : i32
    %dma_start3A_1267 = arith.constant 0 : i32
    %dma_start3A_1268 = tpu.memref_slice %dma_start3A_1265[%dma_start3A_1266, %dma_start3A_1267] : memref<128x64xf32, #tpu.memory_space<vmem>> -> memref<16x64xf32, #tpu.memory_space<vmem>>
    %dma_start3A_1269 = arith.constant 0 : i32
    %dma_start3A_1270 = arith.constant 0 : i32
    %dma_start3A_1271 = tpu.memref_slice %arg2[%dma_start3A_1269, %dma_start3A_1270] : memref<1000000x64xf32, #tpu.memory_space<hbm>> -> memref<1000000x64xf32, #tpu.memory_space<hbm>>
    %dma_start3A_1272 = tpu.memref_slice %arg7[%dma_start3A_1261] : memref<10x!tpu.dma_semaphore, #tpu.memory_space<semaphore_mem>> -> memref<1x!tpu.dma_semaphore, #tpu.memory_space<semaphore_mem>>
    %dma_start3A_1273 = tpu.memref_squeeze %dma_start3A_1272 : memref<1x!tpu.dma_semaphore, #tpu.memory_space<semaphore_mem>> -> memref<!tpu.dma_semaphore, #tpu.memory_space<semaphore_mem>>
    tpu.enqueue_indirect_dma source(%dma_start3A_1271 : memref<1000000x64xf32, #tpu.memory_space<hbm>>) target(%dma_start3A_1268 : memref<16x64xf32, #tpu.memory_space<vmem>>) offsets(%get3A_1259 : vector<16xi32>) semaphore(%dma_start3A_1273 : memref<!tpu.dma_semaphore, #tpu.memory_space<semaphore_mem>>)
    %get3A_1274 = arith.constant 8 : i32
    %get3A_1275 = arith.index_cast %get3A_1274 : i32 to index
    %get3A_1276 = arith.constant 48 : index
    %get3A_1277 = tpu.vector_load %arg5[%get3A_1275, %get3A_1276] {strides = array<i32>} : memref<200x128xi32, #tpu.memory_space<vmem>>, vector<1x16xi32>,
    %get3A_1278 = vector.shape_cast %get3A_1277 : vector<1x16xi32> to vector<16xi32>
    %dma_start3A_1279 = arith.constant 8 : i32
    %dma_start3A_1280 = arith.constant 8 : i32
    %dma_start3A_1281 = arith.constant 0 : i32
    %dma_start3A_1282 = arith.constant 0 : i32
    %dma_start3A_1283 = tpu.memref_slice %arg6[%dma_start3A_1279, %dma_start3A_1281, %dma_start3A_1282] : memref<10x128x64xf32, #tpu.memory_space<vmem>> -> memref<1x128x64xf32, #tpu.memory_space<vmem>>
    %dma_start3A_1284 = tpu.memref_squeeze %dma_start3A_1283 : memref<1x128x64xf32, #tpu.memory_space<vmem>> -> memref<128x64xf32, #tpu.memory_space<vmem>>
    %dma_start3A_1285 = arith.constant 48 : i32
    %dma_start3A_1286 = arith.constant 0 : i32
    %dma_start3A_1287 = tpu.memref_slice %dma_start3A_1284[%dma_start3A_1285, %dma_start3A_1286] : memref<128x64xf32, #tpu.memory_space<vmem>> -> memref<16x64xf32, #tpu.memory_space<vmem>>
    %dma_start3A_1288 = arith.constant 0 : i32
    %dma_start3A_1289 = arith.constant 0 : i32
    %dma_start3A_1290 = tpu.memref_slice %arg2[%dma_start3A_1288, %dma_start3A_1289] : memref<1000000x64xf32, #tpu.memory_space<hbm>> -> memref<1000000x64xf32, #tpu.memory_space<hbm>>
    %dma_start3A_1291 = tpu.memref_slice %arg7[%dma_start3A_1280] : memref<10x!tpu.dma_semaphore, #tpu.memory_space<semaphore_mem>> -> memref<1x!tpu.dma_semaphore, #tpu.memory_space<semaphore_mem>>
    %dma_start3A_1292 = tpu.memref_squeeze %dma_start3A_1291 : memref<1x!tpu.dma_semaphore, #tpu.memory_space<semaphore_mem>> -> memref<!tpu.dma_semaphore, #tpu.memory_space<semaphore_mem>>
    tpu.enqueue_indirect_dma source(%dma_start3A_1290 : memref<1000000x64xf32, #tpu.memory_space<hbm>>) target(%dma_start3A_1287 : memref<16x64xf32, #tpu.memory_space<vmem>>) offsets(%get3A_1278 : vector<16xi32>) semaphore(%dma_start3A_1292 : memref<!tpu.dma_semaphore, #tpu.memory_space<semaphore_mem>>)
    %get3A_1293 = arith.constant 8 : i32
    %get3A_1294 = arith.index_cast %get3A_1293 : i32 to index
    %get3A_1295 = arith.constant 64 : index
    %get3A_1296 = tpu.vector_load %arg5[%get3A_1294, %get3A_1295] {strides = array<i32>} : memref<200x128xi32, #tpu.memory_space<vmem>>, vector<1x16xi32>,
    %get3A_1297 = vector.shape_cast %get3A_1296 : vector<1x16xi32> to vector<16xi32>
    %dma_start3A_1298 = arith.constant 8 : i32
    %dma_start3A_1299 = arith.constant 8 : i32
    %dma_start3A_1300 = arith.constant 0 : i32
    %dma_start3A_1301 = arith.constant 0 : i32
    %dma_start3A_1302 = tpu.memref_slice %arg6[%dma_start3A_1298, %dma_start3A_1300, %dma_start3A_1301] : memref<10x128x64xf32, #tpu.memory_space<vmem>> -> memref<1x128x64xf32, #tpu.memory_space<vmem>>
    %dma_start3A_1303 = tpu.memref_squeeze %dma_start3A_1302 : memref<1x128x64xf32, #tpu.memory_space<vmem>> -> memref<128x64xf32, #tpu.memory_space<vmem>>
    %dma_start3A_1304 = arith.constant 64 : i32
    %dma_start3A_1305 = arith.constant 0 : i32
    %dma_start3A_1306 = tpu.memref_slice %dma_start3A_1303[%dma_start3A_1304, %dma_start3A_1305] : memref<128x64xf32, #tpu.memory_space<vmem>> -> memref<16x64xf32, #tpu.memory_space<vmem>>
    %dma_start3A_1307 = arith.constant 0 : i32
    %dma_start3A_1308 = arith.constant 0 : i32
    %dma_start3A_1309 = tpu.memref_slice %arg2[%dma_start3A_1307, %dma_start3A_1308] : memref<1000000x64xf32, #tpu.memory_space<hbm>> -> memref<1000000x64xf32, #tpu.memory_space<hbm>>
    %dma_start3A_1310 = tpu.memref_slice %arg7[%dma_start3A_1299] : memref<10x!tpu.dma_semaphore, #tpu.memory_space<semaphore_mem>> -> memref<1x!tpu.dma_semaphore, #tpu.memory_space<semaphore_mem>>
    %dma_start3A_1311 = tpu.memref_squeeze %dma_start3A_1310 : memref<1x!tpu.dma_semaphore, #tpu.memory_space<semaphore_mem>> -> memref<!tpu.dma_semaphore, #tpu.memory_space<semaphore_mem>>
    tpu.enqueue_indirect_dma source(%dma_start3A_1309 : memref<1000000x64xf32, #tpu.memory_space<hbm>>) target(%dma_start3A_1306 : memref<16x64xf32, #tpu.memory_space<vmem>>) offsets(%get3A_1297 : vector<16xi32>) semaphore(%dma_start3A_1311 : memref<!tpu.dma_semaphore, #tpu.memory_space<semaphore_mem>>)
    %get3A_1312 = arith.constant 8 : i32
    %get3A_1313 = arith.index_cast %get3A_1312 : i32 to index
    %get3A_1314 = arith.constant 80 : index
    %get3A_1315 = tpu.vector_load %arg5[%get3A_1313, %get3A_1314] {strides = array<i32>} : memref<200x128xi32, #tpu.memory_space<vmem>>, vector<1x16xi32>,
    %get3A_1316 = vector.shape_cast %get3A_1315 : vector<1x16xi32> to vector<16xi32>
    %dma_start3A_1317 = arith.constant 8 : i32
    %dma_start3A_1318 = arith.constant 8 : i32
    %dma_start3A_1319 = arith.constant 0 : i32
    %dma_start3A_1320 = arith.constant 0 : i32
    %dma_start3A_1321 = tpu.memref_slice %arg6[%dma_start3A_1317, %dma_start3A_1319, %dma_start3A_1320] : memref<10x128x64xf32, #tpu.memory_space<vmem>> -> memref<1x128x64xf32, #tpu.memory_space<vmem>>
    %dma_start3A_1322 = tpu.memref_squeeze %dma_start3A_1321 : memref<1x128x64xf32, #tpu.memory_space<vmem>> -> memref<128x64xf32, #tpu.memory_space<vmem>>
    %dma_start3A_1323 = arith.constant 80 : i32
    %dma_start3A_1324 = arith.constant 0 : i32
    %dma_start3A_1325 = tpu.memref_slice %dma_start3A_1322[%dma_start3A_1323, %dma_start3A_1324] : memref<128x64xf32, #tpu.memory_space<vmem>> -> memref<16x64xf32, #tpu.memory_space<vmem>>
    %dma_start3A_1326 = arith.constant 0 : i32
    %dma_start3A_1327 = arith.constant 0 : i32
    %dma_start3A_1328 = tpu.memref_slice %arg2[%dma_start3A_1326, %dma_start3A_1327] : memref<1000000x64xf32, #tpu.memory_space<hbm>> -> memref<1000000x64xf32, #tpu.memory_space<hbm>>
    %dma_start3A_1329 = tpu.memref_slice %arg7[%dma_start3A_1318] : memref<10x!tpu.dma_semaphore, #tpu.memory_space<semaphore_mem>> -> memref<1x!tpu.dma_semaphore, #tpu.memory_space<semaphore_mem>>
    %dma_start3A_1330 = tpu.memref_squeeze %dma_start3A_1329 : memref<1x!tpu.dma_semaphore, #tpu.memory_space<semaphore_mem>> -> memref<!tpu.dma_semaphore, #tpu.memory_space<semaphore_mem>>
    tpu.enqueue_indirect_dma source(%dma_start3A_1328 : memref<1000000x64xf32, #tpu.memory_space<hbm>>) target(%dma_start3A_1325 : memref<16x64xf32, #tpu.memory_space<vmem>>) offsets(%get3A_1316 : vector<16xi32>) semaphore(%dma_start3A_1330 : memref<!tpu.dma_semaphore, #tpu.memory_space<semaphore_mem>>)
    %get3A_1331 = arith.constant 8 : i32
    %get3A_1332 = arith.index_cast %get3A_1331 : i32 to index
    %get3A_1333 = arith.constant 96 : index
    %get3A_1334 = tpu.vector_load %arg5[%get3A_1332, %get3A_1333] {strides = array<i32>} : memref<200x128xi32, #tpu.memory_space<vmem>>, vector<1x16xi32>,
    %get3A_1335 = vector.shape_cast %get3A_1334 : vector<1x16xi32> to vector<16xi32>
    %dma_start3A_1336 = arith.constant 8 : i32
    %dma_start3A_1337 = arith.constant 8 : i32
    %dma_start3A_1338 = arith.constant 0 : i32
    %dma_start3A_1339 = arith.constant 0 : i32
    %dma_start3A_1340 = tpu.memref_slice %arg6[%dma_start3A_1336, %dma_start3A_1338, %dma_start3A_1339] : memref<10x128x64xf32, #tpu.memory_space<vmem>> -> memref<1x128x64xf32, #tpu.memory_space<vmem>>
    %dma_start3A_1341 = tpu.memref_squeeze %dma_start3A_1340 : memref<1x128x64xf32, #tpu.memory_space<vmem>> -> memref<128x64xf32, #tpu.memory_space<vmem>>
    %dma_start3A_1342 = arith.constant 96 : i32
    %dma_start3A_1343 = arith.constant 0 : i32
    %dma_start3A_1344 = tpu.memref_slice %dma_start3A_1341[%dma_start3A_1342, %dma_start3A_1343] : memref<128x64xf32, #tpu.memory_space<vmem>> -> memref<16x64xf32, #tpu.memory_space<vmem>>
    %dma_start3A_1345 = arith.constant 0 : i32
    %dma_start3A_1346 = arith.constant 0 : i32
    %dma_start3A_1347 = tpu.memref_slice %arg2[%dma_start3A_1345, %dma_start3A_1346] : memref<1000000x64xf32, #tpu.memory_space<hbm>> -> memref<1000000x64xf32, #tpu.memory_space<hbm>>
    %dma_start3A_1348 = tpu.memref_slice %arg7[%dma_start3A_1337] : memref<10x!tpu.dma_semaphore, #tpu.memory_space<semaphore_mem>> -> memref<1x!tpu.dma_semaphore, #tpu.memory_space<semaphore_mem>>
    %dma_start3A_1349 = tpu.memref_squeeze %dma_start3A_1348 : memref<1x!tpu.dma_semaphore, #tpu.memory_space<semaphore_mem>> -> memref<!tpu.dma_semaphore, #tpu.memory_space<semaphore_mem>>
    tpu.enqueue_indirect_dma source(%dma_start3A_1347 : memref<1000000x64xf32, #tpu.memory_space<hbm>>) target(%dma_start3A_1344 : memref<16x64xf32, #tpu.memory_space<vmem>>) offsets(%get3A_1335 : vector<16xi32>) semaphore(%dma_start3A_1349 : memref<!tpu.dma_semaphore, #tpu.memory_space<semaphore_mem>>)
    %get3A_1350 = arith.constant 8 : i32
    %get3A_1351 = arith.index_cast %get3A_1350 : i32 to index
    %get3A_1352 = arith.constant 112 : index
    %get3A_1353 = tpu.vector_load %arg5[%get3A_1351, %get3A_1352] {strides = array<i32>} : memref<200x128xi32, #tpu.memory_space<vmem>>, vector<1x16xi32>,
    %get3A_1354 = vector.shape_cast %get3A_1353 : vector<1x16xi32> to vector<16xi32>
    %dma_start3A_1355 = arith.constant 8 : i32
    %dma_start3A_1356 = arith.constant 8 : i32
    %dma_start3A_1357 = arith.constant 0 : i32
    %dma_start3A_1358 = arith.constant 0 : i32
    %dma_start3A_1359 = tpu.memref_slice %arg6[%dma_start3A_1355, %dma_start3A_1357, %dma_start3A_1358] : memref<10x128x64xf32, #tpu.memory_space<vmem>> -> memref<1x128x64xf32, #tpu.memory_space<vmem>>
    %dma_start3A_1360 = tpu.memref_squeeze %dma_start3A_1359 : memref<1x128x64xf32, #tpu.memory_space<vmem>> -> memref<128x64xf32, #tpu.memory_space<vmem>>
    %dma_start3A_1361 = arith.constant 112 : i32
    %dma_start3A_1362 = arith.constant 0 : i32
    %dma_start3A_1363 = tpu.memref_slice %dma_start3A_1360[%dma_start3A_1361, %dma_start3A_1362] : memref<128x64xf32, #tpu.memory_space<vmem>> -> memref<16x64xf32, #tpu.memory_space<vmem>>
    %dma_start3A_1364 = arith.constant 0 : i32
    %dma_start3A_1365 = arith.constant 0 : i32
    %dma_start3A_1366 = tpu.memref_slice %arg2[%dma_start3A_1364, %dma_start3A_1365] : memref<1000000x64xf32, #tpu.memory_space<hbm>> -> memref<1000000x64xf32, #tpu.memory_space<hbm>>
    %dma_start3A_1367 = tpu.memref_slice %arg7[%dma_start3A_1356] : memref<10x!tpu.dma_semaphore, #tpu.memory_space<semaphore_mem>> -> memref<1x!tpu.dma_semaphore, #tpu.memory_space<semaphore_mem>>
    %dma_start3A_1368 = tpu.memref_squeeze %dma_start3A_1367 : memref<1x!tpu.dma_semaphore, #tpu.memory_space<semaphore_mem>> -> memref<!tpu.dma_semaphore, #tpu.memory_space<semaphore_mem>>
    tpu.enqueue_indirect_dma source(%dma_start3A_1366 : memref<1000000x64xf32, #tpu.memory_space<hbm>>) target(%dma_start3A_1363 : memref<16x64xf32, #tpu.memory_space<vmem>>) offsets(%get3A_1354 : vector<16xi32>) semaphore(%dma_start3A_1368 : memref<!tpu.dma_semaphore, #tpu.memory_space<semaphore_mem>>)
    %get3A_1369 = arith.constant 9 : i32
    %get3A_1370 = arith.index_cast %get3A_1369 : i32 to index
    %get3A_1371 = arith.constant 0 : index
    %get3A_1372 = tpu.vector_load %arg5[%get3A_1370, %get3A_1371] {strides = array<i32>} : memref<200x128xi32, #tpu.memory_space<vmem>>, vector<1x16xi32>,
    %get3A_1373 = vector.shape_cast %get3A_1372 : vector<1x16xi32> to vector<16xi32>
    %dma_start3A_1374 = arith.constant 9 : i32
    %dma_start3A_1375 = arith.constant 9 : i32
    %dma_start3A_1376 = arith.constant 0 : i32
    %dma_start3A_1377 = arith.constant 0 : i32
    %dma_start3A_1378 = tpu.memref_slice %arg6[%dma_start3A_1374, %dma_start3A_1376, %dma_start3A_1377] : memref<10x128x64xf32, #tpu.memory_space<vmem>> -> memref<1x128x64xf32, #tpu.memory_space<vmem>>
    %dma_start3A_1379 = tpu.memref_squeeze %dma_start3A_1378 : memref<1x128x64xf32, #tpu.memory_space<vmem>> -> memref<128x64xf32, #tpu.memory_space<vmem>>
    %dma_start3A_1380 = arith.constant 0 : i32
    %dma_start3A_1381 = arith.constant 0 : i32
    %dma_start3A_1382 = tpu.memref_slice %dma_start3A_1379[%dma_start3A_1380, %dma_start3A_1381] : memref<128x64xf32, #tpu.memory_space<vmem>> -> memref<16x64xf32, #tpu.memory_space<vmem>>
    %dma_start3A_1383 = arith.constant 0 : i32
    %dma_start3A_1384 = arith.constant 0 : i32
    %dma_start3A_1385 = tpu.memref_slice %arg2[%dma_start3A_1383, %dma_start3A_1384] : memref<1000000x64xf32, #tpu.memory_space<hbm>> -> memref<1000000x64xf32, #tpu.memory_space<hbm>>
    %dma_start3A_1386 = tpu.memref_slice %arg7[%dma_start3A_1375] : memref<10x!tpu.dma_semaphore, #tpu.memory_space<semaphore_mem>> -> memref<1x!tpu.dma_semaphore, #tpu.memory_space<semaphore_mem>>
    %dma_start3A_1387 = tpu.memref_squeeze %dma_start3A_1386 : memref<1x!tpu.dma_semaphore, #tpu.memory_space<semaphore_mem>> -> memref<!tpu.dma_semaphore, #tpu.memory_space<semaphore_mem>>
    tpu.enqueue_indirect_dma source(%dma_start3A_1385 : memref<1000000x64xf32, #tpu.memory_space<hbm>>) target(%dma_start3A_1382 : memref<16x64xf32, #tpu.memory_space<vmem>>) offsets(%get3A_1373 : vector<16xi32>) semaphore(%dma_start3A_1387 : memref<!tpu.dma_semaphore, #tpu.memory_space<semaphore_mem>>)
    %get3A_1388 = arith.constant 9 : i32
    %get3A_1389 = arith.index_cast %get3A_1388 : i32 to index
    %get3A_1390 = arith.constant 16 : index
    %get3A_1391 = tpu.vector_load %arg5[%get3A_1389, %get3A_1390] {strides = array<i32>} : memref<200x128xi32, #tpu.memory_space<vmem>>, vector<1x16xi32>,
    %get3A_1392 = vector.shape_cast %get3A_1391 : vector<1x16xi32> to vector<16xi32>
    %dma_start3A_1393 = arith.constant 9 : i32
    %dma_start3A_1394 = arith.constant 9 : i32
    %dma_start3A_1395 = arith.constant 0 : i32
    %dma_start3A_1396 = arith.constant 0 : i32
    %dma_start3A_1397 = tpu.memref_slice %arg6[%dma_start3A_1393, %dma_start3A_1395, %dma_start3A_1396] : memref<10x128x64xf32, #tpu.memory_space<vmem>> -> memref<1x128x64xf32, #tpu.memory_space<vmem>>
    %dma_start3A_1398 = tpu.memref_squeeze %dma_start3A_1397 : memref<1x128x64xf32, #tpu.memory_space<vmem>> -> memref<128x64xf32, #tpu.memory_space<vmem>>
    %dma_start3A_1399 = arith.constant 16 : i32
    %dma_start3A_1400 = arith.constant 0 : i32
    %dma_start3A_1401 = tpu.memref_slice %dma_start3A_1398[%dma_start3A_1399, %dma_start3A_1400] : memref<128x64xf32, #tpu.memory_space<vmem>> -> memref<16x64xf32, #tpu.memory_space<vmem>>
    %dma_start3A_1402 = arith.constant 0 : i32
    %dma_start3A_1403 = arith.constant 0 : i32
    %dma_start3A_1404 = tpu.memref_slice %arg2[%dma_start3A_1402, %dma_start3A_1403] : memref<1000000x64xf32, #tpu.memory_space<hbm>> -> memref<1000000x64xf32, #tpu.memory_space<hbm>>
    %dma_start3A_1405 = tpu.memref_slice %arg7[%dma_start3A_1394] : memref<10x!tpu.dma_semaphore, #tpu.memory_space<semaphore_mem>> -> memref<1x!tpu.dma_semaphore, #tpu.memory_space<semaphore_mem>>
    %dma_start3A_1406 = tpu.memref_squeeze %dma_start3A_1405 : memref<1x!tpu.dma_semaphore, #tpu.memory_space<semaphore_mem>> -> memref<!tpu.dma_semaphore, #tpu.memory_space<semaphore_mem>>
    tpu.enqueue_indirect_dma source(%dma_start3A_1404 : memref<1000000x64xf32, #tpu.memory_space<hbm>>) target(%dma_start3A_1401 : memref<16x64xf32, #tpu.memory_space<vmem>>) offsets(%get3A_1392 : vector<16xi32>) semaphore(%dma_start3A_1406 : memref<!tpu.dma_semaphore, #tpu.memory_space<semaphore_mem>>)
    %get3A_1407 = arith.constant 9 : i32
    %get3A_1408 = arith.index_cast %get3A_1407 : i32 to index
    %get3A_1409 = arith.constant 32 : index
    %get3A_1410 = tpu.vector_load %arg5[%get3A_1408, %get3A_1409] {strides = array<i32>} : memref<200x128xi32, #tpu.memory_space<vmem>>, vector<1x16xi32>,
    %get3A_1411 = vector.shape_cast %get3A_1410 : vector<1x16xi32> to vector<16xi32>
    %dma_start3A_1412 = arith.constant 9 : i32
    %dma_start3A_1413 = arith.constant 9 : i32
    %dma_start3A_1414 = arith.constant 0 : i32
    %dma_start3A_1415 = arith.constant 0 : i32
    %dma_start3A_1416 = tpu.memref_slice %arg6[%dma_start3A_1412, %dma_start3A_1414, %dma_start3A_1415] : memref<10x128x64xf32, #tpu.memory_space<vmem>> -> memref<1x128x64xf32, #tpu.memory_space<vmem>>
    %dma_start3A_1417 = tpu.memref_squeeze %dma_start3A_1416 : memref<1x128x64xf32, #tpu.memory_space<vmem>> -> memref<128x64xf32, #tpu.memory_space<vmem>>
    %dma_start3A_1418 = arith.constant 32 : i32
    %dma_start3A_1419 = arith.constant 0 : i32
    %dma_start3A_1420 = tpu.memref_slice %dma_start3A_1417[%dma_start3A_1418, %dma_start3A_1419] : memref<128x64xf32, #tpu.memory_space<vmem>> -> memref<16x64xf32, #tpu.memory_space<vmem>>
    %dma_start3A_1421 = arith.constant 0 : i32
    %dma_start3A_1422 = arith.constant 0 : i32
    %dma_start3A_1423 = tpu.memref_slice %arg2[%dma_start3A_1421, %dma_start3A_1422] : memref<1000000x64xf32, #tpu.memory_space<hbm>> -> memref<1000000x64xf32, #tpu.memory_space<hbm>>
    %dma_start3A_1424 = tpu.memref_slice %arg7[%dma_start3A_1413] : memref<10x!tpu.dma_semaphore, #tpu.memory_space<semaphore_mem>> -> memref<1x!tpu.dma_semaphore, #tpu.memory_space<semaphore_mem>>
    %dma_start3A_1425 = tpu.memref_squeeze %dma_start3A_1424 : memref<1x!tpu.dma_semaphore, #tpu.memory_space<semaphore_mem>> -> memref<!tpu.dma_semaphore, #tpu.memory_space<semaphore_mem>>
    tpu.enqueue_indirect_dma source(%dma_start3A_1423 : memref<1000000x64xf32, #tpu.memory_space<hbm>>) target(%dma_start3A_1420 : memref<16x64xf32, #tpu.memory_space<vmem>>) offsets(%get3A_1411 : vector<16xi32>) semaphore(%dma_start3A_1425 : memref<!tpu.dma_semaphore, #tpu.memory_space<semaphore_mem>>)
    %get3A_1426 = arith.constant 9 : i32
    %get3A_1427 = arith.index_cast %get3A_1426 : i32 to index
    %get3A_1428 = arith.constant 48 : index
    %get3A_1429 = tpu.vector_load %arg5[%get3A_1427, %get3A_1428] {strides = array<i32>} : memref<200x128xi32, #tpu.memory_space<vmem>>, vector<1x16xi32>,
    %get3A_1430 = vector.shape_cast %get3A_1429 : vector<1x16xi32> to vector<16xi32>
    %dma_start3A_1431 = arith.constant 9 : i32
    %dma_start3A_1432 = arith.constant 9 : i32
    %dma_start3A_1433 = arith.constant 0 : i32
    %dma_start3A_1434 = arith.constant 0 : i32
    %dma_start3A_1435 = tpu.memref_slice %arg6[%dma_start3A_1431, %dma_start3A_1433, %dma_start3A_1434] : memref<10x128x64xf32, #tpu.memory_space<vmem>> -> memref<1x128x64xf32, #tpu.memory_space<vmem>>
    %dma_start3A_1436 = tpu.memref_squeeze %dma_start3A_1435 : memref<1x128x64xf32, #tpu.memory_space<vmem>> -> memref<128x64xf32, #tpu.memory_space<vmem>>
    %dma_start3A_1437 = arith.constant 48 : i32
    %dma_start3A_1438 = arith.constant 0 : i32
    %dma_start3A_1439 = tpu.memref_slice %dma_start3A_1436[%dma_start3A_1437, %dma_start3A_1438] : memref<128x64xf32, #tpu.memory_space<vmem>> -> memref<16x64xf32, #tpu.memory_space<vmem>>
    %dma_start3A_1440 = arith.constant 0 : i32
    %dma_start3A_1441 = arith.constant 0 : i32
    %dma_start3A_1442 = tpu.memref_slice %arg2[%dma_start3A_1440, %dma_start3A_1441] : memref<1000000x64xf32, #tpu.memory_space<hbm>> -> memref<1000000x64xf32, #tpu.memory_space<hbm>>
    %dma_start3A_1443 = tpu.memref_slice %arg7[%dma_start3A_1432] : memref<10x!tpu.dma_semaphore, #tpu.memory_space<semaphore_mem>> -> memref<1x!tpu.dma_semaphore, #tpu.memory_space<semaphore_mem>>
    %dma_start3A_1444 = tpu.memref_squeeze %dma_start3A_1443 : memref<1x!tpu.dma_semaphore, #tpu.memory_space<semaphore_mem>> -> memref<!tpu.dma_semaphore, #tpu.memory_space<semaphore_mem>>
    tpu.enqueue_indirect_dma source(%dma_start3A_1442 : memref<1000000x64xf32, #tpu.memory_space<hbm>>) target(%dma_start3A_1439 : memref<16x64xf32, #tpu.memory_space<vmem>>) offsets(%get3A_1430 : vector<16xi32>) semaphore(%dma_start3A_1444 : memref<!tpu.dma_semaphore, #tpu.memory_space<semaphore_mem>>)
    %get3A_1445 = arith.constant 9 : i32
    %get3A_1446 = arith.index_cast %get3A_1445 : i32 to index
    %get3A_1447 = arith.constant 64 : index
    %get3A_1448 = tpu.vector_load %arg5[%get3A_1446, %get3A_1447] {strides = array<i32>} : memref<200x128xi32, #tpu.memory_space<vmem>>, vector<1x16xi32>,
    %get3A_1449 = vector.shape_cast %get3A_1448 : vector<1x16xi32> to vector<16xi32>
    %dma_start3A_1450 = arith.constant 9 : i32
    %dma_start3A_1451 = arith.constant 9 : i32
    %dma_start3A_1452 = arith.constant 0 : i32
    %dma_start3A_1453 = arith.constant 0 : i32
    %dma_start3A_1454 = tpu.memref_slice %arg6[%dma_start3A_1450, %dma_start3A_1452, %dma_start3A_1453] : memref<10x128x64xf32, #tpu.memory_space<vmem>> -> memref<1x128x64xf32, #tpu.memory_space<vmem>>
    %dma_start3A_1455 = tpu.memref_squeeze %dma_start3A_1454 : memref<1x128x64xf32, #tpu.memory_space<vmem>> -> memref<128x64xf32, #tpu.memory_space<vmem>>
    %dma_start3A_1456 = arith.constant 64 : i32
    %dma_start3A_1457 = arith.constant 0 : i32
    %dma_start3A_1458 = tpu.memref_slice %dma_start3A_1455[%dma_start3A_1456, %dma_start3A_1457] : memref<128x64xf32, #tpu.memory_space<vmem>> -> memref<16x64xf32, #tpu.memory_space<vmem>>
    %dma_start3A_1459 = arith.constant 0 : i32
    %dma_start3A_1460 = arith.constant 0 : i32
    %dma_start3A_1461 = tpu.memref_slice %arg2[%dma_start3A_1459, %dma_start3A_1460] : memref<1000000x64xf32, #tpu.memory_space<hbm>> -> memref<1000000x64xf32, #tpu.memory_space<hbm>>
    %dma_start3A_1462 = tpu.memref_slice %arg7[%dma_start3A_1451] : memref<10x!tpu.dma_semaphore, #tpu.memory_space<semaphore_mem>> -> memref<1x!tpu.dma_semaphore, #tpu.memory_space<semaphore_mem>>
    %dma_start3A_1463 = tpu.memref_squeeze %dma_start3A_1462 : memref<1x!tpu.dma_semaphore, #tpu.memory_space<semaphore_mem>> -> memref<!tpu.dma_semaphore, #tpu.memory_space<semaphore_mem>>
    tpu.enqueue_indirect_dma source(%dma_start3A_1461 : memref<1000000x64xf32, #tpu.memory_space<hbm>>) target(%dma_start3A_1458 : memref<16x64xf32, #tpu.memory_space<vmem>>) offsets(%get3A_1449 : vector<16xi32>) semaphore(%dma_start3A_1463 : memref<!tpu.dma_semaphore, #tpu.memory_space<semaphore_mem>>)
    %get3A_1464 = arith.constant 9 : i32
    %get3A_1465 = arith.index_cast %get3A_1464 : i32 to index
    %get3A_1466 = arith.constant 80 : index
    %get3A_1467 = tpu.vector_load %arg5[%get3A_1465, %get3A_1466] {strides = array<i32>} : memref<200x128xi32, #tpu.memory_space<vmem>>, vector<1x16xi32>,
    %get3A_1468 = vector.shape_cast %get3A_1467 : vector<1x16xi32> to vector<16xi32>
    %dma_start3A_1469 = arith.constant 9 : i32
    %dma_start3A_1470 = arith.constant 9 : i32
    %dma_start3A_1471 = arith.constant 0 : i32
    %dma_start3A_1472 = arith.constant 0 : i32
    %dma_start3A_1473 = tpu.memref_slice %arg6[%dma_start3A_1469, %dma_start3A_1471, %dma_start3A_1472] : memref<10x128x64xf32, #tpu.memory_space<vmem>> -> memref<1x128x64xf32, #tpu.memory_space<vmem>>
    %dma_start3A_1474 = tpu.memref_squeeze %dma_start3A_1473 : memref<1x128x64xf32, #tpu.memory_space<vmem>> -> memref<128x64xf32, #tpu.memory_space<vmem>>
    %dma_start3A_1475 = arith.constant 80 : i32
    %dma_start3A_1476 = arith.constant 0 : i32
    %dma_start3A_1477 = tpu.memref_slice %dma_start3A_1474[%dma_start3A_1475, %dma_start3A_1476] : memref<128x64xf32, #tpu.memory_space<vmem>> -> memref<16x64xf32, #tpu.memory_space<vmem>>
    %dma_start3A_1478 = arith.constant 0 : i32
    %dma_start3A_1479 = arith.constant 0 : i32
    %dma_start3A_1480 = tpu.memref_slice %arg2[%dma_start3A_1478, %dma_start3A_1479] : memref<1000000x64xf32, #tpu.memory_space<hbm>> -> memref<1000000x64xf32, #tpu.memory_space<hbm>>
    %dma_start3A_1481 = tpu.memref_slice %arg7[%dma_start3A_1470] : memref<10x!tpu.dma_semaphore, #tpu.memory_space<semaphore_mem>> -> memref<1x!tpu.dma_semaphore, #tpu.memory_space<semaphore_mem>>
    %dma_start3A_1482 = tpu.memref_squeeze %dma_start3A_1481 : memref<1x!tpu.dma_semaphore, #tpu.memory_space<semaphore_mem>> -> memref<!tpu.dma_semaphore, #tpu.memory_space<semaphore_mem>>
    tpu.enqueue_indirect_dma source(%dma_start3A_1480 : memref<1000000x64xf32, #tpu.memory_space<hbm>>) target(%dma_start3A_1477 : memref<16x64xf32, #tpu.memory_space<vmem>>) offsets(%get3A_1468 : vector<16xi32>) semaphore(%dma_start3A_1482 : memref<!tpu.dma_semaphore, #tpu.memory_space<semaphore_mem>>)
    %get3A_1483 = arith.constant 9 : i32
    %get3A_1484 = arith.index_cast %get3A_1483 : i32 to index
    %get3A_1485 = arith.constant 96 : index
    %get3A_1486 = tpu.vector_load %arg5[%get3A_1484, %get3A_1485] {strides = array<i32>} : memref<200x128xi32, #tpu.memory_space<vmem>>, vector<1x16xi32>,
    %get3A_1487 = vector.shape_cast %get3A_1486 : vector<1x16xi32> to vector<16xi32>
    %dma_start3A_1488 = arith.constant 9 : i32
    %dma_start3A_1489 = arith.constant 9 : i32
    %dma_start3A_1490 = arith.constant 0 : i32
    %dma_start3A_1491 = arith.constant 0 : i32
    %dma_start3A_1492 = tpu.memref_slice %arg6[%dma_start3A_1488, %dma_start3A_1490, %dma_start3A_1491] : memref<10x128x64xf32, #tpu.memory_space<vmem>> -> memref<1x128x64xf32, #tpu.memory_space<vmem>>
    %dma_start3A_1493 = tpu.memref_squeeze %dma_start3A_1492 : memref<1x128x64xf32, #tpu.memory_space<vmem>> -> memref<128x64xf32, #tpu.memory_space<vmem>>
    %dma_start3A_1494 = arith.constant 96 : i32
    %dma_start3A_1495 = arith.constant 0 : i32
    %dma_start3A_1496 = tpu.memref_slice %dma_start3A_1493[%dma_start3A_1494, %dma_start3A_1495] : memref<128x64xf32, #tpu.memory_space<vmem>> -> memref<16x64xf32, #tpu.memory_space<vmem>>
    %dma_start3A_1497 = arith.constant 0 : i32
    %dma_start3A_1498 = arith.constant 0 : i32
    %dma_start3A_1499 = tpu.memref_slice %arg2[%dma_start3A_1497, %dma_start3A_1498] : memref<1000000x64xf32, #tpu.memory_space<hbm>> -> memref<1000000x64xf32, #tpu.memory_space<hbm>>
    %dma_start3A_1500 = tpu.memref_slice %arg7[%dma_start3A_1489] : memref<10x!tpu.dma_semaphore, #tpu.memory_space<semaphore_mem>> -> memref<1x!tpu.dma_semaphore, #tpu.memory_space<semaphore_mem>>
    %dma_start3A_1501 = tpu.memref_squeeze %dma_start3A_1500 : memref<1x!tpu.dma_semaphore, #tpu.memory_space<semaphore_mem>> -> memref<!tpu.dma_semaphore, #tpu.memory_space<semaphore_mem>>
    tpu.enqueue_indirect_dma source(%dma_start3A_1499 : memref<1000000x64xf32, #tpu.memory_space<hbm>>) target(%dma_start3A_1496 : memref<16x64xf32, #tpu.memory_space<vmem>>) offsets(%get3A_1487 : vector<16xi32>) semaphore(%dma_start3A_1501 : memref<!tpu.dma_semaphore, #tpu.memory_space<semaphore_mem>>)
    %get3A_1502 = arith.constant 9 : i32
    %get3A_1503 = arith.index_cast %get3A_1502 : i32 to index
    %get3A_1504 = arith.constant 112 : index
    %get3A_1505 = tpu.vector_load %arg5[%get3A_1503, %get3A_1504] {strides = array<i32>} : memref<200x128xi32, #tpu.memory_space<vmem>>, vector<1x16xi32>,
    %get3A_1506 = vector.shape_cast %get3A_1505 : vector<1x16xi32> to vector<16xi32>
    %dma_start3A_1507 = arith.constant 9 : i32
    %dma_start3A_1508 = arith.constant 9 : i32
    %dma_start3A_1509 = arith.constant 0 : i32
    %dma_start3A_1510 = arith.constant 0 : i32
    %dma_start3A_1511 = tpu.memref_slice %arg6[%dma_start3A_1507, %dma_start3A_1509, %dma_start3A_1510] : memref<10x128x64xf32, #tpu.memory_space<vmem>> -> memref<1x128x64xf32, #tpu.memory_space<vmem>>
    %dma_start3A_1512 = tpu.memref_squeeze %dma_start3A_1511 : memref<1x128x64xf32, #tpu.memory_space<vmem>> -> memref<128x64xf32, #tpu.memory_space<vmem>>
    %dma_start3A_1513 = arith.constant 112 : i32
    %dma_start3A_1514 = arith.constant 0 : i32
    %dma_start3A_1515 = tpu.memref_slice %dma_start3A_1512[%dma_start3A_1513, %dma_start3A_1514] : memref<128x64xf32, #tpu.memory_space<vmem>> -> memref<16x64xf32, #tpu.memory_space<vmem>>
    %dma_start3A_1516 = arith.constant 0 : i32
    %dma_start3A_1517 = arith.constant 0 : i32
    %dma_start3A_1518 = tpu.memref_slice %arg2[%dma_start3A_1516, %dma_start3A_1517] : memref<1000000x64xf32, #tpu.memory_space<hbm>> -> memref<1000000x64xf32, #tpu.memory_space<hbm>>
    %dma_start3A_1519 = tpu.memref_slice %arg7[%dma_start3A_1508] : memref<10x!tpu.dma_semaphore, #tpu.memory_space<semaphore_mem>> -> memref<1x!tpu.dma_semaphore, #tpu.memory_space<semaphore_mem>>
    %dma_start3A_1520 = tpu.memref_squeeze %dma_start3A_1519 : memref<1x!tpu.dma_semaphore, #tpu.memory_space<semaphore_mem>> -> memref<!tpu.dma_semaphore, #tpu.memory_space<semaphore_mem>>
    tpu.enqueue_indirect_dma source(%dma_start3A_1518 : memref<1000000x64xf32, #tpu.memory_space<hbm>>) target(%dma_start3A_1515 : memref<16x64xf32, #tpu.memory_space<vmem>>) offsets(%get3A_1506 : vector<16xi32>) semaphore(%dma_start3A_1520 : memref<!tpu.dma_semaphore, #tpu.memory_space<semaphore_mem>>)
    %scan3A = arith.constant 0 : i32
    %scan3A_1521 = arith.constant 0 : i32
    %scan3A_1522 = arith.constant 20 : i32
    %scan3A_1523 = arith.addi %scan3A_1521, %scan3A_1522 : i32
    %scan3A_1524 = arith.constant 1 : i32
    scf.for %scan3A_1705 = %scan3A_1521 to %scan3A_1523 step %scan3A_1524  : i32 {
      %mul3A_1706 = arith.constant 10 : i32
      %mul3A_1707 = arith.muli %scan3A_1705, %mul3A_1706 : i32
      %add3A_1708 = arith.constant 0 : i32
      %add3A_1709 = arith.addi %mul3A_1707, %add3A_1708 : i32
      %dma_wait3A_1710 = arith.constant 0 : i32
      %dma_wait3A_1711 = arith.constant 0 : i32
      %dma_wait3A_1712 = arith.constant 0 : i32
      %dma_wait3A_1713 = arith.constant 0 : i32
      %dma_wait3A_1714 = tpu.memref_slice %arg6[%dma_wait3A_1710, %dma_wait3A_1712, %dma_wait3A_1713] : memref<10x128x64xf32, #tpu.memory_space<vmem>> -> memref<1x128x64xf32, #tpu.memory_space<vmem>>
      %dma_wait3A_1715 = tpu.memref_squeeze %dma_wait3A_1714 : memref<1x128x64xf32, #tpu.memory_space<vmem>> -> memref<128x64xf32, #tpu.memory_space<vmem>>
      %dma_wait3A_1716 = arith.constant 0 : i32
      %dma_wait3A_1717 = arith.constant 0 : i32
      %dma_wait3A_1718 = tpu.memref_slice %arg2[%dma_wait3A_1716, %dma_wait3A_1717] : memref<1000000x64xf32, #tpu.memory_space<hbm>> -> memref<128x64xf32, #tpu.memory_space<hbm>>
      %dma_wait3A_1719 = tpu.memref_slice %arg7[%dma_wait3A_1711] : memref<10x!tpu.dma_semaphore, #tpu.memory_space<semaphore_mem>> -> memref<1x!tpu.dma_semaphore, #tpu.memory_space<semaphore_mem>>
      %dma_wait3A_1720 = tpu.memref_squeeze %dma_wait3A_1719 : memref<1x!tpu.dma_semaphore, #tpu.memory_space<semaphore_mem>> -> memref<!tpu.dma_semaphore, #tpu.memory_space<semaphore_mem>>
      %dma_wait3A_1721 = arith.constant 0 : i32
      %dma_wait3A_1722 = arith.constant 0 : i32
      %dma_wait3A_1723 = tpu.memref_slice %arg6[%dma_wait3A_1710, %dma_wait3A_1721, %dma_wait3A_1722] : memref<10x128x64xf32, #tpu.memory_space<vmem>> -> memref<1x128x64xf32, #tpu.memory_space<vmem>>
      %dma_wait3A_1724 = tpu.memref_squeeze %dma_wait3A_1723 : memref<1x128x64xf32, #tpu.memory_space<vmem>> -> memref<128x64xf32, #tpu.memory_space<vmem>>
      %dma_wait3A_1725 = arith.constant 0 : i32
      %dma_wait3A_1726 = arith.constant 0 : i32
      %dma_wait3A_1727 = tpu.memref_slice %arg2[%dma_wait3A_1725, %dma_wait3A_1726] : memref<1000000x64xf32, #tpu.memory_space<hbm>> -> memref<128x64xf32, #tpu.memory_space<hbm>>
      tpu.wait_dma2 semaphore(%dma_wait3A_1720 : memref<!tpu.dma_semaphore, #tpu.memory_space<semaphore_mem>>) src(%dma_wait3A_1727 : memref<128x64xf32, #tpu.memory_space<hbm>>) dst(%dma_wait3A_1724 : memref<128x64xf32, #tpu.memory_space<vmem>>)
      %mul3A_1728 = arith.constant 128 : i32
      %mul3A_1729 = arith.muli %add3A_1709, %mul3A_1728 : i32
      %add3A_1730 = arith.addi %mul3A_2, %mul3A_1729 : i32
      %dma_start3A_1731 = arith.constant 0 : i32
      %dma_start3A_1732 = arith.constant 0 : i32
      %dma_start3A_1733 = arith.constant 0 : i32
      %dma_start3A_1734 = arith.constant 0 : i32
      %dma_start3A_1735 = tpu.memref_slice %arg6[%dma_start3A_1731, %dma_start3A_1733, %dma_start3A_1734] : memref<10x128x64xf32, #tpu.memory_space<vmem>> -> memref<1x128x64xf32, #tpu.memory_space<vmem>>
      %dma_start3A_1736 = tpu.memref_squeeze %dma_start3A_1735 : memref<1x128x64xf32, #tpu.memory_space<vmem>> -> memref<128x64xf32, #tpu.memory_space<vmem>>
      %dma_start3A_1737 = arith.constant 0 : i32
      %dma_start3A_1738 = tpu.memref_slice %arg4[%add3A_1730, %dma_start3A_1737] : memref<819200x64xf32, #tpu.memory_space<hbm>> -> memref<128x64xf32, #tpu.memory_space<hbm>>
      %dma_start3A_1739 = tpu.memref_slice %arg8[%dma_start3A_1732] : memref<10x!tpu.dma_semaphore, #tpu.memory_space<semaphore_mem>> -> memref<1x!tpu.dma_semaphore, #tpu.memory_space<semaphore_mem>>
      %dma_start3A_1740 = tpu.memref_squeeze %dma_start3A_1739 : memref<1x!tpu.dma_semaphore, #tpu.memory_space<semaphore_mem>> -> memref<!tpu.dma_semaphore, #tpu.memory_space<semaphore_mem>>
      %dma_start3A_1741 = arith.constant 0 : i32
      %dma_start3A_1742 = tpu.memref_slice %arg4[%add3A_1730, %dma_start3A_1741] : memref<819200x64xf32, #tpu.memory_space<hbm>> -> memref<128x64xf32, #tpu.memory_space<hbm>>
      %dma_start3A_1743 = arith.constant 0 : i32
      %dma_start3A_1744 = arith.constant 0 : i32
      %dma_start3A_1745 = tpu.memref_slice %arg6[%dma_start3A_1731, %dma_start3A_1743, %dma_start3A_1744] : memref<10x128x64xf32, #tpu.memory_space<vmem>> -> memref<1x128x64xf32, #tpu.memory_space<vmem>>
      %dma_start3A_1746 = tpu.memref_squeeze %dma_start3A_1745 : memref<1x128x64xf32, #tpu.memory_space<vmem>> -> memref<128x64xf32, #tpu.memory_space<vmem>>
      tpu.enqueue_dma source(%dma_start3A_1746 : memref<128x64xf32, #tpu.memory_space<vmem>>) target(%dma_start3A_1742 : memref<128x64xf32, #tpu.memory_space<hbm>>) target_semaphore(%dma_start3A_1740 : memref<!tpu.dma_semaphore, #tpu.memory_space<semaphore_mem>>)
      %add3A_1747 = arith.constant 10 : i32
      %add3A_1748 = arith.addi %add3A_1709, %add3A_1747 : i32
      %sub3A = arith.constant 2 : i32
      %sub3A_1749 = arith.subi %add3A_1748, %sub3A : i32
      %ge3A = arith.constant 2 : i32
      %ge3A_1750 = arith.cmpi sge, %add3A_1709, %ge3A : i32
      %lt3A = arith.constant 200 : i32
      %lt3A_1751 = arith.cmpi slt, %sub3A_1749, %lt3A : i32
      %and3A = arith.andi %ge3A_1750, %lt3A_1751 : i1
      %convert_element_type3A = arith.extui %and3A : i1 to i32
      %cond3A = arith.constant 0 : i32
      %cond3A_1752 = arith.cmpi ne, %convert_element_type3A, %cond3A : i32
      scf.if %cond3A_1752 {
        %dma_wait3A_2230 = arith.constant 8 : i32
        %dma_wait3A_2231 = arith.constant 8 : i32
        %dma_wait3A_2232 = arith.constant 0 : i32
        %dma_wait3A_2233 = arith.constant 0 : i32
        %dma_wait3A_2234 = tpu.memref_slice %arg6[%dma_wait3A_2230, %dma_wait3A_2232, %dma_wait3A_2233] : memref<10x128x64xf32, #tpu.memory_space<vmem>> -> memref<1x128x64xf32, #tpu.memory_space<vmem>>
        %dma_wait3A_2235 = tpu.memref_squeeze %dma_wait3A_2234 : memref<1x128x64xf32, #tpu.memory_space<vmem>> -> memref<128x64xf32, #tpu.memory_space<vmem>>
        %dma_wait3A_2236 = arith.constant 0 : i32
        %dma_wait3A_2237 = arith.constant 0 : i32
        %dma_wait3A_2238 = tpu.memref_slice %arg2[%dma_wait3A_2236, %dma_wait3A_2237] : memref<1000000x64xf32, #tpu.memory_space<hbm>> -> memref<128x64xf32, #tpu.memory_space<hbm>>
        %dma_wait3A_2239 = tpu.memref_slice %arg8[%dma_wait3A_2231] : memref<10x!tpu.dma_semaphore, #tpu.memory_space<semaphore_mem>> -> memref<1x!tpu.dma_semaphore, #tpu.memory_space<semaphore_mem>>
        %dma_wait3A_2240 = tpu.memref_squeeze %dma_wait3A_2239 : memref<1x!tpu.dma_semaphore, #tpu.memory_space<semaphore_mem>> -> memref<!tpu.dma_semaphore, #tpu.memory_space<semaphore_mem>>
        %dma_wait3A_2241 = arith.constant 0 : i32
        %dma_wait3A_2242 = arith.constant 0 : i32
        %dma_wait3A_2243 = tpu.memref_slice %arg6[%dma_wait3A_2230, %dma_wait3A_2241, %dma_wait3A_2242] : memref<10x128x64xf32, #tpu.memory_space<vmem>> -> memref<1x128x64xf32, #tpu.memory_space<vmem>>
        %dma_wait3A_2244 = tpu.memref_squeeze %dma_wait3A_2243 : memref<1x128x64xf32, #tpu.memory_space<vmem>> -> memref<128x64xf32, #tpu.memory_space<vmem>>
        %dma_wait3A_2245 = arith.constant 0 : i32
        %dma_wait3A_2246 = arith.constant 0 : i32
        %dma_wait3A_2247 = tpu.memref_slice %arg2[%dma_wait3A_2245, %dma_wait3A_2246] : memref<1000000x64xf32, #tpu.memory_space<hbm>> -> memref<128x64xf32, #tpu.memory_space<hbm>>
        tpu.wait_dma2 semaphore(%dma_wait3A_2240 : memref<!tpu.dma_semaphore, #tpu.memory_space<semaphore_mem>>) src(%dma_wait3A_2247 : memref<128x64xf32, #tpu.memory_space<hbm>>) dst(%dma_wait3A_2244 : memref<128x64xf32, #tpu.memory_space<vmem>>)
        %get3A_2248 = arith.index_cast %sub3A_1749 : i32 to index
        %get3A_2249 = arith.constant 0 : index
        %get3A_2250 = tpu.vector_load %arg5[%get3A_2248, %get3A_2249] {strides = array<i32>} : memref<200x128xi32, #tpu.memory_space<vmem>>, vector<1x16xi32>,
        %get3A_2251 = vector.shape_cast %get3A_2250 : vector<1x16xi32> to vector<16xi32>
        %dma_start3A_2252 = arith.constant 8 : i32
        %dma_start3A_2253 = arith.constant 8 : i32
        %dma_start3A_2254 = arith.constant 0 : i32
        %dma_start3A_2255 = arith.constant 0 : i32
        %dma_start3A_2256 = tpu.memref_slice %arg6[%dma_start3A_2252, %dma_start3A_2254, %dma_start3A_2255] : memref<10x128x64xf32, #tpu.memory_space<vmem>> -> memref<1x128x64xf32, #tpu.memory_space<vmem>>
        %dma_start3A_2257 = tpu.memref_squeeze %dma_start3A_2256 : memref<1x128x64xf32, #tpu.memory_space<vmem>> -> memref<128x64xf32, #tpu.memory_space<vmem>>
        %dma_start3A_2258 = arith.constant 0 : i32
        %dma_start3A_2259 = arith.constant 0 : i32
        %dma_start3A_2260 = tpu.memref_slice %dma_start3A_2257[%dma_start3A_2258, %dma_start3A_2259] : memref<128x64xf32, #tpu.memory_space<vmem>> -> memref<16x64xf32, #tpu.memory_space<vmem>>
        %dma_start3A_2261 = arith.constant 0 : i32
        %dma_start3A_2262 = arith.constant 0 : i32
        %dma_start3A_2263 = tpu.memref_slice %arg2[%dma_start3A_2261, %dma_start3A_2262] : memref<1000000x64xf32, #tpu.memory_space<hbm>> -> memref<1000000x64xf32, #tpu.memory_space<hbm>>
        %dma_start3A_2264 = tpu.memref_slice %arg7[%dma_start3A_2253] : memref<10x!tpu.dma_semaphore, #tpu.memory_space<semaphore_mem>> -> memref<1x!tpu.dma_semaphore, #tpu.memory_space<semaphore_mem>>
        %dma_start3A_2265 = tpu.memref_squeeze %dma_start3A_2264 : memref<1x!tpu.dma_semaphore, #tpu.memory_space<semaphore_mem>> -> memref<!tpu.dma_semaphore, #tpu.memory_space<semaphore_mem>>
        tpu.enqueue_indirect_dma source(%dma_start3A_2263 : memref<1000000x64xf32, #tpu.memory_space<hbm>>) target(%dma_start3A_2260 : memref<16x64xf32, #tpu.memory_space<vmem>>) offsets(%get3A_2251 : vector<16xi32>) semaphore(%dma_start3A_2265 : memref<!tpu.dma_semaphore, #tpu.memory_space<semaphore_mem>>)
        %get3A_2266 = arith.index_cast %sub3A_1749 : i32 to index
        %get3A_2267 = arith.constant 16 : index
        %get3A_2268 = tpu.vector_load %arg5[%get3A_2266, %get3A_2267] {strides = array<i32>} : memref<200x128xi32, #tpu.memory_space<vmem>>, vector<1x16xi32>,
        %get3A_2269 = vector.shape_cast %get3A_2268 : vector<1x16xi32> to vector<16xi32>
        %dma_start3A_2270 = arith.constant 8 : i32
        %dma_start3A_2271 = arith.constant 8 : i32
        %dma_start3A_2272 = arith.constant 0 : i32
        %dma_start3A_2273 = arith.constant 0 : i32
        %dma_start3A_2274 = tpu.memref_slice %arg6[%dma_start3A_2270, %dma_start3A_2272, %dma_start3A_2273] : memref<10x128x64xf32, #tpu.memory_space<vmem>> -> memref<1x128x64xf32, #tpu.memory_space<vmem>>
        %dma_start3A_2275 = tpu.memref_squeeze %dma_start3A_2274 : memref<1x128x64xf32, #tpu.memory_space<vmem>> -> memref<128x64xf32, #tpu.memory_space<vmem>>
        %dma_start3A_2276 = arith.constant 16 : i32
        %dma_start3A_2277 = arith.constant 0 : i32
        %dma_start3A_2278 = tpu.memref_slice %dma_start3A_2275[%dma_start3A_2276, %dma_start3A_2277] : memref<128x64xf32, #tpu.memory_space<vmem>> -> memref<16x64xf32, #tpu.memory_space<vmem>>
        %dma_start3A_2279 = arith.constant 0 : i32
        %dma_start3A_2280 = arith.constant 0 : i32
        %dma_start3A_2281 = tpu.memref_slice %arg2[%dma_start3A_2279, %dma_start3A_2280] : memref<1000000x64xf32, #tpu.memory_space<hbm>> -> memref<1000000x64xf32, #tpu.memory_space<hbm>>
        %dma_start3A_2282 = tpu.memref_slice %arg7[%dma_start3A_2271] : memref<10x!tpu.dma_semaphore, #tpu.memory_space<semaphore_mem>> -> memref<1x!tpu.dma_semaphore, #tpu.memory_space<semaphore_mem>>
        %dma_start3A_2283 = tpu.memref_squeeze %dma_start3A_2282 : memref<1x!tpu.dma_semaphore, #tpu.memory_space<semaphore_mem>> -> memref<!tpu.dma_semaphore, #tpu.memory_space<semaphore_mem>>
        tpu.enqueue_indirect_dma source(%dma_start3A_2281 : memref<1000000x64xf32, #tpu.memory_space<hbm>>) target(%dma_start3A_2278 : memref<16x64xf32, #tpu.memory_space<vmem>>) offsets(%get3A_2269 : vector<16xi32>) semaphore(%dma_start3A_2283 : memref<!tpu.dma_semaphore, #tpu.memory_space<semaphore_mem>>)
        %get3A_2284 = arith.index_cast %sub3A_1749 : i32 to index
        %get3A_2285 = arith.constant 32 : index
        %get3A_2286 = tpu.vector_load %arg5[%get3A_2284, %get3A_2285] {strides = array<i32>} : memref<200x128xi32, #tpu.memory_space<vmem>>, vector<1x16xi32>,
        %get3A_2287 = vector.shape_cast %get3A_2286 : vector<1x16xi32> to vector<16xi32>
        %dma_start3A_2288 = arith.constant 8 : i32
        %dma_start3A_2289 = arith.constant 8 : i32
        %dma_start3A_2290 = arith.constant 0 : i32
        %dma_start3A_2291 = arith.constant 0 : i32
        %dma_start3A_2292 = tpu.memref_slice %arg6[%dma_start3A_2288, %dma_start3A_2290, %dma_start3A_2291] : memref<10x128x64xf32, #tpu.memory_space<vmem>> -> memref<1x128x64xf32, #tpu.memory_space<vmem>>
        %dma_start3A_2293 = tpu.memref_squeeze %dma_start3A_2292 : memref<1x128x64xf32, #tpu.memory_space<vmem>> -> memref<128x64xf32, #tpu.memory_space<vmem>>
        %dma_start3A_2294 = arith.constant 32 : i32
        %dma_start3A_2295 = arith.constant 0 : i32
        %dma_start3A_2296 = tpu.memref_slice %dma_start3A_2293[%dma_start3A_2294, %dma_start3A_2295] : memref<128x64xf32, #tpu.memory_space<vmem>> -> memref<16x64xf32, #tpu.memory_space<vmem>>
        %dma_start3A_2297 = arith.constant 0 : i32
        %dma_start3A_2298 = arith.constant 0 : i32
        %dma_start3A_2299 = tpu.memref_slice %arg2[%dma_start3A_2297, %dma_start3A_2298] : memref<1000000x64xf32, #tpu.memory_space<hbm>> -> memref<1000000x64xf32, #tpu.memory_space<hbm>>
        %dma_start3A_2300 = tpu.memref_slice %arg7[%dma_start3A_2289] : memref<10x!tpu.dma_semaphore, #tpu.memory_space<semaphore_mem>> -> memref<1x!tpu.dma_semaphore, #tpu.memory_space<semaphore_mem>>
        %dma_start3A_2301 = tpu.memref_squeeze %dma_start3A_2300 : memref<1x!tpu.dma_semaphore, #tpu.memory_space<semaphore_mem>> -> memref<!tpu.dma_semaphore, #tpu.memory_space<semaphore_mem>>
        tpu.enqueue_indirect_dma source(%dma_start3A_2299 : memref<1000000x64xf32, #tpu.memory_space<hbm>>) target(%dma_start3A_2296 : memref<16x64xf32, #tpu.memory_space<vmem>>) offsets(%get3A_2287 : vector<16xi32>) semaphore(%dma_start3A_2301 : memref<!tpu.dma_semaphore, #tpu.memory_space<semaphore_mem>>)
        %get3A_2302 = arith.index_cast %sub3A_1749 : i32 to index
        %get3A_2303 = arith.constant 48 : index
        %get3A_2304 = tpu.vector_load %arg5[%get3A_2302, %get3A_2303] {strides = array<i32>} : memref<200x128xi32, #tpu.memory_space<vmem>>, vector<1x16xi32>,
        %get3A_2305 = vector.shape_cast %get3A_2304 : vector<1x16xi32> to vector<16xi32>
        %dma_start3A_2306 = arith.constant 8 : i32
        %dma_start3A_2307 = arith.constant 8 : i32
        %dma_start3A_2308 = arith.constant 0 : i32
        %dma_start3A_2309 = arith.constant 0 : i32
        %dma_start3A_2310 = tpu.memref_slice %arg6[%dma_start3A_2306, %dma_start3A_2308, %dma_start3A_2309] : memref<10x128x64xf32, #tpu.memory_space<vmem>> -> memref<1x128x64xf32, #tpu.memory_space<vmem>>
        %dma_start3A_2311 = tpu.memref_squeeze %dma_start3A_2310 : memref<1x128x64xf32, #tpu.memory_space<vmem>> -> memref<128x64xf32, #tpu.memory_space<vmem>>
        %dma_start3A_2312 = arith.constant 48 : i32
        %dma_start3A_2313 = arith.constant 0 : i32
        %dma_start3A_2314 = tpu.memref_slice %dma_start3A_2311[%dma_start3A_2312, %dma_start3A_2313] : memref<128x64xf32, #tpu.memory_space<vmem>> -> memref<16x64xf32, #tpu.memory_space<vmem>>
        %dma_start3A_2315 = arith.constant 0 : i32
        %dma_start3A_2316 = arith.constant 0 : i32
        %dma_start3A_2317 = tpu.memref_slice %arg2[%dma_start3A_2315, %dma_start3A_2316] : memref<1000000x64xf32, #tpu.memory_space<hbm>> -> memref<1000000x64xf32, #tpu.memory_space<hbm>>
        %dma_start3A_2318 = tpu.memref_slice %arg7[%dma_start3A_2307] : memref<10x!tpu.dma_semaphore, #tpu.memory_space<semaphore_mem>> -> memref<1x!tpu.dma_semaphore, #tpu.memory_space<semaphore_mem>>
        %dma_start3A_2319 = tpu.memref_squeeze %dma_start3A_2318 : memref<1x!tpu.dma_semaphore, #tpu.memory_space<semaphore_mem>> -> memref<!tpu.dma_semaphore, #tpu.memory_space<semaphore_mem>>
        tpu.enqueue_indirect_dma source(%dma_start3A_2317 : memref<1000000x64xf32, #tpu.memory_space<hbm>>) target(%dma_start3A_2314 : memref<16x64xf32, #tpu.memory_space<vmem>>) offsets(%get3A_2305 : vector<16xi32>) semaphore(%dma_start3A_2319 : memref<!tpu.dma_semaphore, #tpu.memory_space<semaphore_mem>>)
        %get3A_2320 = arith.index_cast %sub3A_1749 : i32 to index
        %get3A_2321 = arith.constant 64 : index
        %get3A_2322 = tpu.vector_load %arg5[%get3A_2320, %get3A_2321] {strides = array<i32>} : memref<200x128xi32, #tpu.memory_space<vmem>>, vector<1x16xi32>,
        %get3A_2323 = vector.shape_cast %get3A_2322 : vector<1x16xi32> to vector<16xi32>
        %dma_start3A_2324 = arith.constant 8 : i32
        %dma_start3A_2325 = arith.constant 8 : i32
        %dma_start3A_2326 = arith.constant 0 : i32
        %dma_start3A_2327 = arith.constant 0 : i32
        %dma_start3A_2328 = tpu.memref_slice %arg6[%dma_start3A_2324, %dma_start3A_2326, %dma_start3A_2327] : memref<10x128x64xf32, #tpu.memory_space<vmem>> -> memref<1x128x64xf32, #tpu.memory_space<vmem>>
        %dma_start3A_2329 = tpu.memref_squeeze %dma_start3A_2328 : memref<1x128x64xf32, #tpu.memory_space<vmem>> -> memref<128x64xf32, #tpu.memory_space<vmem>>
        %dma_start3A_2330 = arith.constant 64 : i32
        %dma_start3A_2331 = arith.constant 0 : i32
        %dma_start3A_2332 = tpu.memref_slice %dma_start3A_2329[%dma_start3A_2330, %dma_start3A_2331] : memref<128x64xf32, #tpu.memory_space<vmem>> -> memref<16x64xf32, #tpu.memory_space<vmem>>
        %dma_start3A_2333 = arith.constant 0 : i32
        %dma_start3A_2334 = arith.constant 0 : i32
        %dma_start3A_2335 = tpu.memref_slice %arg2[%dma_start3A_2333, %dma_start3A_2334] : memref<1000000x64xf32, #tpu.memory_space<hbm>> -> memref<1000000x64xf32, #tpu.memory_space<hbm>>
        %dma_start3A_2336 = tpu.memref_slice %arg7[%dma_start3A_2325] : memref<10x!tpu.dma_semaphore, #tpu.memory_space<semaphore_mem>> -> memref<1x!tpu.dma_semaphore, #tpu.memory_space<semaphore_mem>>
        %dma_start3A_2337 = tpu.memref_squeeze %dma_start3A_2336 : memref<1x!tpu.dma_semaphore, #tpu.memory_space<semaphore_mem>> -> memref<!tpu.dma_semaphore, #tpu.memory_space<semaphore_mem>>
        tpu.enqueue_indirect_dma source(%dma_start3A_2335 : memref<1000000x64xf32, #tpu.memory_space<hbm>>) target(%dma_start3A_2332 : memref<16x64xf32, #tpu.memory_space<vmem>>) offsets(%get3A_2323 : vector<16xi32>) semaphore(%dma_start3A_2337 : memref<!tpu.dma_semaphore, #tpu.memory_space<semaphore_mem>>)
        %get3A_2338 = arith.index_cast %sub3A_1749 : i32 to index
        %get3A_2339 = arith.constant 80 : index
        %get3A_2340 = tpu.vector_load %arg5[%get3A_2338, %get3A_2339] {strides = array<i32>} : memref<200x128xi32, #tpu.memory_space<vmem>>, vector<1x16xi32>,
        %get3A_2341 = vector.shape_cast %get3A_2340 : vector<1x16xi32> to vector<16xi32>
        %dma_start3A_2342 = arith.constant 8 : i32
        %dma_start3A_2343 = arith.constant 8 : i32
        %dma_start3A_2344 = arith.constant 0 : i32
        %dma_start3A_2345 = arith.constant 0 : i32
        %dma_start3A_2346 = tpu.memref_slice %arg6[%dma_start3A_2342, %dma_start3A_2344, %dma_start3A_2345] : memref<10x128x64xf32, #tpu.memory_space<vmem>> -> memref<1x128x64xf32, #tpu.memory_space<vmem>>
        %dma_start3A_2347 = tpu.memref_squeeze %dma_start3A_2346 : memref<1x128x64xf32, #tpu.memory_space<vmem>> -> memref<128x64xf32, #tpu.memory_space<vmem>>
        %dma_start3A_2348 = arith.constant 80 : i32
        %dma_start3A_2349 = arith.constant 0 : i32
        %dma_start3A_2350 = tpu.memref_slice %dma_start3A_2347[%dma_start3A_2348, %dma_start3A_2349] : memref<128x64xf32, #tpu.memory_space<vmem>> -> memref<16x64xf32, #tpu.memory_space<vmem>>
        %dma_start3A_2351 = arith.constant 0 : i32
        %dma_start3A_2352 = arith.constant 0 : i32
        %dma_start3A_2353 = tpu.memref_slice %arg2[%dma_start3A_2351, %dma_start3A_2352] : memref<1000000x64xf32, #tpu.memory_space<hbm>> -> memref<1000000x64xf32, #tpu.memory_space<hbm>>
        %dma_start3A_2354 = tpu.memref_slice %arg7[%dma_start3A_2343] : memref<10x!tpu.dma_semaphore, #tpu.memory_space<semaphore_mem>> -> memref<1x!tpu.dma_semaphore, #tpu.memory_space<semaphore_mem>>
        %dma_start3A_2355 = tpu.memref_squeeze %dma_start3A_2354 : memref<1x!tpu.dma_semaphore, #tpu.memory_space<semaphore_mem>> -> memref<!tpu.dma_semaphore, #tpu.memory_space<semaphore_mem>>
        tpu.enqueue_indirect_dma source(%dma_start3A_2353 : memref<1000000x64xf32, #tpu.memory_space<hbm>>) target(%dma_start3A_2350 : memref<16x64xf32, #tpu.memory_space<vmem>>) offsets(%get3A_2341 : vector<16xi32>) semaphore(%dma_start3A_2355 : memref<!tpu.dma_semaphore, #tpu.memory_space<semaphore_mem>>)
        %get3A_2356 = arith.index_cast %sub3A_1749 : i32 to index
        %get3A_2357 = arith.constant 96 : index
        %get3A_2358 = tpu.vector_load %arg5[%get3A_2356, %get3A_2357] {strides = array<i32>} : memref<200x128xi32, #tpu.memory_space<vmem>>, vector<1x16xi32>,
        %get3A_2359 = vector.shape_cast %get3A_2358 : vector<1x16xi32> to vector<16xi32>
        %dma_start3A_2360 = arith.constant 8 : i32
        %dma_start3A_2361 = arith.constant 8 : i32
        %dma_start3A_2362 = arith.constant 0 : i32
        %dma_start3A_2363 = arith.constant 0 : i32
        %dma_start3A_2364 = tpu.memref_slice %arg6[%dma_start3A_2360, %dma_start3A_2362, %dma_start3A_2363] : memref<10x128x64xf32, #tpu.memory_space<vmem>> -> memref<1x128x64xf32, #tpu.memory_space<vmem>>
        %dma_start3A_2365 = tpu.memref_squeeze %dma_start3A_2364 : memref<1x128x64xf32, #tpu.memory_space<vmem>> -> memref<128x64xf32, #tpu.memory_space<vmem>>
        %dma_start3A_2366 = arith.constant 96 : i32
        %dma_start3A_2367 = arith.constant 0 : i32
        %dma_start3A_2368 = tpu.memref_slice %dma_start3A_2365[%dma_start3A_2366, %dma_start3A_2367] : memref<128x64xf32, #tpu.memory_space<vmem>> -> memref<16x64xf32, #tpu.memory_space<vmem>>
        %dma_start3A_2369 = arith.constant 0 : i32
        %dma_start3A_2370 = arith.constant 0 : i32
        %dma_start3A_2371 = tpu.memref_slice %arg2[%dma_start3A_2369, %dma_start3A_2370] : memref<1000000x64xf32, #tpu.memory_space<hbm>> -> memref<1000000x64xf32, #tpu.memory_space<hbm>>
        %dma_start3A_2372 = tpu.memref_slice %arg7[%dma_start3A_2361] : memref<10x!tpu.dma_semaphore, #tpu.memory_space<semaphore_mem>> -> memref<1x!tpu.dma_semaphore, #tpu.memory_space<semaphore_mem>>
        %dma_start3A_2373 = tpu.memref_squeeze %dma_start3A_2372 : memref<1x!tpu.dma_semaphore, #tpu.memory_space<semaphore_mem>> -> memref<!tpu.dma_semaphore, #tpu.memory_space<semaphore_mem>>
        tpu.enqueue_indirect_dma source(%dma_start3A_2371 : memref<1000000x64xf32, #tpu.memory_space<hbm>>) target(%dma_start3A_2368 : memref<16x64xf32, #tpu.memory_space<vmem>>) offsets(%get3A_2359 : vector<16xi32>) semaphore(%dma_start3A_2373 : memref<!tpu.dma_semaphore, #tpu.memory_space<semaphore_mem>>)
        %get3A_2374 = arith.index_cast %sub3A_1749 : i32 to index
        %get3A_2375 = arith.constant 112 : index
        %get3A_2376 = tpu.vector_load %arg5[%get3A_2374, %get3A_2375] {strides = array<i32>} : memref<200x128xi32, #tpu.memory_space<vmem>>, vector<1x16xi32>,
        %get3A_2377 = vector.shape_cast %get3A_2376 : vector<1x16xi32> to vector<16xi32>
        %dma_start3A_2378 = arith.constant 8 : i32
        %dma_start3A_2379 = arith.constant 8 : i32
        %dma_start3A_2380 = arith.constant 0 : i32
        %dma_start3A_2381 = arith.constant 0 : i32
        %dma_start3A_2382 = tpu.memref_slice %arg6[%dma_start3A_2378, %dma_start3A_2380, %dma_start3A_2381] : memref<10x128x64xf32, #tpu.memory_space<vmem>> -> memref<1x128x64xf32, #tpu.memory_space<vmem>>
        %dma_start3A_2383 = tpu.memref_squeeze %dma_start3A_2382 : memref<1x128x64xf32, #tpu.memory_space<vmem>> -> memref<128x64xf32, #tpu.memory_space<vmem>>
        %dma_start3A_2384 = arith.constant 112 : i32
        %dma_start3A_2385 = arith.constant 0 : i32
        %dma_start3A_2386 = tpu.memref_slice %dma_start3A_2383[%dma_start3A_2384, %dma_start3A_2385] : memref<128x64xf32, #tpu.memory_space<vmem>> -> memref<16x64xf32, #tpu.memory_space<vmem>>
        %dma_start3A_2387 = arith.constant 0 : i32
        %dma_start3A_2388 = arith.constant 0 : i32
        %dma_start3A_2389 = tpu.memref_slice %arg2[%dma_start3A_2387, %dma_start3A_2388] : memref<1000000x64xf32, #tpu.memory_space<hbm>> -> memref<1000000x64xf32, #tpu.memory_space<hbm>>
        %dma_start3A_2390 = tpu.memref_slice %arg7[%dma_start3A_2379] : memref<10x!tpu.dma_semaphore, #tpu.memory_space<semaphore_mem>> -> memref<1x!tpu.dma_semaphore, #tpu.memory_space<semaphore_mem>>
        %dma_start3A_2391 = tpu.memref_squeeze %dma_start3A_2390 : memref<1x!tpu.dma_semaphore, #tpu.memory_space<semaphore_mem>> -> memref<!tpu.dma_semaphore, #tpu.memory_space<semaphore_mem>>
        tpu.enqueue_indirect_dma source(%dma_start3A_2389 : memref<1000000x64xf32, #tpu.memory_space<hbm>>) target(%dma_start3A_2386 : memref<16x64xf32, #tpu.memory_space<vmem>>) offsets(%get3A_2377 : vector<16xi32>) semaphore(%dma_start3A_2391 : memref<!tpu.dma_semaphore, #tpu.memory_space<semaphore_mem>>)
      } else {
      }
      %mul3A_1753 = arith.constant 10 : i32
      %mul3A_1754 = arith.muli %scan3A_1705, %mul3A_1753 : i32
      %add3A_1755 = arith.constant 1 : i32
      %add3A_1756 = arith.addi %mul3A_1754, %add3A_1755 : i32
      %dma_wait3A_1757 = arith.constant 1 : i32
      %dma_wait3A_1758 = arith.constant 1 : i32
      %dma_wait3A_1759 = arith.constant 0 : i32
      %dma_wait3A_1760 = arith.constant 0 : i32
      %dma_wait3A_1761 = tpu.memref_slice %arg6[%dma_wait3A_1757, %dma_wait3A_1759, %dma_wait3A_1760] : memref<10x128x64xf32, #tpu.memory_space<vmem>> -> memref<1x128x64xf32, #tpu.memory_space<vmem>>
      %dma_wait3A_1762 = tpu.memref_squeeze %dma_wait3A_1761 : memref<1x128x64xf32, #tpu.memory_space<vmem>> -> memref<128x64xf32, #tpu.memory_space<vmem>>
      %dma_wait3A_1763 = arith.constant 0 : i32
      %dma_wait3A_1764 = arith.constant 0 : i32
      %dma_wait3A_1765 = tpu.memref_slice %arg2[%dma_wait3A_1763, %dma_wait3A_1764] : memref<1000000x64xf32, #tpu.memory_space<hbm>> -> memref<128x64xf32, #tpu.memory_space<hbm>>
      %dma_wait3A_1766 = tpu.memref_slice %arg7[%dma_wait3A_1758] : memref<10x!tpu.dma_semaphore, #tpu.memory_space<semaphore_mem>> -> memref<1x!tpu.dma_semaphore, #tpu.memory_space<semaphore_mem>>
      %dma_wait3A_1767 = tpu.memref_squeeze %dma_wait3A_1766 : memref<1x!tpu.dma_semaphore, #tpu.memory_space<semaphore_mem>> -> memref<!tpu.dma_semaphore, #tpu.memory_space<semaphore_mem>>
      %dma_wait3A_1768 = arith.constant 0 : i32
      %dma_wait3A_1769 = arith.constant 0 : i32
      %dma_wait3A_1770 = tpu.memref_slice %arg6[%dma_wait3A_1757, %dma_wait3A_1768, %dma_wait3A_1769] : memref<10x128x64xf32, #tpu.memory_space<vmem>> -> memref<1x128x64xf32, #tpu.memory_space<vmem>>
      %dma_wait3A_1771 = tpu.memref_squeeze %dma_wait3A_1770 : memref<1x128x64xf32, #tpu.memory_space<vmem>> -> memref<128x64xf32, #tpu.memory_space<vmem>>
      %dma_wait3A_1772 = arith.constant 0 : i32
      %dma_wait3A_1773 = arith.constant 0 : i32
      %dma_wait3A_1774 = tpu.memref_slice %arg2[%dma_wait3A_1772, %dma_wait3A_1773] : memref<1000000x64xf32, #tpu.memory_space<hbm>> -> memref<128x64xf32, #tpu.memory_space<hbm>>
      tpu.wait_dma2 semaphore(%dma_wait3A_1767 : memref<!tpu.dma_semaphore, #tpu.memory_space<semaphore_mem>>) src(%dma_wait3A_1774 : memref<128x64xf32, #tpu.memory_space<hbm>>) dst(%dma_wait3A_1771 : memref<128x64xf32, #tpu.memory_space<vmem>>)
      %mul3A_1775 = arith.constant 128 : i32
      %mul3A_1776 = arith.muli %add3A_1756, %mul3A_1775 : i32
      %add3A_1777 = arith.addi %mul3A_2, %mul3A_1776 : i32
      %dma_start3A_1778 = arith.constant 1 : i32
      %dma_start3A_1779 = arith.constant 1 : i32
      %dma_start3A_1780 = arith.constant 0 : i32
      %dma_start3A_1781 = arith.constant 0 : i32
      %dma_start3A_1782 = tpu.memref_slice %arg6[%dma_start3A_1778, %dma_start3A_1780, %dma_start3A_1781] : memref<10x128x64xf32, #tpu.memory_space<vmem>> -> memref<1x128x64xf32, #tpu.memory_space<vmem>>
      %dma_start3A_1783 = tpu.memref_squeeze %dma_start3A_1782 : memref<1x128x64xf32, #tpu.memory_space<vmem>> -> memref<128x64xf32, #tpu.memory_space<vmem>>
      %dma_start3A_1784 = arith.constant 0 : i32
      %dma_start3A_1785 = tpu.memref_slice %arg4[%add3A_1777, %dma_start3A_1784] : memref<819200x64xf32, #tpu.memory_space<hbm>> -> memref<128x64xf32, #tpu.memory_space<hbm>>
      %dma_start3A_1786 = tpu.memref_slice %arg8[%dma_start3A_1779] : memref<10x!tpu.dma_semaphore, #tpu.memory_space<semaphore_mem>> -> memref<1x!tpu.dma_semaphore, #tpu.memory_space<semaphore_mem>>
      %dma_start3A_1787 = tpu.memref_squeeze %dma_start3A_1786 : memref<1x!tpu.dma_semaphore, #tpu.memory_space<semaphore_mem>> -> memref<!tpu.dma_semaphore, #tpu.memory_space<semaphore_mem>>
      %dma_start3A_1788 = arith.constant 0 : i32
      %dma_start3A_1789 = tpu.memref_slice %arg4[%add3A_1777, %dma_start3A_1788] : memref<819200x64xf32, #tpu.memory_space<hbm>> -> memref<128x64xf32, #tpu.memory_space<hbm>>
      %dma_start3A_1790 = arith.constant 0 : i32
      %dma_start3A_1791 = arith.constant 0 : i32
      %dma_start3A_1792 = tpu.memref_slice %arg6[%dma_start3A_1778, %dma_start3A_1790, %dma_start3A_1791] : memref<10x128x64xf32, #tpu.memory_space<vmem>> -> memref<1x128x64xf32, #tpu.memory_space<vmem>>
      %dma_start3A_1793 = tpu.memref_squeeze %dma_start3A_1792 : memref<1x128x64xf32, #tpu.memory_space<vmem>> -> memref<128x64xf32, #tpu.memory_space<vmem>>
      tpu.enqueue_dma source(%dma_start3A_1793 : memref<128x64xf32, #tpu.memory_space<vmem>>) target(%dma_start3A_1789 : memref<128x64xf32, #tpu.memory_space<hbm>>) target_semaphore(%dma_start3A_1787 : memref<!tpu.dma_semaphore, #tpu.memory_space<semaphore_mem>>)
      %add3A_1794 = arith.constant 10 : i32
      %add3A_1795 = arith.addi %add3A_1756, %add3A_1794 : i32
      %sub3A_1796 = arith.constant 2 : i32
      %sub3A_1797 = arith.subi %add3A_1795, %sub3A_1796 : i32
      %ge3A_1798 = arith.constant 2 : i32
      %ge3A_1799 = arith.cmpi sge, %add3A_1756, %ge3A_1798 : i32
      %lt3A_1800 = arith.constant 200 : i32
      %lt3A_1801 = arith.cmpi slt, %sub3A_1797, %lt3A_1800 : i32
      %and3A_1802 = arith.andi %ge3A_1799, %lt3A_1801 : i1
      %convert_element_type3A_1803 = arith.extui %and3A_1802 : i1 to i32
      %cond3A_1804 = arith.constant 0 : i32
      %cond3A_1805 = arith.cmpi ne, %convert_element_type3A_1803, %cond3A_1804 : i32
      scf.if %cond3A_1805 {
        %dma_wait3A_2230 = arith.constant 9 : i32
        %dma_wait3A_2231 = arith.constant 9 : i32
        %dma_wait3A_2232 = arith.constant 0 : i32
        %dma_wait3A_2233 = arith.constant 0 : i32
        %dma_wait3A_2234 = tpu.memref_slice %arg6[%dma_wait3A_2230, %dma_wait3A_2232, %dma_wait3A_2233] : memref<10x128x64xf32, #tpu.memory_space<vmem>> -> memref<1x128x64xf32, #tpu.memory_space<vmem>>
        %dma_wait3A_2235 = tpu.memref_squeeze %dma_wait3A_2234 : memref<1x128x64xf32, #tpu.memory_space<vmem>> -> memref<128x64xf32, #tpu.memory_space<vmem>>
        %dma_wait3A_2236 = arith.constant 0 : i32
        %dma_wait3A_2237 = arith.constant 0 : i32
        %dma_wait3A_2238 = tpu.memref_slice %arg2[%dma_wait3A_2236, %dma_wait3A_2237] : memref<1000000x64xf32, #tpu.memory_space<hbm>> -> memref<128x64xf32, #tpu.memory_space<hbm>>
        %dma_wait3A_2239 = tpu.memref_slice %arg8[%dma_wait3A_2231] : memref<10x!tpu.dma_semaphore, #tpu.memory_space<semaphore_mem>> -> memref<1x!tpu.dma_semaphore, #tpu.memory_space<semaphore_mem>>
        %dma_wait3A_2240 = tpu.memref_squeeze %dma_wait3A_2239 : memref<1x!tpu.dma_semaphore, #tpu.memory_space<semaphore_mem>> -> memref<!tpu.dma_semaphore, #tpu.memory_space<semaphore_mem>>
        %dma_wait3A_2241 = arith.constant 0 : i32
        %dma_wait3A_2242 = arith.constant 0 : i32
        %dma_wait3A_2243 = tpu.memref_slice %arg6[%dma_wait3A_2230, %dma_wait3A_2241, %dma_wait3A_2242] : memref<10x128x64xf32, #tpu.memory_space<vmem>> -> memref<1x128x64xf32, #tpu.memory_space<vmem>>
        %dma_wait3A_2244 = tpu.memref_squeeze %dma_wait3A_2243 : memref<1x128x64xf32, #tpu.memory_space<vmem>> -> memref<128x64xf32, #tpu.memory_space<vmem>>
        %dma_wait3A_2245 = arith.constant 0 : i32
        %dma_wait3A_2246 = arith.constant 0 : i32
        %dma_wait3A_2247 = tpu.memref_slice %arg2[%dma_wait3A_2245, %dma_wait3A_2246] : memref<1000000x64xf32, #tpu.memory_space<hbm>> -> memref<128x64xf32, #tpu.memory_space<hbm>>
        tpu.wait_dma2 semaphore(%dma_wait3A_2240 : memref<!tpu.dma_semaphore, #tpu.memory_space<semaphore_mem>>) src(%dma_wait3A_2247 : memref<128x64xf32, #tpu.memory_space<hbm>>) dst(%dma_wait3A_2244 : memref<128x64xf32, #tpu.memory_space<vmem>>)
        %get3A_2248 = arith.index_cast %sub3A_1797 : i32 to index
        %get3A_2249 = arith.constant 0 : index
        %get3A_2250 = tpu.vector_load %arg5[%get3A_2248, %get3A_2249] {strides = array<i32>} : memref<200x128xi32, #tpu.memory_space<vmem>>, vector<1x16xi32>,
        %get3A_2251 = vector.shape_cast %get3A_2250 : vector<1x16xi32> to vector<16xi32>
        %dma_start3A_2252 = arith.constant 9 : i32
        %dma_start3A_2253 = arith.constant 9 : i32
        %dma_start3A_2254 = arith.constant 0 : i32
        %dma_start3A_2255 = arith.constant 0 : i32
        %dma_start3A_2256 = tpu.memref_slice %arg6[%dma_start3A_2252, %dma_start3A_2254, %dma_start3A_2255] : memref<10x128x64xf32, #tpu.memory_space<vmem>> -> memref<1x128x64xf32, #tpu.memory_space<vmem>>
        %dma_start3A_2257 = tpu.memref_squeeze %dma_start3A_2256 : memref<1x128x64xf32, #tpu.memory_space<vmem>> -> memref<128x64xf32, #tpu.memory_space<vmem>>
        %dma_start3A_2258 = arith.constant 0 : i32
        %dma_start3A_2259 = arith.constant 0 : i32
        %dma_start3A_2260 = tpu.memref_slice %dma_start3A_2257[%dma_start3A_2258, %dma_start3A_2259] : memref<128x64xf32, #tpu.memory_space<vmem>> -> memref<16x64xf32, #tpu.memory_space<vmem>>
        %dma_start3A_2261 = arith.constant 0 : i32
        %dma_start3A_2262 = arith.constant 0 : i32
        %dma_start3A_2263 = tpu.memref_slice %arg2[%dma_start3A_2261, %dma_start3A_2262] : memref<1000000x64xf32, #tpu.memory_space<hbm>> -> memref<1000000x64xf32, #tpu.memory_space<hbm>>
        %dma_start3A_2264 = tpu.memref_slice %arg7[%dma_start3A_2253] : memref<10x!tpu.dma_semaphore, #tpu.memory_space<semaphore_mem>> -> memref<1x!tpu.dma_semaphore, #tpu.memory_space<semaphore_mem>>
        %dma_start3A_2265 = tpu.memref_squeeze %dma_start3A_2264 : memref<1x!tpu.dma_semaphore, #tpu.memory_space<semaphore_mem>> -> memref<!tpu.dma_semaphore, #tpu.memory_space<semaphore_mem>>
        tpu.enqueue_indirect_dma source(%dma_start3A_2263 : memref<1000000x64xf32, #tpu.memory_space<hbm>>) target(%dma_start3A_2260 : memref<16x64xf32, #tpu.memory_space<vmem>>) offsets(%get3A_2251 : vector<16xi32>) semaphore(%dma_start3A_2265 : memref<!tpu.dma_semaphore, #tpu.memory_space<semaphore_mem>>)
        %get3A_2266 = arith.index_cast %sub3A_1797 : i32 to index
        %get3A_2267 = arith.constant 16 : index
        %get3A_2268 = tpu.vector_load %arg5[%get3A_2266, %get3A_2267] {strides = array<i32>} : memref<200x128xi32, #tpu.memory_space<vmem>>, vector<1x16xi32>,
        %get3A_2269 = vector.shape_cast %get3A_2268 : vector<1x16xi32> to vector<16xi32>
        %dma_start3A_2270 = arith.constant 9 : i32
        %dma_start3A_2271 = arith.constant 9 : i32
        %dma_start3A_2272 = arith.constant 0 : i32
        %dma_start3A_2273 = arith.constant 0 : i32
        %dma_start3A_2274 = tpu.memref_slice %arg6[%dma_start3A_2270, %dma_start3A_2272, %dma_start3A_2273] : memref<10x128x64xf32, #tpu.memory_space<vmem>> -> memref<1x128x64xf32, #tpu.memory_space<vmem>>
        %dma_start3A_2275 = tpu.memref_squeeze %dma_start3A_2274 : memref<1x128x64xf32, #tpu.memory_space<vmem>> -> memref<128x64xf32, #tpu.memory_space<vmem>>
        %dma_start3A_2276 = arith.constant 16 : i32
        %dma_start3A_2277 = arith.constant 0 : i32
        %dma_start3A_2278 = tpu.memref_slice %dma_start3A_2275[%dma_start3A_2276, %dma_start3A_2277] : memref<128x64xf32, #tpu.memory_space<vmem>> -> memref<16x64xf32, #tpu.memory_space<vmem>>
        %dma_start3A_2279 = arith.constant 0 : i32
        %dma_start3A_2280 = arith.constant 0 : i32
        %dma_start3A_2281 = tpu.memref_slice %arg2[%dma_start3A_2279, %dma_start3A_2280] : memref<1000000x64xf32, #tpu.memory_space<hbm>> -> memref<1000000x64xf32, #tpu.memory_space<hbm>>
        %dma_start3A_2282 = tpu.memref_slice %arg7[%dma_start3A_2271] : memref<10x!tpu.dma_semaphore, #tpu.memory_space<semaphore_mem>> -> memref<1x!tpu.dma_semaphore, #tpu.memory_space<semaphore_mem>>
        %dma_start3A_2283 = tpu.memref_squeeze %dma_start3A_2282 : memref<1x!tpu.dma_semaphore, #tpu.memory_space<semaphore_mem>> -> memref<!tpu.dma_semaphore, #tpu.memory_space<semaphore_mem>>
        tpu.enqueue_indirect_dma source(%dma_start3A_2281 : memref<1000000x64xf32, #tpu.memory_space<hbm>>) target(%dma_start3A_2278 : memref<16x64xf32, #tpu.memory_space<vmem>>) offsets(%get3A_2269 : vector<16xi32>) semaphore(%dma_start3A_2283 : memref<!tpu.dma_semaphore, #tpu.memory_space<semaphore_mem>>)
        %get3A_2284 = arith.index_cast %sub3A_1797 : i32 to index
        %get3A_2285 = arith.constant 32 : index
        %get3A_2286 = tpu.vector_load %arg5[%get3A_2284, %get3A_2285] {strides = array<i32>} : memref<200x128xi32, #tpu.memory_space<vmem>>, vector<1x16xi32>,
        %get3A_2287 = vector.shape_cast %get3A_2286 : vector<1x16xi32> to vector<16xi32>
        %dma_start3A_2288 = arith.constant 9 : i32
        %dma_start3A_2289 = arith.constant 9 : i32
        %dma_start3A_2290 = arith.constant 0 : i32
        %dma_start3A_2291 = arith.constant 0 : i32
        %dma_start3A_2292 = tpu.memref_slice %arg6[%dma_start3A_2288, %dma_start3A_2290, %dma_start3A_2291] : memref<10x128x64xf32, #tpu.memory_space<vmem>> -> memref<1x128x64xf32, #tpu.memory_space<vmem>>
        %dma_start3A_2293 = tpu.memref_squeeze %dma_start3A_2292 : memref<1x128x64xf32, #tpu.memory_space<vmem>> -> memref<128x64xf32, #tpu.memory_space<vmem>>
        %dma_start3A_2294 = arith.constant 32 : i32
        %dma_start3A_2295 = arith.constant 0 : i32
        %dma_start3A_2296 = tpu.memref_slice %dma_start3A_2293[%dma_start3A_2294, %dma_start3A_2295] : memref<128x64xf32, #tpu.memory_space<vmem>> -> memref<16x64xf32, #tpu.memory_space<vmem>>
        %dma_start3A_2297 = arith.constant 0 : i32
        %dma_start3A_2298 = arith.constant 0 : i32
        %dma_start3A_2299 = tpu.memref_slice %arg2[%dma_start3A_2297, %dma_start3A_2298] : memref<1000000x64xf32, #tpu.memory_space<hbm>> -> memref<1000000x64xf32, #tpu.memory_space<hbm>>
        %dma_start3A_2300 = tpu.memref_slice %arg7[%dma_start3A_2289] : memref<10x!tpu.dma_semaphore, #tpu.memory_space<semaphore_mem>> -> memref<1x!tpu.dma_semaphore, #tpu.memory_space<semaphore_mem>>
        %dma_start3A_2301 = tpu.memref_squeeze %dma_start3A_2300 : memref<1x!tpu.dma_semaphore, #tpu.memory_space<semaphore_mem>> -> memref<!tpu.dma_semaphore, #tpu.memory_space<semaphore_mem>>
        tpu.enqueue_indirect_dma source(%dma_start3A_2299 : memref<1000000x64xf32, #tpu.memory_space<hbm>>) target(%dma_start3A_2296 : memref<16x64xf32, #tpu.memory_space<vmem>>) offsets(%get3A_2287 : vector<16xi32>) semaphore(%dma_start3A_2301 : memref<!tpu.dma_semaphore, #tpu.memory_space<semaphore_mem>>)
        %get3A_2302 = arith.index_cast %sub3A_1797 : i32 to index
        %get3A_2303 = arith.constant 48 : index
        %get3A_2304 = tpu.vector_load %arg5[%get3A_2302, %get3A_2303] {strides = array<i32>} : memref<200x128xi32, #tpu.memory_space<vmem>>, vector<1x16xi32>,
        %get3A_2305 = vector.shape_cast %get3A_2304 : vector<1x16xi32> to vector<16xi32>
        %dma_start3A_2306 = arith.constant 9 : i32
        %dma_start3A_2307 = arith.constant 9 : i32
        %dma_start3A_2308 = arith.constant 0 : i32
        %dma_start3A_2309 = arith.constant 0 : i32
        %dma_start3A_2310 = tpu.memref_slice %arg6[%dma_start3A_2306, %dma_start3A_2308, %dma_start3A_2309] : memref<10x128x64xf32, #tpu.memory_space<vmem>> -> memref<1x128x64xf32, #tpu.memory_space<vmem>>
        %dma_start3A_2311 = tpu.memref_squeeze %dma_start3A_2310 : memref<1x128x64xf32, #tpu.memory_space<vmem>> -> memref<128x64xf32, #tpu.memory_space<vmem>>
        %dma_start3A_2312 = arith.constant 48 : i32
        %dma_start3A_2313 = arith.constant 0 : i32
        %dma_start3A_2314 = tpu.memref_slice %dma_start3A_2311[%dma_start3A_2312, %dma_start3A_2313] : memref<128x64xf32, #tpu.memory_space<vmem>> -> memref<16x64xf32, #tpu.memory_space<vmem>>
        %dma_start3A_2315 = arith.constant 0 : i32
        %dma_start3A_2316 = arith.constant 0 : i32
        %dma_start3A_2317 = tpu.memref_slice %arg2[%dma_start3A_2315, %dma_start3A_2316] : memref<1000000x64xf32, #tpu.memory_space<hbm>> -> memref<1000000x64xf32, #tpu.memory_space<hbm>>
        %dma_start3A_2318 = tpu.memref_slice %arg7[%dma_start3A_2307] : memref<10x!tpu.dma_semaphore, #tpu.memory_space<semaphore_mem>> -> memref<1x!tpu.dma_semaphore, #tpu.memory_space<semaphore_mem>>
        %dma_start3A_2319 = tpu.memref_squeeze %dma_start3A_2318 : memref<1x!tpu.dma_semaphore, #tpu.memory_space<semaphore_mem>> -> memref<!tpu.dma_semaphore, #tpu.memory_space<semaphore_mem>>
        tpu.enqueue_indirect_dma source(%dma_start3A_2317 : memref<1000000x64xf32, #tpu.memory_space<hbm>>) target(%dma_start3A_2314 : memref<16x64xf32, #tpu.memory_space<vmem>>) offsets(%get3A_2305 : vector<16xi32>) semaphore(%dma_start3A_2319 : memref<!tpu.dma_semaphore, #tpu.memory_space<semaphore_mem>>)
        %get3A_2320 = arith.index_cast %sub3A_1797 : i32 to index
        %get3A_2321 = arith.constant 64 : index
        %get3A_2322 = tpu.vector_load %arg5[%get3A_2320, %get3A_2321] {strides = array<i32>} : memref<200x128xi32, #tpu.memory_space<vmem>>, vector<1x16xi32>,
        %get3A_2323 = vector.shape_cast %get3A_2322 : vector<1x16xi32> to vector<16xi32>
        %dma_start3A_2324 = arith.constant 9 : i32
        %dma_start3A_2325 = arith.constant 9 : i32
        %dma_start3A_2326 = arith.constant 0 : i32
        %dma_start3A_2327 = arith.constant 0 : i32
        %dma_start3A_2328 = tpu.memref_slice %arg6[%dma_start3A_2324, %dma_start3A_2326, %dma_start3A_2327] : memref<10x128x64xf32, #tpu.memory_space<vmem>> -> memref<1x128x64xf32, #tpu.memory_space<vmem>>
        %dma_start3A_2329 = tpu.memref_squeeze %dma_start3A_2328 : memref<1x128x64xf32, #tpu.memory_space<vmem>> -> memref<128x64xf32, #tpu.memory_space<vmem>>
        %dma_start3A_2330 = arith.constant 64 : i32
        %dma_start3A_2331 = arith.constant 0 : i32
        %dma_start3A_2332 = tpu.memref_slice %dma_start3A_2329[%dma_start3A_2330, %dma_start3A_2331] : memref<128x64xf32, #tpu.memory_space<vmem>> -> memref<16x64xf32, #tpu.memory_space<vmem>>
        %dma_start3A_2333 = arith.constant 0 : i32
        %dma_start3A_2334 = arith.constant 0 : i32
        %dma_start3A_2335 = tpu.memref_slice %arg2[%dma_start3A_2333, %dma_start3A_2334] : memref<1000000x64xf32, #tpu.memory_space<hbm>> -> memref<1000000x64xf32, #tpu.memory_space<hbm>>
        %dma_start3A_2336 = tpu.memref_slice %arg7[%dma_start3A_2325] : memref<10x!tpu.dma_semaphore, #tpu.memory_space<semaphore_mem>> -> memref<1x!tpu.dma_semaphore, #tpu.memory_space<semaphore_mem>>
        %dma_start3A_2337 = tpu.memref_squeeze %dma_start3A_2336 : memref<1x!tpu.dma_semaphore, #tpu.memory_space<semaphore_mem>> -> memref<!tpu.dma_semaphore, #tpu.memory_space<semaphore_mem>>
        tpu.enqueue_indirect_dma source(%dma_start3A_2335 : memref<1000000x64xf32, #tpu.memory_space<hbm>>) target(%dma_start3A_2332 : memref<16x64xf32, #tpu.memory_space<vmem>>) offsets(%get3A_2323 : vector<16xi32>) semaphore(%dma_start3A_2337 : memref<!tpu.dma_semaphore, #tpu.memory_space<semaphore_mem>>)
        %get3A_2338 = arith.index_cast %sub3A_1797 : i32 to index
        %get3A_2339 = arith.constant 80 : index
        %get3A_2340 = tpu.vector_load %arg5[%get3A_2338, %get3A_2339] {strides = array<i32>} : memref<200x128xi32, #tpu.memory_space<vmem>>, vector<1x16xi32>,
        %get3A_2341 = vector.shape_cast %get3A_2340 : vector<1x16xi32> to vector<16xi32>
        %dma_start3A_2342 = arith.constant 9 : i32
        %dma_start3A_2343 = arith.constant 9 : i32
        %dma_start3A_2344 = arith.constant 0 : i32
        %dma_start3A_2345 = arith.constant 0 : i32
        %dma_start3A_2346 = tpu.memref_slice %arg6[%dma_start3A_2342, %dma_start3A_2344, %dma_start3A_2345] : memref<10x128x64xf32, #tpu.memory_space<vmem>> -> memref<1x128x64xf32, #tpu.memory_space<vmem>>
        %dma_start3A_2347 = tpu.memref_squeeze %dma_start3A_2346 : memref<1x128x64xf32, #tpu.memory_space<vmem>> -> memref<128x64xf32, #tpu.memory_space<vmem>>
        %dma_start3A_2348 = arith.constant 80 : i32
        %dma_start3A_2349 = arith.constant 0 : i32
        %dma_start3A_2350 = tpu.memref_slice %dma_start3A_2347[%dma_start3A_2348, %dma_start3A_2349] : memref<128x64xf32, #tpu.memory_space<vmem>> -> memref<16x64xf32, #tpu.memory_space<vmem>>
        %dma_start3A_2351 = arith.constant 0 : i32
        %dma_start3A_2352 = arith.constant 0 : i32
        %dma_start3A_2353 = tpu.memref_slice %arg2[%dma_start3A_2351, %dma_start3A_2352] : memref<1000000x64xf32, #tpu.memory_space<hbm>> -> memref<1000000x64xf32, #tpu.memory_space<hbm>>
        %dma_start3A_2354 = tpu.memref_slice %arg7[%dma_start3A_2343] : memref<10x!tpu.dma_semaphore, #tpu.memory_space<semaphore_mem>> -> memref<1x!tpu.dma_semaphore, #tpu.memory_space<semaphore_mem>>
        %dma_start3A_2355 = tpu.memref_squeeze %dma_start3A_2354 : memref<1x!tpu.dma_semaphore, #tpu.memory_space<semaphore_mem>> -> memref<!tpu.dma_semaphore, #tpu.memory_space<semaphore_mem>>
        tpu.enqueue_indirect_dma source(%dma_start3A_2353 : memref<1000000x64xf32, #tpu.memory_space<hbm>>) target(%dma_start3A_2350 : memref<16x64xf32, #tpu.memory_space<vmem>>) offsets(%get3A_2341 : vector<16xi32>) semaphore(%dma_start3A_2355 : memref<!tpu.dma_semaphore, #tpu.memory_space<semaphore_mem>>)
        %get3A_2356 = arith.index_cast %sub3A_1797 : i32 to index
        %get3A_2357 = arith.constant 96 : index
        %get3A_2358 = tpu.vector_load %arg5[%get3A_2356, %get3A_2357] {strides = array<i32>} : memref<200x128xi32, #tpu.memory_space<vmem>>, vector<1x16xi32>,
        %get3A_2359 = vector.shape_cast %get3A_2358 : vector<1x16xi32> to vector<16xi32>
        %dma_start3A_2360 = arith.constant 9 : i32
        %dma_start3A_2361 = arith.constant 9 : i32
        %dma_start3A_2362 = arith.constant 0 : i32
        %dma_start3A_2363 = arith.constant 0 : i32
        %dma_start3A_2364 = tpu.memref_slice %arg6[%dma_start3A_2360, %dma_start3A_2362, %dma_start3A_2363] : memref<10x128x64xf32, #tpu.memory_space<vmem>> -> memref<1x128x64xf32, #tpu.memory_space<vmem>>
        %dma_start3A_2365 = tpu.memref_squeeze %dma_start3A_2364 : memref<1x128x64xf32, #tpu.memory_space<vmem>> -> memref<128x64xf32, #tpu.memory_space<vmem>>
        %dma_start3A_2366 = arith.constant 96 : i32
        %dma_start3A_2367 = arith.constant 0 : i32
        %dma_start3A_2368 = tpu.memref_slice %dma_start3A_2365[%dma_start3A_2366, %dma_start3A_2367] : memref<128x64xf32, #tpu.memory_space<vmem>> -> memref<16x64xf32, #tpu.memory_space<vmem>>
        %dma_start3A_2369 = arith.constant 0 : i32
        %dma_start3A_2370 = arith.constant 0 : i32
        %dma_start3A_2371 = tpu.memref_slice %arg2[%dma_start3A_2369, %dma_start3A_2370] : memref<1000000x64xf32, #tpu.memory_space<hbm>> -> memref<1000000x64xf32, #tpu.memory_space<hbm>>
        %dma_start3A_2372 = tpu.memref_slice %arg7[%dma_start3A_2361] : memref<10x!tpu.dma_semaphore, #tpu.memory_space<semaphore_mem>> -> memref<1x!tpu.dma_semaphore, #tpu.memory_space<semaphore_mem>>
        %dma_start3A_2373 = tpu.memref_squeeze %dma_start3A_2372 : memref<1x!tpu.dma_semaphore, #tpu.memory_space<semaphore_mem>> -> memref<!tpu.dma_semaphore, #tpu.memory_space<semaphore_mem>>
        tpu.enqueue_indirect_dma source(%dma_start3A_2371 : memref<1000000x64xf32, #tpu.memory_space<hbm>>) target(%dma_start3A_2368 : memref<16x64xf32, #tpu.memory_space<vmem>>) offsets(%get3A_2359 : vector<16xi32>) semaphore(%dma_start3A_2373 : memref<!tpu.dma_semaphore, #tpu.memory_space<semaphore_mem>>)
        %get3A_2374 = arith.index_cast %sub3A_1797 : i32 to index
        %get3A_2375 = arith.constant 112 : index
        %get3A_2376 = tpu.vector_load %arg5[%get3A_2374, %get3A_2375] {strides = array<i32>} : memref<200x128xi32, #tpu.memory_space<vmem>>, vector<1x16xi32>,
        %get3A_2377 = vector.shape_cast %get3A_2376 : vector<1x16xi32> to vector<16xi32>
        %dma_start3A_2378 = arith.constant 9 : i32
        %dma_start3A_2379 = arith.constant 9 : i32
        %dma_start3A_2380 = arith.constant 0 : i32
        %dma_start3A_2381 = arith.constant 0 : i32
        %dma_start3A_2382 = tpu.memref_slice %arg6[%dma_start3A_2378, %dma_start3A_2380, %dma_start3A_2381] : memref<10x128x64xf32, #tpu.memory_space<vmem>> -> memref<1x128x64xf32, #tpu.memory_space<vmem>>
        %dma_start3A_2383 = tpu.memref_squeeze %dma_start3A_2382 : memref<1x128x64xf32, #tpu.memory_space<vmem>> -> memref<128x64xf32, #tpu.memory_space<vmem>>
        %dma_start3A_2384 = arith.constant 112 : i32
        %dma_start3A_2385 = arith.constant 0 : i32
        %dma_start3A_2386 = tpu.memref_slice %dma_start3A_2383[%dma_start3A_2384, %dma_start3A_2385] : memref<128x64xf32, #tpu.memory_space<vmem>> -> memref<16x64xf32, #tpu.memory_space<vmem>>
        %dma_start3A_2387 = arith.constant 0 : i32
        %dma_start3A_2388 = arith.constant 0 : i32
        %dma_start3A_2389 = tpu.memref_slice %arg2[%dma_start3A_2387, %dma_start3A_2388] : memref<1000000x64xf32, #tpu.memory_space<hbm>> -> memref<1000000x64xf32, #tpu.memory_space<hbm>>
        %dma_start3A_2390 = tpu.memref_slice %arg7[%dma_start3A_2379] : memref<10x!tpu.dma_semaphore, #tpu.memory_space<semaphore_mem>> -> memref<1x!tpu.dma_semaphore, #tpu.memory_space<semaphore_mem>>
        %dma_start3A_2391 = tpu.memref_squeeze %dma_start3A_2390 : memref<1x!tpu.dma_semaphore, #tpu.memory_space<semaphore_mem>> -> memref<!tpu.dma_semaphore, #tpu.memory_space<semaphore_mem>>
        tpu.enqueue_indirect_dma source(%dma_start3A_2389 : memref<1000000x64xf32, #tpu.memory_space<hbm>>) target(%dma_start3A_2386 : memref<16x64xf32, #tpu.memory_space<vmem>>) offsets(%get3A_2377 : vector<16xi32>) semaphore(%dma_start3A_2391 : memref<!tpu.dma_semaphore, #tpu.memory_space<semaphore_mem>>)
      } else {
      }
      %mul3A_1806 = arith.constant 10 : i32
      %mul3A_1807 = arith.muli %scan3A_1705, %mul3A_1806 : i32
      %add3A_1808 = arith.constant 2 : i32
      %add3A_1809 = arith.addi %mul3A_1807, %add3A_1808 : i32
      %dma_wait3A_1810 = arith.constant 2 : i32
      %dma_wait3A_1811 = arith.constant 2 : i32
      %dma_wait3A_1812 = arith.constant 0 : i32
      %dma_wait3A_1813 = arith.constant 0 : i32
      %dma_wait3A_1814 = tpu.memref_slice %arg6[%dma_wait3A_1810, %dma_wait3A_1812, %dma_wait3A_1813] : memref<10x128x64xf32, #tpu.memory_space<vmem>> -> memref<1x128x64xf32, #tpu.memory_space<vmem>>
      %dma_wait3A_1815 = tpu.memref_squeeze %dma_wait3A_1814 : memref<1x128x64xf32, #tpu.memory_space<vmem>> -> memref<128x64xf32, #tpu.memory_space<vmem>>
      %dma_wait3A_1816 = arith.constant 0 : i32
      %dma_wait3A_1817 = arith.constant 0 : i32
      %dma_wait3A_1818 = tpu.memref_slice %arg2[%dma_wait3A_1816, %dma_wait3A_1817] : memref<1000000x64xf32, #tpu.memory_space<hbm>> -> memref<128x64xf32, #tpu.memory_space<hbm>>
      %dma_wait3A_1819 = tpu.memref_slice %arg7[%dma_wait3A_1811] : memref<10x!tpu.dma_semaphore, #tpu.memory_space<semaphore_mem>> -> memref<1x!tpu.dma_semaphore, #tpu.memory_space<semaphore_mem>>
      %dma_wait3A_1820 = tpu.memref_squeeze %dma_wait3A_1819 : memref<1x!tpu.dma_semaphore, #tpu.memory_space<semaphore_mem>> -> memref<!tpu.dma_semaphore, #tpu.memory_space<semaphore_mem>>
      %dma_wait3A_1821 = arith.constant 0 : i32
      %dma_wait3A_1822 = arith.constant 0 : i32
      %dma_wait3A_1823 = tpu.memref_slice %arg6[%dma_wait3A_1810, %dma_wait3A_1821, %dma_wait3A_1822] : memref<10x128x64xf32, #tpu.memory_space<vmem>> -> memref<1x128x64xf32, #tpu.memory_space<vmem>>
      %dma_wait3A_1824 = tpu.memref_squeeze %dma_wait3A_1823 : memref<1x128x64xf32, #tpu.memory_space<vmem>> -> memref<128x64xf32, #tpu.memory_space<vmem>>
      %dma_wait3A_1825 = arith.constant 0 : i32
      %dma_wait3A_1826 = arith.constant 0 : i32
      %dma_wait3A_1827 = tpu.memref_slice %arg2[%dma_wait3A_1825, %dma_wait3A_1826] : memref<1000000x64xf32, #tpu.memory_space<hbm>> -> memref<128x64xf32, #tpu.memory_space<hbm>>
      tpu.wait_dma2 semaphore(%dma_wait3A_1820 : memref<!tpu.dma_semaphore, #tpu.memory_space<semaphore_mem>>) src(%dma_wait3A_1827 : memref<128x64xf32, #tpu.memory_space<hbm>>) dst(%dma_wait3A_1824 : memref<128x64xf32, #tpu.memory_space<vmem>>)
      %mul3A_1828 = arith.constant 128 : i32
      %mul3A_1829 = arith.muli %add3A_1809, %mul3A_1828 : i32
      %add3A_1830 = arith.addi %mul3A_2, %mul3A_1829 : i32
      %dma_start3A_1831 = arith.constant 2 : i32
      %dma_start3A_1832 = arith.constant 2 : i32
      %dma_start3A_1833 = arith.constant 0 : i32
      %dma_start3A_1834 = arith.constant 0 : i32
      %dma_start3A_1835 = tpu.memref_slice %arg6[%dma_start3A_1831, %dma_start3A_1833, %dma_start3A_1834] : memref<10x128x64xf32, #tpu.memory_space<vmem>> -> memref<1x128x64xf32, #tpu.memory_space<vmem>>
      %dma_start3A_1836 = tpu.memref_squeeze %dma_start3A_1835 : memref<1x128x64xf32, #tpu.memory_space<vmem>> -> memref<128x64xf32, #tpu.memory_space<vmem>>
      %dma_start3A_1837 = arith.constant 0 : i32
      %dma_start3A_1838 = tpu.memref_slice %arg4[%add3A_1830, %dma_start3A_1837] : memref<819200x64xf32, #tpu.memory_space<hbm>> -> memref<128x64xf32, #tpu.memory_space<hbm>>
      %dma_start3A_1839 = tpu.memref_slice %arg8[%dma_start3A_1832] : memref<10x!tpu.dma_semaphore, #tpu.memory_space<semaphore_mem>> -> memref<1x!tpu.dma_semaphore, #tpu.memory_space<semaphore_mem>>
      %dma_start3A_1840 = tpu.memref_squeeze %dma_start3A_1839 : memref<1x!tpu.dma_semaphore, #tpu.memory_space<semaphore_mem>> -> memref<!tpu.dma_semaphore, #tpu.memory_space<semaphore_mem>>
      %dma_start3A_1841 = arith.constant 0 : i32
      %dma_start3A_1842 = tpu.memref_slice %arg4[%add3A_1830, %dma_start3A_1841] : memref<819200x64xf32, #tpu.memory_space<hbm>> -> memref<128x64xf32, #tpu.memory_space<hbm>>
      %dma_start3A_1843 = arith.constant 0 : i32
      %dma_start3A_1844 = arith.constant 0 : i32
      %dma_start3A_1845 = tpu.memref_slice %arg6[%dma_start3A_1831, %dma_start3A_1843, %dma_start3A_1844] : memref<10x128x64xf32, #tpu.memory_space<vmem>> -> memref<1x128x64xf32, #tpu.memory_space<vmem>>
      %dma_start3A_1846 = tpu.memref_squeeze %dma_start3A_1845 : memref<1x128x64xf32, #tpu.memory_space<vmem>> -> memref<128x64xf32, #tpu.memory_space<vmem>>
      tpu.enqueue_dma source(%dma_start3A_1846 : memref<128x64xf32, #tpu.memory_space<vmem>>) target(%dma_start3A_1842 : memref<128x64xf32, #tpu.memory_space<hbm>>) target_semaphore(%dma_start3A_1840 : memref<!tpu.dma_semaphore, #tpu.memory_space<semaphore_mem>>)
      %add3A_1847 = arith.constant 10 : i32
      %add3A_1848 = arith.addi %add3A_1809, %add3A_1847 : i32
      %sub3A_1849 = arith.constant 2 : i32
      %sub3A_1850 = arith.subi %add3A_1848, %sub3A_1849 : i32
      %ge3A_1851 = arith.constant 2 : i32
      %ge3A_1852 = arith.cmpi sge, %add3A_1809, %ge3A_1851 : i32
      %lt3A_1853 = arith.constant 200 : i32
      %lt3A_1854 = arith.cmpi slt, %sub3A_1850, %lt3A_1853 : i32
      %and3A_1855 = arith.andi %ge3A_1852, %lt3A_1854 : i1
      %convert_element_type3A_1856 = arith.extui %and3A_1855 : i1 to i32
      %cond3A_1857 = arith.constant 0 : i32
      %cond3A_1858 = arith.cmpi ne, %convert_element_type3A_1856, %cond3A_1857 : i32
      scf.if %cond3A_1858 {
        %dma_wait3A_2230 = arith.constant 0 : i32
        %dma_wait3A_2231 = arith.constant 0 : i32
        %dma_wait3A_2232 = arith.constant 0 : i32
        %dma_wait3A_2233 = arith.constant 0 : i32
        %dma_wait3A_2234 = tpu.memref_slice %arg6[%dma_wait3A_2230, %dma_wait3A_2232, %dma_wait3A_2233] : memref<10x128x64xf32, #tpu.memory_space<vmem>> -> memref<1x128x64xf32, #tpu.memory_space<vmem>>
        %dma_wait3A_2235 = tpu.memref_squeeze %dma_wait3A_2234 : memref<1x128x64xf32, #tpu.memory_space<vmem>> -> memref<128x64xf32, #tpu.memory_space<vmem>>
        %dma_wait3A_2236 = arith.constant 0 : i32
        %dma_wait3A_2237 = arith.constant 0 : i32
        %dma_wait3A_2238 = tpu.memref_slice %arg2[%dma_wait3A_2236, %dma_wait3A_2237] : memref<1000000x64xf32, #tpu.memory_space<hbm>> -> memref<128x64xf32, #tpu.memory_space<hbm>>
        %dma_wait3A_2239 = tpu.memref_slice %arg8[%dma_wait3A_2231] : memref<10x!tpu.dma_semaphore, #tpu.memory_space<semaphore_mem>> -> memref<1x!tpu.dma_semaphore, #tpu.memory_space<semaphore_mem>>
        %dma_wait3A_2240 = tpu.memref_squeeze %dma_wait3A_2239 : memref<1x!tpu.dma_semaphore, #tpu.memory_space<semaphore_mem>> -> memref<!tpu.dma_semaphore, #tpu.memory_space<semaphore_mem>>
        %dma_wait3A_2241 = arith.constant 0 : i32
        %dma_wait3A_2242 = arith.constant 0 : i32
        %dma_wait3A_2243 = tpu.memref_slice %arg6[%dma_wait3A_2230, %dma_wait3A_2241, %dma_wait3A_2242] : memref<10x128x64xf32, #tpu.memory_space<vmem>> -> memref<1x128x64xf32, #tpu.memory_space<vmem>>
        %dma_wait3A_2244 = tpu.memref_squeeze %dma_wait3A_2243 : memref<1x128x64xf32, #tpu.memory_space<vmem>> -> memref<128x64xf32, #tpu.memory_space<vmem>>
        %dma_wait3A_2245 = arith.constant 0 : i32
        %dma_wait3A_2246 = arith.constant 0 : i32
        %dma_wait3A_2247 = tpu.memref_slice %arg2[%dma_wait3A_2245, %dma_wait3A_2246] : memref<1000000x64xf32, #tpu.memory_space<hbm>> -> memref<128x64xf32, #tpu.memory_space<hbm>>
        tpu.wait_dma2 semaphore(%dma_wait3A_2240 : memref<!tpu.dma_semaphore, #tpu.memory_space<semaphore_mem>>) src(%dma_wait3A_2247 : memref<128x64xf32, #tpu.memory_space<hbm>>) dst(%dma_wait3A_2244 : memref<128x64xf32, #tpu.memory_space<vmem>>)
        %get3A_2248 = arith.index_cast %sub3A_1850 : i32 to index
        %get3A_2249 = arith.constant 0 : index
        %get3A_2250 = tpu.vector_load %arg5[%get3A_2248, %get3A_2249] {strides = array<i32>} : memref<200x128xi32, #tpu.memory_space<vmem>>, vector<1x16xi32>,
        %get3A_2251 = vector.shape_cast %get3A_2250 : vector<1x16xi32> to vector<16xi32>
        %dma_start3A_2252 = arith.constant 0 : i32
        %dma_start3A_2253 = arith.constant 0 : i32
        %dma_start3A_2254 = arith.constant 0 : i32
        %dma_start3A_2255 = arith.constant 0 : i32
        %dma_start3A_2256 = tpu.memref_slice %arg6[%dma_start3A_2252, %dma_start3A_2254, %dma_start3A_2255] : memref<10x128x64xf32, #tpu.memory_space<vmem>> -> memref<1x128x64xf32, #tpu.memory_space<vmem>>
        %dma_start3A_2257 = tpu.memref_squeeze %dma_start3A_2256 : memref<1x128x64xf32, #tpu.memory_space<vmem>> -> memref<128x64xf32, #tpu.memory_space<vmem>>
        %dma_start3A_2258 = arith.constant 0 : i32
        %dma_start3A_2259 = arith.constant 0 : i32
        %dma_start3A_2260 = tpu.memref_slice %dma_start3A_2257[%dma_start3A_2258, %dma_start3A_2259] : memref<128x64xf32, #tpu.memory_space<vmem>> -> memref<16x64xf32, #tpu.memory_space<vmem>>
        %dma_start3A_2261 = arith.constant 0 : i32
        %dma_start3A_2262 = arith.constant 0 : i32
        %dma_start3A_2263 = tpu.memref_slice %arg2[%dma_start3A_2261, %dma_start3A_2262] : memref<1000000x64xf32, #tpu.memory_space<hbm>> -> memref<1000000x64xf32, #tpu.memory_space<hbm>>
        %dma_start3A_2264 = tpu.memref_slice %arg7[%dma_start3A_2253] : memref<10x!tpu.dma_semaphore, #tpu.memory_space<semaphore_mem>> -> memref<1x!tpu.dma_semaphore, #tpu.memory_space<semaphore_mem>>
        %dma_start3A_2265 = tpu.memref_squeeze %dma_start3A_2264 : memref<1x!tpu.dma_semaphore, #tpu.memory_space<semaphore_mem>> -> memref<!tpu.dma_semaphore, #tpu.memory_space<semaphore_mem>>
        tpu.enqueue_indirect_dma source(%dma_start3A_2263 : memref<1000000x64xf32, #tpu.memory_space<hbm>>) target(%dma_start3A_2260 : memref<16x64xf32, #tpu.memory_space<vmem>>) offsets(%get3A_2251 : vector<16xi32>) semaphore(%dma_start3A_2265 : memref<!tpu.dma_semaphore, #tpu.memory_space<semaphore_mem>>)
        %get3A_2266 = arith.index_cast %sub3A_1850 : i32 to index
        %get3A_2267 = arith.constant 16 : index
        %get3A_2268 = tpu.vector_load %arg5[%get3A_2266, %get3A_2267] {strides = array<i32>} : memref<200x128xi32, #tpu.memory_space<vmem>>, vector<1x16xi32>,
        %get3A_2269 = vector.shape_cast %get3A_2268 : vector<1x16xi32> to vector<16xi32>
        %dma_start3A_2270 = arith.constant 0 : i32
        %dma_start3A_2271 = arith.constant 0 : i32
        %dma_start3A_2272 = arith.constant 0 : i32
        %dma_start3A_2273 = arith.constant 0 : i32
        %dma_start3A_2274 = tpu.memref_slice %arg6[%dma_start3A_2270, %dma_start3A_2272, %dma_start3A_2273] : memref<10x128x64xf32, #tpu.memory_space<vmem>> -> memref<1x128x64xf32, #tpu.memory_space<vmem>>
        %dma_start3A_2275 = tpu.memref_squeeze %dma_start3A_2274 : memref<1x128x64xf32, #tpu.memory_space<vmem>> -> memref<128x64xf32, #tpu.memory_space<vmem>>
        %dma_start3A_2276 = arith.constant 16 : i32
        %dma_start3A_2277 = arith.constant 0 : i32
        %dma_start3A_2278 = tpu.memref_slice %dma_start3A_2275[%dma_start3A_2276, %dma_start3A_2277] : memref<128x64xf32, #tpu.memory_space<vmem>> -> memref<16x64xf32, #tpu.memory_space<vmem>>
        %dma_start3A_2279 = arith.constant 0 : i32
        %dma_start3A_2280 = arith.constant 0 : i32
        %dma_start3A_2281 = tpu.memref_slice %arg2[%dma_start3A_2279, %dma_start3A_2280] : memref<1000000x64xf32, #tpu.memory_space<hbm>> -> memref<1000000x64xf32, #tpu.memory_space<hbm>>
        %dma_start3A_2282 = tpu.memref_slice %arg7[%dma_start3A_2271] : memref<10x!tpu.dma_semaphore, #tpu.memory_space<semaphore_mem>> -> memref<1x!tpu.dma_semaphore, #tpu.memory_space<semaphore_mem>>
        %dma_start3A_2283 = tpu.memref_squeeze %dma_start3A_2282 : memref<1x!tpu.dma_semaphore, #tpu.memory_space<semaphore_mem>> -> memref<!tpu.dma_semaphore, #tpu.memory_space<semaphore_mem>>
        tpu.enqueue_indirect_dma source(%dma_start3A_2281 : memref<1000000x64xf32, #tpu.memory_space<hbm>>) target(%dma_start3A_2278 : memref<16x64xf32, #tpu.memory_space<vmem>>) offsets(%get3A_2269 : vector<16xi32>) semaphore(%dma_start3A_2283 : memref<!tpu.dma_semaphore, #tpu.memory_space<semaphore_mem>>)
        %get3A_2284 = arith.index_cast %sub3A_1850 : i32 to index
        %get3A_2285 = arith.constant 32 : index
        %get3A_2286 = tpu.vector_load %arg5[%get3A_2284, %get3A_2285] {strides = array<i32>} : memref<200x128xi32, #tpu.memory_space<vmem>>, vector<1x16xi32>,
        %get3A_2287 = vector.shape_cast %get3A_2286 : vector<1x16xi32> to vector<16xi32>
        %dma_start3A_2288 = arith.constant 0 : i32
        %dma_start3A_2289 = arith.constant 0 : i32
        %dma_start3A_2290 = arith.constant 0 : i32
        %dma_start3A_2291 = arith.constant 0 : i32
        %dma_start3A_2292 = tpu.memref_slice %arg6[%dma_start3A_2288, %dma_start3A_2290, %dma_start3A_2291] : memref<10x128x64xf32, #tpu.memory_space<vmem>> -> memref<1x128x64xf32, #tpu.memory_space<vmem>>
        %dma_start3A_2293 = tpu.memref_squeeze %dma_start3A_2292 : memref<1x128x64xf32, #tpu.memory_space<vmem>> -> memref<128x64xf32, #tpu.memory_space<vmem>>
        %dma_start3A_2294 = arith.constant 32 : i32
        %dma_start3A_2295 = arith.constant 0 : i32
        %dma_start3A_2296 = tpu.memref_slice %dma_start3A_2293[%dma_start3A_2294, %dma_start3A_2295] : memref<128x64xf32, #tpu.memory_space<vmem>> -> memref<16x64xf32, #tpu.memory_space<vmem>>
        %dma_start3A_2297 = arith.constant 0 : i32
        %dma_start3A_2298 = arith.constant 0 : i32
        %dma_start3A_2299 = tpu.memref_slice %arg2[%dma_start3A_2297, %dma_start3A_2298] : memref<1000000x64xf32, #tpu.memory_space<hbm>> -> memref<1000000x64xf32, #tpu.memory_space<hbm>>
        %dma_start3A_2300 = tpu.memref_slice %arg7[%dma_start3A_2289] : memref<10x!tpu.dma_semaphore, #tpu.memory_space<semaphore_mem>> -> memref<1x!tpu.dma_semaphore, #tpu.memory_space<semaphore_mem>>
        %dma_start3A_2301 = tpu.memref_squeeze %dma_start3A_2300 : memref<1x!tpu.dma_semaphore, #tpu.memory_space<semaphore_mem>> -> memref<!tpu.dma_semaphore, #tpu.memory_space<semaphore_mem>>
        tpu.enqueue_indirect_dma source(%dma_start3A_2299 : memref<1000000x64xf32, #tpu.memory_space<hbm>>) target(%dma_start3A_2296 : memref<16x64xf32, #tpu.memory_space<vmem>>) offsets(%get3A_2287 : vector<16xi32>) semaphore(%dma_start3A_2301 : memref<!tpu.dma_semaphore, #tpu.memory_space<semaphore_mem>>)
        %get3A_2302 = arith.index_cast %sub3A_1850 : i32 to index
        %get3A_2303 = arith.constant 48 : index
        %get3A_2304 = tpu.vector_load %arg5[%get3A_2302, %get3A_2303] {strides = array<i32>} : memref<200x128xi32, #tpu.memory_space<vmem>>, vector<1x16xi32>,
        %get3A_2305 = vector.shape_cast %get3A_2304 : vector<1x16xi32> to vector<16xi32>
        %dma_start3A_2306 = arith.constant 0 : i32
        %dma_start3A_2307 = arith.constant 0 : i32
        %dma_start3A_2308 = arith.constant 0 : i32
        %dma_start3A_2309 = arith.constant 0 : i32
        %dma_start3A_2310 = tpu.memref_slice %arg6[%dma_start3A_2306, %dma_start3A_2308, %dma_start3A_2309] : memref<10x128x64xf32, #tpu.memory_space<vmem>> -> memref<1x128x64xf32, #tpu.memory_space<vmem>>
        %dma_start3A_2311 = tpu.memref_squeeze %dma_start3A_2310 : memref<1x128x64xf32, #tpu.memory_space<vmem>> -> memref<128x64xf32, #tpu.memory_space<vmem>>
        %dma_start3A_2312 = arith.constant 48 : i32
        %dma_start3A_2313 = arith.constant 0 : i32
        %dma_start3A_2314 = tpu.memref_slice %dma_start3A_2311[%dma_start3A_2312, %dma_start3A_2313] : memref<128x64xf32, #tpu.memory_space<vmem>> -> memref<16x64xf32, #tpu.memory_space<vmem>>
        %dma_start3A_2315 = arith.constant 0 : i32
        %dma_start3A_2316 = arith.constant 0 : i32
        %dma_start3A_2317 = tpu.memref_slice %arg2[%dma_start3A_2315, %dma_start3A_2316] : memref<1000000x64xf32, #tpu.memory_space<hbm>> -> memref<1000000x64xf32, #tpu.memory_space<hbm>>
        %dma_start3A_2318 = tpu.memref_slice %arg7[%dma_start3A_2307] : memref<10x!tpu.dma_semaphore, #tpu.memory_space<semaphore_mem>> -> memref<1x!tpu.dma_semaphore, #tpu.memory_space<semaphore_mem>>
        %dma_start3A_2319 = tpu.memref_squeeze %dma_start3A_2318 : memref<1x!tpu.dma_semaphore, #tpu.memory_space<semaphore_mem>> -> memref<!tpu.dma_semaphore, #tpu.memory_space<semaphore_mem>>
        tpu.enqueue_indirect_dma source(%dma_start3A_2317 : memref<1000000x64xf32, #tpu.memory_space<hbm>>) target(%dma_start3A_2314 : memref<16x64xf32, #tpu.memory_space<vmem>>) offsets(%get3A_2305 : vector<16xi32>) semaphore(%dma_start3A_2319 : memref<!tpu.dma_semaphore, #tpu.memory_space<semaphore_mem>>)
        %get3A_2320 = arith.index_cast %sub3A_1850 : i32 to index
        %get3A_2321 = arith.constant 64 : index
        %get3A_2322 = tpu.vector_load %arg5[%get3A_2320, %get3A_2321] {strides = array<i32>} : memref<200x128xi32, #tpu.memory_space<vmem>>, vector<1x16xi32>,
        %get3A_2323 = vector.shape_cast %get3A_2322 : vector<1x16xi32> to vector<16xi32>
        %dma_start3A_2324 = arith.constant 0 : i32
        %dma_start3A_2325 = arith.constant 0 : i32
        %dma_start3A_2326 = arith.constant 0 : i32
        %dma_start3A_2327 = arith.constant 0 : i32
        %dma_start3A_2328 = tpu.memref_slice %arg6[%dma_start3A_2324, %dma_start3A_2326, %dma_start3A_2327] : memref<10x128x64xf32, #tpu.memory_space<vmem>> -> memref<1x128x64xf32, #tpu.memory_space<vmem>>
        %dma_start3A_2329 = tpu.memref_squeeze %dma_start3A_2328 : memref<1x128x64xf32, #tpu.memory_space<vmem>> -> memref<128x64xf32, #tpu.memory_space<vmem>>
        %dma_start3A_2330 = arith.constant 64 : i32
        %dma_start3A_2331 = arith.constant 0 : i32
        %dma_start3A_2332 = tpu.memref_slice %dma_start3A_2329[%dma_start3A_2330, %dma_start3A_2331] : memref<128x64xf32, #tpu.memory_space<vmem>> -> memref<16x64xf32, #tpu.memory_space<vmem>>
        %dma_start3A_2333 = arith.constant 0 : i32
        %dma_start3A_2334 = arith.constant 0 : i32
        %dma_start3A_2335 = tpu.memref_slice %arg2[%dma_start3A_2333, %dma_start3A_2334] : memref<1000000x64xf32, #tpu.memory_space<hbm>> -> memref<1000000x64xf32, #tpu.memory_space<hbm>>
        %dma_start3A_2336 = tpu.memref_slice %arg7[%dma_start3A_2325] : memref<10x!tpu.dma_semaphore, #tpu.memory_space<semaphore_mem>> -> memref<1x!tpu.dma_semaphore, #tpu.memory_space<semaphore_mem>>
        %dma_start3A_2337 = tpu.memref_squeeze %dma_start3A_2336 : memref<1x!tpu.dma_semaphore, #tpu.memory_space<semaphore_mem>> -> memref<!tpu.dma_semaphore, #tpu.memory_space<semaphore_mem>>
        tpu.enqueue_indirect_dma source(%dma_start3A_2335 : memref<1000000x64xf32, #tpu.memory_space<hbm>>) target(%dma_start3A_2332 : memref<16x64xf32, #tpu.memory_space<vmem>>) offsets(%get3A_2323 : vector<16xi32>) semaphore(%dma_start3A_2337 : memref<!tpu.dma_semaphore, #tpu.memory_space<semaphore_mem>>)
        %get3A_2338 = arith.index_cast %sub3A_1850 : i32 to index
        %get3A_2339 = arith.constant 80 : index
        %get3A_2340 = tpu.vector_load %arg5[%get3A_2338, %get3A_2339] {strides = array<i32>} : memref<200x128xi32, #tpu.memory_space<vmem>>, vector<1x16xi32>,
        %get3A_2341 = vector.shape_cast %get3A_2340 : vector<1x16xi32> to vector<16xi32>
        %dma_start3A_2342 = arith.constant 0 : i32
        %dma_start3A_2343 = arith.constant 0 : i32
        %dma_start3A_2344 = arith.constant 0 : i32
        %dma_start3A_2345 = arith.constant 0 : i32
        %dma_start3A_2346 = tpu.memref_slice %arg6[%dma_start3A_2342, %dma_start3A_2344, %dma_start3A_2345] : memref<10x128x64xf32, #tpu.memory_space<vmem>> -> memref<1x128x64xf32, #tpu.memory_space<vmem>>
        %dma_start3A_2347 = tpu.memref_squeeze %dma_start3A_2346 : memref<1x128x64xf32, #tpu.memory_space<vmem>> -> memref<128x64xf32, #tpu.memory_space<vmem>>
        %dma_start3A_2348 = arith.constant 80 : i32
        %dma_start3A_2349 = arith.constant 0 : i32
        %dma_start3A_2350 = tpu.memref_slice %dma_start3A_2347[%dma_start3A_2348, %dma_start3A_2349] : memref<128x64xf32, #tpu.memory_space<vmem>> -> memref<16x64xf32, #tpu.memory_space<vmem>>
        %dma_start3A_2351 = arith.constant 0 : i32
        %dma_start3A_2352 = arith.constant 0 : i32
        %dma_start3A_2353 = tpu.memref_slice %arg2[%dma_start3A_2351, %dma_start3A_2352] : memref<1000000x64xf32, #tpu.memory_space<hbm>> -> memref<1000000x64xf32, #tpu.memory_space<hbm>>
        %dma_start3A_2354 = tpu.memref_slice %arg7[%dma_start3A_2343] : memref<10x!tpu.dma_semaphore, #tpu.memory_space<semaphore_mem>> -> memref<1x!tpu.dma_semaphore, #tpu.memory_space<semaphore_mem>>
        %dma_start3A_2355 = tpu.memref_squeeze %dma_start3A_2354 : memref<1x!tpu.dma_semaphore, #tpu.memory_space<semaphore_mem>> -> memref<!tpu.dma_semaphore, #tpu.memory_space<semaphore_mem>>
        tpu.enqueue_indirect_dma source(%dma_start3A_2353 : memref<1000000x64xf32, #tpu.memory_space<hbm>>) target(%dma_start3A_2350 : memref<16x64xf32, #tpu.memory_space<vmem>>) offsets(%get3A_2341 : vector<16xi32>) semaphore(%dma_start3A_2355 : memref<!tpu.dma_semaphore, #tpu.memory_space<semaphore_mem>>)
        %get3A_2356 = arith.index_cast %sub3A_1850 : i32 to index
        %get3A_2357 = arith.constant 96 : index
        %get3A_2358 = tpu.vector_load %arg5[%get3A_2356, %get3A_2357] {strides = array<i32>} : memref<200x128xi32, #tpu.memory_space<vmem>>, vector<1x16xi32>,
        %get3A_2359 = vector.shape_cast %get3A_2358 : vector<1x16xi32> to vector<16xi32>
        %dma_start3A_2360 = arith.constant 0 : i32
        %dma_start3A_2361 = arith.constant 0 : i32
        %dma_start3A_2362 = arith.constant 0 : i32
        %dma_start3A_2363 = arith.constant 0 : i32
        %dma_start3A_2364 = tpu.memref_slice %arg6[%dma_start3A_2360, %dma_start3A_2362, %dma_start3A_2363] : memref<10x128x64xf32, #tpu.memory_space<vmem>> -> memref<1x128x64xf32, #tpu.memory_space<vmem>>
        %dma_start3A_2365 = tpu.memref_squeeze %dma_start3A_2364 : memref<1x128x64xf32, #tpu.memory_space<vmem>> -> memref<128x64xf32, #tpu.memory_space<vmem>>
        %dma_start3A_2366 = arith.constant 96 : i32
        %dma_start3A_2367 = arith.constant 0 : i32
        %dma_start3A_2368 = tpu.memref_slice %dma_start3A_2365[%dma_start3A_2366, %dma_start3A_2367] : memref<128x64xf32, #tpu.memory_space<vmem>> -> memref<16x64xf32, #tpu.memory_space<vmem>>
        %dma_start3A_2369 = arith.constant 0 : i32
        %dma_start3A_2370 = arith.constant 0 : i32
        %dma_start3A_2371 = tpu.memref_slice %arg2[%dma_start3A_2369, %dma_start3A_2370] : memref<1000000x64xf32, #tpu.memory_space<hbm>> -> memref<1000000x64xf32, #tpu.memory_space<hbm>>
        %dma_start3A_2372 = tpu.memref_slice %arg7[%dma_start3A_2361] : memref<10x!tpu.dma_semaphore, #tpu.memory_space<semaphore_mem>> -> memref<1x!tpu.dma_semaphore, #tpu.memory_space<semaphore_mem>>
        %dma_start3A_2373 = tpu.memref_squeeze %dma_start3A_2372 : memref<1x!tpu.dma_semaphore, #tpu.memory_space<semaphore_mem>> -> memref<!tpu.dma_semaphore, #tpu.memory_space<semaphore_mem>>
        tpu.enqueue_indirect_dma source(%dma_start3A_2371 : memref<1000000x64xf32, #tpu.memory_space<hbm>>) target(%dma_start3A_2368 : memref<16x64xf32, #tpu.memory_space<vmem>>) offsets(%get3A_2359 : vector<16xi32>) semaphore(%dma_start3A_2373 : memref<!tpu.dma_semaphore, #tpu.memory_space<semaphore_mem>>)
        %get3A_2374 = arith.index_cast %sub3A_1850 : i32 to index
        %get3A_2375 = arith.constant 112 : index
        %get3A_2376 = tpu.vector_load %arg5[%get3A_2374, %get3A_2375] {strides = array<i32>} : memref<200x128xi32, #tpu.memory_space<vmem>>, vector<1x16xi32>,
        %get3A_2377 = vector.shape_cast %get3A_2376 : vector<1x16xi32> to vector<16xi32>
        %dma_start3A_2378 = arith.constant 0 : i32
        %dma_start3A_2379 = arith.constant 0 : i32
        %dma_start3A_2380 = arith.constant 0 : i32
        %dma_start3A_2381 = arith.constant 0 : i32
        %dma_start3A_2382 = tpu.memref_slice %arg6[%dma_start3A_2378, %dma_start3A_2380, %dma_start3A_2381] : memref<10x128x64xf32, #tpu.memory_space<vmem>> -> memref<1x128x64xf32, #tpu.memory_space<vmem>>
        %dma_start3A_2383 = tpu.memref_squeeze %dma_start3A_2382 : memref<1x128x64xf32, #tpu.memory_space<vmem>> -> memref<128x64xf32, #tpu.memory_space<vmem>>
        %dma_start3A_2384 = arith.constant 112 : i32
        %dma_start3A_2385 = arith.constant 0 : i32
        %dma_start3A_2386 = tpu.memref_slice %dma_start3A_2383[%dma_start3A_2384, %dma_start3A_2385] : memref<128x64xf32, #tpu.memory_space<vmem>> -> memref<16x64xf32, #tpu.memory_space<vmem>>
        %dma_start3A_2387 = arith.constant 0 : i32
        %dma_start3A_2388 = arith.constant 0 : i32
        %dma_start3A_2389 = tpu.memref_slice %arg2[%dma_start3A_2387, %dma_start3A_2388] : memref<1000000x64xf32, #tpu.memory_space<hbm>> -> memref<1000000x64xf32, #tpu.memory_space<hbm>>
        %dma_start3A_2390 = tpu.memref_slice %arg7[%dma_start3A_2379] : memref<10x!tpu.dma_semaphore, #tpu.memory_space<semaphore_mem>> -> memref<1x!tpu.dma_semaphore, #tpu.memory_space<semaphore_mem>>
        %dma_start3A_2391 = tpu.memref_squeeze %dma_start3A_2390 : memref<1x!tpu.dma_semaphore, #tpu.memory_space<semaphore_mem>> -> memref<!tpu.dma_semaphore, #tpu.memory_space<semaphore_mem>>
        tpu.enqueue_indirect_dma source(%dma_start3A_2389 : memref<1000000x64xf32, #tpu.memory_space<hbm>>) target(%dma_start3A_2386 : memref<16x64xf32, #tpu.memory_space<vmem>>) offsets(%get3A_2377 : vector<16xi32>) semaphore(%dma_start3A_2391 : memref<!tpu.dma_semaphore, #tpu.memory_space<semaphore_mem>>)
      } else {
      }
      %mul3A_1859 = arith.constant 10 : i32
      %mul3A_1860 = arith.muli %scan3A_1705, %mul3A_1859 : i32
      %add3A_1861 = arith.constant 3 : i32
      %add3A_1862 = arith.addi %mul3A_1860, %add3A_1861 : i32
      %dma_wait3A_1863 = arith.constant 3 : i32
      %dma_wait3A_1864 = arith.constant 3 : i32
      %dma_wait3A_1865 = arith.constant 0 : i32
      %dma_wait3A_1866 = arith.constant 0 : i32
      %dma_wait3A_1867 = tpu.memref_slice %arg6[%dma_wait3A_1863, %dma_wait3A_1865, %dma_wait3A_1866] : memref<10x128x64xf32, #tpu.memory_space<vmem>> -> memref<1x128x64xf32, #tpu.memory_space<vmem>>
      %dma_wait3A_1868 = tpu.memref_squeeze %dma_wait3A_1867 : memref<1x128x64xf32, #tpu.memory_space<vmem>> -> memref<128x64xf32, #tpu.memory_space<vmem>>
      %dma_wait3A_1869 = arith.constant 0 : i32
      %dma_wait3A_1870 = arith.constant 0 : i32
      %dma_wait3A_1871 = tpu.memref_slice %arg2[%dma_wait3A_1869, %dma_wait3A_1870] : memref<1000000x64xf32, #tpu.memory_space<hbm>> -> memref<128x64xf32, #tpu.memory_space<hbm>>
      %dma_wait3A_1872 = tpu.memref_slice %arg7[%dma_wait3A_1864] : memref<10x!tpu.dma_semaphore, #tpu.memory_space<semaphore_mem>> -> memref<1x!tpu.dma_semaphore, #tpu.memory_space<semaphore_mem>>
      %dma_wait3A_1873 = tpu.memref_squeeze %dma_wait3A_1872 : memref<1x!tpu.dma_semaphore, #tpu.memory_space<semaphore_mem>> -> memref<!tpu.dma_semaphore, #tpu.memory_space<semaphore_mem>>
      %dma_wait3A_1874 = arith.constant 0 : i32
      %dma_wait3A_1875 = arith.constant 0 : i32
      %dma_wait3A_1876 = tpu.memref_slice %arg6[%dma_wait3A_1863, %dma_wait3A_1874, %dma_wait3A_1875] : memref<10x128x64xf32, #tpu.memory_space<vmem>> -> memref<1x128x64xf32, #tpu.memory_space<vmem>>
      %dma_wait3A_1877 = tpu.memref_squeeze %dma_wait3A_1876 : memref<1x128x64xf32, #tpu.memory_space<vmem>> -> memref<128x64xf32, #tpu.memory_space<vmem>>
      %dma_wait3A_1878 = arith.constant 0 : i32
      %dma_wait3A_1879 = arith.constant 0 : i32
      %dma_wait3A_1880 = tpu.memref_slice %arg2[%dma_wait3A_1878, %dma_wait3A_1879] : memref<1000000x64xf32, #tpu.memory_space<hbm>> -> memref<128x64xf32, #tpu.memory_space<hbm>>
      tpu.wait_dma2 semaphore(%dma_wait3A_1873 : memref<!tpu.dma_semaphore, #tpu.memory_space<semaphore_mem>>) src(%dma_wait3A_1880 : memref<128x64xf32, #tpu.memory_space<hbm>>) dst(%dma_wait3A_1877 : memref<128x64xf32, #tpu.memory_space<vmem>>)
      %mul3A_1881 = arith.constant 128 : i32
      %mul3A_1882 = arith.muli %add3A_1862, %mul3A_1881 : i32
      %add3A_1883 = arith.addi %mul3A_2, %mul3A_1882 : i32
      %dma_start3A_1884 = arith.constant 3 : i32
      %dma_start3A_1885 = arith.constant 3 : i32
      %dma_start3A_1886 = arith.constant 0 : i32
      %dma_start3A_1887 = arith.constant 0 : i32
      %dma_start3A_1888 = tpu.memref_slice %arg6[%dma_start3A_1884, %dma_start3A_1886, %dma_start3A_1887] : memref<10x128x64xf32, #tpu.memory_space<vmem>> -> memref<1x128x64xf32, #tpu.memory_space<vmem>>
      %dma_start3A_1889 = tpu.memref_squeeze %dma_start3A_1888 : memref<1x128x64xf32, #tpu.memory_space<vmem>> -> memref<128x64xf32, #tpu.memory_space<vmem>>
      %dma_start3A_1890 = arith.constant 0 : i32
      %dma_start3A_1891 = tpu.memref_slice %arg4[%add3A_1883, %dma_start3A_1890] : memref<819200x64xf32, #tpu.memory_space<hbm>> -> memref<128x64xf32, #tpu.memory_space<hbm>>
      %dma_start3A_1892 = tpu.memref_slice %arg8[%dma_start3A_1885] : memref<10x!tpu.dma_semaphore, #tpu.memory_space<semaphore_mem>> -> memref<1x!tpu.dma_semaphore, #tpu.memory_space<semaphore_mem>>
      %dma_start3A_1893 = tpu.memref_squeeze %dma_start3A_1892 : memref<1x!tpu.dma_semaphore, #tpu.memory_space<semaphore_mem>> -> memref<!tpu.dma_semaphore, #tpu.memory_space<semaphore_mem>>
      %dma_start3A_1894 = arith.constant 0 : i32
      %dma_start3A_1895 = tpu.memref_slice %arg4[%add3A_1883, %dma_start3A_1894] : memref<819200x64xf32, #tpu.memory_space<hbm>> -> memref<128x64xf32, #tpu.memory_space<hbm>>
      %dma_start3A_1896 = arith.constant 0 : i32
      %dma_start3A_1897 = arith.constant 0 : i32
      %dma_start3A_1898 = tpu.memref_slice %arg6[%dma_start3A_1884, %dma_start3A_1896, %dma_start3A_1897] : memref<10x128x64xf32, #tpu.memory_space<vmem>> -> memref<1x128x64xf32, #tpu.memory_space<vmem>>
      %dma_start3A_1899 = tpu.memref_squeeze %dma_start3A_1898 : memref<1x128x64xf32, #tpu.memory_space<vmem>> -> memref<128x64xf32, #tpu.memory_space<vmem>>
      tpu.enqueue_dma source(%dma_start3A_1899 : memref<128x64xf32, #tpu.memory_space<vmem>>) target(%dma_start3A_1895 : memref<128x64xf32, #tpu.memory_space<hbm>>) target_semaphore(%dma_start3A_1893 : memref<!tpu.dma_semaphore, #tpu.memory_space<semaphore_mem>>)
      %add3A_1900 = arith.constant 10 : i32
      %add3A_1901 = arith.addi %add3A_1862, %add3A_1900 : i32
      %sub3A_1902 = arith.constant 2 : i32
      %sub3A_1903 = arith.subi %add3A_1901, %sub3A_1902 : i32
      %ge3A_1904 = arith.constant 2 : i32
      %ge3A_1905 = arith.cmpi sge, %add3A_1862, %ge3A_1904 : i32
      %lt3A_1906 = arith.constant 200 : i32
      %lt3A_1907 = arith.cmpi slt, %sub3A_1903, %lt3A_1906 : i32
      %and3A_1908 = arith.andi %ge3A_1905, %lt3A_1907 : i1
      %convert_element_type3A_1909 = arith.extui %and3A_1908 : i1 to i32
      %cond3A_1910 = arith.constant 0 : i32
      %cond3A_1911 = arith.cmpi ne, %convert_element_type3A_1909, %cond3A_1910 : i32
      scf.if %cond3A_1911 {
        %dma_wait3A_2230 = arith.constant 1 : i32
        %dma_wait3A_2231 = arith.constant 1 : i32
        %dma_wait3A_2232 = arith.constant 0 : i32
        %dma_wait3A_2233 = arith.constant 0 : i32
        %dma_wait3A_2234 = tpu.memref_slice %arg6[%dma_wait3A_2230, %dma_wait3A_2232, %dma_wait3A_2233] : memref<10x128x64xf32, #tpu.memory_space<vmem>> -> memref<1x128x64xf32, #tpu.memory_space<vmem>>
        %dma_wait3A_2235 = tpu.memref_squeeze %dma_wait3A_2234 : memref<1x128x64xf32, #tpu.memory_space<vmem>> -> memref<128x64xf32, #tpu.memory_space<vmem>>
        %dma_wait3A_2236 = arith.constant 0 : i32
        %dma_wait3A_2237 = arith.constant 0 : i32
        %dma_wait3A_2238 = tpu.memref_slice %arg2[%dma_wait3A_2236, %dma_wait3A_2237] : memref<1000000x64xf32, #tpu.memory_space<hbm>> -> memref<128x64xf32, #tpu.memory_space<hbm>>
        %dma_wait3A_2239 = tpu.memref_slice %arg8[%dma_wait3A_2231] : memref<10x!tpu.dma_semaphore, #tpu.memory_space<semaphore_mem>> -> memref<1x!tpu.dma_semaphore, #tpu.memory_space<semaphore_mem>>
        %dma_wait3A_2240 = tpu.memref_squeeze %dma_wait3A_2239 : memref<1x!tpu.dma_semaphore, #tpu.memory_space<semaphore_mem>> -> memref<!tpu.dma_semaphore, #tpu.memory_space<semaphore_mem>>
        %dma_wait3A_2241 = arith.constant 0 : i32
        %dma_wait3A_2242 = arith.constant 0 : i32
        %dma_wait3A_2243 = tpu.memref_slice %arg6[%dma_wait3A_2230, %dma_wait3A_2241, %dma_wait3A_2242] : memref<10x128x64xf32, #tpu.memory_space<vmem>> -> memref<1x128x64xf32, #tpu.memory_space<vmem>>
        %dma_wait3A_2244 = tpu.memref_squeeze %dma_wait3A_2243 : memref<1x128x64xf32, #tpu.memory_space<vmem>> -> memref<128x64xf32, #tpu.memory_space<vmem>>
        %dma_wait3A_2245 = arith.constant 0 : i32
        %dma_wait3A_2246 = arith.constant 0 : i32
        %dma_wait3A_2247 = tpu.memref_slice %arg2[%dma_wait3A_2245, %dma_wait3A_2246] : memref<1000000x64xf32, #tpu.memory_space<hbm>> -> memref<128x64xf32, #tpu.memory_space<hbm>>
        tpu.wait_dma2 semaphore(%dma_wait3A_2240 : memref<!tpu.dma_semaphore, #tpu.memory_space<semaphore_mem>>) src(%dma_wait3A_2247 : memref<128x64xf32, #tpu.memory_space<hbm>>) dst(%dma_wait3A_2244 : memref<128x64xf32, #tpu.memory_space<vmem>>)
        %get3A_2248 = arith.index_cast %sub3A_1903 : i32 to index
        %get3A_2249 = arith.constant 0 : index
        %get3A_2250 = tpu.vector_load %arg5[%get3A_2248, %get3A_2249] {strides = array<i32>} : memref<200x128xi32, #tpu.memory_space<vmem>>, vector<1x16xi32>,
        %get3A_2251 = vector.shape_cast %get3A_2250 : vector<1x16xi32> to vector<16xi32>
        %dma_start3A_2252 = arith.constant 1 : i32
        %dma_start3A_2253 = arith.constant 1 : i32
        %dma_start3A_2254 = arith.constant 0 : i32
        %dma_start3A_2255 = arith.constant 0 : i32
        %dma_start3A_2256 = tpu.memref_slice %arg6[%dma_start3A_2252, %dma_start3A_2254, %dma_start3A_2255] : memref<10x128x64xf32, #tpu.memory_space<vmem>> -> memref<1x128x64xf32, #tpu.memory_space<vmem>>
        %dma_start3A_2257 = tpu.memref_squeeze %dma_start3A_2256 : memref<1x128x64xf32, #tpu.memory_space<vmem>> -> memref<128x64xf32, #tpu.memory_space<vmem>>
        %dma_start3A_2258 = arith.constant 0 : i32
        %dma_start3A_2259 = arith.constant 0 : i32
        %dma_start3A_2260 = tpu.memref_slice %dma_start3A_2257[%dma_start3A_2258, %dma_start3A_2259] : memref<128x64xf32, #tpu.memory_space<vmem>> -> memref<16x64xf32, #tpu.memory_space<vmem>>
        %dma_start3A_2261 = arith.constant 0 : i32
        %dma_start3A_2262 = arith.constant 0 : i32
        %dma_start3A_2263 = tpu.memref_slice %arg2[%dma_start3A_2261, %dma_start3A_2262] : memref<1000000x64xf32, #tpu.memory_space<hbm>> -> memref<1000000x64xf32, #tpu.memory_space<hbm>>
        %dma_start3A_2264 = tpu.memref_slice %arg7[%dma_start3A_2253] : memref<10x!tpu.dma_semaphore, #tpu.memory_space<semaphore_mem>> -> memref<1x!tpu.dma_semaphore, #tpu.memory_space<semaphore_mem>>
        %dma_start3A_2265 = tpu.memref_squeeze %dma_start3A_2264 : memref<1x!tpu.dma_semaphore, #tpu.memory_space<semaphore_mem>> -> memref<!tpu.dma_semaphore, #tpu.memory_space<semaphore_mem>>
        tpu.enqueue_indirect_dma source(%dma_start3A_2263 : memref<1000000x64xf32, #tpu.memory_space<hbm>>) target(%dma_start3A_2260 : memref<16x64xf32, #tpu.memory_space<vmem>>) offsets(%get3A_2251 : vector<16xi32>) semaphore(%dma_start3A_2265 : memref<!tpu.dma_semaphore, #tpu.memory_space<semaphore_mem>>)
        %get3A_2266 = arith.index_cast %sub3A_1903 : i32 to index
        %get3A_2267 = arith.constant 16 : index
        %get3A_2268 = tpu.vector_load %arg5[%get3A_2266, %get3A_2267] {strides = array<i32>} : memref<200x128xi32, #tpu.memory_space<vmem>>, vector<1x16xi32>,
        %get3A_2269 = vector.shape_cast %get3A_2268 : vector<1x16xi32> to vector<16xi32>
        %dma_start3A_2270 = arith.constant 1 : i32
        %dma_start3A_2271 = arith.constant 1 : i32
        %dma_start3A_2272 = arith.constant 0 : i32
        %dma_start3A_2273 = arith.constant 0 : i32
        %dma_start3A_2274 = tpu.memref_slice %arg6[%dma_start3A_2270, %dma_start3A_2272, %dma_start3A_2273] : memref<10x128x64xf32, #tpu.memory_space<vmem>> -> memref<1x128x64xf32, #tpu.memory_space<vmem>>
        %dma_start3A_2275 = tpu.memref_squeeze %dma_start3A_2274 : memref<1x128x64xf32, #tpu.memory_space<vmem>> -> memref<128x64xf32, #tpu.memory_space<vmem>>
        %dma_start3A_2276 = arith.constant 16 : i32
        %dma_start3A_2277 = arith.constant 0 : i32
        %dma_start3A_2278 = tpu.memref_slice %dma_start3A_2275[%dma_start3A_2276, %dma_start3A_2277] : memref<128x64xf32, #tpu.memory_space<vmem>> -> memref<16x64xf32, #tpu.memory_space<vmem>>
        %dma_start3A_2279 = arith.constant 0 : i32
        %dma_start3A_2280 = arith.constant 0 : i32
        %dma_start3A_2281 = tpu.memref_slice %arg2[%dma_start3A_2279, %dma_start3A_2280] : memref<1000000x64xf32, #tpu.memory_space<hbm>> -> memref<1000000x64xf32, #tpu.memory_space<hbm>>
        %dma_start3A_2282 = tpu.memref_slice %arg7[%dma_start3A_2271] : memref<10x!tpu.dma_semaphore, #tpu.memory_space<semaphore_mem>> -> memref<1x!tpu.dma_semaphore, #tpu.memory_space<semaphore_mem>>
        %dma_start3A_2283 = tpu.memref_squeeze %dma_start3A_2282 : memref<1x!tpu.dma_semaphore, #tpu.memory_space<semaphore_mem>> -> memref<!tpu.dma_semaphore, #tpu.memory_space<semaphore_mem>>
        tpu.enqueue_indirect_dma source(%dma_start3A_2281 : memref<1000000x64xf32, #tpu.memory_space<hbm>>) target(%dma_start3A_2278 : memref<16x64xf32, #tpu.memory_space<vmem>>) offsets(%get3A_2269 : vector<16xi32>) semaphore(%dma_start3A_2283 : memref<!tpu.dma_semaphore, #tpu.memory_space<semaphore_mem>>)
        %get3A_2284 = arith.index_cast %sub3A_1903 : i32 to index
        %get3A_2285 = arith.constant 32 : index
        %get3A_2286 = tpu.vector_load %arg5[%get3A_2284, %get3A_2285] {strides = array<i32>} : memref<200x128xi32, #tpu.memory_space<vmem>>, vector<1x16xi32>,
        %get3A_2287 = vector.shape_cast %get3A_2286 : vector<1x16xi32> to vector<16xi32>
        %dma_start3A_2288 = arith.constant 1 : i32
        %dma_start3A_2289 = arith.constant 1 : i32
        %dma_start3A_2290 = arith.constant 0 : i32
        %dma_start3A_2291 = arith.constant 0 : i32
        %dma_start3A_2292 = tpu.memref_slice %arg6[%dma_start3A_2288, %dma_start3A_2290, %dma_start3A_2291] : memref<10x128x64xf32, #tpu.memory_space<vmem>> -> memref<1x128x64xf32, #tpu.memory_space<vmem>>
        %dma_start3A_2293 = tpu.memref_squeeze %dma_start3A_2292 : memref<1x128x64xf32, #tpu.memory_space<vmem>> -> memref<128x64xf32, #tpu.memory_space<vmem>>
        %dma_start3A_2294 = arith.constant 32 : i32
        %dma_start3A_2295 = arith.constant 0 : i32
        %dma_start3A_2296 = tpu.memref_slice %dma_start3A_2293[%dma_start3A_2294, %dma_start3A_2295] : memref<128x64xf32, #tpu.memory_space<vmem>> -> memref<16x64xf32, #tpu.memory_space<vmem>>
        %dma_start3A_2297 = arith.constant 0 : i32
        %dma_start3A_2298 = arith.constant 0 : i32
        %dma_start3A_2299 = tpu.memref_slice %arg2[%dma_start3A_2297, %dma_start3A_2298] : memref<1000000x64xf32, #tpu.memory_space<hbm>> -> memref<1000000x64xf32, #tpu.memory_space<hbm>>
        %dma_start3A_2300 = tpu.memref_slice %arg7[%dma_start3A_2289] : memref<10x!tpu.dma_semaphore, #tpu.memory_space<semaphore_mem>> -> memref<1x!tpu.dma_semaphore, #tpu.memory_space<semaphore_mem>>
        %dma_start3A_2301 = tpu.memref_squeeze %dma_start3A_2300 : memref<1x!tpu.dma_semaphore, #tpu.memory_space<semaphore_mem>> -> memref<!tpu.dma_semaphore, #tpu.memory_space<semaphore_mem>>
        tpu.enqueue_indirect_dma source(%dma_start3A_2299 : memref<1000000x64xf32, #tpu.memory_space<hbm>>) target(%dma_start3A_2296 : memref<16x64xf32, #tpu.memory_space<vmem>>) offsets(%get3A_2287 : vector<16xi32>) semaphore(%dma_start3A_2301 : memref<!tpu.dma_semaphore, #tpu.memory_space<semaphore_mem>>)
        %get3A_2302 = arith.index_cast %sub3A_1903 : i32 to index
        %get3A_2303 = arith.constant 48 : index
        %get3A_2304 = tpu.vector_load %arg5[%get3A_2302, %get3A_2303] {strides = array<i32>} : memref<200x128xi32, #tpu.memory_space<vmem>>, vector<1x16xi32>,
        %get3A_2305 = vector.shape_cast %get3A_2304 : vector<1x16xi32> to vector<16xi32>
        %dma_start3A_2306 = arith.constant 1 : i32
        %dma_start3A_2307 = arith.constant 1 : i32
        %dma_start3A_2308 = arith.constant 0 : i32
        %dma_start3A_2309 = arith.constant 0 : i32
        %dma_start3A_2310 = tpu.memref_slice %arg6[%dma_start3A_2306, %dma_start3A_2308, %dma_start3A_2309] : memref<10x128x64xf32, #tpu.memory_space<vmem>> -> memref<1x128x64xf32, #tpu.memory_space<vmem>>
        %dma_start3A_2311 = tpu.memref_squeeze %dma_start3A_2310 : memref<1x128x64xf32, #tpu.memory_space<vmem>> -> memref<128x64xf32, #tpu.memory_space<vmem>>
        %dma_start3A_2312 = arith.constant 48 : i32
        %dma_start3A_2313 = arith.constant 0 : i32
        %dma_start3A_2314 = tpu.memref_slice %dma_start3A_2311[%dma_start3A_2312, %dma_start3A_2313] : memref<128x64xf32, #tpu.memory_space<vmem>> -> memref<16x64xf32, #tpu.memory_space<vmem>>
        %dma_start3A_2315 = arith.constant 0 : i32
        %dma_start3A_2316 = arith.constant 0 : i32
        %dma_start3A_2317 = tpu.memref_slice %arg2[%dma_start3A_2315, %dma_start3A_2316] : memref<1000000x64xf32, #tpu.memory_space<hbm>> -> memref<1000000x64xf32, #tpu.memory_space<hbm>>
        %dma_start3A_2318 = tpu.memref_slice %arg7[%dma_start3A_2307] : memref<10x!tpu.dma_semaphore, #tpu.memory_space<semaphore_mem>> -> memref<1x!tpu.dma_semaphore, #tpu.memory_space<semaphore_mem>>
        %dma_start3A_2319 = tpu.memref_squeeze %dma_start3A_2318 : memref<1x!tpu.dma_semaphore, #tpu.memory_space<semaphore_mem>> -> memref<!tpu.dma_semaphore, #tpu.memory_space<semaphore_mem>>
        tpu.enqueue_indirect_dma source(%dma_start3A_2317 : memref<1000000x64xf32, #tpu.memory_space<hbm>>) target(%dma_start3A_2314 : memref<16x64xf32, #tpu.memory_space<vmem>>) offsets(%get3A_2305 : vector<16xi32>) semaphore(%dma_start3A_2319 : memref<!tpu.dma_semaphore, #tpu.memory_space<semaphore_mem>>)
        %get3A_2320 = arith.index_cast %sub3A_1903 : i32 to index
        %get3A_2321 = arith.constant 64 : index
        %get3A_2322 = tpu.vector_load %arg5[%get3A_2320, %get3A_2321] {strides = array<i32>} : memref<200x128xi32, #tpu.memory_space<vmem>>, vector<1x16xi32>,
        %get3A_2323 = vector.shape_cast %get3A_2322 : vector<1x16xi32> to vector<16xi32>
        %dma_start3A_2324 = arith.constant 1 : i32
        %dma_start3A_2325 = arith.constant 1 : i32
        %dma_start3A_2326 = arith.constant 0 : i32
        %dma_start3A_2327 = arith.constant 0 : i32
        %dma_start3A_2328 = tpu.memref_slice %arg6[%dma_start3A_2324, %dma_start3A_2326, %dma_start3A_2327] : memref<10x128x64xf32, #tpu.memory_space<vmem>> -> memref<1x128x64xf32, #tpu.memory_space<vmem>>
        %dma_start3A_2329 = tpu.memref_squeeze %dma_start3A_2328 : memref<1x128x64xf32, #tpu.memory_space<vmem>> -> memref<128x64xf32, #tpu.memory_space<vmem>>
        %dma_start3A_2330 = arith.constant 64 : i32
        %dma_start3A_2331 = arith.constant 0 : i32
        %dma_start3A_2332 = tpu.memref_slice %dma_start3A_2329[%dma_start3A_2330, %dma_start3A_2331] : memref<128x64xf32, #tpu.memory_space<vmem>> -> memref<16x64xf32, #tpu.memory_space<vmem>>
        %dma_start3A_2333 = arith.constant 0 : i32
        %dma_start3A_2334 = arith.constant 0 : i32
        %dma_start3A_2335 = tpu.memref_slice %arg2[%dma_start3A_2333, %dma_start3A_2334] : memref<1000000x64xf32, #tpu.memory_space<hbm>> -> memref<1000000x64xf32, #tpu.memory_space<hbm>>
        %dma_start3A_2336 = tpu.memref_slice %arg7[%dma_start3A_2325] : memref<10x!tpu.dma_semaphore, #tpu.memory_space<semaphore_mem>> -> memref<1x!tpu.dma_semaphore, #tpu.memory_space<semaphore_mem>>
        %dma_start3A_2337 = tpu.memref_squeeze %dma_start3A_2336 : memref<1x!tpu.dma_semaphore, #tpu.memory_space<semaphore_mem>> -> memref<!tpu.dma_semaphore, #tpu.memory_space<semaphore_mem>>
        tpu.enqueue_indirect_dma source(%dma_start3A_2335 : memref<1000000x64xf32, #tpu.memory_space<hbm>>) target(%dma_start3A_2332 : memref<16x64xf32, #tpu.memory_space<vmem>>) offsets(%get3A_2323 : vector<16xi32>) semaphore(%dma_start3A_2337 : memref<!tpu.dma_semaphore, #tpu.memory_space<semaphore_mem>>)
        %get3A_2338 = arith.index_cast %sub3A_1903 : i32 to index
        %get3A_2339 = arith.constant 80 : index
        %get3A_2340 = tpu.vector_load %arg5[%get3A_2338, %get3A_2339] {strides = array<i32>} : memref<200x128xi32, #tpu.memory_space<vmem>>, vector<1x16xi32>,
        %get3A_2341 = vector.shape_cast %get3A_2340 : vector<1x16xi32> to vector<16xi32>
        %dma_start3A_2342 = arith.constant 1 : i32
        %dma_start3A_2343 = arith.constant 1 : i32
        %dma_start3A_2344 = arith.constant 0 : i32
        %dma_start3A_2345 = arith.constant 0 : i32
        %dma_start3A_2346 = tpu.memref_slice %arg6[%dma_start3A_2342, %dma_start3A_2344, %dma_start3A_2345] : memref<10x128x64xf32, #tpu.memory_space<vmem>> -> memref<1x128x64xf32, #tpu.memory_space<vmem>>
        %dma_start3A_2347 = tpu.memref_squeeze %dma_start3A_2346 : memref<1x128x64xf32, #tpu.memory_space<vmem>> -> memref<128x64xf32, #tpu.memory_space<vmem>>
        %dma_start3A_2348 = arith.constant 80 : i32
        %dma_start3A_2349 = arith.constant 0 : i32
        %dma_start3A_2350 = tpu.memref_slice %dma_start3A_2347[%dma_start3A_2348, %dma_start3A_2349] : memref<128x64xf32, #tpu.memory_space<vmem>> -> memref<16x64xf32, #tpu.memory_space<vmem>>
        %dma_start3A_2351 = arith.constant 0 : i32
        %dma_start3A_2352 = arith.constant 0 : i32
        %dma_start3A_2353 = tpu.memref_slice %arg2[%dma_start3A_2351, %dma_start3A_2352] : memref<1000000x64xf32, #tpu.memory_space<hbm>> -> memref<1000000x64xf32, #tpu.memory_space<hbm>>
        %dma_start3A_2354 = tpu.memref_slice %arg7[%dma_start3A_2343] : memref<10x!tpu.dma_semaphore, #tpu.memory_space<semaphore_mem>> -> memref<1x!tpu.dma_semaphore, #tpu.memory_space<semaphore_mem>>
        %dma_start3A_2355 = tpu.memref_squeeze %dma_start3A_2354 : memref<1x!tpu.dma_semaphore, #tpu.memory_space<semaphore_mem>> -> memref<!tpu.dma_semaphore, #tpu.memory_space<semaphore_mem>>
        tpu.enqueue_indirect_dma source(%dma_start3A_2353 : memref<1000000x64xf32, #tpu.memory_space<hbm>>) target(%dma_start3A_2350 : memref<16x64xf32, #tpu.memory_space<vmem>>) offsets(%get3A_2341 : vector<16xi32>) semaphore(%dma_start3A_2355 : memref<!tpu.dma_semaphore, #tpu.memory_space<semaphore_mem>>)
        %get3A_2356 = arith.index_cast %sub3A_1903 : i32 to index
        %get3A_2357 = arith.constant 96 : index
        %get3A_2358 = tpu.vector_load %arg5[%get3A_2356, %get3A_2357] {strides = array<i32>} : memref<200x128xi32, #tpu.memory_space<vmem>>, vector<1x16xi32>,
        %get3A_2359 = vector.shape_cast %get3A_2358 : vector<1x16xi32> to vector<16xi32>
        %dma_start3A_2360 = arith.constant 1 : i32
        %dma_start3A_2361 = arith.constant 1 : i32
        %dma_start3A_2362 = arith.constant 0 : i32
        %dma_start3A_2363 = arith.constant 0 : i32
        %dma_start3A_2364 = tpu.memref_slice %arg6[%dma_start3A_2360, %dma_start3A_2362, %dma_start3A_2363] : memref<10x128x64xf32, #tpu.memory_space<vmem>> -> memref<1x128x64xf32, #tpu.memory_space<vmem>>
        %dma_start3A_2365 = tpu.memref_squeeze %dma_start3A_2364 : memref<1x128x64xf32, #tpu.memory_space<vmem>> -> memref<128x64xf32, #tpu.memory_space<vmem>>
        %dma_start3A_2366 = arith.constant 96 : i32
        %dma_start3A_2367 = arith.constant 0 : i32
        %dma_start3A_2368 = tpu.memref_slice %dma_start3A_2365[%dma_start3A_2366, %dma_start3A_2367] : memref<128x64xf32, #tpu.memory_space<vmem>> -> memref<16x64xf32, #tpu.memory_space<vmem>>
        %dma_start3A_2369 = arith.constant 0 : i32
        %dma_start3A_2370 = arith.constant 0 : i32
        %dma_start3A_2371 = tpu.memref_slice %arg2[%dma_start3A_2369, %dma_start3A_2370] : memref<1000000x64xf32, #tpu.memory_space<hbm>> -> memref<1000000x64xf32, #tpu.memory_space<hbm>>
        %dma_start3A_2372 = tpu.memref_slice %arg7[%dma_start3A_2361] : memref<10x!tpu.dma_semaphore, #tpu.memory_space<semaphore_mem>> -> memref<1x!tpu.dma_semaphore, #tpu.memory_space<semaphore_mem>>
        %dma_start3A_2373 = tpu.memref_squeeze %dma_start3A_2372 : memref<1x!tpu.dma_semaphore, #tpu.memory_space<semaphore_mem>> -> memref<!tpu.dma_semaphore, #tpu.memory_space<semaphore_mem>>
        tpu.enqueue_indirect_dma source(%dma_start3A_2371 : memref<1000000x64xf32, #tpu.memory_space<hbm>>) target(%dma_start3A_2368 : memref<16x64xf32, #tpu.memory_space<vmem>>) offsets(%get3A_2359 : vector<16xi32>) semaphore(%dma_start3A_2373 : memref<!tpu.dma_semaphore, #tpu.memory_space<semaphore_mem>>)
        %get3A_2374 = arith.index_cast %sub3A_1903 : i32 to index
        %get3A_2375 = arith.constant 112 : index
        %get3A_2376 = tpu.vector_load %arg5[%get3A_2374, %get3A_2375] {strides = array<i32>} : memref<200x128xi32, #tpu.memory_space<vmem>>, vector<1x16xi32>,
        %get3A_2377 = vector.shape_cast %get3A_2376 : vector<1x16xi32> to vector<16xi32>
        %dma_start3A_2378 = arith.constant 1 : i32
        %dma_start3A_2379 = arith.constant 1 : i32
        %dma_start3A_2380 = arith.constant 0 : i32
        %dma_start3A_2381 = arith.constant 0 : i32
        %dma_start3A_2382 = tpu.memref_slice %arg6[%dma_start3A_2378, %dma_start3A_2380, %dma_start3A_2381] : memref<10x128x64xf32, #tpu.memory_space<vmem>> -> memref<1x128x64xf32, #tpu.memory_space<vmem>>
        %dma_start3A_2383 = tpu.memref_squeeze %dma_start3A_2382 : memref<1x128x64xf32, #tpu.memory_space<vmem>> -> memref<128x64xf32, #tpu.memory_space<vmem>>
        %dma_start3A_2384 = arith.constant 112 : i32
        %dma_start3A_2385 = arith.constant 0 : i32
        %dma_start3A_2386 = tpu.memref_slice %dma_start3A_2383[%dma_start3A_2384, %dma_start3A_2385] : memref<128x64xf32, #tpu.memory_space<vmem>> -> memref<16x64xf32, #tpu.memory_space<vmem>>
        %dma_start3A_2387 = arith.constant 0 : i32
        %dma_start3A_2388 = arith.constant 0 : i32
        %dma_start3A_2389 = tpu.memref_slice %arg2[%dma_start3A_2387, %dma_start3A_2388] : memref<1000000x64xf32, #tpu.memory_space<hbm>> -> memref<1000000x64xf32, #tpu.memory_space<hbm>>
        %dma_start3A_2390 = tpu.memref_slice %arg7[%dma_start3A_2379] : memref<10x!tpu.dma_semaphore, #tpu.memory_space<semaphore_mem>> -> memref<1x!tpu.dma_semaphore, #tpu.memory_space<semaphore_mem>>
        %dma_start3A_2391 = tpu.memref_squeeze %dma_start3A_2390 : memref<1x!tpu.dma_semaphore, #tpu.memory_space<semaphore_mem>> -> memref<!tpu.dma_semaphore, #tpu.memory_space<semaphore_mem>>
        tpu.enqueue_indirect_dma source(%dma_start3A_2389 : memref<1000000x64xf32, #tpu.memory_space<hbm>>) target(%dma_start3A_2386 : memref<16x64xf32, #tpu.memory_space<vmem>>) offsets(%get3A_2377 : vector<16xi32>) semaphore(%dma_start3A_2391 : memref<!tpu.dma_semaphore, #tpu.memory_space<semaphore_mem>>)
      } else {
      }
      %mul3A_1912 = arith.constant 10 : i32
      %mul3A_1913 = arith.muli %scan3A_1705, %mul3A_1912 : i32
      %add3A_1914 = arith.constant 4 : i32
      %add3A_1915 = arith.addi %mul3A_1913, %add3A_1914 : i32
      %dma_wait3A_1916 = arith.constant 4 : i32
      %dma_wait3A_1917 = arith.constant 4 : i32
      %dma_wait3A_1918 = arith.constant 0 : i32
      %dma_wait3A_1919 = arith.constant 0 : i32
      %dma_wait3A_1920 = tpu.memref_slice %arg6[%dma_wait3A_1916, %dma_wait3A_1918, %dma_wait3A_1919] : memref<10x128x64xf32, #tpu.memory_space<vmem>> -> memref<1x128x64xf32, #tpu.memory_space<vmem>>
      %dma_wait3A_1921 = tpu.memref_squeeze %dma_wait3A_1920 : memref<1x128x64xf32, #tpu.memory_space<vmem>> -> memref<128x64xf32, #tpu.memory_space<vmem>>
      %dma_wait3A_1922 = arith.constant 0 : i32
      %dma_wait3A_1923 = arith.constant 0 : i32
      %dma_wait3A_1924 = tpu.memref_slice %arg2[%dma_wait3A_1922, %dma_wait3A_1923] : memref<1000000x64xf32, #tpu.memory_space<hbm>> -> memref<128x64xf32, #tpu.memory_space<hbm>>
      %dma_wait3A_1925 = tpu.memref_slice %arg7[%dma_wait3A_1917] : memref<10x!tpu.dma_semaphore, #tpu.memory_space<semaphore_mem>> -> memref<1x!tpu.dma_semaphore, #tpu.memory_space<semaphore_mem>>
      %dma_wait3A_1926 = tpu.memref_squeeze %dma_wait3A_1925 : memref<1x!tpu.dma_semaphore, #tpu.memory_space<semaphore_mem>> -> memref<!tpu.dma_semaphore, #tpu.memory_space<semaphore_mem>>
      %dma_wait3A_1927 = arith.constant 0 : i32
      %dma_wait3A_1928 = arith.constant 0 : i32
      %dma_wait3A_1929 = tpu.memref_slice %arg6[%dma_wait3A_1916, %dma_wait3A_1927, %dma_wait3A_1928] : memref<10x128x64xf32, #tpu.memory_space<vmem>> -> memref<1x128x64xf32, #tpu.memory_space<vmem>>
      %dma_wait3A_1930 = tpu.memref_squeeze %dma_wait3A_1929 : memref<1x128x64xf32, #tpu.memory_space<vmem>> -> memref<128x64xf32, #tpu.memory_space<vmem>>
      %dma_wait3A_1931 = arith.constant 0 : i32
      %dma_wait3A_1932 = arith.constant 0 : i32
      %dma_wait3A_1933 = tpu.memref_slice %arg2[%dma_wait3A_1931, %dma_wait3A_1932] : memref<1000000x64xf32, #tpu.memory_space<hbm>> -> memref<128x64xf32, #tpu.memory_space<hbm>>
      tpu.wait_dma2 semaphore(%dma_wait3A_1926 : memref<!tpu.dma_semaphore, #tpu.memory_space<semaphore_mem>>) src(%dma_wait3A_1933 : memref<128x64xf32, #tpu.memory_space<hbm>>) dst(%dma_wait3A_1930 : memref<128x64xf32, #tpu.memory_space<vmem>>)
      %mul3A_1934 = arith.constant 128 : i32
      %mul3A_1935 = arith.muli %add3A_1915, %mul3A_1934 : i32
      %add3A_1936 = arith.addi %mul3A_2, %mul3A_1935 : i32
      %dma_start3A_1937 = arith.constant 4 : i32
      %dma_start3A_1938 = arith.constant 4 : i32
      %dma_start3A_1939 = arith.constant 0 : i32
      %dma_start3A_1940 = arith.constant 0 : i32
      %dma_start3A_1941 = tpu.memref_slice %arg6[%dma_start3A_1937, %dma_start3A_1939, %dma_start3A_1940] : memref<10x128x64xf32, #tpu.memory_space<vmem>> -> memref<1x128x64xf32, #tpu.memory_space<vmem>>
      %dma_start3A_1942 = tpu.memref_squeeze %dma_start3A_1941 : memref<1x128x64xf32, #tpu.memory_space<vmem>> -> memref<128x64xf32, #tpu.memory_space<vmem>>
      %dma_start3A_1943 = arith.constant 0 : i32
      %dma_start3A_1944 = tpu.memref_slice %arg4[%add3A_1936, %dma_start3A_1943] : memref<819200x64xf32, #tpu.memory_space<hbm>> -> memref<128x64xf32, #tpu.memory_space<hbm>>
      %dma_start3A_1945 = tpu.memref_slice %arg8[%dma_start3A_1938] : memref<10x!tpu.dma_semaphore, #tpu.memory_space<semaphore_mem>> -> memref<1x!tpu.dma_semaphore, #tpu.memory_space<semaphore_mem>>
      %dma_start3A_1946 = tpu.memref_squeeze %dma_start3A_1945 : memref<1x!tpu.dma_semaphore, #tpu.memory_space<semaphore_mem>> -> memref<!tpu.dma_semaphore, #tpu.memory_space<semaphore_mem>>
      %dma_start3A_1947 = arith.constant 0 : i32
      %dma_start3A_1948 = tpu.memref_slice %arg4[%add3A_1936, %dma_start3A_1947] : memref<819200x64xf32, #tpu.memory_space<hbm>> -> memref<128x64xf32, #tpu.memory_space<hbm>>
      %dma_start3A_1949 = arith.constant 0 : i32
      %dma_start3A_1950 = arith.constant 0 : i32
      %dma_start3A_1951 = tpu.memref_slice %arg6[%dma_start3A_1937, %dma_start3A_1949, %dma_start3A_1950] : memref<10x128x64xf32, #tpu.memory_space<vmem>> -> memref<1x128x64xf32, #tpu.memory_space<vmem>>
      %dma_start3A_1952 = tpu.memref_squeeze %dma_start3A_1951 : memref<1x128x64xf32, #tpu.memory_space<vmem>> -> memref<128x64xf32, #tpu.memory_space<vmem>>
      tpu.enqueue_dma source(%dma_start3A_1952 : memref<128x64xf32, #tpu.memory_space<vmem>>) target(%dma_start3A_1948 : memref<128x64xf32, #tpu.memory_space<hbm>>) target_semaphore(%dma_start3A_1946 : memref<!tpu.dma_semaphore, #tpu.memory_space<semaphore_mem>>)
      %add3A_1953 = arith.constant 10 : i32
      %add3A_1954 = arith.addi %add3A_1915, %add3A_1953 : i32
      %sub3A_1955 = arith.constant 2 : i32
      %sub3A_1956 = arith.subi %add3A_1954, %sub3A_1955 : i32
      %ge3A_1957 = arith.constant 2 : i32
      %ge3A_1958 = arith.cmpi sge, %add3A_1915, %ge3A_1957 : i32
      %lt3A_1959 = arith.constant 200 : i32
      %lt3A_1960 = arith.cmpi slt, %sub3A_1956, %lt3A_1959 : i32
      %and3A_1961 = arith.andi %ge3A_1958, %lt3A_1960 : i1
      %convert_element_type3A_1962 = arith.extui %and3A_1961 : i1 to i32
      %cond3A_1963 = arith.constant 0 : i32
      %cond3A_1964 = arith.cmpi ne, %convert_element_type3A_1962, %cond3A_1963 : i32
      scf.if %cond3A_1964 {
        %dma_wait3A_2230 = arith.constant 2 : i32
        %dma_wait3A_2231 = arith.constant 2 : i32
        %dma_wait3A_2232 = arith.constant 0 : i32
        %dma_wait3A_2233 = arith.constant 0 : i32
        %dma_wait3A_2234 = tpu.memref_slice %arg6[%dma_wait3A_2230, %dma_wait3A_2232, %dma_wait3A_2233] : memref<10x128x64xf32, #tpu.memory_space<vmem>> -> memref<1x128x64xf32, #tpu.memory_space<vmem>>
        %dma_wait3A_2235 = tpu.memref_squeeze %dma_wait3A_2234 : memref<1x128x64xf32, #tpu.memory_space<vmem>> -> memref<128x64xf32, #tpu.memory_space<vmem>>
        %dma_wait3A_2236 = arith.constant 0 : i32
        %dma_wait3A_2237 = arith.constant 0 : i32
        %dma_wait3A_2238 = tpu.memref_slice %arg2[%dma_wait3A_2236, %dma_wait3A_2237] : memref<1000000x64xf32, #tpu.memory_space<hbm>> -> memref<128x64xf32, #tpu.memory_space<hbm>>
        %dma_wait3A_2239 = tpu.memref_slice %arg8[%dma_wait3A_2231] : memref<10x!tpu.dma_semaphore, #tpu.memory_space<semaphore_mem>> -> memref<1x!tpu.dma_semaphore, #tpu.memory_space<semaphore_mem>>
        %dma_wait3A_2240 = tpu.memref_squeeze %dma_wait3A_2239 : memref<1x!tpu.dma_semaphore, #tpu.memory_space<semaphore_mem>> -> memref<!tpu.dma_semaphore, #tpu.memory_space<semaphore_mem>>
        %dma_wait3A_2241 = arith.constant 0 : i32
        %dma_wait3A_2242 = arith.constant 0 : i32
        %dma_wait3A_2243 = tpu.memref_slice %arg6[%dma_wait3A_2230, %dma_wait3A_2241, %dma_wait3A_2242] : memref<10x128x64xf32, #tpu.memory_space<vmem>> -> memref<1x128x64xf32, #tpu.memory_space<vmem>>
        %dma_wait3A_2244 = tpu.memref_squeeze %dma_wait3A_2243 : memref<1x128x64xf32, #tpu.memory_space<vmem>> -> memref<128x64xf32, #tpu.memory_space<vmem>>
        %dma_wait3A_2245 = arith.constant 0 : i32
        %dma_wait3A_2246 = arith.constant 0 : i32
        %dma_wait3A_2247 = tpu.memref_slice %arg2[%dma_wait3A_2245, %dma_wait3A_2246] : memref<1000000x64xf32, #tpu.memory_space<hbm>> -> memref<128x64xf32, #tpu.memory_space<hbm>>
        tpu.wait_dma2 semaphore(%dma_wait3A_2240 : memref<!tpu.dma_semaphore, #tpu.memory_space<semaphore_mem>>) src(%dma_wait3A_2247 : memref<128x64xf32, #tpu.memory_space<hbm>>) dst(%dma_wait3A_2244 : memref<128x64xf32, #tpu.memory_space<vmem>>)
        %get3A_2248 = arith.index_cast %sub3A_1956 : i32 to index
        %get3A_2249 = arith.constant 0 : index
        %get3A_2250 = tpu.vector_load %arg5[%get3A_2248, %get3A_2249] {strides = array<i32>} : memref<200x128xi32, #tpu.memory_space<vmem>>, vector<1x16xi32>,
        %get3A_2251 = vector.shape_cast %get3A_2250 : vector<1x16xi32> to vector<16xi32>
        %dma_start3A_2252 = arith.constant 2 : i32
        %dma_start3A_2253 = arith.constant 2 : i32
        %dma_start3A_2254 = arith.constant 0 : i32
        %dma_start3A_2255 = arith.constant 0 : i32
        %dma_start3A_2256 = tpu.memref_slice %arg6[%dma_start3A_2252, %dma_start3A_2254, %dma_start3A_2255] : memref<10x128x64xf32, #tpu.memory_space<vmem>> -> memref<1x128x64xf32, #tpu.memory_space<vmem>>
        %dma_start3A_2257 = tpu.memref_squeeze %dma_start3A_2256 : memref<1x128x64xf32, #tpu.memory_space<vmem>> -> memref<128x64xf32, #tpu.memory_space<vmem>>
        %dma_start3A_2258 = arith.constant 0 : i32
        %dma_start3A_2259 = arith.constant 0 : i32
        %dma_start3A_2260 = tpu.memref_slice %dma_start3A_2257[%dma_start3A_2258, %dma_start3A_2259] : memref<128x64xf32, #tpu.memory_space<vmem>> -> memref<16x64xf32, #tpu.memory_space<vmem>>
        %dma_start3A_2261 = arith.constant 0 : i32
        %dma_start3A_2262 = arith.constant 0 : i32
        %dma_start3A_2263 = tpu.memref_slice %arg2[%dma_start3A_2261, %dma_start3A_2262] : memref<1000000x64xf32, #tpu.memory_space<hbm>> -> memref<1000000x64xf32, #tpu.memory_space<hbm>>
        %dma_start3A_2264 = tpu.memref_slice %arg7[%dma_start3A_2253] : memref<10x!tpu.dma_semaphore, #tpu.memory_space<semaphore_mem>> -> memref<1x!tpu.dma_semaphore, #tpu.memory_space<semaphore_mem>>
        %dma_start3A_2265 = tpu.memref_squeeze %dma_start3A_2264 : memref<1x!tpu.dma_semaphore, #tpu.memory_space<semaphore_mem>> -> memref<!tpu.dma_semaphore, #tpu.memory_space<semaphore_mem>>
        tpu.enqueue_indirect_dma source(%dma_start3A_2263 : memref<1000000x64xf32, #tpu.memory_space<hbm>>) target(%dma_start3A_2260 : memref<16x64xf32, #tpu.memory_space<vmem>>) offsets(%get3A_2251 : vector<16xi32>) semaphore(%dma_start3A_2265 : memref<!tpu.dma_semaphore, #tpu.memory_space<semaphore_mem>>)
        %get3A_2266 = arith.index_cast %sub3A_1956 : i32 to index
        %get3A_2267 = arith.constant 16 : index
        %get3A_2268 = tpu.vector_load %arg5[%get3A_2266, %get3A_2267] {strides = array<i32>} : memref<200x128xi32, #tpu.memory_space<vmem>>, vector<1x16xi32>,
        %get3A_2269 = vector.shape_cast %get3A_2268 : vector<1x16xi32> to vector<16xi32>
        %dma_start3A_2270 = arith.constant 2 : i32
        %dma_start3A_2271 = arith.constant 2 : i32
        %dma_start3A_2272 = arith.constant 0 : i32
        %dma_start3A_2273 = arith.constant 0 : i32
        %dma_start3A_2274 = tpu.memref_slice %arg6[%dma_start3A_2270, %dma_start3A_2272, %dma_start3A_2273] : memref<10x128x64xf32, #tpu.memory_space<vmem>> -> memref<1x128x64xf32, #tpu.memory_space<vmem>>
        %dma_start3A_2275 = tpu.memref_squeeze %dma_start3A_2274 : memref<1x128x64xf32, #tpu.memory_space<vmem>> -> memref<128x64xf32, #tpu.memory_space<vmem>>
        %dma_start3A_2276 = arith.constant 16 : i32
        %dma_start3A_2277 = arith.constant 0 : i32
        %dma_start3A_2278 = tpu.memref_slice %dma_start3A_2275[%dma_start3A_2276, %dma_start3A_2277] : memref<128x64xf32, #tpu.memory_space<vmem>> -> memref<16x64xf32, #tpu.memory_space<vmem>>
        %dma_start3A_2279 = arith.constant 0 : i32
        %dma_start3A_2280 = arith.constant 0 : i32
        %dma_start3A_2281 = tpu.memref_slice %arg2[%dma_start3A_2279, %dma_start3A_2280] : memref<1000000x64xf32, #tpu.memory_space<hbm>> -> memref<1000000x64xf32, #tpu.memory_space<hbm>>
        %dma_start3A_2282 = tpu.memref_slice %arg7[%dma_start3A_2271] : memref<10x!tpu.dma_semaphore, #tpu.memory_space<semaphore_mem>> -> memref<1x!tpu.dma_semaphore, #tpu.memory_space<semaphore_mem>>
        %dma_start3A_2283 = tpu.memref_squeeze %dma_start3A_2282 : memref<1x!tpu.dma_semaphore, #tpu.memory_space<semaphore_mem>> -> memref<!tpu.dma_semaphore, #tpu.memory_space<semaphore_mem>>
        tpu.enqueue_indirect_dma source(%dma_start3A_2281 : memref<1000000x64xf32, #tpu.memory_space<hbm>>) target(%dma_start3A_2278 : memref<16x64xf32, #tpu.memory_space<vmem>>) offsets(%get3A_2269 : vector<16xi32>) semaphore(%dma_start3A_2283 : memref<!tpu.dma_semaphore, #tpu.memory_space<semaphore_mem>>)
        %get3A_2284 = arith.index_cast %sub3A_1956 : i32 to index
        %get3A_2285 = arith.constant 32 : index
        %get3A_2286 = tpu.vector_load %arg5[%get3A_2284, %get3A_2285] {strides = array<i32>} : memref<200x128xi32, #tpu.memory_space<vmem>>, vector<1x16xi32>,
        %get3A_2287 = vector.shape_cast %get3A_2286 : vector<1x16xi32> to vector<16xi32>
        %dma_start3A_2288 = arith.constant 2 : i32
        %dma_start3A_2289 = arith.constant 2 : i32
        %dma_start3A_2290 = arith.constant 0 : i32
        %dma_start3A_2291 = arith.constant 0 : i32
        %dma_start3A_2292 = tpu.memref_slice %arg6[%dma_start3A_2288, %dma_start3A_2290, %dma_start3A_2291] : memref<10x128x64xf32, #tpu.memory_space<vmem>> -> memref<1x128x64xf32, #tpu.memory_space<vmem>>
        %dma_start3A_2293 = tpu.memref_squeeze %dma_start3A_2292 : memref<1x128x64xf32, #tpu.memory_space<vmem>> -> memref<128x64xf32, #tpu.memory_space<vmem>>
        %dma_start3A_2294 = arith.constant 32 : i32
        %dma_start3A_2295 = arith.constant 0 : i32
        %dma_start3A_2296 = tpu.memref_slice %dma_start3A_2293[%dma_start3A_2294, %dma_start3A_2295] : memref<128x64xf32, #tpu.memory_space<vmem>> -> memref<16x64xf32, #tpu.memory_space<vmem>>
        %dma_start3A_2297 = arith.constant 0 : i32
        %dma_start3A_2298 = arith.constant 0 : i32
        %dma_start3A_2299 = tpu.memref_slice %arg2[%dma_start3A_2297, %dma_start3A_2298] : memref<1000000x64xf32, #tpu.memory_space<hbm>> -> memref<1000000x64xf32, #tpu.memory_space<hbm>>
        %dma_start3A_2300 = tpu.memref_slice %arg7[%dma_start3A_2289] : memref<10x!tpu.dma_semaphore, #tpu.memory_space<semaphore_mem>> -> memref<1x!tpu.dma_semaphore, #tpu.memory_space<semaphore_mem>>
        %dma_start3A_2301 = tpu.memref_squeeze %dma_start3A_2300 : memref<1x!tpu.dma_semaphore, #tpu.memory_space<semaphore_mem>> -> memref<!tpu.dma_semaphore, #tpu.memory_space<semaphore_mem>>
        tpu.enqueue_indirect_dma source(%dma_start3A_2299 : memref<1000000x64xf32, #tpu.memory_space<hbm>>) target(%dma_start3A_2296 : memref<16x64xf32, #tpu.memory_space<vmem>>) offsets(%get3A_2287 : vector<16xi32>) semaphore(%dma_start3A_2301 : memref<!tpu.dma_semaphore, #tpu.memory_space<semaphore_mem>>)
        %get3A_2302 = arith.index_cast %sub3A_1956 : i32 to index
        %get3A_2303 = arith.constant 48 : index
        %get3A_2304 = tpu.vector_load %arg5[%get3A_2302, %get3A_2303] {strides = array<i32>} : memref<200x128xi32, #tpu.memory_space<vmem>>, vector<1x16xi32>,
        %get3A_2305 = vector.shape_cast %get3A_2304 : vector<1x16xi32> to vector<16xi32>
        %dma_start3A_2306 = arith.constant 2 : i32
        %dma_start3A_2307 = arith.constant 2 : i32
        %dma_start3A_2308 = arith.constant 0 : i32
        %dma_start3A_2309 = arith.constant 0 : i32
        %dma_start3A_2310 = tpu.memref_slice %arg6[%dma_start3A_2306, %dma_start3A_2308, %dma_start3A_2309] : memref<10x128x64xf32, #tpu.memory_space<vmem>> -> memref<1x128x64xf32, #tpu.memory_space<vmem>>
        %dma_start3A_2311 = tpu.memref_squeeze %dma_start3A_2310 : memref<1x128x64xf32, #tpu.memory_space<vmem>> -> memref<128x64xf32, #tpu.memory_space<vmem>>
        %dma_start3A_2312 = arith.constant 48 : i32
        %dma_start3A_2313 = arith.constant 0 : i32
        %dma_start3A_2314 = tpu.memref_slice %dma_start3A_2311[%dma_start3A_2312, %dma_start3A_2313] : memref<128x64xf32, #tpu.memory_space<vmem>> -> memref<16x64xf32, #tpu.memory_space<vmem>>
        %dma_start3A_2315 = arith.constant 0 : i32
        %dma_start3A_2316 = arith.constant 0 : i32
        %dma_start3A_2317 = tpu.memref_slice %arg2[%dma_start3A_2315, %dma_start3A_2316] : memref<1000000x64xf32, #tpu.memory_space<hbm>> -> memref<1000000x64xf32, #tpu.memory_space<hbm>>
        %dma_start3A_2318 = tpu.memref_slice %arg7[%dma_start3A_2307] : memref<10x!tpu.dma_semaphore, #tpu.memory_space<semaphore_mem>> -> memref<1x!tpu.dma_semaphore, #tpu.memory_space<semaphore_mem>>
        %dma_start3A_2319 = tpu.memref_squeeze %dma_start3A_2318 : memref<1x!tpu.dma_semaphore, #tpu.memory_space<semaphore_mem>> -> memref<!tpu.dma_semaphore, #tpu.memory_space<semaphore_mem>>
        tpu.enqueue_indirect_dma source(%dma_start3A_2317 : memref<1000000x64xf32, #tpu.memory_space<hbm>>) target(%dma_start3A_2314 : memref<16x64xf32, #tpu.memory_space<vmem>>) offsets(%get3A_2305 : vector<16xi32>) semaphore(%dma_start3A_2319 : memref<!tpu.dma_semaphore, #tpu.memory_space<semaphore_mem>>)
        %get3A_2320 = arith.index_cast %sub3A_1956 : i32 to index
        %get3A_2321 = arith.constant 64 : index
        %get3A_2322 = tpu.vector_load %arg5[%get3A_2320, %get3A_2321] {strides = array<i32>} : memref<200x128xi32, #tpu.memory_space<vmem>>, vector<1x16xi32>,
        %get3A_2323 = vector.shape_cast %get3A_2322 : vector<1x16xi32> to vector<16xi32>
        %dma_start3A_2324 = arith.constant 2 : i32
        %dma_start3A_2325 = arith.constant 2 : i32
        %dma_start3A_2326 = arith.constant 0 : i32
        %dma_start3A_2327 = arith.constant 0 : i32
        %dma_start3A_2328 = tpu.memref_slice %arg6[%dma_start3A_2324, %dma_start3A_2326, %dma_start3A_2327] : memref<10x128x64xf32, #tpu.memory_space<vmem>> -> memref<1x128x64xf32, #tpu.memory_space<vmem>>
        %dma_start3A_2329 = tpu.memref_squeeze %dma_start3A_2328 : memref<1x128x64xf32, #tpu.memory_space<vmem>> -> memref<128x64xf32, #tpu.memory_space<vmem>>
        %dma_start3A_2330 = arith.constant 64 : i32
        %dma_start3A_2331 = arith.constant 0 : i32
        %dma_start3A_2332 = tpu.memref_slice %dma_start3A_2329[%dma_start3A_2330, %dma_start3A_2331] : memref<128x64xf32, #tpu.memory_space<vmem>> -> memref<16x64xf32, #tpu.memory_space<vmem>>
        %dma_start3A_2333 = arith.constant 0 : i32
        %dma_start3A_2334 = arith.constant 0 : i32
        %dma_start3A_2335 = tpu.memref_slice %arg2[%dma_start3A_2333, %dma_start3A_2334] : memref<1000000x64xf32, #tpu.memory_space<hbm>> -> memref<1000000x64xf32, #tpu.memory_space<hbm>>
        %dma_start3A_2336 = tpu.memref_slice %arg7[%dma_start3A_2325] : memref<10x!tpu.dma_semaphore, #tpu.memory_space<semaphore_mem>> -> memref<1x!tpu.dma_semaphore, #tpu.memory_space<semaphore_mem>>
        %dma_start3A_2337 = tpu.memref_squeeze %dma_start3A_2336 : memref<1x!tpu.dma_semaphore, #tpu.memory_space<semaphore_mem>> -> memref<!tpu.dma_semaphore, #tpu.memory_space<semaphore_mem>>
        tpu.enqueue_indirect_dma source(%dma_start3A_2335 : memref<1000000x64xf32, #tpu.memory_space<hbm>>) target(%dma_start3A_2332 : memref<16x64xf32, #tpu.memory_space<vmem>>) offsets(%get3A_2323 : vector<16xi32>) semaphore(%dma_start3A_2337 : memref<!tpu.dma_semaphore, #tpu.memory_space<semaphore_mem>>)
        %get3A_2338 = arith.index_cast %sub3A_1956 : i32 to index
        %get3A_2339 = arith.constant 80 : index
        %get3A_2340 = tpu.vector_load %arg5[%get3A_2338, %get3A_2339] {strides = array<i32>} : memref<200x128xi32, #tpu.memory_space<vmem>>, vector<1x16xi32>,
        %get3A_2341 = vector.shape_cast %get3A_2340 : vector<1x16xi32> to vector<16xi32>
        %dma_start3A_2342 = arith.constant 2 : i32
        %dma_start3A_2343 = arith.constant 2 : i32
        %dma_start3A_2344 = arith.constant 0 : i32
        %dma_start3A_2345 = arith.constant 0 : i32
        %dma_start3A_2346 = tpu.memref_slice %arg6[%dma_start3A_2342, %dma_start3A_2344, %dma_start3A_2345] : memref<10x128x64xf32, #tpu.memory_space<vmem>> -> memref<1x128x64xf32, #tpu.memory_space<vmem>>
        %dma_start3A_2347 = tpu.memref_squeeze %dma_start3A_2346 : memref<1x128x64xf32, #tpu.memory_space<vmem>> -> memref<128x64xf32, #tpu.memory_space<vmem>>
        %dma_start3A_2348 = arith.constant 80 : i32
        %dma_start3A_2349 = arith.constant 0 : i32
        %dma_start3A_2350 = tpu.memref_slice %dma_start3A_2347[%dma_start3A_2348, %dma_start3A_2349] : memref<128x64xf32, #tpu.memory_space<vmem>> -> memref<16x64xf32, #tpu.memory_space<vmem>>
        %dma_start3A_2351 = arith.constant 0 : i32
        %dma_start3A_2352 = arith.constant 0 : i32
        %dma_start3A_2353 = tpu.memref_slice %arg2[%dma_start3A_2351, %dma_start3A_2352] : memref<1000000x64xf32, #tpu.memory_space<hbm>> -> memref<1000000x64xf32, #tpu.memory_space<hbm>>
        %dma_start3A_2354 = tpu.memref_slice %arg7[%dma_start3A_2343] : memref<10x!tpu.dma_semaphore, #tpu.memory_space<semaphore_mem>> -> memref<1x!tpu.dma_semaphore, #tpu.memory_space<semaphore_mem>>
        %dma_start3A_2355 = tpu.memref_squeeze %dma_start3A_2354 : memref<1x!tpu.dma_semaphore, #tpu.memory_space<semaphore_mem>> -> memref<!tpu.dma_semaphore, #tpu.memory_space<semaphore_mem>>
        tpu.enqueue_indirect_dma source(%dma_start3A_2353 : memref<1000000x64xf32, #tpu.memory_space<hbm>>) target(%dma_start3A_2350 : memref<16x64xf32, #tpu.memory_space<vmem>>) offsets(%get3A_2341 : vector<16xi32>) semaphore(%dma_start3A_2355 : memref<!tpu.dma_semaphore, #tpu.memory_space<semaphore_mem>>)
        %get3A_2356 = arith.index_cast %sub3A_1956 : i32 to index
        %get3A_2357 = arith.constant 96 : index
        %get3A_2358 = tpu.vector_load %arg5[%get3A_2356, %get3A_2357] {strides = array<i32>} : memref<200x128xi32, #tpu.memory_space<vmem>>, vector<1x16xi32>,
        %get3A_2359 = vector.shape_cast %get3A_2358 : vector<1x16xi32> to vector<16xi32>
        %dma_start3A_2360 = arith.constant 2 : i32
        %dma_start3A_2361 = arith.constant 2 : i32
        %dma_start3A_2362 = arith.constant 0 : i32
        %dma_start3A_2363 = arith.constant 0 : i32
        %dma_start3A_2364 = tpu.memref_slice %arg6[%dma_start3A_2360, %dma_start3A_2362, %dma_start3A_2363] : memref<10x128x64xf32, #tpu.memory_space<vmem>> -> memref<1x128x64xf32, #tpu.memory_space<vmem>>
        %dma_start3A_2365 = tpu.memref_squeeze %dma_start3A_2364 : memref<1x128x64xf32, #tpu.memory_space<vmem>> -> memref<128x64xf32, #tpu.memory_space<vmem>>
        %dma_start3A_2366 = arith.constant 96 : i32
        %dma_start3A_2367 = arith.constant 0 : i32
        %dma_start3A_2368 = tpu.memref_slice %dma_start3A_2365[%dma_start3A_2366, %dma_start3A_2367] : memref<128x64xf32, #tpu.memory_space<vmem>> -> memref<16x64xf32, #tpu.memory_space<vmem>>
        %dma_start3A_2369 = arith.constant 0 : i32
        %dma_start3A_2370 = arith.constant 0 : i32
        %dma_start3A_2371 = tpu.memref_slice %arg2[%dma_start3A_2369, %dma_start3A_2370] : memref<1000000x64xf32, #tpu.memory_space<hbm>> -> memref<1000000x64xf32, #tpu.memory_space<hbm>>
        %dma_start3A_2372 = tpu.memref_slice %arg7[%dma_start3A_2361] : memref<10x!tpu.dma_semaphore, #tpu.memory_space<semaphore_mem>> -> memref<1x!tpu.dma_semaphore, #tpu.memory_space<semaphore_mem>>
        %dma_start3A_2373 = tpu.memref_squeeze %dma_start3A_2372 : memref<1x!tpu.dma_semaphore, #tpu.memory_space<semaphore_mem>> -> memref<!tpu.dma_semaphore, #tpu.memory_space<semaphore_mem>>
        tpu.enqueue_indirect_dma source(%dma_start3A_2371 : memref<1000000x64xf32, #tpu.memory_space<hbm>>) target(%dma_start3A_2368 : memref<16x64xf32, #tpu.memory_space<vmem>>) offsets(%get3A_2359 : vector<16xi32>) semaphore(%dma_start3A_2373 : memref<!tpu.dma_semaphore, #tpu.memory_space<semaphore_mem>>)
        %get3A_2374 = arith.index_cast %sub3A_1956 : i32 to index
        %get3A_2375 = arith.constant 112 : index
        %get3A_2376 = tpu.vector_load %arg5[%get3A_2374, %get3A_2375] {strides = array<i32>} : memref<200x128xi32, #tpu.memory_space<vmem>>, vector<1x16xi32>,
        %get3A_2377 = vector.shape_cast %get3A_2376 : vector<1x16xi32> to vector<16xi32>
        %dma_start3A_2378 = arith.constant 2 : i32
        %dma_start3A_2379 = arith.constant 2 : i32
        %dma_start3A_2380 = arith.constant 0 : i32
        %dma_start3A_2381 = arith.constant 0 : i32
        %dma_start3A_2382 = tpu.memref_slice %arg6[%dma_start3A_2378, %dma_start3A_2380, %dma_start3A_2381] : memref<10x128x64xf32, #tpu.memory_space<vmem>> -> memref<1x128x64xf32, #tpu.memory_space<vmem>>
        %dma_start3A_2383 = tpu.memref_squeeze %dma_start3A_2382 : memref<1x128x64xf32, #tpu.memory_space<vmem>> -> memref<128x64xf32, #tpu.memory_space<vmem>>
        %dma_start3A_2384 = arith.constant 112 : i32
        %dma_start3A_2385 = arith.constant 0 : i32
        %dma_start3A_2386 = tpu.memref_slice %dma_start3A_2383[%dma_start3A_2384, %dma_start3A_2385] : memref<128x64xf32, #tpu.memory_space<vmem>> -> memref<16x64xf32, #tpu.memory_space<vmem>>
        %dma_start3A_2387 = arith.constant 0 : i32
        %dma_start3A_2388 = arith.constant 0 : i32
        %dma_start3A_2389 = tpu.memref_slice %arg2[%dma_start3A_2387, %dma_start3A_2388] : memref<1000000x64xf32, #tpu.memory_space<hbm>> -> memref<1000000x64xf32, #tpu.memory_space<hbm>>
        %dma_start3A_2390 = tpu.memref_slice %arg7[%dma_start3A_2379] : memref<10x!tpu.dma_semaphore, #tpu.memory_space<semaphore_mem>> -> memref<1x!tpu.dma_semaphore, #tpu.memory_space<semaphore_mem>>
        %dma_start3A_2391 = tpu.memref_squeeze %dma_start3A_2390 : memref<1x!tpu.dma_semaphore, #tpu.memory_space<semaphore_mem>> -> memref<!tpu.dma_semaphore, #tpu.memory_space<semaphore_mem>>
        tpu.enqueue_indirect_dma source(%dma_start3A_2389 : memref<1000000x64xf32, #tpu.memory_space<hbm>>) target(%dma_start3A_2386 : memref<16x64xf32, #tpu.memory_space<vmem>>) offsets(%get3A_2377 : vector<16xi32>) semaphore(%dma_start3A_2391 : memref<!tpu.dma_semaphore, #tpu.memory_space<semaphore_mem>>)
      } else {
      }
      %mul3A_1965 = arith.constant 10 : i32
      %mul3A_1966 = arith.muli %scan3A_1705, %mul3A_1965 : i32
      %add3A_1967 = arith.constant 5 : i32
      %add3A_1968 = arith.addi %mul3A_1966, %add3A_1967 : i32
      %dma_wait3A_1969 = arith.constant 5 : i32
      %dma_wait3A_1970 = arith.constant 5 : i32
      %dma_wait3A_1971 = arith.constant 0 : i32
      %dma_wait3A_1972 = arith.constant 0 : i32
      %dma_wait3A_1973 = tpu.memref_slice %arg6[%dma_wait3A_1969, %dma_wait3A_1971, %dma_wait3A_1972] : memref<10x128x64xf32, #tpu.memory_space<vmem>> -> memref<1x128x64xf32, #tpu.memory_space<vmem>>
      %dma_wait3A_1974 = tpu.memref_squeeze %dma_wait3A_1973 : memref<1x128x64xf32, #tpu.memory_space<vmem>> -> memref<128x64xf32, #tpu.memory_space<vmem>>
      %dma_wait3A_1975 = arith.constant 0 : i32
      %dma_wait3A_1976 = arith.constant 0 : i32
      %dma_wait3A_1977 = tpu.memref_slice %arg2[%dma_wait3A_1975, %dma_wait3A_1976] : memref<1000000x64xf32, #tpu.memory_space<hbm>> -> memref<128x64xf32, #tpu.memory_space<hbm>>
      %dma_wait3A_1978 = tpu.memref_slice %arg7[%dma_wait3A_1970] : memref<10x!tpu.dma_semaphore, #tpu.memory_space<semaphore_mem>> -> memref<1x!tpu.dma_semaphore, #tpu.memory_space<semaphore_mem>>
      %dma_wait3A_1979 = tpu.memref_squeeze %dma_wait3A_1978 : memref<1x!tpu.dma_semaphore, #tpu.memory_space<semaphore_mem>> -> memref<!tpu.dma_semaphore, #tpu.memory_space<semaphore_mem>>
      %dma_wait3A_1980 = arith.constant 0 : i32
      %dma_wait3A_1981 = arith.constant 0 : i32
      %dma_wait3A_1982 = tpu.memref_slice %arg6[%dma_wait3A_1969, %dma_wait3A_1980, %dma_wait3A_1981] : memref<10x128x64xf32, #tpu.memory_space<vmem>> -> memref<1x128x64xf32, #tpu.memory_space<vmem>>
      %dma_wait3A_1983 = tpu.memref_squeeze %dma_wait3A_1982 : memref<1x128x64xf32, #tpu.memory_space<vmem>> -> memref<128x64xf32, #tpu.memory_space<vmem>>
      %dma_wait3A_1984 = arith.constant 0 : i32
      %dma_wait3A_1985 = arith.constant 0 : i32
      %dma_wait3A_1986 = tpu.memref_slice %arg2[%dma_wait3A_1984, %dma_wait3A_1985] : memref<1000000x64xf32, #tpu.memory_space<hbm>> -> memref<128x64xf32, #tpu.memory_space<hbm>>
      tpu.wait_dma2 semaphore(%dma_wait3A_1979 : memref<!tpu.dma_semaphore, #tpu.memory_space<semaphore_mem>>) src(%dma_wait3A_1986 : memref<128x64xf32, #tpu.memory_space<hbm>>) dst(%dma_wait3A_1983 : memref<128x64xf32, #tpu.memory_space<vmem>>)
      %mul3A_1987 = arith.constant 128 : i32
      %mul3A_1988 = arith.muli %add3A_1968, %mul3A_1987 : i32
      %add3A_1989 = arith.addi %mul3A_2, %mul3A_1988 : i32
      %dma_start3A_1990 = arith.constant 5 : i32
      %dma_start3A_1991 = arith.constant 5 : i32
      %dma_start3A_1992 = arith.constant 0 : i32
      %dma_start3A_1993 = arith.constant 0 : i32
      %dma_start3A_1994 = tpu.memref_slice %arg6[%dma_start3A_1990, %dma_start3A_1992, %dma_start3A_1993] : memref<10x128x64xf32, #tpu.memory_space<vmem>> -> memref<1x128x64xf32, #tpu.memory_space<vmem>>
      %dma_start3A_1995 = tpu.memref_squeeze %dma_start3A_1994 : memref<1x128x64xf32, #tpu.memory_space<vmem>> -> memref<128x64xf32, #tpu.memory_space<vmem>>
      %dma_start3A_1996 = arith.constant 0 : i32
      %dma_start3A_1997 = tpu.memref_slice %arg4[%add3A_1989, %dma_start3A_1996] : memref<819200x64xf32, #tpu.memory_space<hbm>> -> memref<128x64xf32, #tpu.memory_space<hbm>>
      %dma_start3A_1998 = tpu.memref_slice %arg8[%dma_start3A_1991] : memref<10x!tpu.dma_semaphore, #tpu.memory_space<semaphore_mem>> -> memref<1x!tpu.dma_semaphore, #tpu.memory_space<semaphore_mem>>
      %dma_start3A_1999 = tpu.memref_squeeze %dma_start3A_1998 : memref<1x!tpu.dma_semaphore, #tpu.memory_space<semaphore_mem>> -> memref<!tpu.dma_semaphore, #tpu.memory_space<semaphore_mem>>
      %dma_start3A_2000 = arith.constant 0 : i32
      %dma_start3A_2001 = tpu.memref_slice %arg4[%add3A_1989, %dma_start3A_2000] : memref<819200x64xf32, #tpu.memory_space<hbm>> -> memref<128x64xf32, #tpu.memory_space<hbm>>
      %dma_start3A_2002 = arith.constant 0 : i32
      %dma_start3A_2003 = arith.constant 0 : i32
      %dma_start3A_2004 = tpu.memref_slice %arg6[%dma_start3A_1990, %dma_start3A_2002, %dma_start3A_2003] : memref<10x128x64xf32, #tpu.memory_space<vmem>> -> memref<1x128x64xf32, #tpu.memory_space<vmem>>
      %dma_start3A_2005 = tpu.memref_squeeze %dma_start3A_2004 : memref<1x128x64xf32, #tpu.memory_space<vmem>> -> memref<128x64xf32, #tpu.memory_space<vmem>>
      tpu.enqueue_dma source(%dma_start3A_2005 : memref<128x64xf32, #tpu.memory_space<vmem>>) target(%dma_start3A_2001 : memref<128x64xf32, #tpu.memory_space<hbm>>) target_semaphore(%dma_start3A_1999 : memref<!tpu.dma_semaphore, #tpu.memory_space<semaphore_mem>>)
      %add3A_2006 = arith.constant 10 : i32
      %add3A_2007 = arith.addi %add3A_1968, %add3A_2006 : i32
      %sub3A_2008 = arith.constant 2 : i32
      %sub3A_2009 = arith.subi %add3A_2007, %sub3A_2008 : i32
      %ge3A_2010 = arith.constant 2 : i32
      %ge3A_2011 = arith.cmpi sge, %add3A_1968, %ge3A_2010 : i32
      %lt3A_2012 = arith.constant 200 : i32
      %lt3A_2013 = arith.cmpi slt, %sub3A_2009, %lt3A_2012 : i32
      %and3A_2014 = arith.andi %ge3A_2011, %lt3A_2013 : i1
      %convert_element_type3A_2015 = arith.extui %and3A_2014 : i1 to i32
      %cond3A_2016 = arith.constant 0 : i32
      %cond3A_2017 = arith.cmpi ne, %convert_element_type3A_2015, %cond3A_2016 : i32
      scf.if %cond3A_2017 {
        %dma_wait3A_2230 = arith.constant 3 : i32
        %dma_wait3A_2231 = arith.constant 3 : i32
        %dma_wait3A_2232 = arith.constant 0 : i32
        %dma_wait3A_2233 = arith.constant 0 : i32
        %dma_wait3A_2234 = tpu.memref_slice %arg6[%dma_wait3A_2230, %dma_wait3A_2232, %dma_wait3A_2233] : memref<10x128x64xf32, #tpu.memory_space<vmem>> -> memref<1x128x64xf32, #tpu.memory_space<vmem>>
        %dma_wait3A_2235 = tpu.memref_squeeze %dma_wait3A_2234 : memref<1x128x64xf32, #tpu.memory_space<vmem>> -> memref<128x64xf32, #tpu.memory_space<vmem>>
        %dma_wait3A_2236 = arith.constant 0 : i32
        %dma_wait3A_2237 = arith.constant 0 : i32
        %dma_wait3A_2238 = tpu.memref_slice %arg2[%dma_wait3A_2236, %dma_wait3A_2237] : memref<1000000x64xf32, #tpu.memory_space<hbm>> -> memref<128x64xf32, #tpu.memory_space<hbm>>
        %dma_wait3A_2239 = tpu.memref_slice %arg8[%dma_wait3A_2231] : memref<10x!tpu.dma_semaphore, #tpu.memory_space<semaphore_mem>> -> memref<1x!tpu.dma_semaphore, #tpu.memory_space<semaphore_mem>>
        %dma_wait3A_2240 = tpu.memref_squeeze %dma_wait3A_2239 : memref<1x!tpu.dma_semaphore, #tpu.memory_space<semaphore_mem>> -> memref<!tpu.dma_semaphore, #tpu.memory_space<semaphore_mem>>
        %dma_wait3A_2241 = arith.constant 0 : i32
        %dma_wait3A_2242 = arith.constant 0 : i32
        %dma_wait3A_2243 = tpu.memref_slice %arg6[%dma_wait3A_2230, %dma_wait3A_2241, %dma_wait3A_2242] : memref<10x128x64xf32, #tpu.memory_space<vmem>> -> memref<1x128x64xf32, #tpu.memory_space<vmem>>
        %dma_wait3A_2244 = tpu.memref_squeeze %dma_wait3A_2243 : memref<1x128x64xf32, #tpu.memory_space<vmem>> -> memref<128x64xf32, #tpu.memory_space<vmem>>
        %dma_wait3A_2245 = arith.constant 0 : i32
        %dma_wait3A_2246 = arith.constant 0 : i32
        %dma_wait3A_2247 = tpu.memref_slice %arg2[%dma_wait3A_2245, %dma_wait3A_2246] : memref<1000000x64xf32, #tpu.memory_space<hbm>> -> memref<128x64xf32, #tpu.memory_space<hbm>>
        tpu.wait_dma2 semaphore(%dma_wait3A_2240 : memref<!tpu.dma_semaphore, #tpu.memory_space<semaphore_mem>>) src(%dma_wait3A_2247 : memref<128x64xf32, #tpu.memory_space<hbm>>) dst(%dma_wait3A_2244 : memref<128x64xf32, #tpu.memory_space<vmem>>)
        %get3A_2248 = arith.index_cast %sub3A_2009 : i32 to index
        %get3A_2249 = arith.constant 0 : index
        %get3A_2250 = tpu.vector_load %arg5[%get3A_2248, %get3A_2249] {strides = array<i32>} : memref<200x128xi32, #tpu.memory_space<vmem>>, vector<1x16xi32>,
        %get3A_2251 = vector.shape_cast %get3A_2250 : vector<1x16xi32> to vector<16xi32>
        %dma_start3A_2252 = arith.constant 3 : i32
        %dma_start3A_2253 = arith.constant 3 : i32
        %dma_start3A_2254 = arith.constant 0 : i32
        %dma_start3A_2255 = arith.constant 0 : i32
        %dma_start3A_2256 = tpu.memref_slice %arg6[%dma_start3A_2252, %dma_start3A_2254, %dma_start3A_2255] : memref<10x128x64xf32, #tpu.memory_space<vmem>> -> memref<1x128x64xf32, #tpu.memory_space<vmem>>
        %dma_start3A_2257 = tpu.memref_squeeze %dma_start3A_2256 : memref<1x128x64xf32, #tpu.memory_space<vmem>> -> memref<128x64xf32, #tpu.memory_space<vmem>>
        %dma_start3A_2258 = arith.constant 0 : i32
        %dma_start3A_2259 = arith.constant 0 : i32
        %dma_start3A_2260 = tpu.memref_slice %dma_start3A_2257[%dma_start3A_2258, %dma_start3A_2259] : memref<128x64xf32, #tpu.memory_space<vmem>> -> memref<16x64xf32, #tpu.memory_space<vmem>>
        %dma_start3A_2261 = arith.constant 0 : i32
        %dma_start3A_2262 = arith.constant 0 : i32
        %dma_start3A_2263 = tpu.memref_slice %arg2[%dma_start3A_2261, %dma_start3A_2262] : memref<1000000x64xf32, #tpu.memory_space<hbm>> -> memref<1000000x64xf32, #tpu.memory_space<hbm>>
        %dma_start3A_2264 = tpu.memref_slice %arg7[%dma_start3A_2253] : memref<10x!tpu.dma_semaphore, #tpu.memory_space<semaphore_mem>> -> memref<1x!tpu.dma_semaphore, #tpu.memory_space<semaphore_mem>>
        %dma_start3A_2265 = tpu.memref_squeeze %dma_start3A_2264 : memref<1x!tpu.dma_semaphore, #tpu.memory_space<semaphore_mem>> -> memref<!tpu.dma_semaphore, #tpu.memory_space<semaphore_mem>>
        tpu.enqueue_indirect_dma source(%dma_start3A_2263 : memref<1000000x64xf32, #tpu.memory_space<hbm>>) target(%dma_start3A_2260 : memref<16x64xf32, #tpu.memory_space<vmem>>) offsets(%get3A_2251 : vector<16xi32>) semaphore(%dma_start3A_2265 : memref<!tpu.dma_semaphore, #tpu.memory_space<semaphore_mem>>)
        %get3A_2266 = arith.index_cast %sub3A_2009 : i32 to index
        %get3A_2267 = arith.constant 16 : index
        %get3A_2268 = tpu.vector_load %arg5[%get3A_2266, %get3A_2267] {strides = array<i32>} : memref<200x128xi32, #tpu.memory_space<vmem>>, vector<1x16xi32>,
        %get3A_2269 = vector.shape_cast %get3A_2268 : vector<1x16xi32> to vector<16xi32>
        %dma_start3A_2270 = arith.constant 3 : i32
        %dma_start3A_2271 = arith.constant 3 : i32
        %dma_start3A_2272 = arith.constant 0 : i32
        %dma_start3A_2273 = arith.constant 0 : i32
        %dma_start3A_2274 = tpu.memref_slice %arg6[%dma_start3A_2270, %dma_start3A_2272, %dma_start3A_2273] : memref<10x128x64xf32, #tpu.memory_space<vmem>> -> memref<1x128x64xf32, #tpu.memory_space<vmem>>
        %dma_start3A_2275 = tpu.memref_squeeze %dma_start3A_2274 : memref<1x128x64xf32, #tpu.memory_space<vmem>> -> memref<128x64xf32, #tpu.memory_space<vmem>>
        %dma_start3A_2276 = arith.constant 16 : i32
        %dma_start3A_2277 = arith.constant 0 : i32
        %dma_start3A_2278 = tpu.memref_slice %dma_start3A_2275[%dma_start3A_2276, %dma_start3A_2277] : memref<128x64xf32, #tpu.memory_space<vmem>> -> memref<16x64xf32, #tpu.memory_space<vmem>>
        %dma_start3A_2279 = arith.constant 0 : i32
        %dma_start3A_2280 = arith.constant 0 : i32
        %dma_start3A_2281 = tpu.memref_slice %arg2[%dma_start3A_2279, %dma_start3A_2280] : memref<1000000x64xf32, #tpu.memory_space<hbm>> -> memref<1000000x64xf32, #tpu.memory_space<hbm>>
        %dma_start3A_2282 = tpu.memref_slice %arg7[%dma_start3A_2271] : memref<10x!tpu.dma_semaphore, #tpu.memory_space<semaphore_mem>> -> memref<1x!tpu.dma_semaphore, #tpu.memory_space<semaphore_mem>>
        %dma_start3A_2283 = tpu.memref_squeeze %dma_start3A_2282 : memref<1x!tpu.dma_semaphore, #tpu.memory_space<semaphore_mem>> -> memref<!tpu.dma_semaphore, #tpu.memory_space<semaphore_mem>>
        tpu.enqueue_indirect_dma source(%dma_start3A_2281 : memref<1000000x64xf32, #tpu.memory_space<hbm>>) target(%dma_start3A_2278 : memref<16x64xf32, #tpu.memory_space<vmem>>) offsets(%get3A_2269 : vector<16xi32>) semaphore(%dma_start3A_2283 : memref<!tpu.dma_semaphore, #tpu.memory_space<semaphore_mem>>)
        %get3A_2284 = arith.index_cast %sub3A_2009 : i32 to index
        %get3A_2285 = arith.constant 32 : index
        %get3A_2286 = tpu.vector_load %arg5[%get3A_2284, %get3A_2285] {strides = array<i32>} : memref<200x128xi32, #tpu.memory_space<vmem>>, vector<1x16xi32>,
        %get3A_2287 = vector.shape_cast %get3A_2286 : vector<1x16xi32> to vector<16xi32>
        %dma_start3A_2288 = arith.constant 3 : i32
        %dma_start3A_2289 = arith.constant 3 : i32
        %dma_start3A_2290 = arith.constant 0 : i32
        %dma_start3A_2291 = arith.constant 0 : i32
        %dma_start3A_2292 = tpu.memref_slice %arg6[%dma_start3A_2288, %dma_start3A_2290, %dma_start3A_2291] : memref<10x128x64xf32, #tpu.memory_space<vmem>> -> memref<1x128x64xf32, #tpu.memory_space<vmem>>
        %dma_start3A_2293 = tpu.memref_squeeze %dma_start3A_2292 : memref<1x128x64xf32, #tpu.memory_space<vmem>> -> memref<128x64xf32, #tpu.memory_space<vmem>>
        %dma_start3A_2294 = arith.constant 32 : i32
        %dma_start3A_2295 = arith.constant 0 : i32
        %dma_start3A_2296 = tpu.memref_slice %dma_start3A_2293[%dma_start3A_2294, %dma_start3A_2295] : memref<128x64xf32, #tpu.memory_space<vmem>> -> memref<16x64xf32, #tpu.memory_space<vmem>>
        %dma_start3A_2297 = arith.constant 0 : i32
        %dma_start3A_2298 = arith.constant 0 : i32
        %dma_start3A_2299 = tpu.memref_slice %arg2[%dma_start3A_2297, %dma_start3A_2298] : memref<1000000x64xf32, #tpu.memory_space<hbm>> -> memref<1000000x64xf32, #tpu.memory_space<hbm>>
        %dma_start3A_2300 = tpu.memref_slice %arg7[%dma_start3A_2289] : memref<10x!tpu.dma_semaphore, #tpu.memory_space<semaphore_mem>> -> memref<1x!tpu.dma_semaphore, #tpu.memory_space<semaphore_mem>>
        %dma_start3A_2301 = tpu.memref_squeeze %dma_start3A_2300 : memref<1x!tpu.dma_semaphore, #tpu.memory_space<semaphore_mem>> -> memref<!tpu.dma_semaphore, #tpu.memory_space<semaphore_mem>>
        tpu.enqueue_indirect_dma source(%dma_start3A_2299 : memref<1000000x64xf32, #tpu.memory_space<hbm>>) target(%dma_start3A_2296 : memref<16x64xf32, #tpu.memory_space<vmem>>) offsets(%get3A_2287 : vector<16xi32>) semaphore(%dma_start3A_2301 : memref<!tpu.dma_semaphore, #tpu.memory_space<semaphore_mem>>)
        %get3A_2302 = arith.index_cast %sub3A_2009 : i32 to index
        %get3A_2303 = arith.constant 48 : index
        %get3A_2304 = tpu.vector_load %arg5[%get3A_2302, %get3A_2303] {strides = array<i32>} : memref<200x128xi32, #tpu.memory_space<vmem>>, vector<1x16xi32>,
        %get3A_2305 = vector.shape_cast %get3A_2304 : vector<1x16xi32> to vector<16xi32>
        %dma_start3A_2306 = arith.constant 3 : i32
        %dma_start3A_2307 = arith.constant 3 : i32
        %dma_start3A_2308 = arith.constant 0 : i32
        %dma_start3A_2309 = arith.constant 0 : i32
        %dma_start3A_2310 = tpu.memref_slice %arg6[%dma_start3A_2306, %dma_start3A_2308, %dma_start3A_2309] : memref<10x128x64xf32, #tpu.memory_space<vmem>> -> memref<1x128x64xf32, #tpu.memory_space<vmem>>
        %dma_start3A_2311 = tpu.memref_squeeze %dma_start3A_2310 : memref<1x128x64xf32, #tpu.memory_space<vmem>> -> memref<128x64xf32, #tpu.memory_space<vmem>>
        %dma_start3A_2312 = arith.constant 48 : i32
        %dma_start3A_2313 = arith.constant 0 : i32
        %dma_start3A_2314 = tpu.memref_slice %dma_start3A_2311[%dma_start3A_2312, %dma_start3A_2313] : memref<128x64xf32, #tpu.memory_space<vmem>> -> memref<16x64xf32, #tpu.memory_space<vmem>>
        %dma_start3A_2315 = arith.constant 0 : i32
        %dma_start3A_2316 = arith.constant 0 : i32
        %dma_start3A_2317 = tpu.memref_slice %arg2[%dma_start3A_2315, %dma_start3A_2316] : memref<1000000x64xf32, #tpu.memory_space<hbm>> -> memref<1000000x64xf32, #tpu.memory_space<hbm>>
        %dma_start3A_2318 = tpu.memref_slice %arg7[%dma_start3A_2307] : memref<10x!tpu.dma_semaphore, #tpu.memory_space<semaphore_mem>> -> memref<1x!tpu.dma_semaphore, #tpu.memory_space<semaphore_mem>>
        %dma_start3A_2319 = tpu.memref_squeeze %dma_start3A_2318 : memref<1x!tpu.dma_semaphore, #tpu.memory_space<semaphore_mem>> -> memref<!tpu.dma_semaphore, #tpu.memory_space<semaphore_mem>>
        tpu.enqueue_indirect_dma source(%dma_start3A_2317 : memref<1000000x64xf32, #tpu.memory_space<hbm>>) target(%dma_start3A_2314 : memref<16x64xf32, #tpu.memory_space<vmem>>) offsets(%get3A_2305 : vector<16xi32>) semaphore(%dma_start3A_2319 : memref<!tpu.dma_semaphore, #tpu.memory_space<semaphore_mem>>)
        %get3A_2320 = arith.index_cast %sub3A_2009 : i32 to index
        %get3A_2321 = arith.constant 64 : index
        %get3A_2322 = tpu.vector_load %arg5[%get3A_2320, %get3A_2321] {strides = array<i32>} : memref<200x128xi32, #tpu.memory_space<vmem>>, vector<1x16xi32>,
        %get3A_2323 = vector.shape_cast %get3A_2322 : vector<1x16xi32> to vector<16xi32>
        %dma_start3A_2324 = arith.constant 3 : i32
        %dma_start3A_2325 = arith.constant 3 : i32
        %dma_start3A_2326 = arith.constant 0 : i32
        %dma_start3A_2327 = arith.constant 0 : i32
        %dma_start3A_2328 = tpu.memref_slice %arg6[%dma_start3A_2324, %dma_start3A_2326, %dma_start3A_2327] : memref<10x128x64xf32, #tpu.memory_space<vmem>> -> memref<1x128x64xf32, #tpu.memory_space<vmem>>
        %dma_start3A_2329 = tpu.memref_squeeze %dma_start3A_2328 : memref<1x128x64xf32, #tpu.memory_space<vmem>> -> memref<128x64xf32, #tpu.memory_space<vmem>>
        %dma_start3A_2330 = arith.constant 64 : i32
        %dma_start3A_2331 = arith.constant 0 : i32
        %dma_start3A_2332 = tpu.memref_slice %dma_start3A_2329[%dma_start3A_2330, %dma_start3A_2331] : memref<128x64xf32, #tpu.memory_space<vmem>> -> memref<16x64xf32, #tpu.memory_space<vmem>>
        %dma_start3A_2333 = arith.constant 0 : i32
        %dma_start3A_2334 = arith.constant 0 : i32
        %dma_start3A_2335 = tpu.memref_slice %arg2[%dma_start3A_2333, %dma_start3A_2334] : memref<1000000x64xf32, #tpu.memory_space<hbm>> -> memref<1000000x64xf32, #tpu.memory_space<hbm>>
        %dma_start3A_2336 = tpu.memref_slice %arg7[%dma_start3A_2325] : memref<10x!tpu.dma_semaphore, #tpu.memory_space<semaphore_mem>> -> memref<1x!tpu.dma_semaphore, #tpu.memory_space<semaphore_mem>>
        %dma_start3A_2337 = tpu.memref_squeeze %dma_start3A_2336 : memref<1x!tpu.dma_semaphore, #tpu.memory_space<semaphore_mem>> -> memref<!tpu.dma_semaphore, #tpu.memory_space<semaphore_mem>>
        tpu.enqueue_indirect_dma source(%dma_start3A_2335 : memref<1000000x64xf32, #tpu.memory_space<hbm>>) target(%dma_start3A_2332 : memref<16x64xf32, #tpu.memory_space<vmem>>) offsets(%get3A_2323 : vector<16xi32>) semaphore(%dma_start3A_2337 : memref<!tpu.dma_semaphore, #tpu.memory_space<semaphore_mem>>)
        %get3A_2338 = arith.index_cast %sub3A_2009 : i32 to index
        %get3A_2339 = arith.constant 80 : index
        %get3A_2340 = tpu.vector_load %arg5[%get3A_2338, %get3A_2339] {strides = array<i32>} : memref<200x128xi32, #tpu.memory_space<vmem>>, vector<1x16xi32>,
        %get3A_2341 = vector.shape_cast %get3A_2340 : vector<1x16xi32> to vector<16xi32>
        %dma_start3A_2342 = arith.constant 3 : i32
        %dma_start3A_2343 = arith.constant 3 : i32
        %dma_start3A_2344 = arith.constant 0 : i32
        %dma_start3A_2345 = arith.constant 0 : i32
        %dma_start3A_2346 = tpu.memref_slice %arg6[%dma_start3A_2342, %dma_start3A_2344, %dma_start3A_2345] : memref<10x128x64xf32, #tpu.memory_space<vmem>> -> memref<1x128x64xf32, #tpu.memory_space<vmem>>
        %dma_start3A_2347 = tpu.memref_squeeze %dma_start3A_2346 : memref<1x128x64xf32, #tpu.memory_space<vmem>> -> memref<128x64xf32, #tpu.memory_space<vmem>>
        %dma_start3A_2348 = arith.constant 80 : i32
        %dma_start3A_2349 = arith.constant 0 : i32
        %dma_start3A_2350 = tpu.memref_slice %dma_start3A_2347[%dma_start3A_2348, %dma_start3A_2349] : memref<128x64xf32, #tpu.memory_space<vmem>> -> memref<16x64xf32, #tpu.memory_space<vmem>>
        %dma_start3A_2351 = arith.constant 0 : i32
        %dma_start3A_2352 = arith.constant 0 : i32
        %dma_start3A_2353 = tpu.memref_slice %arg2[%dma_start3A_2351, %dma_start3A_2352] : memref<1000000x64xf32, #tpu.memory_space<hbm>> -> memref<1000000x64xf32, #tpu.memory_space<hbm>>
        %dma_start3A_2354 = tpu.memref_slice %arg7[%dma_start3A_2343] : memref<10x!tpu.dma_semaphore, #tpu.memory_space<semaphore_mem>> -> memref<1x!tpu.dma_semaphore, #tpu.memory_space<semaphore_mem>>
        %dma_start3A_2355 = tpu.memref_squeeze %dma_start3A_2354 : memref<1x!tpu.dma_semaphore, #tpu.memory_space<semaphore_mem>> -> memref<!tpu.dma_semaphore, #tpu.memory_space<semaphore_mem>>
        tpu.enqueue_indirect_dma source(%dma_start3A_2353 : memref<1000000x64xf32, #tpu.memory_space<hbm>>) target(%dma_start3A_2350 : memref<16x64xf32, #tpu.memory_space<vmem>>) offsets(%get3A_2341 : vector<16xi32>) semaphore(%dma_start3A_2355 : memref<!tpu.dma_semaphore, #tpu.memory_space<semaphore_mem>>)
        %get3A_2356 = arith.index_cast %sub3A_2009 : i32 to index
        %get3A_2357 = arith.constant 96 : index
        %get3A_2358 = tpu.vector_load %arg5[%get3A_2356, %get3A_2357] {strides = array<i32>} : memref<200x128xi32, #tpu.memory_space<vmem>>, vector<1x16xi32>,
        %get3A_2359 = vector.shape_cast %get3A_2358 : vector<1x16xi32> to vector<16xi32>
        %dma_start3A_2360 = arith.constant 3 : i32
        %dma_start3A_2361 = arith.constant 3 : i32
        %dma_start3A_2362 = arith.constant 0 : i32
        %dma_start3A_2363 = arith.constant 0 : i32
        %dma_start3A_2364 = tpu.memref_slice %arg6[%dma_start3A_2360, %dma_start3A_2362, %dma_start3A_2363] : memref<10x128x64xf32, #tpu.memory_space<vmem>> -> memref<1x128x64xf32, #tpu.memory_space<vmem>>
        %dma_start3A_2365 = tpu.memref_squeeze %dma_start3A_2364 : memref<1x128x64xf32, #tpu.memory_space<vmem>> -> memref<128x64xf32, #tpu.memory_space<vmem>>
        %dma_start3A_2366 = arith.constant 96 : i32
        %dma_start3A_2367 = arith.constant 0 : i32
        %dma_start3A_2368 = tpu.memref_slice %dma_start3A_2365[%dma_start3A_2366, %dma_start3A_2367] : memref<128x64xf32, #tpu.memory_space<vmem>> -> memref<16x64xf32, #tpu.memory_space<vmem>>
        %dma_start3A_2369 = arith.constant 0 : i32
        %dma_start3A_2370 = arith.constant 0 : i32
        %dma_start3A_2371 = tpu.memref_slice %arg2[%dma_start3A_2369, %dma_start3A_2370] : memref<1000000x64xf32, #tpu.memory_space<hbm>> -> memref<1000000x64xf32, #tpu.memory_space<hbm>>
        %dma_start3A_2372 = tpu.memref_slice %arg7[%dma_start3A_2361] : memref<10x!tpu.dma_semaphore, #tpu.memory_space<semaphore_mem>> -> memref<1x!tpu.dma_semaphore, #tpu.memory_space<semaphore_mem>>
        %dma_start3A_2373 = tpu.memref_squeeze %dma_start3A_2372 : memref<1x!tpu.dma_semaphore, #tpu.memory_space<semaphore_mem>> -> memref<!tpu.dma_semaphore, #tpu.memory_space<semaphore_mem>>
        tpu.enqueue_indirect_dma source(%dma_start3A_2371 : memref<1000000x64xf32, #tpu.memory_space<hbm>>) target(%dma_start3A_2368 : memref<16x64xf32, #tpu.memory_space<vmem>>) offsets(%get3A_2359 : vector<16xi32>) semaphore(%dma_start3A_2373 : memref<!tpu.dma_semaphore, #tpu.memory_space<semaphore_mem>>)
        %get3A_2374 = arith.index_cast %sub3A_2009 : i32 to index
        %get3A_2375 = arith.constant 112 : index
        %get3A_2376 = tpu.vector_load %arg5[%get3A_2374, %get3A_2375] {strides = array<i32>} : memref<200x128xi32, #tpu.memory_space<vmem>>, vector<1x16xi32>,
        %get3A_2377 = vector.shape_cast %get3A_2376 : vector<1x16xi32> to vector<16xi32>
        %dma_start3A_2378 = arith.constant 3 : i32
        %dma_start3A_2379 = arith.constant 3 : i32
        %dma_start3A_2380 = arith.constant 0 : i32
        %dma_start3A_2381 = arith.constant 0 : i32
        %dma_start3A_2382 = tpu.memref_slice %arg6[%dma_start3A_2378, %dma_start3A_2380, %dma_start3A_2381] : memref<10x128x64xf32, #tpu.memory_space<vmem>> -> memref<1x128x64xf32, #tpu.memory_space<vmem>>
        %dma_start3A_2383 = tpu.memref_squeeze %dma_start3A_2382 : memref<1x128x64xf32, #tpu.memory_space<vmem>> -> memref<128x64xf32, #tpu.memory_space<vmem>>
        %dma_start3A_2384 = arith.constant 112 : i32
        %dma_start3A_2385 = arith.constant 0 : i32
        %dma_start3A_2386 = tpu.memref_slice %dma_start3A_2383[%dma_start3A_2384, %dma_start3A_2385] : memref<128x64xf32, #tpu.memory_space<vmem>> -> memref<16x64xf32, #tpu.memory_space<vmem>>
        %dma_start3A_2387 = arith.constant 0 : i32
        %dma_start3A_2388 = arith.constant 0 : i32
        %dma_start3A_2389 = tpu.memref_slice %arg2[%dma_start3A_2387, %dma_start3A_2388] : memref<1000000x64xf32, #tpu.memory_space<hbm>> -> memref<1000000x64xf32, #tpu.memory_space<hbm>>
        %dma_start3A_2390 = tpu.memref_slice %arg7[%dma_start3A_2379] : memref<10x!tpu.dma_semaphore, #tpu.memory_space<semaphore_mem>> -> memref<1x!tpu.dma_semaphore, #tpu.memory_space<semaphore_mem>>
        %dma_start3A_2391 = tpu.memref_squeeze %dma_start3A_2390 : memref<1x!tpu.dma_semaphore, #tpu.memory_space<semaphore_mem>> -> memref<!tpu.dma_semaphore, #tpu.memory_space<semaphore_mem>>
        tpu.enqueue_indirect_dma source(%dma_start3A_2389 : memref<1000000x64xf32, #tpu.memory_space<hbm>>) target(%dma_start3A_2386 : memref<16x64xf32, #tpu.memory_space<vmem>>) offsets(%get3A_2377 : vector<16xi32>) semaphore(%dma_start3A_2391 : memref<!tpu.dma_semaphore, #tpu.memory_space<semaphore_mem>>)
      } else {
      }
      %mul3A_2018 = arith.constant 10 : i32
      %mul3A_2019 = arith.muli %scan3A_1705, %mul3A_2018 : i32
      %add3A_2020 = arith.constant 6 : i32
      %add3A_2021 = arith.addi %mul3A_2019, %add3A_2020 : i32
      %dma_wait3A_2022 = arith.constant 6 : i32
      %dma_wait3A_2023 = arith.constant 6 : i32
      %dma_wait3A_2024 = arith.constant 0 : i32
      %dma_wait3A_2025 = arith.constant 0 : i32
      %dma_wait3A_2026 = tpu.memref_slice %arg6[%dma_wait3A_2022, %dma_wait3A_2024, %dma_wait3A_2025] : memref<10x128x64xf32, #tpu.memory_space<vmem>> -> memref<1x128x64xf32, #tpu.memory_space<vmem>>
      %dma_wait3A_2027 = tpu.memref_squeeze %dma_wait3A_2026 : memref<1x128x64xf32, #tpu.memory_space<vmem>> -> memref<128x64xf32, #tpu.memory_space<vmem>>
      %dma_wait3A_2028 = arith.constant 0 : i32
      %dma_wait3A_2029 = arith.constant 0 : i32
      %dma_wait3A_2030 = tpu.memref_slice %arg2[%dma_wait3A_2028, %dma_wait3A_2029] : memref<1000000x64xf32, #tpu.memory_space<hbm>> -> memref<128x64xf32, #tpu.memory_space<hbm>>
      %dma_wait3A_2031 = tpu.memref_slice %arg7[%dma_wait3A_2023] : memref<10x!tpu.dma_semaphore, #tpu.memory_space<semaphore_mem>> -> memref<1x!tpu.dma_semaphore, #tpu.memory_space<semaphore_mem>>
      %dma_wait3A_2032 = tpu.memref_squeeze %dma_wait3A_2031 : memref<1x!tpu.dma_semaphore, #tpu.memory_space<semaphore_mem>> -> memref<!tpu.dma_semaphore, #tpu.memory_space<semaphore_mem>>
      %dma_wait3A_2033 = arith.constant 0 : i32
      %dma_wait3A_2034 = arith.constant 0 : i32
      %dma_wait3A_2035 = tpu.memref_slice %arg6[%dma_wait3A_2022, %dma_wait3A_2033, %dma_wait3A_2034] : memref<10x128x64xf32, #tpu.memory_space<vmem>> -> memref<1x128x64xf32, #tpu.memory_space<vmem>>
      %dma_wait3A_2036 = tpu.memref_squeeze %dma_wait3A_2035 : memref<1x128x64xf32, #tpu.memory_space<vmem>> -> memref<128x64xf32, #tpu.memory_space<vmem>>
      %dma_wait3A_2037 = arith.constant 0 : i32
      %dma_wait3A_2038 = arith.constant 0 : i32
      %dma_wait3A_2039 = tpu.memref_slice %arg2[%dma_wait3A_2037, %dma_wait3A_2038] : memref<1000000x64xf32, #tpu.memory_space<hbm>> -> memref<128x64xf32, #tpu.memory_space<hbm>>
      tpu.wait_dma2 semaphore(%dma_wait3A_2032 : memref<!tpu.dma_semaphore, #tpu.memory_space<semaphore_mem>>) src(%dma_wait3A_2039 : memref<128x64xf32, #tpu.memory_space<hbm>>) dst(%dma_wait3A_2036 : memref<128x64xf32, #tpu.memory_space<vmem>>)
      %mul3A_2040 = arith.constant 128 : i32
      %mul3A_2041 = arith.muli %add3A_2021, %mul3A_2040 : i32
      %add3A_2042 = arith.addi %mul3A_2, %mul3A_2041 : i32
      %dma_start3A_2043 = arith.constant 6 : i32
      %dma_start3A_2044 = arith.constant 6 : i32
      %dma_start3A_2045 = arith.constant 0 : i32
      %dma_start3A_2046 = arith.constant 0 : i32
      %dma_start3A_2047 = tpu.memref_slice %arg6[%dma_start3A_2043, %dma_start3A_2045, %dma_start3A_2046] : memref<10x128x64xf32, #tpu.memory_space<vmem>> -> memref<1x128x64xf32, #tpu.memory_space<vmem>>
      %dma_start3A_2048 = tpu.memref_squeeze %dma_start3A_2047 : memref<1x128x64xf32, #tpu.memory_space<vmem>> -> memref<128x64xf32, #tpu.memory_space<vmem>>
      %dma_start3A_2049 = arith.constant 0 : i32
      %dma_start3A_2050 = tpu.memref_slice %arg4[%add3A_2042, %dma_start3A_2049] : memref<819200x64xf32, #tpu.memory_space<hbm>> -> memref<128x64xf32, #tpu.memory_space<hbm>>
      %dma_start3A_2051 = tpu.memref_slice %arg8[%dma_start3A_2044] : memref<10x!tpu.dma_semaphore, #tpu.memory_space<semaphore_mem>> -> memref<1x!tpu.dma_semaphore, #tpu.memory_space<semaphore_mem>>
      %dma_start3A_2052 = tpu.memref_squeeze %dma_start3A_2051 : memref<1x!tpu.dma_semaphore, #tpu.memory_space<semaphore_mem>> -> memref<!tpu.dma_semaphore, #tpu.memory_space<semaphore_mem>>
      %dma_start3A_2053 = arith.constant 0 : i32
      %dma_start3A_2054 = tpu.memref_slice %arg4[%add3A_2042, %dma_start3A_2053] : memref<819200x64xf32, #tpu.memory_space<hbm>> -> memref<128x64xf32, #tpu.memory_space<hbm>>
      %dma_start3A_2055 = arith.constant 0 : i32
      %dma_start3A_2056 = arith.constant 0 : i32
      %dma_start3A_2057 = tpu.memref_slice %arg6[%dma_start3A_2043, %dma_start3A_2055, %dma_start3A_2056] : memref<10x128x64xf32, #tpu.memory_space<vmem>> -> memref<1x128x64xf32, #tpu.memory_space<vmem>>
      %dma_start3A_2058 = tpu.memref_squeeze %dma_start3A_2057 : memref<1x128x64xf32, #tpu.memory_space<vmem>> -> memref<128x64xf32, #tpu.memory_space<vmem>>
      tpu.enqueue_dma source(%dma_start3A_2058 : memref<128x64xf32, #tpu.memory_space<vmem>>) target(%dma_start3A_2054 : memref<128x64xf32, #tpu.memory_space<hbm>>) target_semaphore(%dma_start3A_2052 : memref<!tpu.dma_semaphore, #tpu.memory_space<semaphore_mem>>)
      %add3A_2059 = arith.constant 10 : i32
      %add3A_2060 = arith.addi %add3A_2021, %add3A_2059 : i32
      %sub3A_2061 = arith.constant 2 : i32
      %sub3A_2062 = arith.subi %add3A_2060, %sub3A_2061 : i32
      %ge3A_2063 = arith.constant 2 : i32
      %ge3A_2064 = arith.cmpi sge, %add3A_2021, %ge3A_2063 : i32
      %lt3A_2065 = arith.constant 200 : i32
      %lt3A_2066 = arith.cmpi slt, %sub3A_2062, %lt3A_2065 : i32
      %and3A_2067 = arith.andi %ge3A_2064, %lt3A_2066 : i1
      %convert_element_type3A_2068 = arith.extui %and3A_2067 : i1 to i32
      %cond3A_2069 = arith.constant 0 : i32
      %cond3A_2070 = arith.cmpi ne, %convert_element_type3A_2068, %cond3A_2069 : i32
      scf.if %cond3A_2070 {
        %dma_wait3A_2230 = arith.constant 4 : i32
        %dma_wait3A_2231 = arith.constant 4 : i32
        %dma_wait3A_2232 = arith.constant 0 : i32
        %dma_wait3A_2233 = arith.constant 0 : i32
        %dma_wait3A_2234 = tpu.memref_slice %arg6[%dma_wait3A_2230, %dma_wait3A_2232, %dma_wait3A_2233] : memref<10x128x64xf32, #tpu.memory_space<vmem>> -> memref<1x128x64xf32, #tpu.memory_space<vmem>>
        %dma_wait3A_2235 = tpu.memref_squeeze %dma_wait3A_2234 : memref<1x128x64xf32, #tpu.memory_space<vmem>> -> memref<128x64xf32, #tpu.memory_space<vmem>>
        %dma_wait3A_2236 = arith.constant 0 : i32
        %dma_wait3A_2237 = arith.constant 0 : i32
        %dma_wait3A_2238 = tpu.memref_slice %arg2[%dma_wait3A_2236, %dma_wait3A_2237] : memref<1000000x64xf32, #tpu.memory_space<hbm>> -> memref<128x64xf32, #tpu.memory_space<hbm>>
        %dma_wait3A_2239 = tpu.memref_slice %arg8[%dma_wait3A_2231] : memref<10x!tpu.dma_semaphore, #tpu.memory_space<semaphore_mem>> -> memref<1x!tpu.dma_semaphore, #tpu.memory_space<semaphore_mem>>
        %dma_wait3A_2240 = tpu.memref_squeeze %dma_wait3A_2239 : memref<1x!tpu.dma_semaphore, #tpu.memory_space<semaphore_mem>> -> memref<!tpu.dma_semaphore, #tpu.memory_space<semaphore_mem>>
        %dma_wait3A_2241 = arith.constant 0 : i32
        %dma_wait3A_2242 = arith.constant 0 : i32
        %dma_wait3A_2243 = tpu.memref_slice %arg6[%dma_wait3A_2230, %dma_wait3A_2241, %dma_wait3A_2242] : memref<10x128x64xf32, #tpu.memory_space<vmem>> -> memref<1x128x64xf32, #tpu.memory_space<vmem>>
        %dma_wait3A_2244 = tpu.memref_squeeze %dma_wait3A_2243 : memref<1x128x64xf32, #tpu.memory_space<vmem>> -> memref<128x64xf32, #tpu.memory_space<vmem>>
        %dma_wait3A_2245 = arith.constant 0 : i32
        %dma_wait3A_2246 = arith.constant 0 : i32
        %dma_wait3A_2247 = tpu.memref_slice %arg2[%dma_wait3A_2245, %dma_wait3A_2246] : memref<1000000x64xf32, #tpu.memory_space<hbm>> -> memref<128x64xf32, #tpu.memory_space<hbm>>
        tpu.wait_dma2 semaphore(%dma_wait3A_2240 : memref<!tpu.dma_semaphore, #tpu.memory_space<semaphore_mem>>) src(%dma_wait3A_2247 : memref<128x64xf32, #tpu.memory_space<hbm>>) dst(%dma_wait3A_2244 : memref<128x64xf32, #tpu.memory_space<vmem>>)
        %get3A_2248 = arith.index_cast %sub3A_2062 : i32 to index
        %get3A_2249 = arith.constant 0 : index
        %get3A_2250 = tpu.vector_load %arg5[%get3A_2248, %get3A_2249] {strides = array<i32>} : memref<200x128xi32, #tpu.memory_space<vmem>>, vector<1x16xi32>,
        %get3A_2251 = vector.shape_cast %get3A_2250 : vector<1x16xi32> to vector<16xi32>
        %dma_start3A_2252 = arith.constant 4 : i32
        %dma_start3A_2253 = arith.constant 4 : i32
        %dma_start3A_2254 = arith.constant 0 : i32
        %dma_start3A_2255 = arith.constant 0 : i32
        %dma_start3A_2256 = tpu.memref_slice %arg6[%dma_start3A_2252, %dma_start3A_2254, %dma_start3A_2255] : memref<10x128x64xf32, #tpu.memory_space<vmem>> -> memref<1x128x64xf32, #tpu.memory_space<vmem>>
        %dma_start3A_2257 = tpu.memref_squeeze %dma_start3A_2256 : memref<1x128x64xf32, #tpu.memory_space<vmem>> -> memref<128x64xf32, #tpu.memory_space<vmem>>
        %dma_start3A_2258 = arith.constant 0 : i32
        %dma_start3A_2259 = arith.constant 0 : i32
        %dma_start3A_2260 = tpu.memref_slice %dma_start3A_2257[%dma_start3A_2258, %dma_start3A_2259] : memref<128x64xf32, #tpu.memory_space<vmem>> -> memref<16x64xf32, #tpu.memory_space<vmem>>
        %dma_start3A_2261 = arith.constant 0 : i32
        %dma_start3A_2262 = arith.constant 0 : i32
        %dma_start3A_2263 = tpu.memref_slice %arg2[%dma_start3A_2261, %dma_start3A_2262] : memref<1000000x64xf32, #tpu.memory_space<hbm>> -> memref<1000000x64xf32, #tpu.memory_space<hbm>>
        %dma_start3A_2264 = tpu.memref_slice %arg7[%dma_start3A_2253] : memref<10x!tpu.dma_semaphore, #tpu.memory_space<semaphore_mem>> -> memref<1x!tpu.dma_semaphore, #tpu.memory_space<semaphore_mem>>
        %dma_start3A_2265 = tpu.memref_squeeze %dma_start3A_2264 : memref<1x!tpu.dma_semaphore, #tpu.memory_space<semaphore_mem>> -> memref<!tpu.dma_semaphore, #tpu.memory_space<semaphore_mem>>
        tpu.enqueue_indirect_dma source(%dma_start3A_2263 : memref<1000000x64xf32, #tpu.memory_space<hbm>>) target(%dma_start3A_2260 : memref<16x64xf32, #tpu.memory_space<vmem>>) offsets(%get3A_2251 : vector<16xi32>) semaphore(%dma_start3A_2265 : memref<!tpu.dma_semaphore, #tpu.memory_space<semaphore_mem>>)
        %get3A_2266 = arith.index_cast %sub3A_2062 : i32 to index
        %get3A_2267 = arith.constant 16 : index
        %get3A_2268 = tpu.vector_load %arg5[%get3A_2266, %get3A_2267] {strides = array<i32>} : memref<200x128xi32, #tpu.memory_space<vmem>>, vector<1x16xi32>,
        %get3A_2269 = vector.shape_cast %get3A_2268 : vector<1x16xi32> to vector<16xi32>
        %dma_start3A_2270 = arith.constant 4 : i32
        %dma_start3A_2271 = arith.constant 4 : i32
        %dma_start3A_2272 = arith.constant 0 : i32
        %dma_start3A_2273 = arith.constant 0 : i32
        %dma_start3A_2274 = tpu.memref_slice %arg6[%dma_start3A_2270, %dma_start3A_2272, %dma_start3A_2273] : memref<10x128x64xf32, #tpu.memory_space<vmem>> -> memref<1x128x64xf32, #tpu.memory_space<vmem>>
        %dma_start3A_2275 = tpu.memref_squeeze %dma_start3A_2274 : memref<1x128x64xf32, #tpu.memory_space<vmem>> -> memref<128x64xf32, #tpu.memory_space<vmem>>
        %dma_start3A_2276 = arith.constant 16 : i32
        %dma_start3A_2277 = arith.constant 0 : i32
        %dma_start3A_2278 = tpu.memref_slice %dma_start3A_2275[%dma_start3A_2276, %dma_start3A_2277] : memref<128x64xf32, #tpu.memory_space<vmem>> -> memref<16x64xf32, #tpu.memory_space<vmem>>
        %dma_start3A_2279 = arith.constant 0 : i32
        %dma_start3A_2280 = arith.constant 0 : i32
        %dma_start3A_2281 = tpu.memref_slice %arg2[%dma_start3A_2279, %dma_start3A_2280] : memref<1000000x64xf32, #tpu.memory_space<hbm>> -> memref<1000000x64xf32, #tpu.memory_space<hbm>>
        %dma_start3A_2282 = tpu.memref_slice %arg7[%dma_start3A_2271] : memref<10x!tpu.dma_semaphore, #tpu.memory_space<semaphore_mem>> -> memref<1x!tpu.dma_semaphore, #tpu.memory_space<semaphore_mem>>
        %dma_start3A_2283 = tpu.memref_squeeze %dma_start3A_2282 : memref<1x!tpu.dma_semaphore, #tpu.memory_space<semaphore_mem>> -> memref<!tpu.dma_semaphore, #tpu.memory_space<semaphore_mem>>
        tpu.enqueue_indirect_dma source(%dma_start3A_2281 : memref<1000000x64xf32, #tpu.memory_space<hbm>>) target(%dma_start3A_2278 : memref<16x64xf32, #tpu.memory_space<vmem>>) offsets(%get3A_2269 : vector<16xi32>) semaphore(%dma_start3A_2283 : memref<!tpu.dma_semaphore, #tpu.memory_space<semaphore_mem>>)
        %get3A_2284 = arith.index_cast %sub3A_2062 : i32 to index
        %get3A_2285 = arith.constant 32 : index
        %get3A_2286 = tpu.vector_load %arg5[%get3A_2284, %get3A_2285] {strides = array<i32>} : memref<200x128xi32, #tpu.memory_space<vmem>>, vector<1x16xi32>,
        %get3A_2287 = vector.shape_cast %get3A_2286 : vector<1x16xi32> to vector<16xi32>
        %dma_start3A_2288 = arith.constant 4 : i32
        %dma_start3A_2289 = arith.constant 4 : i32
        %dma_start3A_2290 = arith.constant 0 : i32
        %dma_start3A_2291 = arith.constant 0 : i32
        %dma_start3A_2292 = tpu.memref_slice %arg6[%dma_start3A_2288, %dma_start3A_2290, %dma_start3A_2291] : memref<10x128x64xf32, #tpu.memory_space<vmem>> -> memref<1x128x64xf32, #tpu.memory_space<vmem>>
        %dma_start3A_2293 = tpu.memref_squeeze %dma_start3A_2292 : memref<1x128x64xf32, #tpu.memory_space<vmem>> -> memref<128x64xf32, #tpu.memory_space<vmem>>
        %dma_start3A_2294 = arith.constant 32 : i32
        %dma_start3A_2295 = arith.constant 0 : i32
        %dma_start3A_2296 = tpu.memref_slice %dma_start3A_2293[%dma_start3A_2294, %dma_start3A_2295] : memref<128x64xf32, #tpu.memory_space<vmem>> -> memref<16x64xf32, #tpu.memory_space<vmem>>
        %dma_start3A_2297 = arith.constant 0 : i32
        %dma_start3A_2298 = arith.constant 0 : i32
        %dma_start3A_2299 = tpu.memref_slice %arg2[%dma_start3A_2297, %dma_start3A_2298] : memref<1000000x64xf32, #tpu.memory_space<hbm>> -> memref<1000000x64xf32, #tpu.memory_space<hbm>>
        %dma_start3A_2300 = tpu.memref_slice %arg7[%dma_start3A_2289] : memref<10x!tpu.dma_semaphore, #tpu.memory_space<semaphore_mem>> -> memref<1x!tpu.dma_semaphore, #tpu.memory_space<semaphore_mem>>
        %dma_start3A_2301 = tpu.memref_squeeze %dma_start3A_2300 : memref<1x!tpu.dma_semaphore, #tpu.memory_space<semaphore_mem>> -> memref<!tpu.dma_semaphore, #tpu.memory_space<semaphore_mem>>
        tpu.enqueue_indirect_dma source(%dma_start3A_2299 : memref<1000000x64xf32, #tpu.memory_space<hbm>>) target(%dma_start3A_2296 : memref<16x64xf32, #tpu.memory_space<vmem>>) offsets(%get3A_2287 : vector<16xi32>) semaphore(%dma_start3A_2301 : memref<!tpu.dma_semaphore, #tpu.memory_space<semaphore_mem>>)
        %get3A_2302 = arith.index_cast %sub3A_2062 : i32 to index
        %get3A_2303 = arith.constant 48 : index
        %get3A_2304 = tpu.vector_load %arg5[%get3A_2302, %get3A_2303] {strides = array<i32>} : memref<200x128xi32, #tpu.memory_space<vmem>>, vector<1x16xi32>,
        %get3A_2305 = vector.shape_cast %get3A_2304 : vector<1x16xi32> to vector<16xi32>
        %dma_start3A_2306 = arith.constant 4 : i32
        %dma_start3A_2307 = arith.constant 4 : i32
        %dma_start3A_2308 = arith.constant 0 : i32
        %dma_start3A_2309 = arith.constant 0 : i32
        %dma_start3A_2310 = tpu.memref_slice %arg6[%dma_start3A_2306, %dma_start3A_2308, %dma_start3A_2309] : memref<10x128x64xf32, #tpu.memory_space<vmem>> -> memref<1x128x64xf32, #tpu.memory_space<vmem>>
        %dma_start3A_2311 = tpu.memref_squeeze %dma_start3A_2310 : memref<1x128x64xf32, #tpu.memory_space<vmem>> -> memref<128x64xf32, #tpu.memory_space<vmem>>
        %dma_start3A_2312 = arith.constant 48 : i32
        %dma_start3A_2313 = arith.constant 0 : i32
        %dma_start3A_2314 = tpu.memref_slice %dma_start3A_2311[%dma_start3A_2312, %dma_start3A_2313] : memref<128x64xf32, #tpu.memory_space<vmem>> -> memref<16x64xf32, #tpu.memory_space<vmem>>
        %dma_start3A_2315 = arith.constant 0 : i32
        %dma_start3A_2316 = arith.constant 0 : i32
        %dma_start3A_2317 = tpu.memref_slice %arg2[%dma_start3A_2315, %dma_start3A_2316] : memref<1000000x64xf32, #tpu.memory_space<hbm>> -> memref<1000000x64xf32, #tpu.memory_space<hbm>>
        %dma_start3A_2318 = tpu.memref_slice %arg7[%dma_start3A_2307] : memref<10x!tpu.dma_semaphore, #tpu.memory_space<semaphore_mem>> -> memref<1x!tpu.dma_semaphore, #tpu.memory_space<semaphore_mem>>
        %dma_start3A_2319 = tpu.memref_squeeze %dma_start3A_2318 : memref<1x!tpu.dma_semaphore, #tpu.memory_space<semaphore_mem>> -> memref<!tpu.dma_semaphore, #tpu.memory_space<semaphore_mem>>
        tpu.enqueue_indirect_dma source(%dma_start3A_2317 : memref<1000000x64xf32, #tpu.memory_space<hbm>>) target(%dma_start3A_2314 : memref<16x64xf32, #tpu.memory_space<vmem>>) offsets(%get3A_2305 : vector<16xi32>) semaphore(%dma_start3A_2319 : memref<!tpu.dma_semaphore, #tpu.memory_space<semaphore_mem>>)
        %get3A_2320 = arith.index_cast %sub3A_2062 : i32 to index
        %get3A_2321 = arith.constant 64 : index
        %get3A_2322 = tpu.vector_load %arg5[%get3A_2320, %get3A_2321] {strides = array<i32>} : memref<200x128xi32, #tpu.memory_space<vmem>>, vector<1x16xi32>,
        %get3A_2323 = vector.shape_cast %get3A_2322 : vector<1x16xi32> to vector<16xi32>
        %dma_start3A_2324 = arith.constant 4 : i32
        %dma_start3A_2325 = arith.constant 4 : i32
        %dma_start3A_2326 = arith.constant 0 : i32
        %dma_start3A_2327 = arith.constant 0 : i32
        %dma_start3A_2328 = tpu.memref_slice %arg6[%dma_start3A_2324, %dma_start3A_2326, %dma_start3A_2327] : memref<10x128x64xf32, #tpu.memory_space<vmem>> -> memref<1x128x64xf32, #tpu.memory_space<vmem>>
        %dma_start3A_2329 = tpu.memref_squeeze %dma_start3A_2328 : memref<1x128x64xf32, #tpu.memory_space<vmem>> -> memref<128x64xf32, #tpu.memory_space<vmem>>
        %dma_start3A_2330 = arith.constant 64 : i32
        %dma_start3A_2331 = arith.constant 0 : i32
        %dma_start3A_2332 = tpu.memref_slice %dma_start3A_2329[%dma_start3A_2330, %dma_start3A_2331] : memref<128x64xf32, #tpu.memory_space<vmem>> -> memref<16x64xf32, #tpu.memory_space<vmem>>
        %dma_start3A_2333 = arith.constant 0 : i32
        %dma_start3A_2334 = arith.constant 0 : i32
        %dma_start3A_2335 = tpu.memref_slice %arg2[%dma_start3A_2333, %dma_start3A_2334] : memref<1000000x64xf32, #tpu.memory_space<hbm>> -> memref<1000000x64xf32, #tpu.memory_space<hbm>>
        %dma_start3A_2336 = tpu.memref_slice %arg7[%dma_start3A_2325] : memref<10x!tpu.dma_semaphore, #tpu.memory_space<semaphore_mem>> -> memref<1x!tpu.dma_semaphore, #tpu.memory_space<semaphore_mem>>
        %dma_start3A_2337 = tpu.memref_squeeze %dma_start3A_2336 : memref<1x!tpu.dma_semaphore, #tpu.memory_space<semaphore_mem>> -> memref<!tpu.dma_semaphore, #tpu.memory_space<semaphore_mem>>
        tpu.enqueue_indirect_dma source(%dma_start3A_2335 : memref<1000000x64xf32, #tpu.memory_space<hbm>>) target(%dma_start3A_2332 : memref<16x64xf32, #tpu.memory_space<vmem>>) offsets(%get3A_2323 : vector<16xi32>) semaphore(%dma_start3A_2337 : memref<!tpu.dma_semaphore, #tpu.memory_space<semaphore_mem>>)
        %get3A_2338 = arith.index_cast %sub3A_2062 : i32 to index
        %get3A_2339 = arith.constant 80 : index
        %get3A_2340 = tpu.vector_load %arg5[%get3A_2338, %get3A_2339] {strides = array<i32>} : memref<200x128xi32, #tpu.memory_space<vmem>>, vector<1x16xi32>,
        %get3A_2341 = vector.shape_cast %get3A_2340 : vector<1x16xi32> to vector<16xi32>
        %dma_start3A_2342 = arith.constant 4 : i32
        %dma_start3A_2343 = arith.constant 4 : i32
        %dma_start3A_2344 = arith.constant 0 : i32
        %dma_start3A_2345 = arith.constant 0 : i32
        %dma_start3A_2346 = tpu.memref_slice %arg6[%dma_start3A_2342, %dma_start3A_2344, %dma_start3A_2345] : memref<10x128x64xf32, #tpu.memory_space<vmem>> -> memref<1x128x64xf32, #tpu.memory_space<vmem>>
        %dma_start3A_2347 = tpu.memref_squeeze %dma_start3A_2346 : memref<1x128x64xf32, #tpu.memory_space<vmem>> -> memref<128x64xf32, #tpu.memory_space<vmem>>
        %dma_start3A_2348 = arith.constant 80 : i32
        %dma_start3A_2349 = arith.constant 0 : i32
        %dma_start3A_2350 = tpu.memref_slice %dma_start3A_2347[%dma_start3A_2348, %dma_start3A_2349] : memref<128x64xf32, #tpu.memory_space<vmem>> -> memref<16x64xf32, #tpu.memory_space<vmem>>
        %dma_start3A_2351 = arith.constant 0 : i32
        %dma_start3A_2352 = arith.constant 0 : i32
        %dma_start3A_2353 = tpu.memref_slice %arg2[%dma_start3A_2351, %dma_start3A_2352] : memref<1000000x64xf32, #tpu.memory_space<hbm>> -> memref<1000000x64xf32, #tpu.memory_space<hbm>>
        %dma_start3A_2354 = tpu.memref_slice %arg7[%dma_start3A_2343] : memref<10x!tpu.dma_semaphore, #tpu.memory_space<semaphore_mem>> -> memref<1x!tpu.dma_semaphore, #tpu.memory_space<semaphore_mem>>
        %dma_start3A_2355 = tpu.memref_squeeze %dma_start3A_2354 : memref<1x!tpu.dma_semaphore, #tpu.memory_space<semaphore_mem>> -> memref<!tpu.dma_semaphore, #tpu.memory_space<semaphore_mem>>
        tpu.enqueue_indirect_dma source(%dma_start3A_2353 : memref<1000000x64xf32, #tpu.memory_space<hbm>>) target(%dma_start3A_2350 : memref<16x64xf32, #tpu.memory_space<vmem>>) offsets(%get3A_2341 : vector<16xi32>) semaphore(%dma_start3A_2355 : memref<!tpu.dma_semaphore, #tpu.memory_space<semaphore_mem>>)
        %get3A_2356 = arith.index_cast %sub3A_2062 : i32 to index
        %get3A_2357 = arith.constant 96 : index
        %get3A_2358 = tpu.vector_load %arg5[%get3A_2356, %get3A_2357] {strides = array<i32>} : memref<200x128xi32, #tpu.memory_space<vmem>>, vector<1x16xi32>,
        %get3A_2359 = vector.shape_cast %get3A_2358 : vector<1x16xi32> to vector<16xi32>
        %dma_start3A_2360 = arith.constant 4 : i32
        %dma_start3A_2361 = arith.constant 4 : i32
        %dma_start3A_2362 = arith.constant 0 : i32
        %dma_start3A_2363 = arith.constant 0 : i32
        %dma_start3A_2364 = tpu.memref_slice %arg6[%dma_start3A_2360, %dma_start3A_2362, %dma_start3A_2363] : memref<10x128x64xf32, #tpu.memory_space<vmem>> -> memref<1x128x64xf32, #tpu.memory_space<vmem>>
        %dma_start3A_2365 = tpu.memref_squeeze %dma_start3A_2364 : memref<1x128x64xf32, #tpu.memory_space<vmem>> -> memref<128x64xf32, #tpu.memory_space<vmem>>
        %dma_start3A_2366 = arith.constant 96 : i32
        %dma_start3A_2367 = arith.constant 0 : i32
        %dma_start3A_2368 = tpu.memref_slice %dma_start3A_2365[%dma_start3A_2366, %dma_start3A_2367] : memref<128x64xf32, #tpu.memory_space<vmem>> -> memref<16x64xf32, #tpu.memory_space<vmem>>
        %dma_start3A_2369 = arith.constant 0 : i32
        %dma_start3A_2370 = arith.constant 0 : i32
        %dma_start3A_2371 = tpu.memref_slice %arg2[%dma_start3A_2369, %dma_start3A_2370] : memref<1000000x64xf32, #tpu.memory_space<hbm>> -> memref<1000000x64xf32, #tpu.memory_space<hbm>>
        %dma_start3A_2372 = tpu.memref_slice %arg7[%dma_start3A_2361] : memref<10x!tpu.dma_semaphore, #tpu.memory_space<semaphore_mem>> -> memref<1x!tpu.dma_semaphore, #tpu.memory_space<semaphore_mem>>
        %dma_start3A_2373 = tpu.memref_squeeze %dma_start3A_2372 : memref<1x!tpu.dma_semaphore, #tpu.memory_space<semaphore_mem>> -> memref<!tpu.dma_semaphore, #tpu.memory_space<semaphore_mem>>
        tpu.enqueue_indirect_dma source(%dma_start3A_2371 : memref<1000000x64xf32, #tpu.memory_space<hbm>>) target(%dma_start3A_2368 : memref<16x64xf32, #tpu.memory_space<vmem>>) offsets(%get3A_2359 : vector<16xi32>) semaphore(%dma_start3A_2373 : memref<!tpu.dma_semaphore, #tpu.memory_space<semaphore_mem>>)
        %get3A_2374 = arith.index_cast %sub3A_2062 : i32 to index
        %get3A_2375 = arith.constant 112 : index
        %get3A_2376 = tpu.vector_load %arg5[%get3A_2374, %get3A_2375] {strides = array<i32>} : memref<200x128xi32, #tpu.memory_space<vmem>>, vector<1x16xi32>,
        %get3A_2377 = vector.shape_cast %get3A_2376 : vector<1x16xi32> to vector<16xi32>
        %dma_start3A_2378 = arith.constant 4 : i32
        %dma_start3A_2379 = arith.constant 4 : i32
        %dma_start3A_2380 = arith.constant 0 : i32
        %dma_start3A_2381 = arith.constant 0 : i32
        %dma_start3A_2382 = tpu.memref_slice %arg6[%dma_start3A_2378, %dma_start3A_2380, %dma_start3A_2381] : memref<10x128x64xf32, #tpu.memory_space<vmem>> -> memref<1x128x64xf32, #tpu.memory_space<vmem>>
        %dma_start3A_2383 = tpu.memref_squeeze %dma_start3A_2382 : memref<1x128x64xf32, #tpu.memory_space<vmem>> -> memref<128x64xf32, #tpu.memory_space<vmem>>
        %dma_start3A_2384 = arith.constant 112 : i32
        %dma_start3A_2385 = arith.constant 0 : i32
        %dma_start3A_2386 = tpu.memref_slice %dma_start3A_2383[%dma_start3A_2384, %dma_start3A_2385] : memref<128x64xf32, #tpu.memory_space<vmem>> -> memref<16x64xf32, #tpu.memory_space<vmem>>
        %dma_start3A_2387 = arith.constant 0 : i32
        %dma_start3A_2388 = arith.constant 0 : i32
        %dma_start3A_2389 = tpu.memref_slice %arg2[%dma_start3A_2387, %dma_start3A_2388] : memref<1000000x64xf32, #tpu.memory_space<hbm>> -> memref<1000000x64xf32, #tpu.memory_space<hbm>>
        %dma_start3A_2390 = tpu.memref_slice %arg7[%dma_start3A_2379] : memref<10x!tpu.dma_semaphore, #tpu.memory_space<semaphore_mem>> -> memref<1x!tpu.dma_semaphore, #tpu.memory_space<semaphore_mem>>
        %dma_start3A_2391 = tpu.memref_squeeze %dma_start3A_2390 : memref<1x!tpu.dma_semaphore, #tpu.memory_space<semaphore_mem>> -> memref<!tpu.dma_semaphore, #tpu.memory_space<semaphore_mem>>
        tpu.enqueue_indirect_dma source(%dma_start3A_2389 : memref<1000000x64xf32, #tpu.memory_space<hbm>>) target(%dma_start3A_2386 : memref<16x64xf32, #tpu.memory_space<vmem>>) offsets(%get3A_2377 : vector<16xi32>) semaphore(%dma_start3A_2391 : memref<!tpu.dma_semaphore, #tpu.memory_space<semaphore_mem>>)
      } else {
      }
      %mul3A_2071 = arith.constant 10 : i32
      %mul3A_2072 = arith.muli %scan3A_1705, %mul3A_2071 : i32
      %add3A_2073 = arith.constant 7 : i32
      %add3A_2074 = arith.addi %mul3A_2072, %add3A_2073 : i32
      %dma_wait3A_2075 = arith.constant 7 : i32
      %dma_wait3A_2076 = arith.constant 7 : i32
      %dma_wait3A_2077 = arith.constant 0 : i32
      %dma_wait3A_2078 = arith.constant 0 : i32
      %dma_wait3A_2079 = tpu.memref_slice %arg6[%dma_wait3A_2075, %dma_wait3A_2077, %dma_wait3A_2078] : memref<10x128x64xf32, #tpu.memory_space<vmem>> -> memref<1x128x64xf32, #tpu.memory_space<vmem>>
      %dma_wait3A_2080 = tpu.memref_squeeze %dma_wait3A_2079 : memref<1x128x64xf32, #tpu.memory_space<vmem>> -> memref<128x64xf32, #tpu.memory_space<vmem>>
      %dma_wait3A_2081 = arith.constant 0 : i32
      %dma_wait3A_2082 = arith.constant 0 : i32
      %dma_wait3A_2083 = tpu.memref_slice %arg2[%dma_wait3A_2081, %dma_wait3A_2082] : memref<1000000x64xf32, #tpu.memory_space<hbm>> -> memref<128x64xf32, #tpu.memory_space<hbm>>
      %dma_wait3A_2084 = tpu.memref_slice %arg7[%dma_wait3A_2076] : memref<10x!tpu.dma_semaphore, #tpu.memory_space<semaphore_mem>> -> memref<1x!tpu.dma_semaphore, #tpu.memory_space<semaphore_mem>>
      %dma_wait3A_2085 = tpu.memref_squeeze %dma_wait3A_2084 : memref<1x!tpu.dma_semaphore, #tpu.memory_space<semaphore_mem>> -> memref<!tpu.dma_semaphore, #tpu.memory_space<semaphore_mem>>
      %dma_wait3A_2086 = arith.constant 0 : i32
      %dma_wait3A_2087 = arith.constant 0 : i32
      %dma_wait3A_2088 = tpu.memref_slice %arg6[%dma_wait3A_2075, %dma_wait3A_2086, %dma_wait3A_2087] : memref<10x128x64xf32, #tpu.memory_space<vmem>> -> memref<1x128x64xf32, #tpu.memory_space<vmem>>
      %dma_wait3A_2089 = tpu.memref_squeeze %dma_wait3A_2088 : memref<1x128x64xf32, #tpu.memory_space<vmem>> -> memref<128x64xf32, #tpu.memory_space<vmem>>
      %dma_wait3A_2090 = arith.constant 0 : i32
      %dma_wait3A_2091 = arith.constant 0 : i32
      %dma_wait3A_2092 = tpu.memref_slice %arg2[%dma_wait3A_2090, %dma_wait3A_2091] : memref<1000000x64xf32, #tpu.memory_space<hbm>> -> memref<128x64xf32, #tpu.memory_space<hbm>>
      tpu.wait_dma2 semaphore(%dma_wait3A_2085 : memref<!tpu.dma_semaphore, #tpu.memory_space<semaphore_mem>>) src(%dma_wait3A_2092 : memref<128x64xf32, #tpu.memory_space<hbm>>) dst(%dma_wait3A_2089 : memref<128x64xf32, #tpu.memory_space<vmem>>)
      %mul3A_2093 = arith.constant 128 : i32
      %mul3A_2094 = arith.muli %add3A_2074, %mul3A_2093 : i32
      %add3A_2095 = arith.addi %mul3A_2, %mul3A_2094 : i32
      %dma_start3A_2096 = arith.constant 7 : i32
      %dma_start3A_2097 = arith.constant 7 : i32
      %dma_start3A_2098 = arith.constant 0 : i32
      %dma_start3A_2099 = arith.constant 0 : i32
      %dma_start3A_2100 = tpu.memref_slice %arg6[%dma_start3A_2096, %dma_start3A_2098, %dma_start3A_2099] : memref<10x128x64xf32, #tpu.memory_space<vmem>> -> memref<1x128x64xf32, #tpu.memory_space<vmem>>
      %dma_start3A_2101 = tpu.memref_squeeze %dma_start3A_2100 : memref<1x128x64xf32, #tpu.memory_space<vmem>> -> memref<128x64xf32, #tpu.memory_space<vmem>>
      %dma_start3A_2102 = arith.constant 0 : i32
      %dma_start3A_2103 = tpu.memref_slice %arg4[%add3A_2095, %dma_start3A_2102] : memref<819200x64xf32, #tpu.memory_space<hbm>> -> memref<128x64xf32, #tpu.memory_space<hbm>>
      %dma_start3A_2104 = tpu.memref_slice %arg8[%dma_start3A_2097] : memref<10x!tpu.dma_semaphore, #tpu.memory_space<semaphore_mem>> -> memref<1x!tpu.dma_semaphore, #tpu.memory_space<semaphore_mem>>
      %dma_start3A_2105 = tpu.memref_squeeze %dma_start3A_2104 : memref<1x!tpu.dma_semaphore, #tpu.memory_space<semaphore_mem>> -> memref<!tpu.dma_semaphore, #tpu.memory_space<semaphore_mem>>
      %dma_start3A_2106 = arith.constant 0 : i32
      %dma_start3A_2107 = tpu.memref_slice %arg4[%add3A_2095, %dma_start3A_2106] : memref<819200x64xf32, #tpu.memory_space<hbm>> -> memref<128x64xf32, #tpu.memory_space<hbm>>
      %dma_start3A_2108 = arith.constant 0 : i32
      %dma_start3A_2109 = arith.constant 0 : i32
      %dma_start3A_2110 = tpu.memref_slice %arg6[%dma_start3A_2096, %dma_start3A_2108, %dma_start3A_2109] : memref<10x128x64xf32, #tpu.memory_space<vmem>> -> memref<1x128x64xf32, #tpu.memory_space<vmem>>
      %dma_start3A_2111 = tpu.memref_squeeze %dma_start3A_2110 : memref<1x128x64xf32, #tpu.memory_space<vmem>> -> memref<128x64xf32, #tpu.memory_space<vmem>>
      tpu.enqueue_dma source(%dma_start3A_2111 : memref<128x64xf32, #tpu.memory_space<vmem>>) target(%dma_start3A_2107 : memref<128x64xf32, #tpu.memory_space<hbm>>) target_semaphore(%dma_start3A_2105 : memref<!tpu.dma_semaphore, #tpu.memory_space<semaphore_mem>>)
      %add3A_2112 = arith.constant 10 : i32
      %add3A_2113 = arith.addi %add3A_2074, %add3A_2112 : i32
      %sub3A_2114 = arith.constant 2 : i32
      %sub3A_2115 = arith.subi %add3A_2113, %sub3A_2114 : i32
      %ge3A_2116 = arith.constant 2 : i32
      %ge3A_2117 = arith.cmpi sge, %add3A_2074, %ge3A_2116 : i32
      %lt3A_2118 = arith.constant 200 : i32
      %lt3A_2119 = arith.cmpi slt, %sub3A_2115, %lt3A_2118 : i32
      %and3A_2120 = arith.andi %ge3A_2117, %lt3A_2119 : i1
      %convert_element_type3A_2121 = arith.extui %and3A_2120 : i1 to i32
      %cond3A_2122 = arith.constant 0 : i32
      %cond3A_2123 = arith.cmpi ne, %convert_element_type3A_2121, %cond3A_2122 : i32
      scf.if %cond3A_2123 {
        %dma_wait3A_2230 = arith.constant 5 : i32
        %dma_wait3A_2231 = arith.constant 5 : i32
        %dma_wait3A_2232 = arith.constant 0 : i32
        %dma_wait3A_2233 = arith.constant 0 : i32
        %dma_wait3A_2234 = tpu.memref_slice %arg6[%dma_wait3A_2230, %dma_wait3A_2232, %dma_wait3A_2233] : memref<10x128x64xf32, #tpu.memory_space<vmem>> -> memref<1x128x64xf32, #tpu.memory_space<vmem>>
        %dma_wait3A_2235 = tpu.memref_squeeze %dma_wait3A_2234 : memref<1x128x64xf32, #tpu.memory_space<vmem>> -> memref<128x64xf32, #tpu.memory_space<vmem>>
        %dma_wait3A_2236 = arith.constant 0 : i32
        %dma_wait3A_2237 = arith.constant 0 : i32
        %dma_wait3A_2238 = tpu.memref_slice %arg2[%dma_wait3A_2236, %dma_wait3A_2237] : memref<1000000x64xf32, #tpu.memory_space<hbm>> -> memref<128x64xf32, #tpu.memory_space<hbm>>
        %dma_wait3A_2239 = tpu.memref_slice %arg8[%dma_wait3A_2231] : memref<10x!tpu.dma_semaphore, #tpu.memory_space<semaphore_mem>> -> memref<1x!tpu.dma_semaphore, #tpu.memory_space<semaphore_mem>>
        %dma_wait3A_2240 = tpu.memref_squeeze %dma_wait3A_2239 : memref<1x!tpu.dma_semaphore, #tpu.memory_space<semaphore_mem>> -> memref<!tpu.dma_semaphore, #tpu.memory_space<semaphore_mem>>
        %dma_wait3A_2241 = arith.constant 0 : i32
        %dma_wait3A_2242 = arith.constant 0 : i32
        %dma_wait3A_2243 = tpu.memref_slice %arg6[%dma_wait3A_2230, %dma_wait3A_2241, %dma_wait3A_2242] : memref<10x128x64xf32, #tpu.memory_space<vmem>> -> memref<1x128x64xf32, #tpu.memory_space<vmem>>
        %dma_wait3A_2244 = tpu.memref_squeeze %dma_wait3A_2243 : memref<1x128x64xf32, #tpu.memory_space<vmem>> -> memref<128x64xf32, #tpu.memory_space<vmem>>
        %dma_wait3A_2245 = arith.constant 0 : i32
        %dma_wait3A_2246 = arith.constant 0 : i32
        %dma_wait3A_2247 = tpu.memref_slice %arg2[%dma_wait3A_2245, %dma_wait3A_2246] : memref<1000000x64xf32, #tpu.memory_space<hbm>> -> memref<128x64xf32, #tpu.memory_space<hbm>>
        tpu.wait_dma2 semaphore(%dma_wait3A_2240 : memref<!tpu.dma_semaphore, #tpu.memory_space<semaphore_mem>>) src(%dma_wait3A_2247 : memref<128x64xf32, #tpu.memory_space<hbm>>) dst(%dma_wait3A_2244 : memref<128x64xf32, #tpu.memory_space<vmem>>)
        %get3A_2248 = arith.index_cast %sub3A_2115 : i32 to index
        %get3A_2249 = arith.constant 0 : index
        %get3A_2250 = tpu.vector_load %arg5[%get3A_2248, %get3A_2249] {strides = array<i32>} : memref<200x128xi32, #tpu.memory_space<vmem>>, vector<1x16xi32>,
        %get3A_2251 = vector.shape_cast %get3A_2250 : vector<1x16xi32> to vector<16xi32>
        %dma_start3A_2252 = arith.constant 5 : i32
        %dma_start3A_2253 = arith.constant 5 : i32
        %dma_start3A_2254 = arith.constant 0 : i32
        %dma_start3A_2255 = arith.constant 0 : i32
        %dma_start3A_2256 = tpu.memref_slice %arg6[%dma_start3A_2252, %dma_start3A_2254, %dma_start3A_2255] : memref<10x128x64xf32, #tpu.memory_space<vmem>> -> memref<1x128x64xf32, #tpu.memory_space<vmem>>
        %dma_start3A_2257 = tpu.memref_squeeze %dma_start3A_2256 : memref<1x128x64xf32, #tpu.memory_space<vmem>> -> memref<128x64xf32, #tpu.memory_space<vmem>>
        %dma_start3A_2258 = arith.constant 0 : i32
        %dma_start3A_2259 = arith.constant 0 : i32
        %dma_start3A_2260 = tpu.memref_slice %dma_start3A_2257[%dma_start3A_2258, %dma_start3A_2259] : memref<128x64xf32, #tpu.memory_space<vmem>> -> memref<16x64xf32, #tpu.memory_space<vmem>>
        %dma_start3A_2261 = arith.constant 0 : i32
        %dma_start3A_2262 = arith.constant 0 : i32
        %dma_start3A_2263 = tpu.memref_slice %arg2[%dma_start3A_2261, %dma_start3A_2262] : memref<1000000x64xf32, #tpu.memory_space<hbm>> -> memref<1000000x64xf32, #tpu.memory_space<hbm>>
        %dma_start3A_2264 = tpu.memref_slice %arg7[%dma_start3A_2253] : memref<10x!tpu.dma_semaphore, #tpu.memory_space<semaphore_mem>> -> memref<1x!tpu.dma_semaphore, #tpu.memory_space<semaphore_mem>>
        %dma_start3A_2265 = tpu.memref_squeeze %dma_start3A_2264 : memref<1x!tpu.dma_semaphore, #tpu.memory_space<semaphore_mem>> -> memref<!tpu.dma_semaphore, #tpu.memory_space<semaphore_mem>>
        tpu.enqueue_indirect_dma source(%dma_start3A_2263 : memref<1000000x64xf32, #tpu.memory_space<hbm>>) target(%dma_start3A_2260 : memref<16x64xf32, #tpu.memory_space<vmem>>) offsets(%get3A_2251 : vector<16xi32>) semaphore(%dma_start3A_2265 : memref<!tpu.dma_semaphore, #tpu.memory_space<semaphore_mem>>)
        %get3A_2266 = arith.index_cast %sub3A_2115 : i32 to index
        %get3A_2267 = arith.constant 16 : index
        %get3A_2268 = tpu.vector_load %arg5[%get3A_2266, %get3A_2267] {strides = array<i32>} : memref<200x128xi32, #tpu.memory_space<vmem>>, vector<1x16xi32>,
        %get3A_2269 = vector.shape_cast %get3A_2268 : vector<1x16xi32> to vector<16xi32>
        %dma_start3A_2270 = arith.constant 5 : i32
        %dma_start3A_2271 = arith.constant 5 : i32
        %dma_start3A_2272 = arith.constant 0 : i32
        %dma_start3A_2273 = arith.constant 0 : i32
        %dma_start3A_2274 = tpu.memref_slice %arg6[%dma_start3A_2270, %dma_start3A_2272, %dma_start3A_2273] : memref<10x128x64xf32, #tpu.memory_space<vmem>> -> memref<1x128x64xf32, #tpu.memory_space<vmem>>
        %dma_start3A_2275 = tpu.memref_squeeze %dma_start3A_2274 : memref<1x128x64xf32, #tpu.memory_space<vmem>> -> memref<128x64xf32, #tpu.memory_space<vmem>>
        %dma_start3A_2276 = arith.constant 16 : i32
        %dma_start3A_2277 = arith.constant 0 : i32
        %dma_start3A_2278 = tpu.memref_slice %dma_start3A_2275[%dma_start3A_2276, %dma_start3A_2277] : memref<128x64xf32, #tpu.memory_space<vmem>> -> memref<16x64xf32, #tpu.memory_space<vmem>>
        %dma_start3A_2279 = arith.constant 0 : i32
        %dma_start3A_2280 = arith.constant 0 : i32
        %dma_start3A_2281 = tpu.memref_slice %arg2[%dma_start3A_2279, %dma_start3A_2280] : memref<1000000x64xf32, #tpu.memory_space<hbm>> -> memref<1000000x64xf32, #tpu.memory_space<hbm>>
        %dma_start3A_2282 = tpu.memref_slice %arg7[%dma_start3A_2271] : memref<10x!tpu.dma_semaphore, #tpu.memory_space<semaphore_mem>> -> memref<1x!tpu.dma_semaphore, #tpu.memory_space<semaphore_mem>>
        %dma_start3A_2283 = tpu.memref_squeeze %dma_start3A_2282 : memref<1x!tpu.dma_semaphore, #tpu.memory_space<semaphore_mem>> -> memref<!tpu.dma_semaphore, #tpu.memory_space<semaphore_mem>>
        tpu.enqueue_indirect_dma source(%dma_start3A_2281 : memref<1000000x64xf32, #tpu.memory_space<hbm>>) target(%dma_start3A_2278 : memref<16x64xf32, #tpu.memory_space<vmem>>) offsets(%get3A_2269 : vector<16xi32>) semaphore(%dma_start3A_2283 : memref<!tpu.dma_semaphore, #tpu.memory_space<semaphore_mem>>)
        %get3A_2284 = arith.index_cast %sub3A_2115 : i32 to index
        %get3A_2285 = arith.constant 32 : index
        %get3A_2286 = tpu.vector_load %arg5[%get3A_2284, %get3A_2285] {strides = array<i32>} : memref<200x128xi32, #tpu.memory_space<vmem>>, vector<1x16xi32>,
        %get3A_2287 = vector.shape_cast %get3A_2286 : vector<1x16xi32> to vector<16xi32>
        %dma_start3A_2288 = arith.constant 5 : i32
        %dma_start3A_2289 = arith.constant 5 : i32
        %dma_start3A_2290 = arith.constant 0 : i32
        %dma_start3A_2291 = arith.constant 0 : i32
        %dma_start3A_2292 = tpu.memref_slice %arg6[%dma_start3A_2288, %dma_start3A_2290, %dma_start3A_2291] : memref<10x128x64xf32, #tpu.memory_space<vmem>> -> memref<1x128x64xf32, #tpu.memory_space<vmem>>
        %dma_start3A_2293 = tpu.memref_squeeze %dma_start3A_2292 : memref<1x128x64xf32, #tpu.memory_space<vmem>> -> memref<128x64xf32, #tpu.memory_space<vmem>>
        %dma_start3A_2294 = arith.constant 32 : i32
        %dma_start3A_2295 = arith.constant 0 : i32
        %dma_start3A_2296 = tpu.memref_slice %dma_start3A_2293[%dma_start3A_2294, %dma_start3A_2295] : memref<128x64xf32, #tpu.memory_space<vmem>> -> memref<16x64xf32, #tpu.memory_space<vmem>>
        %dma_start3A_2297 = arith.constant 0 : i32
        %dma_start3A_2298 = arith.constant 0 : i32
        %dma_start3A_2299 = tpu.memref_slice %arg2[%dma_start3A_2297, %dma_start3A_2298] : memref<1000000x64xf32, #tpu.memory_space<hbm>> -> memref<1000000x64xf32, #tpu.memory_space<hbm>>
        %dma_start3A_2300 = tpu.memref_slice %arg7[%dma_start3A_2289] : memref<10x!tpu.dma_semaphore, #tpu.memory_space<semaphore_mem>> -> memref<1x!tpu.dma_semaphore, #tpu.memory_space<semaphore_mem>>
        %dma_start3A_2301 = tpu.memref_squeeze %dma_start3A_2300 : memref<1x!tpu.dma_semaphore, #tpu.memory_space<semaphore_mem>> -> memref<!tpu.dma_semaphore, #tpu.memory_space<semaphore_mem>>
        tpu.enqueue_indirect_dma source(%dma_start3A_2299 : memref<1000000x64xf32, #tpu.memory_space<hbm>>) target(%dma_start3A_2296 : memref<16x64xf32, #tpu.memory_space<vmem>>) offsets(%get3A_2287 : vector<16xi32>) semaphore(%dma_start3A_2301 : memref<!tpu.dma_semaphore, #tpu.memory_space<semaphore_mem>>)
        %get3A_2302 = arith.index_cast %sub3A_2115 : i32 to index
        %get3A_2303 = arith.constant 48 : index
        %get3A_2304 = tpu.vector_load %arg5[%get3A_2302, %get3A_2303] {strides = array<i32>} : memref<200x128xi32, #tpu.memory_space<vmem>>, vector<1x16xi32>,
        %get3A_2305 = vector.shape_cast %get3A_2304 : vector<1x16xi32> to vector<16xi32>
        %dma_start3A_2306 = arith.constant 5 : i32
        %dma_start3A_2307 = arith.constant 5 : i32
        %dma_start3A_2308 = arith.constant 0 : i32
        %dma_start3A_2309 = arith.constant 0 : i32
        %dma_start3A_2310 = tpu.memref_slice %arg6[%dma_start3A_2306, %dma_start3A_2308, %dma_start3A_2309] : memref<10x128x64xf32, #tpu.memory_space<vmem>> -> memref<1x128x64xf32, #tpu.memory_space<vmem>>
        %dma_start3A_2311 = tpu.memref_squeeze %dma_start3A_2310 : memref<1x128x64xf32, #tpu.memory_space<vmem>> -> memref<128x64xf32, #tpu.memory_space<vmem>>
        %dma_start3A_2312 = arith.constant 48 : i32
        %dma_start3A_2313 = arith.constant 0 : i32
        %dma_start3A_2314 = tpu.memref_slice %dma_start3A_2311[%dma_start3A_2312, %dma_start3A_2313] : memref<128x64xf32, #tpu.memory_space<vmem>> -> memref<16x64xf32, #tpu.memory_space<vmem>>
        %dma_start3A_2315 = arith.constant 0 : i32
        %dma_start3A_2316 = arith.constant 0 : i32
        %dma_start3A_2317 = tpu.memref_slice %arg2[%dma_start3A_2315, %dma_start3A_2316] : memref<1000000x64xf32, #tpu.memory_space<hbm>> -> memref<1000000x64xf32, #tpu.memory_space<hbm>>
        %dma_start3A_2318 = tpu.memref_slice %arg7[%dma_start3A_2307] : memref<10x!tpu.dma_semaphore, #tpu.memory_space<semaphore_mem>> -> memref<1x!tpu.dma_semaphore, #tpu.memory_space<semaphore_mem>>
        %dma_start3A_2319 = tpu.memref_squeeze %dma_start3A_2318 : memref<1x!tpu.dma_semaphore, #tpu.memory_space<semaphore_mem>> -> memref<!tpu.dma_semaphore, #tpu.memory_space<semaphore_mem>>
        tpu.enqueue_indirect_dma source(%dma_start3A_2317 : memref<1000000x64xf32, #tpu.memory_space<hbm>>) target(%dma_start3A_2314 : memref<16x64xf32, #tpu.memory_space<vmem>>) offsets(%get3A_2305 : vector<16xi32>) semaphore(%dma_start3A_2319 : memref<!tpu.dma_semaphore, #tpu.memory_space<semaphore_mem>>)
        %get3A_2320 = arith.index_cast %sub3A_2115 : i32 to index
        %get3A_2321 = arith.constant 64 : index
        %get3A_2322 = tpu.vector_load %arg5[%get3A_2320, %get3A_2321] {strides = array<i32>} : memref<200x128xi32, #tpu.memory_space<vmem>>, vector<1x16xi32>,
        %get3A_2323 = vector.shape_cast %get3A_2322 : vector<1x16xi32> to vector<16xi32>
        %dma_start3A_2324 = arith.constant 5 : i32
        %dma_start3A_2325 = arith.constant 5 : i32
        %dma_start3A_2326 = arith.constant 0 : i32
        %dma_start3A_2327 = arith.constant 0 : i32
        %dma_start3A_2328 = tpu.memref_slice %arg6[%dma_start3A_2324, %dma_start3A_2326, %dma_start3A_2327] : memref<10x128x64xf32, #tpu.memory_space<vmem>> -> memref<1x128x64xf32, #tpu.memory_space<vmem>>
        %dma_start3A_2329 = tpu.memref_squeeze %dma_start3A_2328 : memref<1x128x64xf32, #tpu.memory_space<vmem>> -> memref<128x64xf32, #tpu.memory_space<vmem>>
        %dma_start3A_2330 = arith.constant 64 : i32
        %dma_start3A_2331 = arith.constant 0 : i32
        %dma_start3A_2332 = tpu.memref_slice %dma_start3A_2329[%dma_start3A_2330, %dma_start3A_2331] : memref<128x64xf32, #tpu.memory_space<vmem>> -> memref<16x64xf32, #tpu.memory_space<vmem>>
        %dma_start3A_2333 = arith.constant 0 : i32
        %dma_start3A_2334 = arith.constant 0 : i32
        %dma_start3A_2335 = tpu.memref_slice %arg2[%dma_start3A_2333, %dma_start3A_2334] : memref<1000000x64xf32, #tpu.memory_space<hbm>> -> memref<1000000x64xf32, #tpu.memory_space<hbm>>
        %dma_start3A_2336 = tpu.memref_slice %arg7[%dma_start3A_2325] : memref<10x!tpu.dma_semaphore, #tpu.memory_space<semaphore_mem>> -> memref<1x!tpu.dma_semaphore, #tpu.memory_space<semaphore_mem>>
        %dma_start3A_2337 = tpu.memref_squeeze %dma_start3A_2336 : memref<1x!tpu.dma_semaphore, #tpu.memory_space<semaphore_mem>> -> memref<!tpu.dma_semaphore, #tpu.memory_space<semaphore_mem>>
        tpu.enqueue_indirect_dma source(%dma_start3A_2335 : memref<1000000x64xf32, #tpu.memory_space<hbm>>) target(%dma_start3A_2332 : memref<16x64xf32, #tpu.memory_space<vmem>>) offsets(%get3A_2323 : vector<16xi32>) semaphore(%dma_start3A_2337 : memref<!tpu.dma_semaphore, #tpu.memory_space<semaphore_mem>>)
        %get3A_2338 = arith.index_cast %sub3A_2115 : i32 to index
        %get3A_2339 = arith.constant 80 : index
        %get3A_2340 = tpu.vector_load %arg5[%get3A_2338, %get3A_2339] {strides = array<i32>} : memref<200x128xi32, #tpu.memory_space<vmem>>, vector<1x16xi32>,
        %get3A_2341 = vector.shape_cast %get3A_2340 : vector<1x16xi32> to vector<16xi32>
        %dma_start3A_2342 = arith.constant 5 : i32
        %dma_start3A_2343 = arith.constant 5 : i32
        %dma_start3A_2344 = arith.constant 0 : i32
        %dma_start3A_2345 = arith.constant 0 : i32
        %dma_start3A_2346 = tpu.memref_slice %arg6[%dma_start3A_2342, %dma_start3A_2344, %dma_start3A_2345] : memref<10x128x64xf32, #tpu.memory_space<vmem>> -> memref<1x128x64xf32, #tpu.memory_space<vmem>>
        %dma_start3A_2347 = tpu.memref_squeeze %dma_start3A_2346 : memref<1x128x64xf32, #tpu.memory_space<vmem>> -> memref<128x64xf32, #tpu.memory_space<vmem>>
        %dma_start3A_2348 = arith.constant 80 : i32
        %dma_start3A_2349 = arith.constant 0 : i32
        %dma_start3A_2350 = tpu.memref_slice %dma_start3A_2347[%dma_start3A_2348, %dma_start3A_2349] : memref<128x64xf32, #tpu.memory_space<vmem>> -> memref<16x64xf32, #tpu.memory_space<vmem>>
        %dma_start3A_2351 = arith.constant 0 : i32
        %dma_start3A_2352 = arith.constant 0 : i32
        %dma_start3A_2353 = tpu.memref_slice %arg2[%dma_start3A_2351, %dma_start3A_2352] : memref<1000000x64xf32, #tpu.memory_space<hbm>> -> memref<1000000x64xf32, #tpu.memory_space<hbm>>
        %dma_start3A_2354 = tpu.memref_slice %arg7[%dma_start3A_2343] : memref<10x!tpu.dma_semaphore, #tpu.memory_space<semaphore_mem>> -> memref<1x!tpu.dma_semaphore, #tpu.memory_space<semaphore_mem>>
        %dma_start3A_2355 = tpu.memref_squeeze %dma_start3A_2354 : memref<1x!tpu.dma_semaphore, #tpu.memory_space<semaphore_mem>> -> memref<!tpu.dma_semaphore, #tpu.memory_space<semaphore_mem>>
        tpu.enqueue_indirect_dma source(%dma_start3A_2353 : memref<1000000x64xf32, #tpu.memory_space<hbm>>) target(%dma_start3A_2350 : memref<16x64xf32, #tpu.memory_space<vmem>>) offsets(%get3A_2341 : vector<16xi32>) semaphore(%dma_start3A_2355 : memref<!tpu.dma_semaphore, #tpu.memory_space<semaphore_mem>>)
        %get3A_2356 = arith.index_cast %sub3A_2115 : i32 to index
        %get3A_2357 = arith.constant 96 : index
        %get3A_2358 = tpu.vector_load %arg5[%get3A_2356, %get3A_2357] {strides = array<i32>} : memref<200x128xi32, #tpu.memory_space<vmem>>, vector<1x16xi32>,
        %get3A_2359 = vector.shape_cast %get3A_2358 : vector<1x16xi32> to vector<16xi32>
        %dma_start3A_2360 = arith.constant 5 : i32
        %dma_start3A_2361 = arith.constant 5 : i32
        %dma_start3A_2362 = arith.constant 0 : i32
        %dma_start3A_2363 = arith.constant 0 : i32
        %dma_start3A_2364 = tpu.memref_slice %arg6[%dma_start3A_2360, %dma_start3A_2362, %dma_start3A_2363] : memref<10x128x64xf32, #tpu.memory_space<vmem>> -> memref<1x128x64xf32, #tpu.memory_space<vmem>>
        %dma_start3A_2365 = tpu.memref_squeeze %dma_start3A_2364 : memref<1x128x64xf32, #tpu.memory_space<vmem>> -> memref<128x64xf32, #tpu.memory_space<vmem>>
        %dma_start3A_2366 = arith.constant 96 : i32
        %dma_start3A_2367 = arith.constant 0 : i32
        %dma_start3A_2368 = tpu.memref_slice %dma_start3A_2365[%dma_start3A_2366, %dma_start3A_2367] : memref<128x64xf32, #tpu.memory_space<vmem>> -> memref<16x64xf32, #tpu.memory_space<vmem>>
        %dma_start3A_2369 = arith.constant 0 : i32
        %dma_start3A_2370 = arith.constant 0 : i32
        %dma_start3A_2371 = tpu.memref_slice %arg2[%dma_start3A_2369, %dma_start3A_2370] : memref<1000000x64xf32, #tpu.memory_space<hbm>> -> memref<1000000x64xf32, #tpu.memory_space<hbm>>
        %dma_start3A_2372 = tpu.memref_slice %arg7[%dma_start3A_2361] : memref<10x!tpu.dma_semaphore, #tpu.memory_space<semaphore_mem>> -> memref<1x!tpu.dma_semaphore, #tpu.memory_space<semaphore_mem>>
        %dma_start3A_2373 = tpu.memref_squeeze %dma_start3A_2372 : memref<1x!tpu.dma_semaphore, #tpu.memory_space<semaphore_mem>> -> memref<!tpu.dma_semaphore, #tpu.memory_space<semaphore_mem>>
        tpu.enqueue_indirect_dma source(%dma_start3A_2371 : memref<1000000x64xf32, #tpu.memory_space<hbm>>) target(%dma_start3A_2368 : memref<16x64xf32, #tpu.memory_space<vmem>>) offsets(%get3A_2359 : vector<16xi32>) semaphore(%dma_start3A_2373 : memref<!tpu.dma_semaphore, #tpu.memory_space<semaphore_mem>>)
        %get3A_2374 = arith.index_cast %sub3A_2115 : i32 to index
        %get3A_2375 = arith.constant 112 : index
        %get3A_2376 = tpu.vector_load %arg5[%get3A_2374, %get3A_2375] {strides = array<i32>} : memref<200x128xi32, #tpu.memory_space<vmem>>, vector<1x16xi32>,
        %get3A_2377 = vector.shape_cast %get3A_2376 : vector<1x16xi32> to vector<16xi32>
        %dma_start3A_2378 = arith.constant 5 : i32
        %dma_start3A_2379 = arith.constant 5 : i32
        %dma_start3A_2380 = arith.constant 0 : i32
        %dma_start3A_2381 = arith.constant 0 : i32
        %dma_start3A_2382 = tpu.memref_slice %arg6[%dma_start3A_2378, %dma_start3A_2380, %dma_start3A_2381] : memref<10x128x64xf32, #tpu.memory_space<vmem>> -> memref<1x128x64xf32, #tpu.memory_space<vmem>>
        %dma_start3A_2383 = tpu.memref_squeeze %dma_start3A_2382 : memref<1x128x64xf32, #tpu.memory_space<vmem>> -> memref<128x64xf32, #tpu.memory_space<vmem>>
        %dma_start3A_2384 = arith.constant 112 : i32
        %dma_start3A_2385 = arith.constant 0 : i32
        %dma_start3A_2386 = tpu.memref_slice %dma_start3A_2383[%dma_start3A_2384, %dma_start3A_2385] : memref<128x64xf32, #tpu.memory_space<vmem>> -> memref<16x64xf32, #tpu.memory_space<vmem>>
        %dma_start3A_2387 = arith.constant 0 : i32
        %dma_start3A_2388 = arith.constant 0 : i32
        %dma_start3A_2389 = tpu.memref_slice %arg2[%dma_start3A_2387, %dma_start3A_2388] : memref<1000000x64xf32, #tpu.memory_space<hbm>> -> memref<1000000x64xf32, #tpu.memory_space<hbm>>
        %dma_start3A_2390 = tpu.memref_slice %arg7[%dma_start3A_2379] : memref<10x!tpu.dma_semaphore, #tpu.memory_space<semaphore_mem>> -> memref<1x!tpu.dma_semaphore, #tpu.memory_space<semaphore_mem>>
        %dma_start3A_2391 = tpu.memref_squeeze %dma_start3A_2390 : memref<1x!tpu.dma_semaphore, #tpu.memory_space<semaphore_mem>> -> memref<!tpu.dma_semaphore, #tpu.memory_space<semaphore_mem>>
        tpu.enqueue_indirect_dma source(%dma_start3A_2389 : memref<1000000x64xf32, #tpu.memory_space<hbm>>) target(%dma_start3A_2386 : memref<16x64xf32, #tpu.memory_space<vmem>>) offsets(%get3A_2377 : vector<16xi32>) semaphore(%dma_start3A_2391 : memref<!tpu.dma_semaphore, #tpu.memory_space<semaphore_mem>>)
      } else {
      }
      %mul3A_2124 = arith.constant 10 : i32
      %mul3A_2125 = arith.muli %scan3A_1705, %mul3A_2124 : i32
      %add3A_2126 = arith.constant 8 : i32
      %add3A_2127 = arith.addi %mul3A_2125, %add3A_2126 : i32
      %dma_wait3A_2128 = arith.constant 8 : i32
      %dma_wait3A_2129 = arith.constant 8 : i32
      %dma_wait3A_2130 = arith.constant 0 : i32
      %dma_wait3A_2131 = arith.constant 0 : i32
      %dma_wait3A_2132 = tpu.memref_slice %arg6[%dma_wait3A_2128, %dma_wait3A_2130, %dma_wait3A_2131] : memref<10x128x64xf32, #tpu.memory_space<vmem>> -> memref<1x128x64xf32, #tpu.memory_space<vmem>>
      %dma_wait3A_2133 = tpu.memref_squeeze %dma_wait3A_2132 : memref<1x128x64xf32, #tpu.memory_space<vmem>> -> memref<128x64xf32, #tpu.memory_space<vmem>>
      %dma_wait3A_2134 = arith.constant 0 : i32
      %dma_wait3A_2135 = arith.constant 0 : i32
      %dma_wait3A_2136 = tpu.memref_slice %arg2[%dma_wait3A_2134, %dma_wait3A_2135] : memref<1000000x64xf32, #tpu.memory_space<hbm>> -> memref<128x64xf32, #tpu.memory_space<hbm>>
      %dma_wait3A_2137 = tpu.memref_slice %arg7[%dma_wait3A_2129] : memref<10x!tpu.dma_semaphore, #tpu.memory_space<semaphore_mem>> -> memref<1x!tpu.dma_semaphore, #tpu.memory_space<semaphore_mem>>
      %dma_wait3A_2138 = tpu.memref_squeeze %dma_wait3A_2137 : memref<1x!tpu.dma_semaphore, #tpu.memory_space<semaphore_mem>> -> memref<!tpu.dma_semaphore, #tpu.memory_space<semaphore_mem>>
      %dma_wait3A_2139 = arith.constant 0 : i32
      %dma_wait3A_2140 = arith.constant 0 : i32
      %dma_wait3A_2141 = tpu.memref_slice %arg6[%dma_wait3A_2128, %dma_wait3A_2139, %dma_wait3A_2140] : memref<10x128x64xf32, #tpu.memory_space<vmem>> -> memref<1x128x64xf32, #tpu.memory_space<vmem>>
      %dma_wait3A_2142 = tpu.memref_squeeze %dma_wait3A_2141 : memref<1x128x64xf32, #tpu.memory_space<vmem>> -> memref<128x64xf32, #tpu.memory_space<vmem>>
      %dma_wait3A_2143 = arith.constant 0 : i32
      %dma_wait3A_2144 = arith.constant 0 : i32
      %dma_wait3A_2145 = tpu.memref_slice %arg2[%dma_wait3A_2143, %dma_wait3A_2144] : memref<1000000x64xf32, #tpu.memory_space<hbm>> -> memref<128x64xf32, #tpu.memory_space<hbm>>
      tpu.wait_dma2 semaphore(%dma_wait3A_2138 : memref<!tpu.dma_semaphore, #tpu.memory_space<semaphore_mem>>) src(%dma_wait3A_2145 : memref<128x64xf32, #tpu.memory_space<hbm>>) dst(%dma_wait3A_2142 : memref<128x64xf32, #tpu.memory_space<vmem>>)
      %mul3A_2146 = arith.constant 128 : i32
      %mul3A_2147 = arith.muli %add3A_2127, %mul3A_2146 : i32
      %add3A_2148 = arith.addi %mul3A_2, %mul3A_2147 : i32
      %dma_start3A_2149 = arith.constant 8 : i32
      %dma_start3A_2150 = arith.constant 8 : i32
      %dma_start3A_2151 = arith.constant 0 : i32
      %dma_start3A_2152 = arith.constant 0 : i32
      %dma_start3A_2153 = tpu.memref_slice %arg6[%dma_start3A_2149, %dma_start3A_2151, %dma_start3A_2152] : memref<10x128x64xf32, #tpu.memory_space<vmem>> -> memref<1x128x64xf32, #tpu.memory_space<vmem>>
      %dma_start3A_2154 = tpu.memref_squeeze %dma_start3A_2153 : memref<1x128x64xf32, #tpu.memory_space<vmem>> -> memref<128x64xf32, #tpu.memory_space<vmem>>
      %dma_start3A_2155 = arith.constant 0 : i32
      %dma_start3A_2156 = tpu.memref_slice %arg4[%add3A_2148, %dma_start3A_2155] : memref<819200x64xf32, #tpu.memory_space<hbm>> -> memref<128x64xf32, #tpu.memory_space<hbm>>
      %dma_start3A_2157 = tpu.memref_slice %arg8[%dma_start3A_2150] : memref<10x!tpu.dma_semaphore, #tpu.memory_space<semaphore_mem>> -> memref<1x!tpu.dma_semaphore, #tpu.memory_space<semaphore_mem>>
      %dma_start3A_2158 = tpu.memref_squeeze %dma_start3A_2157 : memref<1x!tpu.dma_semaphore, #tpu.memory_space<semaphore_mem>> -> memref<!tpu.dma_semaphore, #tpu.memory_space<semaphore_mem>>
      %dma_start3A_2159 = arith.constant 0 : i32
      %dma_start3A_2160 = tpu.memref_slice %arg4[%add3A_2148, %dma_start3A_2159] : memref<819200x64xf32, #tpu.memory_space<hbm>> -> memref<128x64xf32, #tpu.memory_space<hbm>>
      %dma_start3A_2161 = arith.constant 0 : i32
      %dma_start3A_2162 = arith.constant 0 : i32
      %dma_start3A_2163 = tpu.memref_slice %arg6[%dma_start3A_2149, %dma_start3A_2161, %dma_start3A_2162] : memref<10x128x64xf32, #tpu.memory_space<vmem>> -> memref<1x128x64xf32, #tpu.memory_space<vmem>>
      %dma_start3A_2164 = tpu.memref_squeeze %dma_start3A_2163 : memref<1x128x64xf32, #tpu.memory_space<vmem>> -> memref<128x64xf32, #tpu.memory_space<vmem>>
      tpu.enqueue_dma source(%dma_start3A_2164 : memref<128x64xf32, #tpu.memory_space<vmem>>) target(%dma_start3A_2160 : memref<128x64xf32, #tpu.memory_space<hbm>>) target_semaphore(%dma_start3A_2158 : memref<!tpu.dma_semaphore, #tpu.memory_space<semaphore_mem>>)
      %add3A_2165 = arith.constant 10 : i32
      %add3A_2166 = arith.addi %add3A_2127, %add3A_2165 : i32
      %sub3A_2167 = arith.constant 2 : i32
      %sub3A_2168 = arith.subi %add3A_2166, %sub3A_2167 : i32
      %ge3A_2169 = arith.constant 2 : i32
      %ge3A_2170 = arith.cmpi sge, %add3A_2127, %ge3A_2169 : i32
      %lt3A_2171 = arith.constant 200 : i32
      %lt3A_2172 = arith.cmpi slt, %sub3A_2168, %lt3A_2171 : i32
      %and3A_2173 = arith.andi %ge3A_2170, %lt3A_2172 : i1
      %convert_element_type3A_2174 = arith.extui %and3A_2173 : i1 to i32
      %cond3A_2175 = arith.constant 0 : i32
      %cond3A_2176 = arith.cmpi ne, %convert_element_type3A_2174, %cond3A_2175 : i32
      scf.if %cond3A_2176 {
        %dma_wait3A_2230 = arith.constant 6 : i32
        %dma_wait3A_2231 = arith.constant 6 : i32
        %dma_wait3A_2232 = arith.constant 0 : i32
        %dma_wait3A_2233 = arith.constant 0 : i32
        %dma_wait3A_2234 = tpu.memref_slice %arg6[%dma_wait3A_2230, %dma_wait3A_2232, %dma_wait3A_2233] : memref<10x128x64xf32, #tpu.memory_space<vmem>> -> memref<1x128x64xf32, #tpu.memory_space<vmem>>
        %dma_wait3A_2235 = tpu.memref_squeeze %dma_wait3A_2234 : memref<1x128x64xf32, #tpu.memory_space<vmem>> -> memref<128x64xf32, #tpu.memory_space<vmem>>
        %dma_wait3A_2236 = arith.constant 0 : i32
        %dma_wait3A_2237 = arith.constant 0 : i32
        %dma_wait3A_2238 = tpu.memref_slice %arg2[%dma_wait3A_2236, %dma_wait3A_2237] : memref<1000000x64xf32, #tpu.memory_space<hbm>> -> memref<128x64xf32, #tpu.memory_space<hbm>>
        %dma_wait3A_2239 = tpu.memref_slice %arg8[%dma_wait3A_2231] : memref<10x!tpu.dma_semaphore, #tpu.memory_space<semaphore_mem>> -> memref<1x!tpu.dma_semaphore, #tpu.memory_space<semaphore_mem>>
        %dma_wait3A_2240 = tpu.memref_squeeze %dma_wait3A_2239 : memref<1x!tpu.dma_semaphore, #tpu.memory_space<semaphore_mem>> -> memref<!tpu.dma_semaphore, #tpu.memory_space<semaphore_mem>>
        %dma_wait3A_2241 = arith.constant 0 : i32
        %dma_wait3A_2242 = arith.constant 0 : i32
        %dma_wait3A_2243 = tpu.memref_slice %arg6[%dma_wait3A_2230, %dma_wait3A_2241, %dma_wait3A_2242] : memref<10x128x64xf32, #tpu.memory_space<vmem>> -> memref<1x128x64xf32, #tpu.memory_space<vmem>>
        %dma_wait3A_2244 = tpu.memref_squeeze %dma_wait3A_2243 : memref<1x128x64xf32, #tpu.memory_space<vmem>> -> memref<128x64xf32, #tpu.memory_space<vmem>>
        %dma_wait3A_2245 = arith.constant 0 : i32
        %dma_wait3A_2246 = arith.constant 0 : i32
        %dma_wait3A_2247 = tpu.memref_slice %arg2[%dma_wait3A_2245, %dma_wait3A_2246] : memref<1000000x64xf32, #tpu.memory_space<hbm>> -> memref<128x64xf32, #tpu.memory_space<hbm>>
        tpu.wait_dma2 semaphore(%dma_wait3A_2240 : memref<!tpu.dma_semaphore, #tpu.memory_space<semaphore_mem>>) src(%dma_wait3A_2247 : memref<128x64xf32, #tpu.memory_space<hbm>>) dst(%dma_wait3A_2244 : memref<128x64xf32, #tpu.memory_space<vmem>>)
        %get3A_2248 = arith.index_cast %sub3A_2168 : i32 to index
        %get3A_2249 = arith.constant 0 : index
        %get3A_2250 = tpu.vector_load %arg5[%get3A_2248, %get3A_2249] {strides = array<i32>} : memref<200x128xi32, #tpu.memory_space<vmem>>, vector<1x16xi32>,
        %get3A_2251 = vector.shape_cast %get3A_2250 : vector<1x16xi32> to vector<16xi32>
        %dma_start3A_2252 = arith.constant 6 : i32
        %dma_start3A_2253 = arith.constant 6 : i32
        %dma_start3A_2254 = arith.constant 0 : i32
        %dma_start3A_2255 = arith.constant 0 : i32
        %dma_start3A_2256 = tpu.memref_slice %arg6[%dma_start3A_2252, %dma_start3A_2254, %dma_start3A_2255] : memref<10x128x64xf32, #tpu.memory_space<vmem>> -> memref<1x128x64xf32, #tpu.memory_space<vmem>>
        %dma_start3A_2257 = tpu.memref_squeeze %dma_start3A_2256 : memref<1x128x64xf32, #tpu.memory_space<vmem>> -> memref<128x64xf32, #tpu.memory_space<vmem>>
        %dma_start3A_2258 = arith.constant 0 : i32
        %dma_start3A_2259 = arith.constant 0 : i32
        %dma_start3A_2260 = tpu.memref_slice %dma_start3A_2257[%dma_start3A_2258, %dma_start3A_2259] : memref<128x64xf32, #tpu.memory_space<vmem>> -> memref<16x64xf32, #tpu.memory_space<vmem>>
        %dma_start3A_2261 = arith.constant 0 : i32
        %dma_start3A_2262 = arith.constant 0 : i32
        %dma_start3A_2263 = tpu.memref_slice %arg2[%dma_start3A_2261, %dma_start3A_2262] : memref<1000000x64xf32, #tpu.memory_space<hbm>> -> memref<1000000x64xf32, #tpu.memory_space<hbm>>
        %dma_start3A_2264 = tpu.memref_slice %arg7[%dma_start3A_2253] : memref<10x!tpu.dma_semaphore, #tpu.memory_space<semaphore_mem>> -> memref<1x!tpu.dma_semaphore, #tpu.memory_space<semaphore_mem>>
        %dma_start3A_2265 = tpu.memref_squeeze %dma_start3A_2264 : memref<1x!tpu.dma_semaphore, #tpu.memory_space<semaphore_mem>> -> memref<!tpu.dma_semaphore, #tpu.memory_space<semaphore_mem>>
        tpu.enqueue_indirect_dma source(%dma_start3A_2263 : memref<1000000x64xf32, #tpu.memory_space<hbm>>) target(%dma_start3A_2260 : memref<16x64xf32, #tpu.memory_space<vmem>>) offsets(%get3A_2251 : vector<16xi32>) semaphore(%dma_start3A_2265 : memref<!tpu.dma_semaphore, #tpu.memory_space<semaphore_mem>>)
        %get3A_2266 = arith.index_cast %sub3A_2168 : i32 to index
        %get3A_2267 = arith.constant 16 : index
        %get3A_2268 = tpu.vector_load %arg5[%get3A_2266, %get3A_2267] {strides = array<i32>} : memref<200x128xi32, #tpu.memory_space<vmem>>, vector<1x16xi32>,
        %get3A_2269 = vector.shape_cast %get3A_2268 : vector<1x16xi32> to vector<16xi32>
        %dma_start3A_2270 = arith.constant 6 : i32
        %dma_start3A_2271 = arith.constant 6 : i32
        %dma_start3A_2272 = arith.constant 0 : i32
        %dma_start3A_2273 = arith.constant 0 : i32
        %dma_start3A_2274 = tpu.memref_slice %arg6[%dma_start3A_2270, %dma_start3A_2272, %dma_start3A_2273] : memref<10x128x64xf32, #tpu.memory_space<vmem>> -> memref<1x128x64xf32, #tpu.memory_space<vmem>>
        %dma_start3A_2275 = tpu.memref_squeeze %dma_start3A_2274 : memref<1x128x64xf32, #tpu.memory_space<vmem>> -> memref<128x64xf32, #tpu.memory_space<vmem>>
        %dma_start3A_2276 = arith.constant 16 : i32
        %dma_start3A_2277 = arith.constant 0 : i32
        %dma_start3A_2278 = tpu.memref_slice %dma_start3A_2275[%dma_start3A_2276, %dma_start3A_2277] : memref<128x64xf32, #tpu.memory_space<vmem>> -> memref<16x64xf32, #tpu.memory_space<vmem>>
        %dma_start3A_2279 = arith.constant 0 : i32
        %dma_start3A_2280 = arith.constant 0 : i32
        %dma_start3A_2281 = tpu.memref_slice %arg2[%dma_start3A_2279, %dma_start3A_2280] : memref<1000000x64xf32, #tpu.memory_space<hbm>> -> memref<1000000x64xf32, #tpu.memory_space<hbm>>
        %dma_start3A_2282 = tpu.memref_slice %arg7[%dma_start3A_2271] : memref<10x!tpu.dma_semaphore, #tpu.memory_space<semaphore_mem>> -> memref<1x!tpu.dma_semaphore, #tpu.memory_space<semaphore_mem>>
        %dma_start3A_2283 = tpu.memref_squeeze %dma_start3A_2282 : memref<1x!tpu.dma_semaphore, #tpu.memory_space<semaphore_mem>> -> memref<!tpu.dma_semaphore, #tpu.memory_space<semaphore_mem>>
        tpu.enqueue_indirect_dma source(%dma_start3A_2281 : memref<1000000x64xf32, #tpu.memory_space<hbm>>) target(%dma_start3A_2278 : memref<16x64xf32, #tpu.memory_space<vmem>>) offsets(%get3A_2269 : vector<16xi32>) semaphore(%dma_start3A_2283 : memref<!tpu.dma_semaphore, #tpu.memory_space<semaphore_mem>>)
        %get3A_2284 = arith.index_cast %sub3A_2168 : i32 to index
        %get3A_2285 = arith.constant 32 : index
        %get3A_2286 = tpu.vector_load %arg5[%get3A_2284, %get3A_2285] {strides = array<i32>} : memref<200x128xi32, #tpu.memory_space<vmem>>, vector<1x16xi32>,
        %get3A_2287 = vector.shape_cast %get3A_2286 : vector<1x16xi32> to vector<16xi32>
        %dma_start3A_2288 = arith.constant 6 : i32
        %dma_start3A_2289 = arith.constant 6 : i32
        %dma_start3A_2290 = arith.constant 0 : i32
        %dma_start3A_2291 = arith.constant 0 : i32
        %dma_start3A_2292 = tpu.memref_slice %arg6[%dma_start3A_2288, %dma_start3A_2290, %dma_start3A_2291] : memref<10x128x64xf32, #tpu.memory_space<vmem>> -> memref<1x128x64xf32, #tpu.memory_space<vmem>>
        %dma_start3A_2293 = tpu.memref_squeeze %dma_start3A_2292 : memref<1x128x64xf32, #tpu.memory_space<vmem>> -> memref<128x64xf32, #tpu.memory_space<vmem>>
        %dma_start3A_2294 = arith.constant 32 : i32
        %dma_start3A_2295 = arith.constant 0 : i32
        %dma_start3A_2296 = tpu.memref_slice %dma_start3A_2293[%dma_start3A_2294, %dma_start3A_2295] : memref<128x64xf32, #tpu.memory_space<vmem>> -> memref<16x64xf32, #tpu.memory_space<vmem>>
        %dma_start3A_2297 = arith.constant 0 : i32
        %dma_start3A_2298 = arith.constant 0 : i32
        %dma_start3A_2299 = tpu.memref_slice %arg2[%dma_start3A_2297, %dma_start3A_2298] : memref<1000000x64xf32, #tpu.memory_space<hbm>> -> memref<1000000x64xf32, #tpu.memory_space<hbm>>
        %dma_start3A_2300 = tpu.memref_slice %arg7[%dma_start3A_2289] : memref<10x!tpu.dma_semaphore, #tpu.memory_space<semaphore_mem>> -> memref<1x!tpu.dma_semaphore, #tpu.memory_space<semaphore_mem>>
        %dma_start3A_2301 = tpu.memref_squeeze %dma_start3A_2300 : memref<1x!tpu.dma_semaphore, #tpu.memory_space<semaphore_mem>> -> memref<!tpu.dma_semaphore, #tpu.memory_space<semaphore_mem>>
        tpu.enqueue_indirect_dma source(%dma_start3A_2299 : memref<1000000x64xf32, #tpu.memory_space<hbm>>) target(%dma_start3A_2296 : memref<16x64xf32, #tpu.memory_space<vmem>>) offsets(%get3A_2287 : vector<16xi32>) semaphore(%dma_start3A_2301 : memref<!tpu.dma_semaphore, #tpu.memory_space<semaphore_mem>>)
        %get3A_2302 = arith.index_cast %sub3A_2168 : i32 to index
        %get3A_2303 = arith.constant 48 : index
        %get3A_2304 = tpu.vector_load %arg5[%get3A_2302, %get3A_2303] {strides = array<i32>} : memref<200x128xi32, #tpu.memory_space<vmem>>, vector<1x16xi32>,
        %get3A_2305 = vector.shape_cast %get3A_2304 : vector<1x16xi32> to vector<16xi32>
        %dma_start3A_2306 = arith.constant 6 : i32
        %dma_start3A_2307 = arith.constant 6 : i32
        %dma_start3A_2308 = arith.constant 0 : i32
        %dma_start3A_2309 = arith.constant 0 : i32
        %dma_start3A_2310 = tpu.memref_slice %arg6[%dma_start3A_2306, %dma_start3A_2308, %dma_start3A_2309] : memref<10x128x64xf32, #tpu.memory_space<vmem>> -> memref<1x128x64xf32, #tpu.memory_space<vmem>>
        %dma_start3A_2311 = tpu.memref_squeeze %dma_start3A_2310 : memref<1x128x64xf32, #tpu.memory_space<vmem>> -> memref<128x64xf32, #tpu.memory_space<vmem>>
        %dma_start3A_2312 = arith.constant 48 : i32
        %dma_start3A_2313 = arith.constant 0 : i32
        %dma_start3A_2314 = tpu.memref_slice %dma_start3A_2311[%dma_start3A_2312, %dma_start3A_2313] : memref<128x64xf32, #tpu.memory_space<vmem>> -> memref<16x64xf32, #tpu.memory_space<vmem>>
        %dma_start3A_2315 = arith.constant 0 : i32
        %dma_start3A_2316 = arith.constant 0 : i32
        %dma_start3A_2317 = tpu.memref_slice %arg2[%dma_start3A_2315, %dma_start3A_2316] : memref<1000000x64xf32, #tpu.memory_space<hbm>> -> memref<1000000x64xf32, #tpu.memory_space<hbm>>
        %dma_start3A_2318 = tpu.memref_slice %arg7[%dma_start3A_2307] : memref<10x!tpu.dma_semaphore, #tpu.memory_space<semaphore_mem>> -> memref<1x!tpu.dma_semaphore, #tpu.memory_space<semaphore_mem>>
        %dma_start3A_2319 = tpu.memref_squeeze %dma_start3A_2318 : memref<1x!tpu.dma_semaphore, #tpu.memory_space<semaphore_mem>> -> memref<!tpu.dma_semaphore, #tpu.memory_space<semaphore_mem>>
        tpu.enqueue_indirect_dma source(%dma_start3A_2317 : memref<1000000x64xf32, #tpu.memory_space<hbm>>) target(%dma_start3A_2314 : memref<16x64xf32, #tpu.memory_space<vmem>>) offsets(%get3A_2305 : vector<16xi32>) semaphore(%dma_start3A_2319 : memref<!tpu.dma_semaphore, #tpu.memory_space<semaphore_mem>>)
        %get3A_2320 = arith.index_cast %sub3A_2168 : i32 to index
        %get3A_2321 = arith.constant 64 : index
        %get3A_2322 = tpu.vector_load %arg5[%get3A_2320, %get3A_2321] {strides = array<i32>} : memref<200x128xi32, #tpu.memory_space<vmem>>, vector<1x16xi32>,
        %get3A_2323 = vector.shape_cast %get3A_2322 : vector<1x16xi32> to vector<16xi32>
        %dma_start3A_2324 = arith.constant 6 : i32
        %dma_start3A_2325 = arith.constant 6 : i32
        %dma_start3A_2326 = arith.constant 0 : i32
        %dma_start3A_2327 = arith.constant 0 : i32
        %dma_start3A_2328 = tpu.memref_slice %arg6[%dma_start3A_2324, %dma_start3A_2326, %dma_start3A_2327] : memref<10x128x64xf32, #tpu.memory_space<vmem>> -> memref<1x128x64xf32, #tpu.memory_space<vmem>>
        %dma_start3A_2329 = tpu.memref_squeeze %dma_start3A_2328 : memref<1x128x64xf32, #tpu.memory_space<vmem>> -> memref<128x64xf32, #tpu.memory_space<vmem>>
        %dma_start3A_2330 = arith.constant 64 : i32
        %dma_start3A_2331 = arith.constant 0 : i32
        %dma_start3A_2332 = tpu.memref_slice %dma_start3A_2329[%dma_start3A_2330, %dma_start3A_2331] : memref<128x64xf32, #tpu.memory_space<vmem>> -> memref<16x64xf32, #tpu.memory_space<vmem>>
        %dma_start3A_2333 = arith.constant 0 : i32
        %dma_start3A_2334 = arith.constant 0 : i32
        %dma_start3A_2335 = tpu.memref_slice %arg2[%dma_start3A_2333, %dma_start3A_2334] : memref<1000000x64xf32, #tpu.memory_space<hbm>> -> memref<1000000x64xf32, #tpu.memory_space<hbm>>
        %dma_start3A_2336 = tpu.memref_slice %arg7[%dma_start3A_2325] : memref<10x!tpu.dma_semaphore, #tpu.memory_space<semaphore_mem>> -> memref<1x!tpu.dma_semaphore, #tpu.memory_space<semaphore_mem>>
        %dma_start3A_2337 = tpu.memref_squeeze %dma_start3A_2336 : memref<1x!tpu.dma_semaphore, #tpu.memory_space<semaphore_mem>> -> memref<!tpu.dma_semaphore, #tpu.memory_space<semaphore_mem>>
        tpu.enqueue_indirect_dma source(%dma_start3A_2335 : memref<1000000x64xf32, #tpu.memory_space<hbm>>) target(%dma_start3A_2332 : memref<16x64xf32, #tpu.memory_space<vmem>>) offsets(%get3A_2323 : vector<16xi32>) semaphore(%dma_start3A_2337 : memref<!tpu.dma_semaphore, #tpu.memory_space<semaphore_mem>>)
        %get3A_2338 = arith.index_cast %sub3A_2168 : i32 to index
        %get3A_2339 = arith.constant 80 : index
        %get3A_2340 = tpu.vector_load %arg5[%get3A_2338, %get3A_2339] {strides = array<i32>} : memref<200x128xi32, #tpu.memory_space<vmem>>, vector<1x16xi32>,
        %get3A_2341 = vector.shape_cast %get3A_2340 : vector<1x16xi32> to vector<16xi32>
        %dma_start3A_2342 = arith.constant 6 : i32
        %dma_start3A_2343 = arith.constant 6 : i32
        %dma_start3A_2344 = arith.constant 0 : i32
        %dma_start3A_2345 = arith.constant 0 : i32
        %dma_start3A_2346 = tpu.memref_slice %arg6[%dma_start3A_2342, %dma_start3A_2344, %dma_start3A_2345] : memref<10x128x64xf32, #tpu.memory_space<vmem>> -> memref<1x128x64xf32, #tpu.memory_space<vmem>>
        %dma_start3A_2347 = tpu.memref_squeeze %dma_start3A_2346 : memref<1x128x64xf32, #tpu.memory_space<vmem>> -> memref<128x64xf32, #tpu.memory_space<vmem>>
        %dma_start3A_2348 = arith.constant 80 : i32
        %dma_start3A_2349 = arith.constant 0 : i32
        %dma_start3A_2350 = tpu.memref_slice %dma_start3A_2347[%dma_start3A_2348, %dma_start3A_2349] : memref<128x64xf32, #tpu.memory_space<vmem>> -> memref<16x64xf32, #tpu.memory_space<vmem>>
        %dma_start3A_2351 = arith.constant 0 : i32
        %dma_start3A_2352 = arith.constant 0 : i32
        %dma_start3A_2353 = tpu.memref_slice %arg2[%dma_start3A_2351, %dma_start3A_2352] : memref<1000000x64xf32, #tpu.memory_space<hbm>> -> memref<1000000x64xf32, #tpu.memory_space<hbm>>
        %dma_start3A_2354 = tpu.memref_slice %arg7[%dma_start3A_2343] : memref<10x!tpu.dma_semaphore, #tpu.memory_space<semaphore_mem>> -> memref<1x!tpu.dma_semaphore, #tpu.memory_space<semaphore_mem>>
        %dma_start3A_2355 = tpu.memref_squeeze %dma_start3A_2354 : memref<1x!tpu.dma_semaphore, #tpu.memory_space<semaphore_mem>> -> memref<!tpu.dma_semaphore, #tpu.memory_space<semaphore_mem>>
        tpu.enqueue_indirect_dma source(%dma_start3A_2353 : memref<1000000x64xf32, #tpu.memory_space<hbm>>) target(%dma_start3A_2350 : memref<16x64xf32, #tpu.memory_space<vmem>>) offsets(%get3A_2341 : vector<16xi32>) semaphore(%dma_start3A_2355 : memref<!tpu.dma_semaphore, #tpu.memory_space<semaphore_mem>>)
        %get3A_2356 = arith.index_cast %sub3A_2168 : i32 to index
        %get3A_2357 = arith.constant 96 : index
        %get3A_2358 = tpu.vector_load %arg5[%get3A_2356, %get3A_2357] {strides = array<i32>} : memref<200x128xi32, #tpu.memory_space<vmem>>, vector<1x16xi32>,
        %get3A_2359 = vector.shape_cast %get3A_2358 : vector<1x16xi32> to vector<16xi32>
        %dma_start3A_2360 = arith.constant 6 : i32
        %dma_start3A_2361 = arith.constant 6 : i32
        %dma_start3A_2362 = arith.constant 0 : i32
        %dma_start3A_2363 = arith.constant 0 : i32
        %dma_start3A_2364 = tpu.memref_slice %arg6[%dma_start3A_2360, %dma_start3A_2362, %dma_start3A_2363] : memref<10x128x64xf32, #tpu.memory_space<vmem>> -> memref<1x128x64xf32, #tpu.memory_space<vmem>>
        %dma_start3A_2365 = tpu.memref_squeeze %dma_start3A_2364 : memref<1x128x64xf32, #tpu.memory_space<vmem>> -> memref<128x64xf32, #tpu.memory_space<vmem>>
        %dma_start3A_2366 = arith.constant 96 : i32
        %dma_start3A_2367 = arith.constant 0 : i32
        %dma_start3A_2368 = tpu.memref_slice %dma_start3A_2365[%dma_start3A_2366, %dma_start3A_2367] : memref<128x64xf32, #tpu.memory_space<vmem>> -> memref<16x64xf32, #tpu.memory_space<vmem>>
        %dma_start3A_2369 = arith.constant 0 : i32
        %dma_start3A_2370 = arith.constant 0 : i32
        %dma_start3A_2371 = tpu.memref_slice %arg2[%dma_start3A_2369, %dma_start3A_2370] : memref<1000000x64xf32, #tpu.memory_space<hbm>> -> memref<1000000x64xf32, #tpu.memory_space<hbm>>
        %dma_start3A_2372 = tpu.memref_slice %arg7[%dma_start3A_2361] : memref<10x!tpu.dma_semaphore, #tpu.memory_space<semaphore_mem>> -> memref<1x!tpu.dma_semaphore, #tpu.memory_space<semaphore_mem>>
        %dma_start3A_2373 = tpu.memref_squeeze %dma_start3A_2372 : memref<1x!tpu.dma_semaphore, #tpu.memory_space<semaphore_mem>> -> memref<!tpu.dma_semaphore, #tpu.memory_space<semaphore_mem>>
        tpu.enqueue_indirect_dma source(%dma_start3A_2371 : memref<1000000x64xf32, #tpu.memory_space<hbm>>) target(%dma_start3A_2368 : memref<16x64xf32, #tpu.memory_space<vmem>>) offsets(%get3A_2359 : vector<16xi32>) semaphore(%dma_start3A_2373 : memref<!tpu.dma_semaphore, #tpu.memory_space<semaphore_mem>>)
        %get3A_2374 = arith.index_cast %sub3A_2168 : i32 to index
        %get3A_2375 = arith.constant 112 : index
        %get3A_2376 = tpu.vector_load %arg5[%get3A_2374, %get3A_2375] {strides = array<i32>} : memref<200x128xi32, #tpu.memory_space<vmem>>, vector<1x16xi32>,
        %get3A_2377 = vector.shape_cast %get3A_2376 : vector<1x16xi32> to vector<16xi32>
        %dma_start3A_2378 = arith.constant 6 : i32
        %dma_start3A_2379 = arith.constant 6 : i32
        %dma_start3A_2380 = arith.constant 0 : i32
        %dma_start3A_2381 = arith.constant 0 : i32
        %dma_start3A_2382 = tpu.memref_slice %arg6[%dma_start3A_2378, %dma_start3A_2380, %dma_start3A_2381] : memref<10x128x64xf32, #tpu.memory_space<vmem>> -> memref<1x128x64xf32, #tpu.memory_space<vmem>>
        %dma_start3A_2383 = tpu.memref_squeeze %dma_start3A_2382 : memref<1x128x64xf32, #tpu.memory_space<vmem>> -> memref<128x64xf32, #tpu.memory_space<vmem>>
        %dma_start3A_2384 = arith.constant 112 : i32
        %dma_start3A_2385 = arith.constant 0 : i32
        %dma_start3A_2386 = tpu.memref_slice %dma_start3A_2383[%dma_start3A_2384, %dma_start3A_2385] : memref<128x64xf32, #tpu.memory_space<vmem>> -> memref<16x64xf32, #tpu.memory_space<vmem>>
        %dma_start3A_2387 = arith.constant 0 : i32
        %dma_start3A_2388 = arith.constant 0 : i32
        %dma_start3A_2389 = tpu.memref_slice %arg2[%dma_start3A_2387, %dma_start3A_2388] : memref<1000000x64xf32, #tpu.memory_space<hbm>> -> memref<1000000x64xf32, #tpu.memory_space<hbm>>
        %dma_start3A_2390 = tpu.memref_slice %arg7[%dma_start3A_2379] : memref<10x!tpu.dma_semaphore, #tpu.memory_space<semaphore_mem>> -> memref<1x!tpu.dma_semaphore, #tpu.memory_space<semaphore_mem>>
        %dma_start3A_2391 = tpu.memref_squeeze %dma_start3A_2390 : memref<1x!tpu.dma_semaphore, #tpu.memory_space<semaphore_mem>> -> memref<!tpu.dma_semaphore, #tpu.memory_space<semaphore_mem>>
        tpu.enqueue_indirect_dma source(%dma_start3A_2389 : memref<1000000x64xf32, #tpu.memory_space<hbm>>) target(%dma_start3A_2386 : memref<16x64xf32, #tpu.memory_space<vmem>>) offsets(%get3A_2377 : vector<16xi32>) semaphore(%dma_start3A_2391 : memref<!tpu.dma_semaphore, #tpu.memory_space<semaphore_mem>>)
      } else {
      }
      %mul3A_2177 = arith.constant 10 : i32
      %mul3A_2178 = arith.muli %scan3A_1705, %mul3A_2177 : i32
      %add3A_2179 = arith.constant 9 : i32
      %add3A_2180 = arith.addi %mul3A_2178, %add3A_2179 : i32
      %dma_wait3A_2181 = arith.constant 9 : i32
      %dma_wait3A_2182 = arith.constant 9 : i32
      %dma_wait3A_2183 = arith.constant 0 : i32
      %dma_wait3A_2184 = arith.constant 0 : i32
      %dma_wait3A_2185 = tpu.memref_slice %arg6[%dma_wait3A_2181, %dma_wait3A_2183, %dma_wait3A_2184] : memref<10x128x64xf32, #tpu.memory_space<vmem>> -> memref<1x128x64xf32, #tpu.memory_space<vmem>>
      %dma_wait3A_2186 = tpu.memref_squeeze %dma_wait3A_2185 : memref<1x128x64xf32, #tpu.memory_space<vmem>> -> memref<128x64xf32, #tpu.memory_space<vmem>>
      %dma_wait3A_2187 = arith.constant 0 : i32
      %dma_wait3A_2188 = arith.constant 0 : i32
      %dma_wait3A_2189 = tpu.memref_slice %arg2[%dma_wait3A_2187, %dma_wait3A_2188] : memref<1000000x64xf32, #tpu.memory_space<hbm>> -> memref<128x64xf32, #tpu.memory_space<hbm>>
      %dma_wait3A_2190 = tpu.memref_slice %arg7[%dma_wait3A_2182] : memref<10x!tpu.dma_semaphore, #tpu.memory_space<semaphore_mem>> -> memref<1x!tpu.dma_semaphore, #tpu.memory_space<semaphore_mem>>
      %dma_wait3A_2191 = tpu.memref_squeeze %dma_wait3A_2190 : memref<1x!tpu.dma_semaphore, #tpu.memory_space<semaphore_mem>> -> memref<!tpu.dma_semaphore, #tpu.memory_space<semaphore_mem>>
      %dma_wait3A_2192 = arith.constant 0 : i32
      %dma_wait3A_2193 = arith.constant 0 : i32
      %dma_wait3A_2194 = tpu.memref_slice %arg6[%dma_wait3A_2181, %dma_wait3A_2192, %dma_wait3A_2193] : memref<10x128x64xf32, #tpu.memory_space<vmem>> -> memref<1x128x64xf32, #tpu.memory_space<vmem>>
      %dma_wait3A_2195 = tpu.memref_squeeze %dma_wait3A_2194 : memref<1x128x64xf32, #tpu.memory_space<vmem>> -> memref<128x64xf32, #tpu.memory_space<vmem>>
      %dma_wait3A_2196 = arith.constant 0 : i32
      %dma_wait3A_2197 = arith.constant 0 : i32
      %dma_wait3A_2198 = tpu.memref_slice %arg2[%dma_wait3A_2196, %dma_wait3A_2197] : memref<1000000x64xf32, #tpu.memory_space<hbm>> -> memref<128x64xf32, #tpu.memory_space<hbm>>
      tpu.wait_dma2 semaphore(%dma_wait3A_2191 : memref<!tpu.dma_semaphore, #tpu.memory_space<semaphore_mem>>) src(%dma_wait3A_2198 : memref<128x64xf32, #tpu.memory_space<hbm>>) dst(%dma_wait3A_2195 : memref<128x64xf32, #tpu.memory_space<vmem>>)
      %mul3A_2199 = arith.constant 128 : i32
      %mul3A_2200 = arith.muli %add3A_2180, %mul3A_2199 : i32
      %add3A_2201 = arith.addi %mul3A_2, %mul3A_2200 : i32
      %dma_start3A_2202 = arith.constant 9 : i32
      %dma_start3A_2203 = arith.constant 9 : i32
      %dma_start3A_2204 = arith.constant 0 : i32
      %dma_start3A_2205 = arith.constant 0 : i32
      %dma_start3A_2206 = tpu.memref_slice %arg6[%dma_start3A_2202, %dma_start3A_2204, %dma_start3A_2205] : memref<10x128x64xf32, #tpu.memory_space<vmem>> -> memref<1x128x64xf32, #tpu.memory_space<vmem>>
      %dma_start3A_2207 = tpu.memref_squeeze %dma_start3A_2206 : memref<1x128x64xf32, #tpu.memory_space<vmem>> -> memref<128x64xf32, #tpu.memory_space<vmem>>
      %dma_start3A_2208 = arith.constant 0 : i32
      %dma_start3A_2209 = tpu.memref_slice %arg4[%add3A_2201, %dma_start3A_2208] : memref<819200x64xf32, #tpu.memory_space<hbm>> -> memref<128x64xf32, #tpu.memory_space<hbm>>
      %dma_start3A_2210 = tpu.memref_slice %arg8[%dma_start3A_2203] : memref<10x!tpu.dma_semaphore, #tpu.memory_space<semaphore_mem>> -> memref<1x!tpu.dma_semaphore, #tpu.memory_space<semaphore_mem>>
      %dma_start3A_2211 = tpu.memref_squeeze %dma_start3A_2210 : memref<1x!tpu.dma_semaphore, #tpu.memory_space<semaphore_mem>> -> memref<!tpu.dma_semaphore, #tpu.memory_space<semaphore_mem>>
      %dma_start3A_2212 = arith.constant 0 : i32
      %dma_start3A_2213 = tpu.memref_slice %arg4[%add3A_2201, %dma_start3A_2212] : memref<819200x64xf32, #tpu.memory_space<hbm>> -> memref<128x64xf32, #tpu.memory_space<hbm>>
      %dma_start3A_2214 = arith.constant 0 : i32
      %dma_start3A_2215 = arith.constant 0 : i32
      %dma_start3A_2216 = tpu.memref_slice %arg6[%dma_start3A_2202, %dma_start3A_2214, %dma_start3A_2215] : memref<10x128x64xf32, #tpu.memory_space<vmem>> -> memref<1x128x64xf32, #tpu.memory_space<vmem>>
      %dma_start3A_2217 = tpu.memref_squeeze %dma_start3A_2216 : memref<1x128x64xf32, #tpu.memory_space<vmem>> -> memref<128x64xf32, #tpu.memory_space<vmem>>
      tpu.enqueue_dma source(%dma_start3A_2217 : memref<128x64xf32, #tpu.memory_space<vmem>>) target(%dma_start3A_2213 : memref<128x64xf32, #tpu.memory_space<hbm>>) target_semaphore(%dma_start3A_2211 : memref<!tpu.dma_semaphore, #tpu.memory_space<semaphore_mem>>)
      %add3A_2218 = arith.constant 10 : i32
      %add3A_2219 = arith.addi %add3A_2180, %add3A_2218 : i32
      %sub3A_2220 = arith.constant 2 : i32
      %sub3A_2221 = arith.subi %add3A_2219, %sub3A_2220 : i32
      %ge3A_2222 = arith.constant 2 : i32
      %ge3A_2223 = arith.cmpi sge, %add3A_2180, %ge3A_2222 : i32
      %lt3A_2224 = arith.constant 200 : i32
      %lt3A_2225 = arith.cmpi slt, %sub3A_2221, %lt3A_2224 : i32
      %and3A_2226 = arith.andi %ge3A_2223, %lt3A_2225 : i1
      %convert_element_type3A_2227 = arith.extui %and3A_2226 : i1 to i32
      %cond3A_2228 = arith.constant 0 : i32
      %cond3A_2229 = arith.cmpi ne, %convert_element_type3A_2227, %cond3A_2228 : i32
      scf.if %cond3A_2229 {
        %dma_wait3A_2230 = arith.constant 7 : i32
        %dma_wait3A_2231 = arith.constant 7 : i32
        %dma_wait3A_2232 = arith.constant 0 : i32
        %dma_wait3A_2233 = arith.constant 0 : i32
        %dma_wait3A_2234 = tpu.memref_slice %arg6[%dma_wait3A_2230, %dma_wait3A_2232, %dma_wait3A_2233] : memref<10x128x64xf32, #tpu.memory_space<vmem>> -> memref<1x128x64xf32, #tpu.memory_space<vmem>>
        %dma_wait3A_2235 = tpu.memref_squeeze %dma_wait3A_2234 : memref<1x128x64xf32, #tpu.memory_space<vmem>> -> memref<128x64xf32, #tpu.memory_space<vmem>>
        %dma_wait3A_2236 = arith.constant 0 : i32
        %dma_wait3A_2237 = arith.constant 0 : i32
        %dma_wait3A_2238 = tpu.memref_slice %arg2[%dma_wait3A_2236, %dma_wait3A_2237] : memref<1000000x64xf32, #tpu.memory_space<hbm>> -> memref<128x64xf32, #tpu.memory_space<hbm>>
        %dma_wait3A_2239 = tpu.memref_slice %arg8[%dma_wait3A_2231] : memref<10x!tpu.dma_semaphore, #tpu.memory_space<semaphore_mem>> -> memref<1x!tpu.dma_semaphore, #tpu.memory_space<semaphore_mem>>
        %dma_wait3A_2240 = tpu.memref_squeeze %dma_wait3A_2239 : memref<1x!tpu.dma_semaphore, #tpu.memory_space<semaphore_mem>> -> memref<!tpu.dma_semaphore, #tpu.memory_space<semaphore_mem>>
        %dma_wait3A_2241 = arith.constant 0 : i32
        %dma_wait3A_2242 = arith.constant 0 : i32
        %dma_wait3A_2243 = tpu.memref_slice %arg6[%dma_wait3A_2230, %dma_wait3A_2241, %dma_wait3A_2242] : memref<10x128x64xf32, #tpu.memory_space<vmem>> -> memref<1x128x64xf32, #tpu.memory_space<vmem>>
        %dma_wait3A_2244 = tpu.memref_squeeze %dma_wait3A_2243 : memref<1x128x64xf32, #tpu.memory_space<vmem>> -> memref<128x64xf32, #tpu.memory_space<vmem>>
        %dma_wait3A_2245 = arith.constant 0 : i32
        %dma_wait3A_2246 = arith.constant 0 : i32
        %dma_wait3A_2247 = tpu.memref_slice %arg2[%dma_wait3A_2245, %dma_wait3A_2246] : memref<1000000x64xf32, #tpu.memory_space<hbm>> -> memref<128x64xf32, #tpu.memory_space<hbm>>
        tpu.wait_dma2 semaphore(%dma_wait3A_2240 : memref<!tpu.dma_semaphore, #tpu.memory_space<semaphore_mem>>) src(%dma_wait3A_2247 : memref<128x64xf32, #tpu.memory_space<hbm>>) dst(%dma_wait3A_2244 : memref<128x64xf32, #tpu.memory_space<vmem>>)
        %get3A_2248 = arith.index_cast %sub3A_2221 : i32 to index
        %get3A_2249 = arith.constant 0 : index
        %get3A_2250 = tpu.vector_load %arg5[%get3A_2248, %get3A_2249] {strides = array<i32>} : memref<200x128xi32, #tpu.memory_space<vmem>>, vector<1x16xi32>,
        %get3A_2251 = vector.shape_cast %get3A_2250 : vector<1x16xi32> to vector<16xi32>
        %dma_start3A_2252 = arith.constant 7 : i32
        %dma_start3A_2253 = arith.constant 7 : i32
        %dma_start3A_2254 = arith.constant 0 : i32
        %dma_start3A_2255 = arith.constant 0 : i32
        %dma_start3A_2256 = tpu.memref_slice %arg6[%dma_start3A_2252, %dma_start3A_2254, %dma_start3A_2255] : memref<10x128x64xf32, #tpu.memory_space<vmem>> -> memref<1x128x64xf32, #tpu.memory_space<vmem>>
        %dma_start3A_2257 = tpu.memref_squeeze %dma_start3A_2256 : memref<1x128x64xf32, #tpu.memory_space<vmem>> -> memref<128x64xf32, #tpu.memory_space<vmem>>
        %dma_start3A_2258 = arith.constant 0 : i32
        %dma_start3A_2259 = arith.constant 0 : i32
        %dma_start3A_2260 = tpu.memref_slice %dma_start3A_2257[%dma_start3A_2258, %dma_start3A_2259] : memref<128x64xf32, #tpu.memory_space<vmem>> -> memref<16x64xf32, #tpu.memory_space<vmem>>
        %dma_start3A_2261 = arith.constant 0 : i32
        %dma_start3A_2262 = arith.constant 0 : i32
        %dma_start3A_2263 = tpu.memref_slice %arg2[%dma_start3A_2261, %dma_start3A_2262] : memref<1000000x64xf32, #tpu.memory_space<hbm>> -> memref<1000000x64xf32, #tpu.memory_space<hbm>>
        %dma_start3A_2264 = tpu.memref_slice %arg7[%dma_start3A_2253] : memref<10x!tpu.dma_semaphore, #tpu.memory_space<semaphore_mem>> -> memref<1x!tpu.dma_semaphore, #tpu.memory_space<semaphore_mem>>
        %dma_start3A_2265 = tpu.memref_squeeze %dma_start3A_2264 : memref<1x!tpu.dma_semaphore, #tpu.memory_space<semaphore_mem>> -> memref<!tpu.dma_semaphore, #tpu.memory_space<semaphore_mem>>
        tpu.enqueue_indirect_dma source(%dma_start3A_2263 : memref<1000000x64xf32, #tpu.memory_space<hbm>>) target(%dma_start3A_2260 : memref<16x64xf32, #tpu.memory_space<vmem>>) offsets(%get3A_2251 : vector<16xi32>) semaphore(%dma_start3A_2265 : memref<!tpu.dma_semaphore, #tpu.memory_space<semaphore_mem>>)
        %get3A_2266 = arith.index_cast %sub3A_2221 : i32 to index
        %get3A_2267 = arith.constant 16 : index
        %get3A_2268 = tpu.vector_load %arg5[%get3A_2266, %get3A_2267] {strides = array<i32>} : memref<200x128xi32, #tpu.memory_space<vmem>>, vector<1x16xi32>,
        %get3A_2269 = vector.shape_cast %get3A_2268 : vector<1x16xi32> to vector<16xi32>
        %dma_start3A_2270 = arith.constant 7 : i32
        %dma_start3A_2271 = arith.constant 7 : i32
        %dma_start3A_2272 = arith.constant 0 : i32
        %dma_start3A_2273 = arith.constant 0 : i32
        %dma_start3A_2274 = tpu.memref_slice %arg6[%dma_start3A_2270, %dma_start3A_2272, %dma_start3A_2273] : memref<10x128x64xf32, #tpu.memory_space<vmem>> -> memref<1x128x64xf32, #tpu.memory_space<vmem>>
        %dma_start3A_2275 = tpu.memref_squeeze %dma_start3A_2274 : memref<1x128x64xf32, #tpu.memory_space<vmem>> -> memref<128x64xf32, #tpu.memory_space<vmem>>
        %dma_start3A_2276 = arith.constant 16 : i32
        %dma_start3A_2277 = arith.constant 0 : i32
        %dma_start3A_2278 = tpu.memref_slice %dma_start3A_2275[%dma_start3A_2276, %dma_start3A_2277] : memref<128x64xf32, #tpu.memory_space<vmem>> -> memref<16x64xf32, #tpu.memory_space<vmem>>
        %dma_start3A_2279 = arith.constant 0 : i32
        %dma_start3A_2280 = arith.constant 0 : i32
        %dma_start3A_2281 = tpu.memref_slice %arg2[%dma_start3A_2279, %dma_start3A_2280] : memref<1000000x64xf32, #tpu.memory_space<hbm>> -> memref<1000000x64xf32, #tpu.memory_space<hbm>>
        %dma_start3A_2282 = tpu.memref_slice %arg7[%dma_start3A_2271] : memref<10x!tpu.dma_semaphore, #tpu.memory_space<semaphore_mem>> -> memref<1x!tpu.dma_semaphore, #tpu.memory_space<semaphore_mem>>
        %dma_start3A_2283 = tpu.memref_squeeze %dma_start3A_2282 : memref<1x!tpu.dma_semaphore, #tpu.memory_space<semaphore_mem>> -> memref<!tpu.dma_semaphore, #tpu.memory_space<semaphore_mem>>
        tpu.enqueue_indirect_dma source(%dma_start3A_2281 : memref<1000000x64xf32, #tpu.memory_space<hbm>>) target(%dma_start3A_2278 : memref<16x64xf32, #tpu.memory_space<vmem>>) offsets(%get3A_2269 : vector<16xi32>) semaphore(%dma_start3A_2283 : memref<!tpu.dma_semaphore, #tpu.memory_space<semaphore_mem>>)
        %get3A_2284 = arith.index_cast %sub3A_2221 : i32 to index
        %get3A_2285 = arith.constant 32 : index
        %get3A_2286 = tpu.vector_load %arg5[%get3A_2284, %get3A_2285] {strides = array<i32>} : memref<200x128xi32, #tpu.memory_space<vmem>>, vector<1x16xi32>,
        %get3A_2287 = vector.shape_cast %get3A_2286 : vector<1x16xi32> to vector<16xi32>
        %dma_start3A_2288 = arith.constant 7 : i32
        %dma_start3A_2289 = arith.constant 7 : i32
        %dma_start3A_2290 = arith.constant 0 : i32
        %dma_start3A_2291 = arith.constant 0 : i32
        %dma_start3A_2292 = tpu.memref_slice %arg6[%dma_start3A_2288, %dma_start3A_2290, %dma_start3A_2291] : memref<10x128x64xf32, #tpu.memory_space<vmem>> -> memref<1x128x64xf32, #tpu.memory_space<vmem>>
        %dma_start3A_2293 = tpu.memref_squeeze %dma_start3A_2292 : memref<1x128x64xf32, #tpu.memory_space<vmem>> -> memref<128x64xf32, #tpu.memory_space<vmem>>
        %dma_start3A_2294 = arith.constant 32 : i32
        %dma_start3A_2295 = arith.constant 0 : i32
        %dma_start3A_2296 = tpu.memref_slice %dma_start3A_2293[%dma_start3A_2294, %dma_start3A_2295] : memref<128x64xf32, #tpu.memory_space<vmem>> -> memref<16x64xf32, #tpu.memory_space<vmem>>
        %dma_start3A_2297 = arith.constant 0 : i32
        %dma_start3A_2298 = arith.constant 0 : i32
        %dma_start3A_2299 = tpu.memref_slice %arg2[%dma_start3A_2297, %dma_start3A_2298] : memref<1000000x64xf32, #tpu.memory_space<hbm>> -> memref<1000000x64xf32, #tpu.memory_space<hbm>>
        %dma_start3A_2300 = tpu.memref_slice %arg7[%dma_start3A_2289] : memref<10x!tpu.dma_semaphore, #tpu.memory_space<semaphore_mem>> -> memref<1x!tpu.dma_semaphore, #tpu.memory_space<semaphore_mem>>
        %dma_start3A_2301 = tpu.memref_squeeze %dma_start3A_2300 : memref<1x!tpu.dma_semaphore, #tpu.memory_space<semaphore_mem>> -> memref<!tpu.dma_semaphore, #tpu.memory_space<semaphore_mem>>
        tpu.enqueue_indirect_dma source(%dma_start3A_2299 : memref<1000000x64xf32, #tpu.memory_space<hbm>>) target(%dma_start3A_2296 : memref<16x64xf32, #tpu.memory_space<vmem>>) offsets(%get3A_2287 : vector<16xi32>) semaphore(%dma_start3A_2301 : memref<!tpu.dma_semaphore, #tpu.memory_space<semaphore_mem>>)
        %get3A_2302 = arith.index_cast %sub3A_2221 : i32 to index
        %get3A_2303 = arith.constant 48 : index
        %get3A_2304 = tpu.vector_load %arg5[%get3A_2302, %get3A_2303] {strides = array<i32>} : memref<200x128xi32, #tpu.memory_space<vmem>>, vector<1x16xi32>,
        %get3A_2305 = vector.shape_cast %get3A_2304 : vector<1x16xi32> to vector<16xi32>
        %dma_start3A_2306 = arith.constant 7 : i32
        %dma_start3A_2307 = arith.constant 7 : i32
        %dma_start3A_2308 = arith.constant 0 : i32
        %dma_start3A_2309 = arith.constant 0 : i32
        %dma_start3A_2310 = tpu.memref_slice %arg6[%dma_start3A_2306, %dma_start3A_2308, %dma_start3A_2309] : memref<10x128x64xf32, #tpu.memory_space<vmem>> -> memref<1x128x64xf32, #tpu.memory_space<vmem>>
        %dma_start3A_2311 = tpu.memref_squeeze %dma_start3A_2310 : memref<1x128x64xf32, #tpu.memory_space<vmem>> -> memref<128x64xf32, #tpu.memory_space<vmem>>
        %dma_start3A_2312 = arith.constant 48 : i32
        %dma_start3A_2313 = arith.constant 0 : i32
        %dma_start3A_2314 = tpu.memref_slice %dma_start3A_2311[%dma_start3A_2312, %dma_start3A_2313] : memref<128x64xf32, #tpu.memory_space<vmem>> -> memref<16x64xf32, #tpu.memory_space<vmem>>
        %dma_start3A_2315 = arith.constant 0 : i32
        %dma_start3A_2316 = arith.constant 0 : i32
        %dma_start3A_2317 = tpu.memref_slice %arg2[%dma_start3A_2315, %dma_start3A_2316] : memref<1000000x64xf32, #tpu.memory_space<hbm>> -> memref<1000000x64xf32, #tpu.memory_space<hbm>>
        %dma_start3A_2318 = tpu.memref_slice %arg7[%dma_start3A_2307] : memref<10x!tpu.dma_semaphore, #tpu.memory_space<semaphore_mem>> -> memref<1x!tpu.dma_semaphore, #tpu.memory_space<semaphore_mem>>
        %dma_start3A_2319 = tpu.memref_squeeze %dma_start3A_2318 : memref<1x!tpu.dma_semaphore, #tpu.memory_space<semaphore_mem>> -> memref<!tpu.dma_semaphore, #tpu.memory_space<semaphore_mem>>
        tpu.enqueue_indirect_dma source(%dma_start3A_2317 : memref<1000000x64xf32, #tpu.memory_space<hbm>>) target(%dma_start3A_2314 : memref<16x64xf32, #tpu.memory_space<vmem>>) offsets(%get3A_2305 : vector<16xi32>) semaphore(%dma_start3A_2319 : memref<!tpu.dma_semaphore, #tpu.memory_space<semaphore_mem>>)
        %get3A_2320 = arith.index_cast %sub3A_2221 : i32 to index
        %get3A_2321 = arith.constant 64 : index
        %get3A_2322 = tpu.vector_load %arg5[%get3A_2320, %get3A_2321] {strides = array<i32>} : memref<200x128xi32, #tpu.memory_space<vmem>>, vector<1x16xi32>,
        %get3A_2323 = vector.shape_cast %get3A_2322 : vector<1x16xi32> to vector<16xi32>
        %dma_start3A_2324 = arith.constant 7 : i32
        %dma_start3A_2325 = arith.constant 7 : i32
        %dma_start3A_2326 = arith.constant 0 : i32
        %dma_start3A_2327 = arith.constant 0 : i32
        %dma_start3A_2328 = tpu.memref_slice %arg6[%dma_start3A_2324, %dma_start3A_2326, %dma_start3A_2327] : memref<10x128x64xf32, #tpu.memory_space<vmem>> -> memref<1x128x64xf32, #tpu.memory_space<vmem>>
        %dma_start3A_2329 = tpu.memref_squeeze %dma_start3A_2328 : memref<1x128x64xf32, #tpu.memory_space<vmem>> -> memref<128x64xf32, #tpu.memory_space<vmem>>
        %dma_start3A_2330 = arith.constant 64 : i32
        %dma_start3A_2331 = arith.constant 0 : i32
        %dma_start3A_2332 = tpu.memref_slice %dma_start3A_2329[%dma_start3A_2330, %dma_start3A_2331] : memref<128x64xf32, #tpu.memory_space<vmem>> -> memref<16x64xf32, #tpu.memory_space<vmem>>
        %dma_start3A_2333 = arith.constant 0 : i32
        %dma_start3A_2334 = arith.constant 0 : i32
        %dma_start3A_2335 = tpu.memref_slice %arg2[%dma_start3A_2333, %dma_start3A_2334] : memref<1000000x64xf32, #tpu.memory_space<hbm>> -> memref<1000000x64xf32, #tpu.memory_space<hbm>>
        %dma_start3A_2336 = tpu.memref_slice %arg7[%dma_start3A_2325] : memref<10x!tpu.dma_semaphore, #tpu.memory_space<semaphore_mem>> -> memref<1x!tpu.dma_semaphore, #tpu.memory_space<semaphore_mem>>
        %dma_start3A_2337 = tpu.memref_squeeze %dma_start3A_2336 : memref<1x!tpu.dma_semaphore, #tpu.memory_space<semaphore_mem>> -> memref<!tpu.dma_semaphore, #tpu.memory_space<semaphore_mem>>
        tpu.enqueue_indirect_dma source(%dma_start3A_2335 : memref<1000000x64xf32, #tpu.memory_space<hbm>>) target(%dma_start3A_2332 : memref<16x64xf32, #tpu.memory_space<vmem>>) offsets(%get3A_2323 : vector<16xi32>) semaphore(%dma_start3A_2337 : memref<!tpu.dma_semaphore, #tpu.memory_space<semaphore_mem>>)
        %get3A_2338 = arith.index_cast %sub3A_2221 : i32 to index
        %get3A_2339 = arith.constant 80 : index
        %get3A_2340 = tpu.vector_load %arg5[%get3A_2338, %get3A_2339] {strides = array<i32>} : memref<200x128xi32, #tpu.memory_space<vmem>>, vector<1x16xi32>,
        %get3A_2341 = vector.shape_cast %get3A_2340 : vector<1x16xi32> to vector<16xi32>
        %dma_start3A_2342 = arith.constant 7 : i32
        %dma_start3A_2343 = arith.constant 7 : i32
        %dma_start3A_2344 = arith.constant 0 : i32
        %dma_start3A_2345 = arith.constant 0 : i32
        %dma_start3A_2346 = tpu.memref_slice %arg6[%dma_start3A_2342, %dma_start3A_2344, %dma_start3A_2345] : memref<10x128x64xf32, #tpu.memory_space<vmem>> -> memref<1x128x64xf32, #tpu.memory_space<vmem>>
        %dma_start3A_2347 = tpu.memref_squeeze %dma_start3A_2346 : memref<1x128x64xf32, #tpu.memory_space<vmem>> -> memref<128x64xf32, #tpu.memory_space<vmem>>
        %dma_start3A_2348 = arith.constant 80 : i32
        %dma_start3A_2349 = arith.constant 0 : i32
        %dma_start3A_2350 = tpu.memref_slice %dma_start3A_2347[%dma_start3A_2348, %dma_start3A_2349] : memref<128x64xf32, #tpu.memory_space<vmem>> -> memref<16x64xf32, #tpu.memory_space<vmem>>
        %dma_start3A_2351 = arith.constant 0 : i32
        %dma_start3A_2352 = arith.constant 0 : i32
        %dma_start3A_2353 = tpu.memref_slice %arg2[%dma_start3A_2351, %dma_start3A_2352] : memref<1000000x64xf32, #tpu.memory_space<hbm>> -> memref<1000000x64xf32, #tpu.memory_space<hbm>>
        %dma_start3A_2354 = tpu.memref_slice %arg7[%dma_start3A_2343] : memref<10x!tpu.dma_semaphore, #tpu.memory_space<semaphore_mem>> -> memref<1x!tpu.dma_semaphore, #tpu.memory_space<semaphore_mem>>
        %dma_start3A_2355 = tpu.memref_squeeze %dma_start3A_2354 : memref<1x!tpu.dma_semaphore, #tpu.memory_space<semaphore_mem>> -> memref<!tpu.dma_semaphore, #tpu.memory_space<semaphore_mem>>
        tpu.enqueue_indirect_dma source(%dma_start3A_2353 : memref<1000000x64xf32, #tpu.memory_space<hbm>>) target(%dma_start3A_2350 : memref<16x64xf32, #tpu.memory_space<vmem>>) offsets(%get3A_2341 : vector<16xi32>) semaphore(%dma_start3A_2355 : memref<!tpu.dma_semaphore, #tpu.memory_space<semaphore_mem>>)
        %get3A_2356 = arith.index_cast %sub3A_2221 : i32 to index
        %get3A_2357 = arith.constant 96 : index
        %get3A_2358 = tpu.vector_load %arg5[%get3A_2356, %get3A_2357] {strides = array<i32>} : memref<200x128xi32, #tpu.memory_space<vmem>>, vector<1x16xi32>,
        %get3A_2359 = vector.shape_cast %get3A_2358 : vector<1x16xi32> to vector<16xi32>
        %dma_start3A_2360 = arith.constant 7 : i32
        %dma_start3A_2361 = arith.constant 7 : i32
        %dma_start3A_2362 = arith.constant 0 : i32
        %dma_start3A_2363 = arith.constant 0 : i32
        %dma_start3A_2364 = tpu.memref_slice %arg6[%dma_start3A_2360, %dma_start3A_2362, %dma_start3A_2363] : memref<10x128x64xf32, #tpu.memory_space<vmem>> -> memref<1x128x64xf32, #tpu.memory_space<vmem>>
        %dma_start3A_2365 = tpu.memref_squeeze %dma_start3A_2364 : memref<1x128x64xf32, #tpu.memory_space<vmem>> -> memref<128x64xf32, #tpu.memory_space<vmem>>
        %dma_start3A_2366 = arith.constant 96 : i32
        %dma_start3A_2367 = arith.constant 0 : i32
        %dma_start3A_2368 = tpu.memref_slice %dma_start3A_2365[%dma_start3A_2366, %dma_start3A_2367] : memref<128x64xf32, #tpu.memory_space<vmem>> -> memref<16x64xf32, #tpu.memory_space<vmem>>
        %dma_start3A_2369 = arith.constant 0 : i32
        %dma_start3A_2370 = arith.constant 0 : i32
        %dma_start3A_2371 = tpu.memref_slice %arg2[%dma_start3A_2369, %dma_start3A_2370] : memref<1000000x64xf32, #tpu.memory_space<hbm>> -> memref<1000000x64xf32, #tpu.memory_space<hbm>>
        %dma_start3A_2372 = tpu.memref_slice %arg7[%dma_start3A_2361] : memref<10x!tpu.dma_semaphore, #tpu.memory_space<semaphore_mem>> -> memref<1x!tpu.dma_semaphore, #tpu.memory_space<semaphore_mem>>
        %dma_start3A_2373 = tpu.memref_squeeze %dma_start3A_2372 : memref<1x!tpu.dma_semaphore, #tpu.memory_space<semaphore_mem>> -> memref<!tpu.dma_semaphore, #tpu.memory_space<semaphore_mem>>
        tpu.enqueue_indirect_dma source(%dma_start3A_2371 : memref<1000000x64xf32, #tpu.memory_space<hbm>>) target(%dma_start3A_2368 : memref<16x64xf32, #tpu.memory_space<vmem>>) offsets(%get3A_2359 : vector<16xi32>) semaphore(%dma_start3A_2373 : memref<!tpu.dma_semaphore, #tpu.memory_space<semaphore_mem>>)
        %get3A_2374 = arith.index_cast %sub3A_2221 : i32 to index
        %get3A_2375 = arith.constant 112 : index
        %get3A_2376 = tpu.vector_load %arg5[%get3A_2374, %get3A_2375] {strides = array<i32>} : memref<200x128xi32, #tpu.memory_space<vmem>>, vector<1x16xi32>,
        %get3A_2377 = vector.shape_cast %get3A_2376 : vector<1x16xi32> to vector<16xi32>
        %dma_start3A_2378 = arith.constant 7 : i32
        %dma_start3A_2379 = arith.constant 7 : i32
        %dma_start3A_2380 = arith.constant 0 : i32
        %dma_start3A_2381 = arith.constant 0 : i32
        %dma_start3A_2382 = tpu.memref_slice %arg6[%dma_start3A_2378, %dma_start3A_2380, %dma_start3A_2381] : memref<10x128x64xf32, #tpu.memory_space<vmem>> -> memref<1x128x64xf32, #tpu.memory_space<vmem>>
        %dma_start3A_2383 = tpu.memref_squeeze %dma_start3A_2382 : memref<1x128x64xf32, #tpu.memory_space<vmem>> -> memref<128x64xf32, #tpu.memory_space<vmem>>
        %dma_start3A_2384 = arith.constant 112 : i32
        %dma_start3A_2385 = arith.constant 0 : i32
        %dma_start3A_2386 = tpu.memref_slice %dma_start3A_2383[%dma_start3A_2384, %dma_start3A_2385] : memref<128x64xf32, #tpu.memory_space<vmem>> -> memref<16x64xf32, #tpu.memory_space<vmem>>
        %dma_start3A_2387 = arith.constant 0 : i32
        %dma_start3A_2388 = arith.constant 0 : i32
        %dma_start3A_2389 = tpu.memref_slice %arg2[%dma_start3A_2387, %dma_start3A_2388] : memref<1000000x64xf32, #tpu.memory_space<hbm>> -> memref<1000000x64xf32, #tpu.memory_space<hbm>>
        %dma_start3A_2390 = tpu.memref_slice %arg7[%dma_start3A_2379] : memref<10x!tpu.dma_semaphore, #tpu.memory_space<semaphore_mem>> -> memref<1x!tpu.dma_semaphore, #tpu.memory_space<semaphore_mem>>
        %dma_start3A_2391 = tpu.memref_squeeze %dma_start3A_2390 : memref<1x!tpu.dma_semaphore, #tpu.memory_space<semaphore_mem>> -> memref<!tpu.dma_semaphore, #tpu.memory_space<semaphore_mem>>
        tpu.enqueue_indirect_dma source(%dma_start3A_2389 : memref<1000000x64xf32, #tpu.memory_space<hbm>>) target(%dma_start3A_2386 : memref<16x64xf32, #tpu.memory_space<vmem>>) offsets(%get3A_2377 : vector<16xi32>) semaphore(%dma_start3A_2391 : memref<!tpu.dma_semaphore, #tpu.memory_space<semaphore_mem>>)
      } else {
      }
    }
    %scan3A_1525 = arith.constant 20 : i32
    %dma_wait3A = arith.constant 0 : i32
    %dma_wait3A_1526 = arith.constant 0 : i32
    %dma_wait3A_1527 = arith.constant 0 : i32
    %dma_wait3A_1528 = arith.constant 0 : i32
    %dma_wait3A_1529 = tpu.memref_slice %arg6[%dma_wait3A, %dma_wait3A_1527, %dma_wait3A_1528] : memref<10x128x64xf32, #tpu.memory_space<vmem>> -> memref<1x128x64xf32, #tpu.memory_space<vmem>>
    %dma_wait3A_1530 = tpu.memref_squeeze %dma_wait3A_1529 : memref<1x128x64xf32, #tpu.memory_space<vmem>> -> memref<128x64xf32, #tpu.memory_space<vmem>>
    %dma_wait3A_1531 = arith.constant 0 : i32
    %dma_wait3A_1532 = arith.constant 0 : i32
    %dma_wait3A_1533 = tpu.memref_slice %arg2[%dma_wait3A_1531, %dma_wait3A_1532] : memref<1000000x64xf32, #tpu.memory_space<hbm>> -> memref<128x64xf32, #tpu.memory_space<hbm>>
    %dma_wait3A_1534 = tpu.memref_slice %arg8[%dma_wait3A_1526] : memref<10x!tpu.dma_semaphore, #tpu.memory_space<semaphore_mem>> -> memref<1x!tpu.dma_semaphore, #tpu.memory_space<semaphore_mem>>
    %dma_wait3A_1535 = tpu.memref_squeeze %dma_wait3A_1534 : memref<1x!tpu.dma_semaphore, #tpu.memory_space<semaphore_mem>> -> memref<!tpu.dma_semaphore, #tpu.memory_space<semaphore_mem>>
    %dma_wait3A_1536 = arith.constant 0 : i32
    %dma_wait3A_1537 = arith.constant 0 : i32
    %dma_wait3A_1538 = tpu.memref_slice %arg6[%dma_wait3A, %dma_wait3A_1536, %dma_wait3A_1537] : memref<10x128x64xf32, #tpu.memory_space<vmem>> -> memref<1x128x64xf32, #tpu.memory_space<vmem>>
    %dma_wait3A_1539 = tpu.memref_squeeze %dma_wait3A_1538 : memref<1x128x64xf32, #tpu.memory_space<vmem>> -> memref<128x64xf32, #tpu.memory_space<vmem>>
    %dma_wait3A_1540 = arith.constant 0 : i32
    %dma_wait3A_1541 = arith.constant 0 : i32
    %dma_wait3A_1542 = tpu.memref_slice %arg2[%dma_wait3A_1540, %dma_wait3A_1541] : memref<1000000x64xf32, #tpu.memory_space<hbm>> -> memref<128x64xf32, #tpu.memory_space<hbm>>
    tpu.wait_dma2 semaphore(%dma_wait3A_1535 : memref<!tpu.dma_semaphore, #tpu.memory_space<semaphore_mem>>) src(%dma_wait3A_1542 : memref<128x64xf32, #tpu.memory_space<hbm>>) dst(%dma_wait3A_1539 : memref<128x64xf32, #tpu.memory_space<vmem>>)
    %dma_wait3A_1543 = arith.constant 1 : i32
    %dma_wait3A_1544 = arith.constant 1 : i32
    %dma_wait3A_1545 = arith.constant 0 : i32
    %dma_wait3A_1546 = arith.constant 0 : i32
    %dma_wait3A_1547 = tpu.memref_slice %arg6[%dma_wait3A_1543, %dma_wait3A_1545, %dma_wait3A_1546] : memref<10x128x64xf32, #tpu.memory_space<vmem>> -> memref<1x128x64xf32, #tpu.memory_space<vmem>>
    %dma_wait3A_1548 = tpu.memref_squeeze %dma_wait3A_1547 : memref<1x128x64xf32, #tpu.memory_space<vmem>> -> memref<128x64xf32, #tpu.memory_space<vmem>>
    %dma_wait3A_1549 = arith.constant 0 : i32
    %dma_wait3A_1550 = arith.constant 0 : i32
    %dma_wait3A_1551 = tpu.memref_slice %arg2[%dma_wait3A_1549, %dma_wait3A_1550] : memref<1000000x64xf32, #tpu.memory_space<hbm>> -> memref<128x64xf32, #tpu.memory_space<hbm>>
    %dma_wait3A_1552 = tpu.memref_slice %arg8[%dma_wait3A_1544] : memref<10x!tpu.dma_semaphore, #tpu.memory_space<semaphore_mem>> -> memref<1x!tpu.dma_semaphore, #tpu.memory_space<semaphore_mem>>
    %dma_wait3A_1553 = tpu.memref_squeeze %dma_wait3A_1552 : memref<1x!tpu.dma_semaphore, #tpu.memory_space<semaphore_mem>> -> memref<!tpu.dma_semaphore, #tpu.memory_space<semaphore_mem>>
    %dma_wait3A_1554 = arith.constant 0 : i32
    %dma_wait3A_1555 = arith.constant 0 : i32
    %dma_wait3A_1556 = tpu.memref_slice %arg6[%dma_wait3A_1543, %dma_wait3A_1554, %dma_wait3A_1555] : memref<10x128x64xf32, #tpu.memory_space<vmem>> -> memref<1x128x64xf32, #tpu.memory_space<vmem>>
    %dma_wait3A_1557 = tpu.memref_squeeze %dma_wait3A_1556 : memref<1x128x64xf32, #tpu.memory_space<vmem>> -> memref<128x64xf32, #tpu.memory_space<vmem>>
    %dma_wait3A_1558 = arith.constant 0 : i32
    %dma_wait3A_1559 = arith.constant 0 : i32
    %dma_wait3A_1560 = tpu.memref_slice %arg2[%dma_wait3A_1558, %dma_wait3A_1559] : memref<1000000x64xf32, #tpu.memory_space<hbm>> -> memref<128x64xf32, #tpu.memory_space<hbm>>
    tpu.wait_dma2 semaphore(%dma_wait3A_1553 : memref<!tpu.dma_semaphore, #tpu.memory_space<semaphore_mem>>) src(%dma_wait3A_1560 : memref<128x64xf32, #tpu.memory_space<hbm>>) dst(%dma_wait3A_1557 : memref<128x64xf32, #tpu.memory_space<vmem>>)
    %dma_wait3A_1561 = arith.constant 2 : i32
    %dma_wait3A_1562 = arith.constant 2 : i32
    %dma_wait3A_1563 = arith.constant 0 : i32
    %dma_wait3A_1564 = arith.constant 0 : i32
    %dma_wait3A_1565 = tpu.memref_slice %arg6[%dma_wait3A_1561, %dma_wait3A_1563, %dma_wait3A_1564] : memref<10x128x64xf32, #tpu.memory_space<vmem>> -> memref<1x128x64xf32, #tpu.memory_space<vmem>>
    %dma_wait3A_1566 = tpu.memref_squeeze %dma_wait3A_1565 : memref<1x128x64xf32, #tpu.memory_space<vmem>> -> memref<128x64xf32, #tpu.memory_space<vmem>>
    %dma_wait3A_1567 = arith.constant 0 : i32
    %dma_wait3A_1568 = arith.constant 0 : i32
    %dma_wait3A_1569 = tpu.memref_slice %arg2[%dma_wait3A_1567, %dma_wait3A_1568] : memref<1000000x64xf32, #tpu.memory_space<hbm>> -> memref<128x64xf32, #tpu.memory_space<hbm>>
    %dma_wait3A_1570 = tpu.memref_slice %arg8[%dma_wait3A_1562] : memref<10x!tpu.dma_semaphore, #tpu.memory_space<semaphore_mem>> -> memref<1x!tpu.dma_semaphore, #tpu.memory_space<semaphore_mem>>
    %dma_wait3A_1571 = tpu.memref_squeeze %dma_wait3A_1570 : memref<1x!tpu.dma_semaphore, #tpu.memory_space<semaphore_mem>> -> memref<!tpu.dma_semaphore, #tpu.memory_space<semaphore_mem>>
    %dma_wait3A_1572 = arith.constant 0 : i32
    %dma_wait3A_1573 = arith.constant 0 : i32
    %dma_wait3A_1574 = tpu.memref_slice %arg6[%dma_wait3A_1561, %dma_wait3A_1572, %dma_wait3A_1573] : memref<10x128x64xf32, #tpu.memory_space<vmem>> -> memref<1x128x64xf32, #tpu.memory_space<vmem>>
    %dma_wait3A_1575 = tpu.memref_squeeze %dma_wait3A_1574 : memref<1x128x64xf32, #tpu.memory_space<vmem>> -> memref<128x64xf32, #tpu.memory_space<vmem>>
    %dma_wait3A_1576 = arith.constant 0 : i32
    %dma_wait3A_1577 = arith.constant 0 : i32
    %dma_wait3A_1578 = tpu.memref_slice %arg2[%dma_wait3A_1576, %dma_wait3A_1577] : memref<1000000x64xf32, #tpu.memory_space<hbm>> -> memref<128x64xf32, #tpu.memory_space<hbm>>
    tpu.wait_dma2 semaphore(%dma_wait3A_1571 : memref<!tpu.dma_semaphore, #tpu.memory_space<semaphore_mem>>) src(%dma_wait3A_1578 : memref<128x64xf32, #tpu.memory_space<hbm>>) dst(%dma_wait3A_1575 : memref<128x64xf32, #tpu.memory_space<vmem>>)
    %dma_wait3A_1579 = arith.constant 3 : i32
    %dma_wait3A_1580 = arith.constant 3 : i32
    %dma_wait3A_1581 = arith.constant 0 : i32
    %dma_wait3A_1582 = arith.constant 0 : i32
    %dma_wait3A_1583 = tpu.memref_slice %arg6[%dma_wait3A_1579, %dma_wait3A_1581, %dma_wait3A_1582] : memref<10x128x64xf32, #tpu.memory_space<vmem>> -> memref<1x128x64xf32, #tpu.memory_space<vmem>>
    %dma_wait3A_1584 = tpu.memref_squeeze %dma_wait3A_1583 : memref<1x128x64xf32, #tpu.memory_space<vmem>> -> memref<128x64xf32, #tpu.memory_space<vmem>>
    %dma_wait3A_1585 = arith.constant 0 : i32
    %dma_wait3A_1586 = arith.constant 0 : i32
    %dma_wait3A_1587 = tpu.memref_slice %arg2[%dma_wait3A_1585, %dma_wait3A_1586] : memref<1000000x64xf32, #tpu.memory_space<hbm>> -> memref<128x64xf32, #tpu.memory_space<hbm>>
    %dma_wait3A_1588 = tpu.memref_slice %arg8[%dma_wait3A_1580] : memref<10x!tpu.dma_semaphore, #tpu.memory_space<semaphore_mem>> -> memref<1x!tpu.dma_semaphore, #tpu.memory_space<semaphore_mem>>
    %dma_wait3A_1589 = tpu.memref_squeeze %dma_wait3A_1588 : memref<1x!tpu.dma_semaphore, #tpu.memory_space<semaphore_mem>> -> memref<!tpu.dma_semaphore, #tpu.memory_space<semaphore_mem>>
    %dma_wait3A_1590 = arith.constant 0 : i32
    %dma_wait3A_1591 = arith.constant 0 : i32
    %dma_wait3A_1592 = tpu.memref_slice %arg6[%dma_wait3A_1579, %dma_wait3A_1590, %dma_wait3A_1591] : memref<10x128x64xf32, #tpu.memory_space<vmem>> -> memref<1x128x64xf32, #tpu.memory_space<vmem>>
    %dma_wait3A_1593 = tpu.memref_squeeze %dma_wait3A_1592 : memref<1x128x64xf32, #tpu.memory_space<vmem>> -> memref<128x64xf32, #tpu.memory_space<vmem>>
    %dma_wait3A_1594 = arith.constant 0 : i32
    %dma_wait3A_1595 = arith.constant 0 : i32
    %dma_wait3A_1596 = tpu.memref_slice %arg2[%dma_wait3A_1594, %dma_wait3A_1595] : memref<1000000x64xf32, #tpu.memory_space<hbm>> -> memref<128x64xf32, #tpu.memory_space<hbm>>
    tpu.wait_dma2 semaphore(%dma_wait3A_1589 : memref<!tpu.dma_semaphore, #tpu.memory_space<semaphore_mem>>) src(%dma_wait3A_1596 : memref<128x64xf32, #tpu.memory_space<hbm>>) dst(%dma_wait3A_1593 : memref<128x64xf32, #tpu.memory_space<vmem>>)
    %dma_wait3A_1597 = arith.constant 4 : i32
    %dma_wait3A_1598 = arith.constant 4 : i32
    %dma_wait3A_1599 = arith.constant 0 : i32
    %dma_wait3A_1600 = arith.constant 0 : i32
    %dma_wait3A_1601 = tpu.memref_slice %arg6[%dma_wait3A_1597, %dma_wait3A_1599, %dma_wait3A_1600] : memref<10x128x64xf32, #tpu.memory_space<vmem>> -> memref<1x128x64xf32, #tpu.memory_space<vmem>>
    %dma_wait3A_1602 = tpu.memref_squeeze %dma_wait3A_1601 : memref<1x128x64xf32, #tpu.memory_space<vmem>> -> memref<128x64xf32, #tpu.memory_space<vmem>>
    %dma_wait3A_1603 = arith.constant 0 : i32
    %dma_wait3A_1604 = arith.constant 0 : i32
    %dma_wait3A_1605 = tpu.memref_slice %arg2[%dma_wait3A_1603, %dma_wait3A_1604] : memref<1000000x64xf32, #tpu.memory_space<hbm>> -> memref<128x64xf32, #tpu.memory_space<hbm>>
    %dma_wait3A_1606 = tpu.memref_slice %arg8[%dma_wait3A_1598] : memref<10x!tpu.dma_semaphore, #tpu.memory_space<semaphore_mem>> -> memref<1x!tpu.dma_semaphore, #tpu.memory_space<semaphore_mem>>
    %dma_wait3A_1607 = tpu.memref_squeeze %dma_wait3A_1606 : memref<1x!tpu.dma_semaphore, #tpu.memory_space<semaphore_mem>> -> memref<!tpu.dma_semaphore, #tpu.memory_space<semaphore_mem>>
    %dma_wait3A_1608 = arith.constant 0 : i32
    %dma_wait3A_1609 = arith.constant 0 : i32
    %dma_wait3A_1610 = tpu.memref_slice %arg6[%dma_wait3A_1597, %dma_wait3A_1608, %dma_wait3A_1609] : memref<10x128x64xf32, #tpu.memory_space<vmem>> -> memref<1x128x64xf32, #tpu.memory_space<vmem>>
    %dma_wait3A_1611 = tpu.memref_squeeze %dma_wait3A_1610 : memref<1x128x64xf32, #tpu.memory_space<vmem>> -> memref<128x64xf32, #tpu.memory_space<vmem>>
    %dma_wait3A_1612 = arith.constant 0 : i32
    %dma_wait3A_1613 = arith.constant 0 : i32
    %dma_wait3A_1614 = tpu.memref_slice %arg2[%dma_wait3A_1612, %dma_wait3A_1613] : memref<1000000x64xf32, #tpu.memory_space<hbm>> -> memref<128x64xf32, #tpu.memory_space<hbm>>
    tpu.wait_dma2 semaphore(%dma_wait3A_1607 : memref<!tpu.dma_semaphore, #tpu.memory_space<semaphore_mem>>) src(%dma_wait3A_1614 : memref<128x64xf32, #tpu.memory_space<hbm>>) dst(%dma_wait3A_1611 : memref<128x64xf32, #tpu.memory_space<vmem>>)
    %dma_wait3A_1615 = arith.constant 5 : i32
    %dma_wait3A_1616 = arith.constant 5 : i32
    %dma_wait3A_1617 = arith.constant 0 : i32
    %dma_wait3A_1618 = arith.constant 0 : i32
    %dma_wait3A_1619 = tpu.memref_slice %arg6[%dma_wait3A_1615, %dma_wait3A_1617, %dma_wait3A_1618] : memref<10x128x64xf32, #tpu.memory_space<vmem>> -> memref<1x128x64xf32, #tpu.memory_space<vmem>>
    %dma_wait3A_1620 = tpu.memref_squeeze %dma_wait3A_1619 : memref<1x128x64xf32, #tpu.memory_space<vmem>> -> memref<128x64xf32, #tpu.memory_space<vmem>>
    %dma_wait3A_1621 = arith.constant 0 : i32
    %dma_wait3A_1622 = arith.constant 0 : i32
    %dma_wait3A_1623 = tpu.memref_slice %arg2[%dma_wait3A_1621, %dma_wait3A_1622] : memref<1000000x64xf32, #tpu.memory_space<hbm>> -> memref<128x64xf32, #tpu.memory_space<hbm>>
    %dma_wait3A_1624 = tpu.memref_slice %arg8[%dma_wait3A_1616] : memref<10x!tpu.dma_semaphore, #tpu.memory_space<semaphore_mem>> -> memref<1x!tpu.dma_semaphore, #tpu.memory_space<semaphore_mem>>
    %dma_wait3A_1625 = tpu.memref_squeeze %dma_wait3A_1624 : memref<1x!tpu.dma_semaphore, #tpu.memory_space<semaphore_mem>> -> memref<!tpu.dma_semaphore, #tpu.memory_space<semaphore_mem>>
    %dma_wait3A_1626 = arith.constant 0 : i32
    %dma_wait3A_1627 = arith.constant 0 : i32
    %dma_wait3A_1628 = tpu.memref_slice %arg6[%dma_wait3A_1615, %dma_wait3A_1626, %dma_wait3A_1627] : memref<10x128x64xf32, #tpu.memory_space<vmem>> -> memref<1x128x64xf32, #tpu.memory_space<vmem>>
    %dma_wait3A_1629 = tpu.memref_squeeze %dma_wait3A_1628 : memref<1x128x64xf32, #tpu.memory_space<vmem>> -> memref<128x64xf32, #tpu.memory_space<vmem>>
    %dma_wait3A_1630 = arith.constant 0 : i32
    %dma_wait3A_1631 = arith.constant 0 : i32
    %dma_wait3A_1632 = tpu.memref_slice %arg2[%dma_wait3A_1630, %dma_wait3A_1631] : memref<1000000x64xf32, #tpu.memory_space<hbm>> -> memref<128x64xf32, #tpu.memory_space<hbm>>
    tpu.wait_dma2 semaphore(%dma_wait3A_1625 : memref<!tpu.dma_semaphore, #tpu.memory_space<semaphore_mem>>) src(%dma_wait3A_1632 : memref<128x64xf32, #tpu.memory_space<hbm>>) dst(%dma_wait3A_1629 : memref<128x64xf32, #tpu.memory_space<vmem>>)
    %dma_wait3A_1633 = arith.constant 6 : i32
    %dma_wait3A_1634 = arith.constant 6 : i32
    %dma_wait3A_1635 = arith.constant 0 : i32
    %dma_wait3A_1636 = arith.constant 0 : i32
    %dma_wait3A_1637 = tpu.memref_slice %arg6[%dma_wait3A_1633, %dma_wait3A_1635, %dma_wait3A_1636] : memref<10x128x64xf32, #tpu.memory_space<vmem>> -> memref<1x128x64xf32, #tpu.memory_space<vmem>>
    %dma_wait3A_1638 = tpu.memref_squeeze %dma_wait3A_1637 : memref<1x128x64xf32, #tpu.memory_space<vmem>> -> memref<128x64xf32, #tpu.memory_space<vmem>>
    %dma_wait3A_1639 = arith.constant 0 : i32
    %dma_wait3A_1640 = arith.constant 0 : i32
    %dma_wait3A_1641 = tpu.memref_slice %arg2[%dma_wait3A_1639, %dma_wait3A_1640] : memref<1000000x64xf32, #tpu.memory_space<hbm>> -> memref<128x64xf32, #tpu.memory_space<hbm>>
    %dma_wait3A_1642 = tpu.memref_slice %arg8[%dma_wait3A_1634] : memref<10x!tpu.dma_semaphore, #tpu.memory_space<semaphore_mem>> -> memref<1x!tpu.dma_semaphore, #tpu.memory_space<semaphore_mem>>
    %dma_wait3A_1643 = tpu.memref_squeeze %dma_wait3A_1642 : memref<1x!tpu.dma_semaphore, #tpu.memory_space<semaphore_mem>> -> memref<!tpu.dma_semaphore, #tpu.memory_space<semaphore_mem>>
    %dma_wait3A_1644 = arith.constant 0 : i32
    %dma_wait3A_1645 = arith.constant 0 : i32
    %dma_wait3A_1646 = tpu.memref_slice %arg6[%dma_wait3A_1633, %dma_wait3A_1644, %dma_wait3A_1645] : memref<10x128x64xf32, #tpu.memory_space<vmem>> -> memref<1x128x64xf32, #tpu.memory_space<vmem>>
    %dma_wait3A_1647 = tpu.memref_squeeze %dma_wait3A_1646 : memref<1x128x64xf32, #tpu.memory_space<vmem>> -> memref<128x64xf32, #tpu.memory_space<vmem>>
    %dma_wait3A_1648 = arith.constant 0 : i32
    %dma_wait3A_1649 = arith.constant 0 : i32
    %dma_wait3A_1650 = tpu.memref_slice %arg2[%dma_wait3A_1648, %dma_wait3A_1649] : memref<1000000x64xf32, #tpu.memory_space<hbm>> -> memref<128x64xf32, #tpu.memory_space<hbm>>
    tpu.wait_dma2 semaphore(%dma_wait3A_1643 : memref<!tpu.dma_semaphore, #tpu.memory_space<semaphore_mem>>) src(%dma_wait3A_1650 : memref<128x64xf32, #tpu.memory_space<hbm>>) dst(%dma_wait3A_1647 : memref<128x64xf32, #tpu.memory_space<vmem>>)
    %dma_wait3A_1651 = arith.constant 7 : i32
    %dma_wait3A_1652 = arith.constant 7 : i32
    %dma_wait3A_1653 = arith.constant 0 : i32
    %dma_wait3A_1654 = arith.constant 0 : i32
    %dma_wait3A_1655 = tpu.memref_slice %arg6[%dma_wait3A_1651, %dma_wait3A_1653, %dma_wait3A_1654] : memref<10x128x64xf32, #tpu.memory_space<vmem>> -> memref<1x128x64xf32, #tpu.memory_space<vmem>>
    %dma_wait3A_1656 = tpu.memref_squeeze %dma_wait3A_1655 : memref<1x128x64xf32, #tpu.memory_space<vmem>> -> memref<128x64xf32, #tpu.memory_space<vmem>>
    %dma_wait3A_1657 = arith.constant 0 : i32
    %dma_wait3A_1658 = arith.constant 0 : i32
    %dma_wait3A_1659 = tpu.memref_slice %arg2[%dma_wait3A_1657, %dma_wait3A_1658] : memref<1000000x64xf32, #tpu.memory_space<hbm>> -> memref<128x64xf32, #tpu.memory_space<hbm>>
    %dma_wait3A_1660 = tpu.memref_slice %arg8[%dma_wait3A_1652] : memref<10x!tpu.dma_semaphore, #tpu.memory_space<semaphore_mem>> -> memref<1x!tpu.dma_semaphore, #tpu.memory_space<semaphore_mem>>
    %dma_wait3A_1661 = tpu.memref_squeeze %dma_wait3A_1660 : memref<1x!tpu.dma_semaphore, #tpu.memory_space<semaphore_mem>> -> memref<!tpu.dma_semaphore, #tpu.memory_space<semaphore_mem>>
    %dma_wait3A_1662 = arith.constant 0 : i32
    %dma_wait3A_1663 = arith.constant 0 : i32
    %dma_wait3A_1664 = tpu.memref_slice %arg6[%dma_wait3A_1651, %dma_wait3A_1662, %dma_wait3A_1663] : memref<10x128x64xf32, #tpu.memory_space<vmem>> -> memref<1x128x64xf32, #tpu.memory_space<vmem>>
    %dma_wait3A_1665 = tpu.memref_squeeze %dma_wait3A_1664 : memref<1x128x64xf32, #tpu.memory_space<vmem>> -> memref<128x64xf32, #tpu.memory_space<vmem>>
    %dma_wait3A_1666 = arith.constant 0 : i32
    %dma_wait3A_1667 = arith.constant 0 : i32
    %dma_wait3A_1668 = tpu.memref_slice %arg2[%dma_wait3A_1666, %dma_wait3A_1667] : memref<1000000x64xf32, #tpu.memory_space<hbm>> -> memref<128x64xf32, #tpu.memory_space<hbm>>
    tpu.wait_dma2 semaphore(%dma_wait3A_1661 : memref<!tpu.dma_semaphore, #tpu.memory_space<semaphore_mem>>) src(%dma_wait3A_1668 : memref<128x64xf32, #tpu.memory_space<hbm>>) dst(%dma_wait3A_1665 : memref<128x64xf32, #tpu.memory_space<vmem>>)
    %dma_wait3A_1669 = arith.constant 8 : i32
    %dma_wait3A_1670 = arith.constant 8 : i32
    %dma_wait3A_1671 = arith.constant 0 : i32
    %dma_wait3A_1672 = arith.constant 0 : i32
    %dma_wait3A_1673 = tpu.memref_slice %arg6[%dma_wait3A_1669, %dma_wait3A_1671, %dma_wait3A_1672] : memref<10x128x64xf32, #tpu.memory_space<vmem>> -> memref<1x128x64xf32, #tpu.memory_space<vmem>>
    %dma_wait3A_1674 = tpu.memref_squeeze %dma_wait3A_1673 : memref<1x128x64xf32, #tpu.memory_space<vmem>> -> memref<128x64xf32, #tpu.memory_space<vmem>>
    %dma_wait3A_1675 = arith.constant 0 : i32
    %dma_wait3A_1676 = arith.constant 0 : i32
    %dma_wait3A_1677 = tpu.memref_slice %arg2[%dma_wait3A_1675, %dma_wait3A_1676] : memref<1000000x64xf32, #tpu.memory_space<hbm>> -> memref<128x64xf32, #tpu.memory_space<hbm>>
    %dma_wait3A_1678 = tpu.memref_slice %arg8[%dma_wait3A_1670] : memref<10x!tpu.dma_semaphore, #tpu.memory_space<semaphore_mem>> -> memref<1x!tpu.dma_semaphore, #tpu.memory_space<semaphore_mem>>
    %dma_wait3A_1679 = tpu.memref_squeeze %dma_wait3A_1678 : memref<1x!tpu.dma_semaphore, #tpu.memory_space<semaphore_mem>> -> memref<!tpu.dma_semaphore, #tpu.memory_space<semaphore_mem>>
    %dma_wait3A_1680 = arith.constant 0 : i32
    %dma_wait3A_1681 = arith.constant 0 : i32
    %dma_wait3A_1682 = tpu.memref_slice %arg6[%dma_wait3A_1669, %dma_wait3A_1680, %dma_wait3A_1681] : memref<10x128x64xf32, #tpu.memory_space<vmem>> -> memref<1x128x64xf32, #tpu.memory_space<vmem>>
    %dma_wait3A_1683 = tpu.memref_squeeze %dma_wait3A_1682 : memref<1x128x64xf32, #tpu.memory_space<vmem>> -> memref<128x64xf32, #tpu.memory_space<vmem>>
    %dma_wait3A_1684 = arith.constant 0 : i32
    %dma_wait3A_1685 = arith.constant 0 : i32
    %dma_wait3A_1686 = tpu.memref_slice %arg2[%dma_wait3A_1684, %dma_wait3A_1685] : memref<1000000x64xf32, #tpu.memory_space<hbm>> -> memref<128x64xf32, #tpu.memory_space<hbm>>
    tpu.wait_dma2 semaphore(%dma_wait3A_1679 : memref<!tpu.dma_semaphore, #tpu.memory_space<semaphore_mem>>) src(%dma_wait3A_1686 : memref<128x64xf32, #tpu.memory_space<hbm>>) dst(%dma_wait3A_1683 : memref<128x64xf32, #tpu.memory_space<vmem>>)
    %dma_wait3A_1687 = arith.constant 9 : i32
    %dma_wait3A_1688 = arith.constant 9 : i32
    %dma_wait3A_1689 = arith.constant 0 : i32
    %dma_wait3A_1690 = arith.constant 0 : i32
    %dma_wait3A_1691 = tpu.memref_slice %arg6[%dma_wait3A_1687, %dma_wait3A_1689, %dma_wait3A_1690] : memref<10x128x64xf32, #tpu.memory_space<vmem>> -> memref<1x128x64xf32, #tpu.memory_space<vmem>>
    %dma_wait3A_1692 = tpu.memref_squeeze %dma_wait3A_1691 : memref<1x128x64xf32, #tpu.memory_space<vmem>> -> memref<128x64xf32, #tpu.memory_space<vmem>>
    %dma_wait3A_1693 = arith.constant 0 : i32
    %dma_wait3A_1694 = arith.constant 0 : i32
    %dma_wait3A_1695 = tpu.memref_slice %arg2[%dma_wait3A_1693, %dma_wait3A_1694] : memref<1000000x64xf32, #tpu.memory_space<hbm>> -> memref<128x64xf32, #tpu.memory_space<hbm>>
    %dma_wait3A_1696 = tpu.memref_slice %arg8[%dma_wait3A_1688] : memref<10x!tpu.dma_semaphore, #tpu.memory_space<semaphore_mem>> -> memref<1x!tpu.dma_semaphore, #tpu.memory_space<semaphore_mem>>
    %dma_wait3A_1697 = tpu.memref_squeeze %dma_wait3A_1696 : memref<1x!tpu.dma_semaphore, #tpu.memory_space<semaphore_mem>> -> memref<!tpu.dma_semaphore, #tpu.memory_space<semaphore_mem>>
    %dma_wait3A_1698 = arith.constant 0 : i32
    %dma_wait3A_1699 = arith.constant 0 : i32
    %dma_wait3A_1700 = tpu.memref_slice %arg6[%dma_wait3A_1687, %dma_wait3A_1698, %dma_wait3A_1699] : memref<10x128x64xf32, #tpu.memory_space<vmem>> -> memref<1x128x64xf32, #tpu.memory_space<vmem>>
    %dma_wait3A_1701 = tpu.memref_squeeze %dma_wait3A_1700 : memref<1x128x64xf32, #tpu.memory_space<vmem>> -> memref<128x64xf32, #tpu.memory_space<vmem>>
    %dma_wait3A_1702 = arith.constant 0 : i32
    %dma_wait3A_1703 = arith.constant 0 : i32
    %dma_wait3A_1704 = tpu.memref_slice %arg2[%dma_wait3A_1702, %dma_wait3A_1703] : memref<1000000x64xf32, #tpu.memory_space<hbm>> -> memref<128x64xf32, #tpu.memory_space<hbm>>
    tpu.wait_dma2 semaphore(%dma_wait3A_1697 : memref<!tpu.dma_semaphore, #tpu.memory_space<semaphore_mem>>) src(%dma_wait3A_1704 : memref<128x64xf32, #tpu.memory_space<hbm>>) dst(%dma_wait3A_1701 : memref<128x64xf32, #tpu.memory_space<vmem>>)
    return
  }
}

</mosaic_0001>

<sc_bundles>
// kernel: kernel.3.cloned.1.call-start
scs
__scs_entry_jumppad:
0x0: {  	(pc) =	sbr.rel $0x88, $3  }
0x1: {  	(tag) =	ssettag $0x0;
	lr =	simm.s32 $0x1  }
0x2: {  	[smem:$0x3F9F] =	sst lr;
	_ =	strace $0xD0000000  }
0x3: {  	_ = 	snop  }
0x4: {  	_ = 	snop  }
0x5: {  	_ = 	snop  }
0x6: {  	_ = 	snop  }
0x7: {  	_ = 	snop  }
__scs_overlays_trampoline_lowered:
0x8: {  	[smem:$0x3FAE] =	sst s0  }
0x9: {  	[smem:$0x3FAF] =	sst s1  }
0xa: {  	[smem:$0x3FB0] =	sst s2  }
0xb: {  	[smem:$0x3FB1] =	sst s3  }
0xc: {  	[smem:$0x3FB2] =	sst s4  }
0xd: {  	[smem:$0x3FB3] =	sst s5  }
0xe: {  	[smem:$0x3FB4] =	sst s6  }
0xf: {  	[smem:$0x3FB5] =	sst s7  }
0x10: {  	[smem:$0x3FB6] =	sst s8  }
0x11: {  	[smem:$0x3FB7] =	sst s9;
	s0 =	simm.s32 @!p0 $0x0  }
0x12: {  	s1 =	sld [smem:$0x3F9D];
	s0 =	simm.s32 @p0 $0x1  }
0x13: {  	[smem:$0x3FB8] =	sst s0;
	s0 =	simm.s32 @!p1 $0x0  }
0x14: {  	s2 =	sld [smem:$0x3F9C];
	s0 =	simm.s32 @p1 $0x1  }
0x15: {  	[smem:$0x3FB9] =	sst s0;
	s0 =	simm.s32 @!p2 $0x0  }
0x16: {  	s3 =	sld [smem:$0x3FDB];
	s0 =	simm.s32 @p2 $0x1  }
0x17: {  	s4 =	simm.s32 $0x1BF5;
	[smem:$0x3FBB] =	sst s0  }
0x18: {  	s0 =	sld [smem:$0x3F9E];
	_ =	swait.ge [sflag:s4], $0x0  }
0x19: {  	s7 =	sld [smem:$0x3F9F]  }
0x1a: {  	s8 =	sadd.s32 $0xFFFFE003, lr  }
0x1b: {  	s9 =	sadd.s32 $0xFFFFFEF7, lr;
	s5 =	simm.s32 $0xFFFFFFFF;
	p2 =	slt.u32 s8, $0xFFFFF086  }
0x1c: {  	p1 =	slt.u32 s9, $0xF7A;
	s5 =	simm.s32 @!p2 $0x0  }
0x1d: {  	s5 =	simm.s32 @p1 $0x1;
	p0 =	seq.s32 s7, s2  }
0x1e: {  	s7 =	smul.u32 @!p0 $0xF7A, s2;
	p2 =	seq.s32 @!p0 s5, $0x0  }
0x1f: {  	s9 =	smul.u32 $0xF7A, s1;
	s8 =	simm.s32 @!p0 $0x1BF5;
	p2 =	por !p2, p0  }
0x20: {  	[sflag:s8] =	ssyncset.s32 @!p0 $0xFFFFF086;
	s6 =	sadd.s32 @!p0 s3, s7;
	s7 =	simm.s32 @!p0 $0x108  }
0x21: {  	s3 =	sadd.s32 s3, s9;
	s6 =	sadd.s32 @!p0 $0x88, s6;
	s7 =	simm.s32 @p2 $0x1082  }
0x22: {  	[simem:s7], [sflag:s8] =	dma.local @!p0 [hbm:s6], $0xF7A  }
0x23: {  	s9 =	sor.u32 $0xD0000000, s2;
	s6 =	simm.s32 $0x108;
	_ =	swait.ge @!p0 [sflag:s8], $0x0  }
0x24: {  	s3 =	sadd.s32 $0x88, s3;
	s6 =	simm.s32 @!p1 $0x1082;
	[sflag:s4] =	ssyncset.s32 $0xFFFFF086  }
0x25: {  	[simem:s6], [sflag:s4] =	dma.local [hbm:s3], $0xF7A  }
0x26: {  	[smem:$0x3F9F] =	sst s1;
	(tag) =	ssettag s2;
	_ =	strace s9  }
0x27: {  	s1 =	sld [smem:$0x3FAF]  }
0x28: {  	s2 =	sld [smem:$0x3FB0]  }
0x29: {  	s4 =	sld [smem:$0x3FB2]  }
0x2a: {  	p0 =	seq.s32 s5, $0x0;
	s5 =	sld [smem:$0x3FB3]  }
0x2b: {  	s6 =	sld [smem:$0x3FB4]  }
0x2c: {  	s7 =	sld [smem:$0x3FB5]  }
0x2d: {  	s3 =	simm.s32 $0x108;
	s8 =	sld [smem:$0x3FB6]  }
0x2e: {  	s3 =	simm.s32 @!p0 $0x1082;
	s9 =	sld [smem:$0x3FB7]  }
0x2f: {  	lr =	sadd.s32 s0, s3;
	s0 =	sld [smem:$0x3FAE]  }
0x30: {  	s3 =	sld [smem:$0x3FB1]  }
0x31: {  	[smem:$0x3FBA] =	sst s10  }
0x32: {  	s10 =	sld [smem:$0x3FB8];
	_ =	sdelay $0x3  }
0x33: {  	p0 =	seq.s32 s10, $0x1;
	s10 =	sld [smem:$0x3FBA];
	_ =	sdelay $0x3  }
0x34: {  	[smem:$0x3FBA] =	sst s10  }
0x35: {  	s10 =	sld [smem:$0x3FB9];
	_ =	sdelay $0x3  }
0x36: {  	p1 =	seq.s32 s10, $0x1;
	s10 =	sld [smem:$0x3FBA];
	_ =	sdelay $0x3  }
0x37: {  	[smem:$0x3FBA] =	sst s10  }
0x38: {  	s10 =	sld [smem:$0x3FBB]  }
0x39: {  	_ = 	snop;
	(pc) =	sbr.ind lr, $3  }
0x3a: {  	_ = 	snop  }
0x3b: {  	_ = 	snop  }
0x3c: {  	p2 =	seq.s32 s10, $0x1;
	s10 =	sld [smem:$0x3FBA]  }
0x3d: {  	_ =	shalt  }
0x3e: {  	_ =	shalt  }
0x3f: {  	_ =	shalt  }
0x40: {  	_ =	shalt  }
0x41: {  	_ =	shalt  }
0x42: {  	_ =	shalt  }
0x43: {  	_ =	shalt  }
0x44: {  	_ =	shalt  }
0x45: {  	_ =	shalt  }
0x46: {  	_ =	shalt  }
0x47: {  	_ =	shalt  }
0x48: {  	_ =	shalt  }
0x49: {  	_ =	shalt  }
0x4a: {  	_ =	shalt  }
0x4b: {  	_ =	shalt  }
0x4c: {  	_ =	shalt  }
0x4d: {  	_ =	shalt  }
0x4e: {  	_ =	shalt  }
0x4f: {  	_ =	shalt  }
0x50: {  	_ =	shalt  }
0x51: {  	_ =	shalt  }
0x52: {  	_ =	shalt  }
0x53: {  	_ =	shalt  }
0x54: {  	_ =	shalt  }
0x55: {  	_ =	shalt  }
0x56: {  	_ =	shalt  }
0x57: {  	_ =	shalt  }
0x58: {  	_ =	shalt  }
0x59: {  	_ =	shalt  }
0x5a: {  	_ =	shalt  }
0x5b: {  	_ =	shalt  }
0x5c: {  	_ =	shalt  }
0x5d: {  	_ =	shalt  }
0x5e: {  	_ =	shalt  }
0x5f: {  	_ =	shalt  }
0x60: {  	_ =	shalt  }
0x61: {  	_ =	shalt  }
0x62: {  	_ =	shalt  }
0x63: {  	_ =	shalt  }
0x64: {  	_ =	shalt  }
0x65: {  	_ =	shalt  }
0x66: {  	_ =	shalt  }
0x67: {  	_ =	shalt  }
0x68: {  	_ =	shalt  }
0x69: {  	_ =	shalt  }
0x6a: {  	_ =	shalt  }
0x6b: {  	_ =	shalt  }
0x6c: {  	_ =	shalt  }
0x6d: {  	_ =	shalt  }
0x6e: {  	_ =	shalt  }
0x6f: {  	_ =	shalt  }
0x70: {  	_ =	shalt  }
0x71: {  	_ =	shalt  }
0x72: {  	_ =	shalt  }
0x73: {  	_ =	shalt  }
0x74: {  	_ =	shalt  }
0x75: {  	_ =	shalt  }
0x76: {  	_ =	shalt  }
0x77: {  	_ =	shalt  }
0x78: {  	_ =	shalt  }
0x79: {  	_ =	shalt  }
0x7a: {  	_ =	shalt  }
0x7b: {  	_ =	shalt  }
0x7c: {  	_ =	shalt  }
0x7d: {  	_ =	shalt  }
0x7e: {  	_ =	shalt  }
0x7f: {  	_ =	shalt  }
0x80: {  	_ =	shalt  }
0x81: {  	_ =	shalt  }
0x82: {  	_ =	shalt  }
0x83: {  	_ =	shalt  }
0x84: {  	_ =	shalt  }
0x85: {  	_ =	shalt  }
0x86: {  	_ =	shalt  }
0x87: {  	_ =	shalt  }
.Lfunc_end0:
.L_simem_size_0:
called_computation.1_lowered:
.L_overlay_start_0:
0x88: {  	s2 =	sld [smem:$0x3FD9]  }
0x89: {  	s3 =	sld [smem:$0x3FFE];
	_ =	sdelay $0x1  }
0x8a: {  	s1 =	srdreg.scid  }
0x8b: {  	s0 =	sand.u32 $0x1, s1  }
0x8c: {  	s17 =	sshll.u32 s0, $0xA;
	s2 =	sadd.s32 s3, s2  }
0x8d: {  	s2 =	sadd.s32 s2, s17  }
0x8e: {  	[smem:$0x3FC6] =	sst s2  }
0x8f: {  	_ = 	snop  }
0x90: {  	s2 =	sld [smem:$0x3FD0];
	(tm) =	ssettm $0x1  }
0x91: {  	s18 =	sld [smem:$0x3FFB];
	_ =	sdelay $0x3  }
0x92: {  	_ =	strace s18  }
0x93: {  	s3 =	sld [smem:$0x3FFC];
	_ =	sdelay $0x3  }
0x94: {  	_ =	strace s3  }
0x95: {  	s3 =	sld [smem:$0x3FFD];
	_ =	sdelay $0x3  }
0x96: {  	_ =	strace s3  }
0x97: {  	_ =	strace $0x8FFFFFFF  }
0x98: {  	s19 =	sld [smem:$0x3FDB];
	_ =	sdelay $0x1  }
0x99: {  	s4 =	simm.s32 $_scs_section_size  }
0x9a: {  	s5 =	simm.s32 $_size__tile_overlayer_lowered;
	s6 =	simm.s32 $_tile_overlayer_lowered  }
0x9b: {  	s22 =	simm.s32 $0x1BFF;
	s21 =	sshll.u32 s6, $0x1;
	s3 =	sadd.s32 s4, s19  }
0x9c: {  	s7 =	simm.s32 $0x0;
	s20 =	sshll.u32 s5, $0x1;
	s5 =	sadd.s32 s21, s3  }
0x9d: {  	[timem:s7], [sflag:s22] =	dma.local [hbm:s5], s20  }
0x9e: {  	_ =	swait.ge [sflag:s22], s20  }
0x9f: {  	s4 =	ssub.s32 $0x0, s20;
	[sflag:s22] =	ssyncset.done $0x0  }
0xa0: {  	[sflag:s22] =	ssyncadd.s32 s4;
	_ =	sdelay $0x1  }
0xa1: {  	s23 =	simm.s32 $0x1B8B  }
0xa2: {  	_ =	swait.ge [sflag:s23], $0x1  }
0xa3: {  	[sflag:s23] =	ssyncset.done $0x0  }
0xa4: {  	s25 =	simm.s32 $0x1B8E;
	s24 =	sld [smem:$0x3FFE];
	[sflag:s23] =	ssyncadd.s32 $0xFFFFFFFF  }
0xa5: {  	s26 =	simm.s32 $execute0_lowered;
	[smem:$0x3FD2] =	sst s25  }
0xa6: {  	s5 =	sshll.u32 s26, $0x1;
	_ =	strace $0x80000046;
	[dreg:$0x1] =	wrdreg $0xFFFFFFFF  }
0xa7: {  	s28 =	simm.s32 $_size_execute0_lowered;
	s3 =	sadd.s32 s3, s5;
	[dreg:$0x0] =	wrdreg $0x0  }
0xa8: {  	s5 =	sshll.u32 s28, $0x1;
	[dreg:$0x2] =	wrdreg s3  }
0xa9: {  	[dreg:$0x3] =	wrdreg s5  }
0xaa: {  	[dreg:$0x4] =	wrdreg $0xC0  }
0xab: {  	_ =	task [dreg:s7], $0x5FFFF  }
0xac: {  	[dreg:$0x1] =	wrdreg $0xFFFFFFFF  }
0xad: {  	[dreg:$0x0] =	wrdreg $0x60  }
0xae: {  	[dreg:$0x2] =	wrdreg s24  }
0xaf: {  	[dreg:$0x3] =	wrdreg s2  }
0xb0: {  	[dreg:$0x4] =	wrdreg $0x9  }
0xb1: {  	_ =	task.clear_ibuf [dreg:s7], $0x5FFFF;
	_ =	strace $0x90000046  }
0xb2: {  	s29 =	simm.s32 $0x9;
	_ =	strace $0x80000048  }
0xb3: {  	_ =	swait.ge [sflag:s29], $0x1  }
0xb4: {  	[sflag:s29] =	ssyncadd.s32 $0xFFFFFFFF  }
0xb5: {  	_ =	strace $0x90000048  }
0xb6: {  	_ =	sfence  }
0xb7: {  	s30 =	sld [smem:$0x0];
	_ =	sdelay $0x2  }
0xb8: {  	s31 =	sshll.u32 s1, $0xD;
	s1 =	sshrl.u32 s1, $0x2  }
0xb9: {  	s3 =	sand.u32 $0x4000, s31;
	s1 =	sadd.s32 s1, s30  }
0xba: {  	s0 =	sor.u32 s3, s0;
	s1 =	sshll.u32 s1, $0x11  }
0xbb: {  	s0 =	sor.u32 s1, s0  }
0xbc: {  	s0 =	sadd.s32 $0x8F2B, s0  }
0xbd: {  	[sflag:s0] =	ssyncadd.remote.s32 $0x1  }
0xbe: {  	_ =	sfence.sel $0xFFFF  }
0xbf: {  	[dreg:$0x0] =	wrdreg $0xFFFFFFFF;
	(pc) =	sbr.abs _section_cstart, $3  }
0xc0: {  	[dreg:$0x1] =	wrdreg $0xFFFFFFFF  }
0xc1: {  	_ =	task.clear_ibuf [dreg:s7], $0x2FFFF;
	_ =	strace $0x9FFFFFFF  }
0xc2: {  	(tm) =	ssettm $0x7FFFFFFF  }
0xc3: {  	_ =	shalt  }
tec
execute0_lowered:
.L_overlay_start_1:
0x0: {  	(tag) =	ssettag $0x1  }
0x1: {  	s0 =	srdreg.scid  }
0x2: {  	s11 =	stileid.u32;
	s1 =	rddreg [dreg:$0x0]  }
0x3: {  	s4 =	rddreg [dreg:$0x1];
	s30 =	simm.s32 $0xE;
	s8 =	smul.u32 $0x320000, s11  }
0x4: {  	s29 =	simm.s32 $0x12;
	s0 =	sand.u32 $0x1, s0;
	s26 =	smul.u32 $0x64000, s11  }
0x5: {  	s28 =	simm.s32 $0x8400;
	s2 =	sshll.u32 s11, $0x1;
	s10 =	smul.u32 $0x190000, s0  }
0x6: {  	s3 =	sor.u32 s0, s2;
	s7 =	ssub.s32 $0x2, s0;
	s0 =	smul.u32 $0x32000, s0  }
0x7: {  	s11 =	simm.s32 $0x4;
	s2 =	simm.s32 $0x0;
	s5 =	smul.u32 $0x6400, s3  }
0x8: {  	[smem:$0x7FF] =	sst s2;
	s6 =	smul.u32 $0x190000, s3;
	s9 =	sshrl.u32 s7, $0x1  }
0x9: {  	s3 =	sadd.s32 $0xF42E00, s1;
	_ =	strace $0x80000047;
	s31 =	ssub.s32 s7, s9  }
0xa: {  	s9 =	sadd.s32 s10, s8;
	s8 =	simm.s32 $0x2;
	s5 =	sshrl.u32 s5, $0x3  }
0xb: {  	s7 =	sshrl.u32 s6, $0x3;
	s12 =	sor.u32 $0xE000, s9;
	s16 =	sor.u32 $0xC000, s9  }
0xc: {  	s17 =	sor.u32 $0xA000, s9;
	s18 =	sor.u32 $0x8000, s9;
	s21 =	sor.u32 $0x6000, s9  }
0xd: {  	s22 =	sor.u32 $0x4000, s9;
	s23 =	sor.u32 $0x2000, s9;
	s6 =	sadd.s32 $0x12000, s9  }
0xe: {  	s1 =	sadd.s32 s5, s1;
	s5 =	smax.u32 s31, $0x1;
	s19 =	sshrl.u32 s17, $0x3  }
0xf: {  	s20 =	sshrl.u32 s18, $0x3;
	s24 =	sshrl.u32 s22, $0x3;
	s25 =	sshrl.u32 s23, $0x3  }
0x10: {  	s31 =	sadd.s32 $0x10000, s9;
	s6 =	sshrl.u32 s6, $0x3;
	s9 =	simm.s32 $0x3  }
0x11: {  	s22 =	simm.s32 $0x8;
	s23 =	simm.s32 $0x9;
	s1 =	sadd.s32 $0xA00, s1  }
0x12: {  	[dreg:$0x4] =	wrdreg s5;
	s5 =	sshrl.u32 s12, $0x3;
	s12 =	sadd.s32 s20, s4  }
0x13: {  	s17 =	sadd.s32 s6, s4;
	s6 =	simm.s32 $0xF;
	s20 =	simm.s32 $0x10  }
0x14: {  	[dreg:$0x3] =	wrdreg s1;
	s1 =	sadd.s32 s4, s7;
	s15 =	sadd.s32 s5, s4  }
0x15: {  	s5 =	sshrl.u32 s31, $0x3;
	s13 =	sadd.s32 $0x30400, s1;
	[dreg:$0x8] =	wrdreg s15  }
0x16: {  	s7 =	simm.s32 $0x1;
	s14 =	sadd.s32 $0x30C00, s1;
	[dreg:$0x5] =	wrdreg s13  }
0x17: {  	s1 =	sadd.s32 $0x31400, s1;
	s15 =	sadd.s32 s25, s4;
	[dreg:$0x6] =	wrdreg s14  }
0x18: {  	s25 =	simm.s32 $0xA;
	[dreg:$0x7] =	wrdreg s1;
	s1 =	sshrl.u32 s16, $0x3  }
0x19: {  	s14 =	sadd.s32 s24, s4;
	s10 =	sadd.s32 s1, s4;
	s1 =	sadd.s32 s19, s4  }
.Ltmp0:
0x1a: {  	[dreg:$0x9] =	wrdreg s1;
	s1 =	sshrl.u32 s21, $0x3;
	(pc) =	sbr.rel .LBB2_1-.Ltmp0, $4  }
0x1b: {  	s16 =	sadd.s32 s5, s4;
	s24 =	simm.s32 $0x8400;
	s1 =	sadd.s32 s1, s4  }
0x1c: {  	s13 =	simm.s32 $0x5;
	s19 =	simm.s32 $0x7;
	[dreg:$0xa] =	wrdreg s1  }
0x1d: {  	s1 =	sadd.s32 s26, s4;
	s4 =	simm.s32 $0x6;
	s26 =	simm.s32 $0x0  }
0x1e: {  	vm0 =	vmmov $0xffff;
	s18 =	sadd.s32 s0, s1;
	s0 =	simm.s32 $0x14400;
	s1 =	simm.s32 $0xD  }
.LBB2_13:
0x1f: {  	s5 =	simm.s32 $0xB  }
0x20: {  	_ =	swait.ge [sflag:s5], $0x2000  }
0x21: {  	[sflag:s5] =	ssyncset.done $0x0  }
0x22: {  	s21 =	simm.s32 $0xC;
	[sflag:s5] =	ssyncadd.s32 $0xFFFFE000  }
0x23: {  	_ =	swait.ge [sflag:s21], $0x2000  }
0x24: {  	[sflag:s21] =	ssyncset.done $0x0  }
0x25: {  	[sflag:s21] =	ssyncadd.s32 $0xFFFFE000  }
0x26: {  	_ =	swait.ge [sflag:s1], $0x2000  }
0x27: {  	[sflag:s1] =	ssyncset.done $0x0  }
0x28: {  	[sflag:s1] =	ssyncadd.s32 $0xFFFFE000  }
0x29: {  	_ =	swait.ge [sflag:s30], $0x2000  }
0x2a: {  	[sflag:s30] =	ssyncset.done $0x0  }
0x2b: {  	[sflag:s30] =	ssyncadd.s32 $0xFFFFE000  }
0x2c: {  	_ =	swait.ge [sflag:s6], $0x2000  }
0x2d: {  	[sflag:s6] =	ssyncset.done $0x0  }
0x2e: {  	[sflag:s6] =	ssyncadd.s32 $0xFFFFE000  }
0x2f: {  	_ =	swait.ge [sflag:s20], $0x2000  }
0x30: {  	[sflag:s20] =	ssyncset.done $0x0  }
0x31: {  	s24 =	simm.s32 $0x11;
	[sflag:s20] =	ssyncadd.s32 $0xFFFFE000  }
0x32: {  	_ =	swait.ge [sflag:s24], $0x2000  }
0x33: {  	[sflag:s24] =	ssyncset.done $0x0  }
0x34: {  	[sflag:s24] =	ssyncadd.s32 $0xFFFFE000  }
0x35: {  	_ =	swait.ge [sflag:s29], $0x2000  }
0x36: {  	[sflag:s29] =	ssyncset.done $0x0  }
0x37: {  	s26 =	simm.s32 $0x13;
	[sflag:s29] =	ssyncadd.s32 $0xFFFFE000  }
0x38: {  	_ =	swait.ge [sflag:s26], $0x2000  }
0x39: {  	[sflag:s26] =	ssyncset.done $0x0  }
0x3a: {  	s21 =	simm.s32 $0x14;
	[sflag:s26] =	ssyncadd.s32 $0xFFFFE000  }
0x3b: {  	_ =	swait.ge [sflag:s21], $0x2000  }
0x3c: {  	s26 =	rddreg [dreg:$0xb]  }
0x3d: {  	s31 =	rddreg [dreg:$0x4];
	s26 =	sadd.s32 $0x1, s26  }
0x3e: {  	p0 =	sne.s32 s26, s31  }
.Ltmp1:
0x3f: {  	_ = 	snop;
	(pc) =	sbr.rel @!p0 .LBB2_14-.Ltmp1, $3  }
0x40: {  	_ =	sdelay $0x1  }
0x41: {  	[sflag:s21] =	ssyncset.done $0x0  }
0x42: {  	s24 =	simm.s32 $0x8400;
	[sflag:s21] =	ssyncadd.s32 $0xFFFFE000  }
.LBB2_1:
0x43: {  	[dreg:$0xb] =	wrdreg s26  }
0x44: {  	s5 =	rddreg [dreg:$0x3];
	s21 =	simm.s32 $0x15  }
0x45: {  	[tilespmem:s2], [sflag:$0x15] =	stream.linear.gather [hbm4b:s5+s2], $0x6400, $0x38;
	[tilespmem:$0x1A400] =	vst v63  }
0x46: {  	_ =	swait.ge [sflag:s21], $0x6400  }
0x47: {  	[sflag:s21] =	ssyncset.done $0x0  }
0x48: {  	[sflag:s21] =	ssyncadd.s32 $0xFFFF9C00  }
0x49: {  	v0 =	vld [tilespmem:$0x0];
	_ =	sdelay $0x6  }
0x4a: {  	s5 =	simm.s32 $0x6400  }
0x4b: {  	[tilespmem:s5], [sflag:$0x1] =	stream.indirect_vreg.gather [hbm4b:s3+s2], $0x40, v0, vm0, $0xb8;
	[tilespmem:$0x1A400] =	vst v63  }
0x4c: {  	v0 =	vld [tilespmem:$0x10];
	_ =	sdelay $0x6  }
0x4d: {  	s21 =	simm.s32 $0x6800  }
0x4e: {  	[tilespmem:s21], [sflag:$0x1] =	stream.indirect_vreg.gather [hbm4b:s3+s2], $0x40, v0, vm0, $0xb8;
	[tilespmem:$0x1A400] =	vst v63  }
0x4f: {  	v0 =	vld [tilespmem:$0x20];
	_ =	sdelay $0x6  }
0x50: {  	s26 =	simm.s32 $0x6C00  }
0x51: {  	[tilespmem:s26], [sflag:$0x1] =	stream.indirect_vreg.gather [hbm4b:s3+s2], $0x40, v0, vm0, $0xb8;
	[tilespmem:$0x1A400] =	vst v63  }
0x52: {  	v0 =	vld [tilespmem:$0x30];
	_ =	sdelay $0x6  }
0x53: {  	s26 =	simm.s32 $0x7000  }
0x54: {  	[tilespmem:s26], [sflag:$0x1] =	stream.indirect_vreg.gather [hbm4b:s3+s2], $0x40, v0, vm0, $0xb8;
	[tilespmem:$0x1A400] =	vst v63  }
0x55: {  	v0 =	vld [tilespmem:$0x40];
	_ =	sdelay $0x6  }
0x56: {  	s26 =	simm.s32 $0x7400  }
0x57: {  	[tilespmem:s26], [sflag:$0x1] =	stream.indirect_vreg.gather [hbm4b:s3+s2], $0x40, v0, vm0, $0xb8;
	[tilespmem:$0x1A400] =	vst v63  }
0x58: {  	v0 =	vld [tilespmem:$0x50];
	_ =	sdelay $0x6  }
0x59: {  	s26 =	simm.s32 $0x7800  }
0x5a: {  	[tilespmem:s26], [sflag:$0x1] =	stream.indirect_vreg.gather [hbm4b:s3+s2], $0x40, v0, vm0, $0xb8;
	[tilespmem:$0x1A400] =	vst v63  }
0x5b: {  	v0 =	vld [tilespmem:$0x60];
	_ =	sdelay $0x6  }
0x5c: {  	s26 =	simm.s32 $0x7C00  }
0x5d: {  	[tilespmem:s26], [sflag:$0x1] =	stream.indirect_vreg.gather [hbm4b:s3+s2], $0x40, v0, vm0, $0xb8;
	[tilespmem:$0x1A400] =	vst v63  }
0x5e: {  	v0 =	vld [tilespmem:$0x70];
	_ =	sdelay $0x6  }
0x5f: {  	s26 =	simm.s32 $0x8000  }
0x60: {  	[tilespmem:s26], [sflag:$0x1] =	stream.indirect_vreg.gather [hbm4b:s3+s2], $0x40, v0, vm0, $0xb8;
	[tilespmem:$0x1A400] =	vst v63  }
0x61: {  	v0 =	vld [tilespmem:$0x80];
	_ =	sdelay $0x7  }
0x62: {  	[tilespmem:s24], [sflag:$0x2] =	stream.indirect_vreg.gather [hbm4b:s3+s2], $0x40, v0, vm0, $0xb8;
	[tilespmem:$0x1A400] =	vst v63  }
0x63: {  	v0 =	vld [tilespmem:$0x90];
	_ =	sdelay $0x6  }
0x64: {  	s24 =	simm.s32 $0x8800  }
0x65: {  	[tilespmem:s24], [sflag:$0x2] =	stream.indirect_vreg.gather [hbm4b:s3+s2], $0x40, v0, vm0, $0xb8;
	[tilespmem:$0x1A400] =	vst v63  }
0x66: {  	v0 =	vld [tilespmem:$0xA0];
	_ =	sdelay $0x6  }
0x67: {  	s26 =	simm.s32 $0x8C00  }
0x68: {  	[tilespmem:s26], [sflag:$0x2] =	stream.indirect_vreg.gather [hbm4b:s3+s2], $0x40, v0, vm0, $0xb8;
	[tilespmem:$0x1A400] =	vst v63  }
0x69: {  	v0 =	vld [tilespmem:$0xB0];
	_ =	sdelay $0x6  }
0x6a: {  	s24 =	simm.s32 $0x9000  }
0x6b: {  	[tilespmem:s24], [sflag:$0x2] =	stream.indirect_vreg.gather [hbm4b:s3+s2], $0x40, v0, vm0, $0xb8;
	[tilespmem:$0x1A400] =	vst v63  }
0x6c: {  	v0 =	vld [tilespmem:$0xC0];
	_ =	sdelay $0x6  }
0x6d: {  	s26 =	simm.s32 $0x9400  }
0x6e: {  	[tilespmem:s26], [sflag:$0x2] =	stream.indirect_vreg.gather [hbm4b:s3+s2], $0x40, v0, vm0, $0xb8;
	[tilespmem:$0x1A400] =	vst v63  }
0x6f: {  	v0 =	vld [tilespmem:$0xD0];
	_ =	sdelay $0x6  }
0x70: {  	s24 =	simm.s32 $0x9800  }
0x71: {  	[tilespmem:s24], [sflag:$0x2] =	stream.indirect_vreg.gather [hbm4b:s3+s2], $0x40, v0, vm0, $0xb8;
	[tilespmem:$0x1A400] =	vst v63  }
0x72: {  	v0 =	vld [tilespmem:$0xE0];
	_ =	sdelay $0x6  }
0x73: {  	s26 =	simm.s32 $0x9C00  }
0x74: {  	[tilespmem:s26], [sflag:$0x2] =	stream.indirect_vreg.gather [hbm4b:s3+s2], $0x40, v0, vm0, $0xb8;
	[tilespmem:$0x1A400] =	vst v63  }
0x75: {  	v0 =	vld [tilespmem:$0xF0];
	_ =	sdelay $0x6  }
0x76: {  	s24 =	simm.s32 $0xA000  }
0x77: {  	[tilespmem:s24], [sflag:$0x2] =	stream.indirect_vreg.gather [hbm4b:s3+s2], $0x40, v0, vm0, $0xb8;
	[tilespmem:$0x1A400] =	vst v63  }
0x78: {  	v0 =	vld [tilespmem:$0x100];
	_ =	sdelay $0x6  }
0x79: {  	s26 =	simm.s32 $0xA400  }
0x7a: {  	[tilespmem:s26], [sflag:$0x3] =	stream.indirect_vreg.gather [hbm4b:s3+s2], $0x40, v0, vm0, $0xb8;
	[tilespmem:$0x1A400] =	vst v63  }
0x7b: {  	v0 =	vld [tilespmem:$0x110];
	_ =	sdelay $0x6  }
0x7c: {  	s24 =	simm.s32 $0xA800  }
0x7d: {  	[tilespmem:s24], [sflag:$0x3] =	stream.indirect_vreg.gather [hbm4b:s3+s2], $0x40, v0, vm0, $0xb8;
	[tilespmem:$0x1A400] =	vst v63  }
0x7e: {  	v0 =	vld [tilespmem:$0x120];
	_ =	sdelay $0x6  }
0x7f: {  	s26 =	simm.s32 $0xAC00  }
0x80: {  	[tilespmem:s26], [sflag:$0x3] =	stream.indirect_vreg.gather [hbm4b:s3+s2], $0x40, v0, vm0, $0xb8;
	[tilespmem:$0x1A400] =	vst v63  }
0x81: {  	v0 =	vld [tilespmem:$0x130];
	_ =	sdelay $0x6  }
0x82: {  	s24 =	simm.s32 $0xB000  }
0x83: {  	[tilespmem:s24], [sflag:$0x3] =	stream.indirect_vreg.gather [hbm4b:s3+s2], $0x40, v0, vm0, $0xb8;
	[tilespmem:$0x1A400] =	vst v63  }
0x84: {  	v0 =	vld [tilespmem:$0x140];
	_ =	sdelay $0x6  }
0x85: {  	s26 =	simm.s32 $0xB400  }
0x86: {  	[tilespmem:s26], [sflag:$0x3] =	stream.indirect_vreg.gather [hbm4b:s3+s2], $0x40, v0, vm0, $0xb8;
	[tilespmem:$0x1A400] =	vst v63  }
0x87: {  	v0 =	vld [tilespmem:$0x150];
	_ =	sdelay $0x6  }
0x88: {  	s24 =	simm.s32 $0xB800  }
0x89: {  	[tilespmem:s24], [sflag:$0x3] =	stream.indirect_vreg.gather [hbm4b:s3+s2], $0x40, v0, vm0, $0xb8;
	[tilespmem:$0x1A400] =	vst v63  }
0x8a: {  	v0 =	vld [tilespmem:$0x160];
	_ =	sdelay $0x6  }
0x8b: {  	s26 =	simm.s32 $0xBC00  }
0x8c: {  	[tilespmem:s26], [sflag:$0x3] =	stream.indirect_vreg.gather [hbm4b:s3+s2], $0x40, v0, vm0, $0xb8;
	[tilespmem:$0x1A400] =	vst v63  }
0x8d: {  	v0 =	vld [tilespmem:$0x170];
	_ =	sdelay $0x6  }
0x8e: {  	s24 =	simm.s32 $0xC000  }
0x8f: {  	[tilespmem:s24], [sflag:$0x3] =	stream.indirect_vreg.gather [hbm4b:s3+s2], $0x40, v0, vm0, $0xb8;
	[tilespmem:$0x1A400] =	vst v63  }
0x90: {  	v0 =	vld [tilespmem:$0x180];
	_ =	sdelay $0x6  }
0x91: {  	s26 =	simm.s32 $0xC400  }
0x92: {  	[tilespmem:s26], [sflag:$0x4] =	stream.indirect_vreg.gather [hbm4b:s3+s2], $0x40, v0, vm0, $0xb8;
	[tilespmem:$0x1A400] =	vst v63  }
0x93: {  	v0 =	vld [tilespmem:$0x190];
	_ =	sdelay $0x6  }
0x94: {  	s24 =	simm.s32 $0xC800  }
0x95: {  	[tilespmem:s24], [sflag:$0x4] =	stream.indirect_vreg.gather [hbm4b:s3+s2], $0x40, v0, vm0, $0xb8;
	[tilespmem:$0x1A400] =	vst v63  }
0x96: {  	v0 =	vld [tilespmem:$0x1A0];
	_ =	sdelay $0x6  }
0x97: {  	s26 =	simm.s32 $0xCC00  }
0x98: {  	[tilespmem:s26], [sflag:$0x4] =	stream.indirect_vreg.gather [hbm4b:s3+s2], $0x40, v0, vm0, $0xb8;
	[tilespmem:$0x1A400] =	vst v63  }
0x99: {  	v0 =	vld [tilespmem:$0x1B0];
	_ =	sdelay $0x6  }
0x9a: {  	s24 =	simm.s32 $0xD000  }
0x9b: {  	[tilespmem:s24], [sflag:$0x4] =	stream.indirect_vreg.gather [hbm4b:s3+s2], $0x40, v0, vm0, $0xb8;
	[tilespmem:$0x1A400] =	vst v63  }
0x9c: {  	v0 =	vld [tilespmem:$0x1C0];
	_ =	sdelay $0x6  }
0x9d: {  	s26 =	simm.s32 $0xD400  }
0x9e: {  	[tilespmem:s26], [sflag:$0x4] =	stream.indirect_vreg.gather [hbm4b:s3+s2], $0x40, v0, vm0, $0xb8;
	[tilespmem:$0x1A400] =	vst v63  }
0x9f: {  	v0 =	vld [tilespmem:$0x1D0];
	_ =	sdelay $0x6  }
0xa0: {  	s24 =	simm.s32 $0xD800  }
0xa1: {  	[tilespmem:s24], [sflag:$0x4] =	stream.indirect_vreg.gather [hbm4b:s3+s2], $0x40, v0, vm0, $0xb8;
	[tilespmem:$0x1A400] =	vst v63  }
0xa2: {  	v0 =	vld [tilespmem:$0x1E0];
	_ =	sdelay $0x6  }
0xa3: {  	s26 =	simm.s32 $0xDC00  }
0xa4: {  	[tilespmem:s26], [sflag:$0x4] =	stream.indirect_vreg.gather [hbm4b:s3+s2], $0x40, v0, vm0, $0xb8;
	[tilespmem:$0x1A400] =	vst v63  }
0xa5: {  	v0 =	vld [tilespmem:$0x1F0];
	_ =	sdelay $0x6  }
0xa6: {  	s24 =	simm.s32 $0xE000  }
0xa7: {  	[tilespmem:s24], [sflag:$0x4] =	stream.indirect_vreg.gather [hbm4b:s3+s2], $0x40, v0, vm0, $0xb8;
	[tilespmem:$0x1A400] =	vst v63  }
0xa8: {  	v0 =	vld [tilespmem:$0x200];
	_ =	sdelay $0x6  }
0xa9: {  	s26 =	simm.s32 $0xE400  }
0xaa: {  	[tilespmem:s26], [sflag:$0x5] =	stream.indirect_vreg.gather [hbm4b:s3+s2], $0x40, v0, vm0, $0xb8;
	[tilespmem:$0x1A400] =	vst v63  }
0xab: {  	v0 =	vld [tilespmem:$0x210];
	_ =	sdelay $0x6  }
0xac: {  	s24 =	simm.s32 $0xE800  }
0xad: {  	[tilespmem:s24], [sflag:$0x5] =	stream.indirect_vreg.gather [hbm4b:s3+s2], $0x40, v0, vm0, $0xb8;
	[tilespmem:$0x1A400] =	vst v63  }
0xae: {  	v0 =	vld [tilespmem:$0x220];
	_ =	sdelay $0x6  }
0xaf: {  	s26 =	simm.s32 $0xEC00  }
0xb0: {  	[tilespmem:s26], [sflag:$0x5] =	stream.indirect_vreg.gather [hbm4b:s3+s2], $0x40, v0, vm0, $0xb8;
	[tilespmem:$0x1A400] =	vst v63  }
0xb1: {  	v0 =	vld [tilespmem:$0x230];
	_ =	sdelay $0x6  }
0xb2: {  	s24 =	simm.s32 $0xF000  }
0xb3: {  	[tilespmem:s24], [sflag:$0x5] =	stream.indirect_vreg.gather [hbm4b:s3+s2], $0x40, v0, vm0, $0xb8;
	[tilespmem:$0x1A400] =	vst v63  }
0xb4: {  	v0 =	vld [tilespmem:$0x240];
	_ =	sdelay $0x6  }
0xb5: {  	s26 =	simm.s32 $0xF400  }
0xb6: {  	[tilespmem:s26], [sflag:$0x5] =	stream.indirect_vreg.gather [hbm4b:s3+s2], $0x40, v0, vm0, $0xb8;
	[tilespmem:$0x1A400] =	vst v63  }
0xb7: {  	v0 =	vld [tilespmem:$0x250];
	_ =	sdelay $0x6  }
0xb8: {  	s24 =	simm.s32 $0xF800  }
0xb9: {  	[tilespmem:s24], [sflag:$0x5] =	stream.indirect_vreg.gather [hbm4b:s3+s2], $0x40, v0, vm0, $0xb8;
	[tilespmem:$0x1A400] =	vst v63  }
0xba: {  	v0 =	vld [tilespmem:$0x260];
	_ =	sdelay $0x6  }
0xbb: {  	s26 =	simm.s32 $0xFC00  }
0xbc: {  	[tilespmem:s26], [sflag:$0x5] =	stream.indirect_vreg.gather [hbm4b:s3+s2], $0x40, v0, vm0, $0xb8;
	[tilespmem:$0x1A400] =	vst v63  }
0xbd: {  	v0 =	vld [tilespmem:$0x270];
	_ =	sdelay $0x6  }
0xbe: {  	s24 =	simm.s32 $0x10000  }
0xbf: {  	[tilespmem:s24], [sflag:$0x5] =	stream.indirect_vreg.gather [hbm4b:s3+s2], $0x40, v0, vm0, $0xb8;
	[tilespmem:$0x1A400] =	vst v63  }
0xc0: {  	v0 =	vld [tilespmem:$0x280];
	_ =	sdelay $0x6  }
0xc1: {  	s26 =	simm.s32 $0x10400  }
0xc2: {  	[tilespmem:s26], [sflag:$0x6] =	stream.indirect_vreg.gather [hbm4b:s3+s2], $0x40, v0, vm0, $0xb8;
	[tilespmem:$0x1A400] =	vst v63  }
0xc3: {  	v0 =	vld [tilespmem:$0x290];
	_ =	sdelay $0x6  }
0xc4: {  	s24 =	simm.s32 $0x10800  }
0xc5: {  	[tilespmem:s24], [sflag:$0x6] =	stream.indirect_vreg.gather [hbm4b:s3+s2], $0x40, v0, vm0, $0xb8;
	[tilespmem:$0x1A400] =	vst v63  }
0xc6: {  	v0 =	vld [tilespmem:$0x2A0];
	_ =	sdelay $0x6  }
0xc7: {  	s26 =	simm.s32 $0x10C00  }
0xc8: {  	[tilespmem:s26], [sflag:$0x6] =	stream.indirect_vreg.gather [hbm4b:s3+s2], $0x40, v0, vm0, $0xb8;
	[tilespmem:$0x1A400] =	vst v63  }
0xc9: {  	v0 =	vld [tilespmem:$0x2B0];
	_ =	sdelay $0x6  }
0xca: {  	s24 =	simm.s32 $0x11000  }
0xcb: {  	[tilespmem:s24], [sflag:$0x6] =	stream.indirect_vreg.gather [hbm4b:s3+s2], $0x40, v0, vm0, $0xb8;
	[tilespmem:$0x1A400] =	vst v63  }
0xcc: {  	v0 =	vld [tilespmem:$0x2C0];
	_ =	sdelay $0x6  }
0xcd: {  	s26 =	simm.s32 $0x11400  }
0xce: {  	[tilespmem:s26], [sflag:$0x6] =	stream.indirect_vreg.gather [hbm4b:s3+s2], $0x40, v0, vm0, $0xb8;
	[tilespmem:$0x1A400] =	vst v63  }
0xcf: {  	v0 =	vld [tilespmem:$0x2D0];
	_ =	sdelay $0x6  }
0xd0: {  	s24 =	simm.s32 $0x11800  }
0xd1: {  	[tilespmem:s24], [sflag:$0x6] =	stream.indirect_vreg.gather [hbm4b:s3+s2], $0x40, v0, vm0, $0xb8;
	[tilespmem:$0x1A400] =	vst v63  }
0xd2: {  	v0 =	vld [tilespmem:$0x2E0];
	_ =	sdelay $0x6  }
0xd3: {  	s26 =	simm.s32 $0x11C00  }
0xd4: {  	[tilespmem:s26], [sflag:$0x6] =	stream.indirect_vreg.gather [hbm4b:s3+s2], $0x40, v0, vm0, $0xb8;
	[tilespmem:$0x1A400] =	vst v63  }
0xd5: {  	v0 =	vld [tilespmem:$0x2F0];
	_ =	sdelay $0x6  }
0xd6: {  	s24 =	simm.s32 $0x12000  }
0xd7: {  	[tilespmem:s24], [sflag:$0x6] =	stream.indirect_vreg.gather [hbm4b:s3+s2], $0x40, v0, vm0, $0xb8;
	[tilespmem:$0x1A400] =	vst v63  }
0xd8: {  	v0 =	vld [tilespmem:$0x300];
	_ =	sdelay $0x6  }
0xd9: {  	s26 =	simm.s32 $0x12400  }
0xda: {  	[tilespmem:s26], [sflag:$0x7] =	stream.indirect_vreg.gather [hbm4b:s3+s2], $0x40, v0, vm0, $0xb8;
	[tilespmem:$0x1A400] =	vst v63  }
0xdb: {  	v0 =	vld [tilespmem:$0x310];
	_ =	sdelay $0x6  }
0xdc: {  	s24 =	simm.s32 $0x12800  }
0xdd: {  	[tilespmem:s24], [sflag:$0x7] =	stream.indirect_vreg.gather [hbm4b:s3+s2], $0x40, v0, vm0, $0xb8;
	[tilespmem:$0x1A400] =	vst v63  }
0xde: {  	v0 =	vld [tilespmem:$0x320];
	_ =	sdelay $0x6  }
0xdf: {  	s26 =	simm.s32 $0x12C00  }
0xe0: {  	[tilespmem:s26], [sflag:$0x7] =	stream.indirect_vreg.gather [hbm4b:s3+s2], $0x40, v0, vm0, $0xb8;
	[tilespmem:$0x1A400] =	vst v63  }
0xe1: {  	v0 =	vld [tilespmem:$0x330];
	_ =	sdelay $0x6  }
0xe2: {  	s24 =	simm.s32 $0x13000  }
0xe3: {  	[tilespmem:s24], [sflag:$0x7] =	stream.indirect_vreg.gather [hbm4b:s3+s2], $0x40, v0, vm0, $0xb8;
	[tilespmem:$0x1A400] =	vst v63  }
0xe4: {  	v0 =	vld [tilespmem:$0x340];
	_ =	sdelay $0x6  }
0xe5: {  	s26 =	simm.s32 $0x13400  }
0xe6: {  	[tilespmem:s26], [sflag:$0x7] =	stream.indirect_vreg.gather [hbm4b:s3+s2], $0x40, v0, vm0, $0xb8;
	[tilespmem:$0x1A400] =	vst v63  }
0xe7: {  	v0 =	vld [tilespmem:$0x350];
	_ =	sdelay $0x6  }
0xe8: {  	s24 =	simm.s32 $0x13800  }
0xe9: {  	[tilespmem:s24], [sflag:$0x7] =	stream.indirect_vreg.gather [hbm4b:s3+s2], $0x40, v0, vm0, $0xb8;
	[tilespmem:$0x1A400] =	vst v63  }
0xea: {  	v0 =	vld [tilespmem:$0x360];
	_ =	sdelay $0x6  }
0xeb: {  	s26 =	simm.s32 $0x13C00  }
0xec: {  	[tilespmem:s26], [sflag:$0x7] =	stream.indirect_vreg.gather [hbm4b:s3+s2], $0x40, v0, vm0, $0xb8;
	[tilespmem:$0x1A400] =	vst v63  }
0xed: {  	v0 =	vld [tilespmem:$0x370];
	_ =	sdelay $0x6  }
0xee: {  	s24 =	simm.s32 $0x14000  }
0xef: {  	[tilespmem:s24], [sflag:$0x7] =	stream.indirect_vreg.gather [hbm4b:s3+s2], $0x40, v0, vm0, $0xb8;
	[tilespmem:$0x1A400] =	vst v63  }
0xf0: {  	v0 =	vld [tilespmem:$0x380];
	_ =	sdelay $0x7  }
0xf1: {  	[tilespmem:s0], [sflag:$0x8] =	stream.indirect_vreg.gather [hbm4b:s3+s2], $0x40, v0, vm0, $0xb8;
	[tilespmem:$0x1A400] =	vst v63  }
0xf2: {  	v0 =	vld [tilespmem:$0x390];
	_ =	sdelay $0x6  }
0xf3: {  	s26 =	simm.s32 $0x14800  }
0xf4: {  	[tilespmem:s26], [sflag:$0x8] =	stream.indirect_vreg.gather [hbm4b:s3+s2], $0x40, v0, vm0, $0xb8;
	[tilespmem:$0x1A400] =	vst v63  }
0xf5: {  	v0 =	vld [tilespmem:$0x3A0];
	_ =	sdelay $0x6  }
0xf6: {  	s24 =	simm.s32 $0x14C00  }
0xf7: {  	[tilespmem:s24], [sflag:$0x8] =	stream.indirect_vreg.gather [hbm4b:s3+s2], $0x40, v0, vm0, $0xb8;
	[tilespmem:$0x1A400] =	vst v63  }
0xf8: {  	v0 =	vld [tilespmem:$0x3B0];
	_ =	sdelay $0x6  }
0xf9: {  	s26 =	simm.s32 $0x15000  }
0xfa: {  	[tilespmem:s26], [sflag:$0x8] =	stream.indirect_vreg.gather [hbm4b:s3+s2], $0x40, v0, vm0, $0xb8;
	[tilespmem:$0x1A400] =	vst v63  }
0xfb: {  	v0 =	vld [tilespmem:$0x3C0];
	_ =	sdelay $0x6  }
0xfc: {  	s24 =	simm.s32 $0x15400  }
0xfd: {  	[tilespmem:s24], [sflag:$0x8] =	stream.indirect_vreg.gather [hbm4b:s3+s2], $0x40, v0, vm0, $0xb8;
	[tilespmem:$0x1A400] =	vst v63  }
0xfe: {  	v0 =	vld [tilespmem:$0x3D0];
	_ =	sdelay $0x6  }
0xff: {  	s26 =	simm.s32 $0x15800  }
0x100: {  	[tilespmem:s26], [sflag:$0x8] =	stream.indirect_vreg.gather [hbm4b:s3+s2], $0x40, v0, vm0, $0xb8;
	[tilespmem:$0x1A400] =	vst v63  }
0x101: {  	v0 =	vld [tilespmem:$0x3E0];
	_ =	sdelay $0x6  }
0x102: {  	s24 =	simm.s32 $0x15C00  }
0x103: {  	[tilespmem:s24], [sflag:$0x8] =	stream.indirect_vreg.gather [hbm4b:s3+s2], $0x40, v0, vm0, $0xb8;
	[tilespmem:$0x1A400] =	vst v63  }
0x104: {  	v0 =	vld [tilespmem:$0x3F0];
	_ =	sdelay $0x6  }
0x105: {  	s26 =	simm.s32 $0x16000  }
0x106: {  	[tilespmem:s26], [sflag:$0x8] =	stream.indirect_vreg.gather [hbm4b:s3+s2], $0x40, v0, vm0, $0xb8;
	[tilespmem:$0x1A400] =	vst v63  }
0x107: {  	v0 =	vld [tilespmem:$0x400];
	_ =	sdelay $0x6  }
0x108: {  	s24 =	simm.s32 $0x16400  }
0x109: {  	[tilespmem:s24], [sflag:$0x9] =	stream.indirect_vreg.gather [hbm4b:s3+s2], $0x40, v0, vm0, $0xb8;
	[tilespmem:$0x1A400] =	vst v63  }
0x10a: {  	v0 =	vld [tilespmem:$0x410];
	_ =	sdelay $0x6  }
0x10b: {  	s26 =	simm.s32 $0x16800  }
0x10c: {  	[tilespmem:s26], [sflag:$0x9] =	stream.indirect_vreg.gather [hbm4b:s3+s2], $0x40, v0, vm0, $0xb8;
	[tilespmem:$0x1A400] =	vst v63  }
0x10d: {  	v0 =	vld [tilespmem:$0x420];
	_ =	sdelay $0x6  }
0x10e: {  	s24 =	simm.s32 $0x16C00  }
0x10f: {  	[tilespmem:s24], [sflag:$0x9] =	stream.indirect_vreg.gather [hbm4b:s3+s2], $0x40, v0, vm0, $0xb8;
	[tilespmem:$0x1A400] =	vst v63  }
0x110: {  	v0 =	vld [tilespmem:$0x430];
	_ =	sdelay $0x6  }
0x111: {  	s26 =	simm.s32 $0x17000  }
0x112: {  	[tilespmem:s26], [sflag:$0x9] =	stream.indirect_vreg.gather [hbm4b:s3+s2], $0x40, v0, vm0, $0xb8;
	[tilespmem:$0x1A400] =	vst v63  }
0x113: {  	v0 =	vld [tilespmem:$0x440];
	_ =	sdelay $0x6  }
0x114: {  	s24 =	simm.s32 $0x17400  }
0x115: {  	[tilespmem:s24], [sflag:$0x9] =	stream.indirect_vreg.gather [hbm4b:s3+s2], $0x40, v0, vm0, $0xb8;
	[tilespmem:$0x1A400] =	vst v63  }
0x116: {  	v0 =	vld [tilespmem:$0x450];
	_ =	sdelay $0x6  }
0x117: {  	s26 =	simm.s32 $0x17800  }
0x118: {  	[tilespmem:s26], [sflag:$0x9] =	stream.indirect_vreg.gather [hbm4b:s3+s2], $0x40, v0, vm0, $0xb8;
	[tilespmem:$0x1A400] =	vst v63  }
0x119: {  	v0 =	vld [tilespmem:$0x460];
	_ =	sdelay $0x6  }
0x11a: {  	s24 =	simm.s32 $0x17C00  }
0x11b: {  	[tilespmem:s24], [sflag:$0x9] =	stream.indirect_vreg.gather [hbm4b:s3+s2], $0x40, v0, vm0, $0xb8;
	[tilespmem:$0x1A400] =	vst v63  }
0x11c: {  	v0 =	vld [tilespmem:$0x470];
	_ =	sdelay $0x6  }
0x11d: {  	s26 =	simm.s32 $0x18000  }
0x11e: {  	[tilespmem:s26], [sflag:$0x9] =	stream.indirect_vreg.gather [hbm4b:s3+s2], $0x40, v0, vm0, $0xb8;
	[tilespmem:$0x1A400] =	vst v63  }
0x11f: {  	v0 =	vld [tilespmem:$0x480];
	_ =	sdelay $0x6  }
0x120: {  	s24 =	simm.s32 $0x18400  }
0x121: {  	[tilespmem:s24], [sflag:$0xA] =	stream.indirect_vreg.gather [hbm4b:s3+s2], $0x40, v0, vm0, $0xb8;
	[tilespmem:$0x1A400] =	vst v63  }
0x122: {  	v0 =	vld [tilespmem:$0x490];
	_ =	sdelay $0x6  }
0x123: {  	s26 =	simm.s32 $0x18800  }
0x124: {  	[tilespmem:s26], [sflag:$0xA] =	stream.indirect_vreg.gather [hbm4b:s3+s2], $0x40, v0, vm0, $0xb8;
	[tilespmem:$0x1A400] =	vst v63  }
0x125: {  	v0 =	vld [tilespmem:$0x4A0];
	_ =	sdelay $0x6  }
0x126: {  	s24 =	simm.s32 $0x18C00  }
0x127: {  	[tilespmem:s24], [sflag:$0xA] =	stream.indirect_vreg.gather [hbm4b:s3+s2], $0x40, v0, vm0, $0xb8;
	[tilespmem:$0x1A400] =	vst v63  }
0x128: {  	v0 =	vld [tilespmem:$0x4B0];
	_ =	sdelay $0x6  }
0x129: {  	s26 =	simm.s32 $0x19000  }
0x12a: {  	[tilespmem:s26], [sflag:$0xA] =	stream.indirect_vreg.gather [hbm4b:s3+s2], $0x40, v0, vm0, $0xb8;
	[tilespmem:$0x1A400] =	vst v63  }
0x12b: {  	v0 =	vld [tilespmem:$0x4C0];
	_ =	sdelay $0x6  }
0x12c: {  	s24 =	simm.s32 $0x19400  }
0x12d: {  	[tilespmem:s24], [sflag:$0xA] =	stream.indirect_vreg.gather [hbm4b:s3+s2], $0x40, v0, vm0, $0xb8;
	[tilespmem:$0x1A400] =	vst v63  }
0x12e: {  	v0 =	vld [tilespmem:$0x4D0];
	_ =	sdelay $0x6  }
0x12f: {  	s26 =	simm.s32 $0x19800  }
0x130: {  	[tilespmem:s26], [sflag:$0xA] =	stream.indirect_vreg.gather [hbm4b:s3+s2], $0x40, v0, vm0, $0xb8;
	[tilespmem:$0x1A400] =	vst v63  }
0x131: {  	v0 =	vld [tilespmem:$0x4E0];
	_ =	sdelay $0x6  }
0x132: {  	s24 =	simm.s32 $0x19C00  }
0x133: {  	[tilespmem:s24], [sflag:$0xA] =	stream.indirect_vreg.gather [hbm4b:s3+s2], $0x40, v0, vm0, $0xb8;
	[tilespmem:$0x1A400] =	vst v63  }
0x134: {  	v0 =	vld [tilespmem:$0x4F0];
	_ =	sdelay $0x6  }
0x135: {  	s31 =	simm.s32 $0x0;
	s21 =	simm.s32 $0x480;
	s26 =	simm.s32 $0x1A000  }
0x136: {  	[tilespmem:s26], [sflag:$0xA] =	stream.indirect_vreg.gather [hbm4b:s3+s2], $0x40, v0, vm0, $0xb8;
	[tilespmem:$0x1A400] =	vst v63  }
.LBB2_2:
0x137: {  	_ =	swait.ge [sflag:s7], $0x2000  }
0x138: {  	[sflag:s7] =	ssyncset.done $0x0  }
0x139: {  	s24 =	sadd.s32 s31, s18;
	p0 =	seq.s32 s31, $0x0;
	[sflag:s7] =	ssyncadd.s32 $0xFFFFE000  }
0x13a: {  	[hbm4b:s24+s2] =	stream.linear.scatter [tilespmem:s5], [sflag:$0xB], $0x2000, $0x38;
	[tilespmem:$0x1A400] =	vst v63  }
0x13b: {  	s24 =	simm.s32 @!p0 $0x13  }
0x13c: {  	_ =	swait.ge @!p0 [sflag:s24], $0x2000  }
0x13d: {  	[sflag:s24] =	ssyncset.done @!p0 $0x0  }
0x13e: {  	[sflag:s24] =	ssyncadd.s32 @!p0 $0xFFFFE000  }
0x13f: {  	v0 =	vld @!p0 [tilespmem:s21+$0xFFFFFF80];
	_ =	sdelay $0x6  }
0x140: {  	vm1 =	vmmov @!p0 $0xffff;
	s5 =	simm.s32 @!p0 $0x16400;
	s24 =	simm.s32 @!p0 $0x0  }
0x141: {  	[tilespmem:s5], [sflag:$0x9] =	stream.indirect_vreg.gather @!p0 [hbm4b:s3+s24], $0x40, v0, vm1, $0xb8;
	[tilespmem:$0x1A400] =	vst v63  }
0x142: {  	v0 =	vld @!p0 [tilespmem:s21+$0xFFFFFF90];
	_ =	sdelay $0x6  }
0x143: {  	s5 =	simm.s32 @!p0 $0x16800  }
0x144: {  	[tilespmem:s5], [sflag:$0x9] =	stream.indirect_vreg.gather @!p0 [hbm4b:s3+s24], $0x40, v0, vm1, $0xb8;
	[tilespmem:$0x1A400] =	vst v63  }
0x145: {  	v0 =	vld @!p0 [tilespmem:s21+$0xFFFFFFA0];
	_ =	sdelay $0x6  }
0x146: {  	s5 =	simm.s32 @!p0 $0x16C00  }
0x147: {  	[tilespmem:s5], [sflag:$0x9] =	stream.indirect_vreg.gather @!p0 [hbm4b:s3+s24], $0x40, v0, vm1, $0xb8;
	[tilespmem:$0x1A400] =	vst v63  }
0x148: {  	v0 =	vld @!p0 [tilespmem:s21+$0xFFFFFFB0];
	_ =	sdelay $0x6  }
0x149: {  	s5 =	simm.s32 @!p0 $0x17000  }
0x14a: {  	[tilespmem:s5], [sflag:$0x9] =	stream.indirect_vreg.gather @!p0 [hbm4b:s3+s24], $0x40, v0, vm1, $0xb8;
	[tilespmem:$0x1A400] =	vst v63  }
0x14b: {  	v0 =	vld @!p0 [tilespmem:s21+$0xFFFFFFC0];
	_ =	sdelay $0x6  }
0x14c: {  	s5 =	simm.s32 @!p0 $0x17400  }
0x14d: {  	[tilespmem:s5], [sflag:$0x9] =	stream.indirect_vreg.gather @!p0 [hbm4b:s3+s24], $0x40, v0, vm1, $0xb8;
	[tilespmem:$0x1A400] =	vst v63  }
0x14e: {  	v0 =	vld @!p0 [tilespmem:s21+$0xFFFFFFD0];
	_ =	sdelay $0x6  }
0x14f: {  	s5 =	simm.s32 @!p0 $0x17800  }
0x150: {  	[tilespmem:s5], [sflag:$0x9] =	stream.indirect_vreg.gather @!p0 [hbm4b:s3+s24], $0x40, v0, vm1, $0xb8;
	[tilespmem:$0x1A400] =	vst v63  }
0x151: {  	v0 =	vld @!p0 [tilespmem:s21+$0xFFFFFFE0];
	_ =	sdelay $0x6  }
0x152: {  	s5 =	simm.s32 @!p0 $0x17C00  }
0x153: {  	[tilespmem:s5], [sflag:$0x9] =	stream.indirect_vreg.gather @!p0 [hbm4b:s3+s24], $0x40, v0, vm1, $0xb8;
	[tilespmem:$0x1A400] =	vst v63  }
0x154: {  	v0 =	vld @!p0 [tilespmem:s21+$0xFFFFFFF0];
	_ =	sdelay $0x6  }
0x155: {  	s5 =	simm.s32 @!p0 $0x18000  }
0x156: {  	[tilespmem:s5], [sflag:$0x9] =	stream.indirect_vreg.gather @!p0 [hbm4b:s3+s24], $0x40, v0, vm1, $0xb8;
	[tilespmem:$0x1A400] =	vst v63  }
0x157: {  	_ =	swait.ge [sflag:s8], $0x2000  }
0x158: {  	[sflag:s8] =	ssyncset.done $0x0  }
0x159: {  	s5 =	sadd.s32 s31, s15;
	[sflag:s8] =	ssyncadd.s32 $0xFFFFE000  }
0x15a: {  	[hbm4b:s5+s2] =	stream.linear.scatter [tilespmem:s28], [sflag:$0xC], $0x2000, $0x38;
	[tilespmem:$0x1A400] =	vst v63  }
0x15b: {  	s5 =	simm.s32 @!p0 $0x14  }
0x15c: {  	_ =	swait.ge @!p0 [sflag:s5], $0x2000  }
0x15d: {  	[sflag:s5] =	ssyncset.done @!p0 $0x0  }
0x15e: {  	[sflag:s5] =	ssyncadd.s32 @!p0 $0xFFFFE000  }
0x15f: {  	v0 =	vld @!p0 [tilespmem:s21+$0x0];
	_ =	sdelay $0x6  }
0x160: {  	s5 =	simm.s32 @!p0 $0x18400  }
0x161: {  	[tilespmem:s5], [sflag:$0xA] =	stream.indirect_vreg.gather @!p0 [hbm4b:s3+s24], $0x40, v0, vm1, $0xb8;
	[tilespmem:$0x1A400] =	vst v63  }
0x162: {  	v0 =	vld @!p0 [tilespmem:s21+$0x10];
	_ =	sdelay $0x6  }
0x163: {  	s5 =	simm.s32 @!p0 $0x18800  }
0x164: {  	[tilespmem:s5], [sflag:$0xA] =	stream.indirect_vreg.gather @!p0 [hbm4b:s3+s24], $0x40, v0, vm1, $0xb8;
	[tilespmem:$0x1A400] =	vst v63  }
0x165: {  	v0 =	vld @!p0 [tilespmem:s21+$0x20];
	_ =	sdelay $0x6  }
0x166: {  	s5 =	simm.s32 @!p0 $0x18C00  }
0x167: {  	[tilespmem:s5], [sflag:$0xA] =	stream.indirect_vreg.gather @!p0 [hbm4b:s3+s24], $0x40, v0, vm1, $0xb8;
	[tilespmem:$0x1A400] =	vst v63  }
0x168: {  	v0 =	vld @!p0 [tilespmem:s21+$0x30];
	_ =	sdelay $0x6  }
0x169: {  	s5 =	simm.s32 @!p0 $0x19000  }
0x16a: {  	[tilespmem:s5], [sflag:$0xA] =	stream.indirect_vreg.gather @!p0 [hbm4b:s3+s24], $0x40, v0, vm1, $0xb8;
	[tilespmem:$0x1A400] =	vst v63  }
0x16b: {  	v0 =	vld @!p0 [tilespmem:s21+$0x40];
	_ =	sdelay $0x6  }
0x16c: {  	s5 =	simm.s32 @!p0 $0x19400  }
0x16d: {  	[tilespmem:s5], [sflag:$0xA] =	stream.indirect_vreg.gather @!p0 [hbm4b:s3+s24], $0x40, v0, vm1, $0xb8;
	[tilespmem:$0x1A400] =	vst v63  }
0x16e: {  	v0 =	vld @!p0 [tilespmem:s21+$0x50];
	_ =	sdelay $0x6  }
0x16f: {  	s5 =	simm.s32 @!p0 $0x19800  }
0x170: {  	[tilespmem:s5], [sflag:$0xA] =	stream.indirect_vreg.gather @!p0 [hbm4b:s3+s24], $0x40, v0, vm1, $0xb8;
	[tilespmem:$0x1A400] =	vst v63  }
0x171: {  	v0 =	vld @!p0 [tilespmem:s21+$0x60];
	_ =	sdelay $0x6  }
0x172: {  	s5 =	simm.s32 @!p0 $0x19C00  }
0x173: {  	[tilespmem:s5], [sflag:$0xA] =	stream.indirect_vreg.gather @!p0 [hbm4b:s3+s24], $0x40, v0, vm1, $0xb8;
	[tilespmem:$0x1A400] =	vst v63  }
0x174: {  	v0 =	vld @!p0 [tilespmem:s21+$0x70];
	_ =	sdelay $0x6  }
0x175: {  	s5 =	simm.s32 @!p0 $0x1A000  }
0x176: {  	[tilespmem:s5], [sflag:$0xA] =	stream.indirect_vreg.gather @!p0 [hbm4b:s3+s24], $0x40, v0, vm1, $0xb8;
	[tilespmem:$0x1A400] =	vst v63  }
0x177: {  	p0 =	seq.s32 s31, $0x2F800  }
.Ltmp2:
0x178: {  	_ = 	snop;
	(pc) =	sbr.rel @!p0 .LBB2_3-.Ltmp2, $4  }
0x179: {  	_ =	swait.ge [sflag:s9], $0x2000  }
0x17a: {  	s26 =	simm.s32 $0x6400;
	[sflag:s9] =	ssyncset.done $0x0  }
0x17b: {  	s5 =	sadd.s32 s31, s14;
	s24 =	simm.s32 $0xA400;
	[sflag:s9] =	ssyncadd.s32 $0xFFFFE000  }
0x17c: {  	[hbm4b:s5+s2] =	stream.linear.scatter [tilespmem:s24], [sflag:$0xD], $0x2000, $0x38;
	[tilespmem:$0x1A400] =	vst v63  }
.Ltmp3:
0x17d: {  	(pc) =	sbr.rel .LBB2_5-.Ltmp3, $4  }
0x17e: {  	_ =	swait.ge [sflag:s11], $0x2000  }
0x17f: {  	[sflag:s11] =	ssyncset.done $0x0  }
0x180: {  	s24 =	simm.s32 $0xC400;
	s5 =	rddreg [dreg:$0x5];
	[sflag:s11] =	ssyncadd.s32 $0xFFFFE000  }
0x181: {  	[hbm4b:s5+s2] =	stream.linear.scatter [tilespmem:s24], [sflag:$0xE], $0x2000, $0x38;
	[tilespmem:$0x1A400] =	vst v63  }
.LBB2_3:
0x182: {  	s5 =	simm.s32 $0xB  }
0x183: {  	_ =	swait.ge [sflag:s5], $0x2000  }
0x184: {  	[sflag:s5] =	ssyncset.done $0x0  }
0x185: {  	[sflag:s5] =	ssyncadd.s32 $0xFFFFE000  }
0x186: {  	v0 =	vld [tilespmem:s21+$0x80];
	_ =	sdelay $0x7  }
0x187: {  	[tilespmem:s26], [sflag:$0x1] =	stream.indirect_vreg.gather [hbm4b:s3+s2], $0x40, v0, vm0, $0xb8;
	[tilespmem:$0x1A400] =	vst v63  }
0x188: {  	v0 =	vld [tilespmem:s21+$0x90];
	_ =	sdelay $0x6  }
0x189: {  	s24 =	simm.s32 $0x6800  }
0x18a: {  	[tilespmem:s24], [sflag:$0x1] =	stream.indirect_vreg.gather [hbm4b:s3+s2], $0x40, v0, vm0, $0xb8;
	[tilespmem:$0x1A400] =	vst v63  }
0x18b: {  	v0 =	vld [tilespmem:s21+$0xA0];
	_ =	sdelay $0x6  }
0x18c: {  	s26 =	simm.s32 $0x6C00  }
0x18d: {  	[tilespmem:s26], [sflag:$0x1] =	stream.indirect_vreg.gather [hbm4b:s3+s2], $0x40, v0, vm0, $0xb8;
	[tilespmem:$0x1A400] =	vst v63  }
0x18e: {  	v0 =	vld [tilespmem:s21+$0xB0];
	_ =	sdelay $0x6  }
0x18f: {  	s24 =	simm.s32 $0x7000  }
0x190: {  	[tilespmem:s24], [sflag:$0x1] =	stream.indirect_vreg.gather [hbm4b:s3+s2], $0x40, v0, vm0, $0xb8;
	[tilespmem:$0x1A400] =	vst v63  }
0x191: {  	v0 =	vld [tilespmem:s21+$0xC0];
	_ =	sdelay $0x6  }
0x192: {  	s26 =	simm.s32 $0x7400  }
0x193: {  	[tilespmem:s26], [sflag:$0x1] =	stream.indirect_vreg.gather [hbm4b:s3+s2], $0x40, v0, vm0, $0xb8;
	[tilespmem:$0x1A400] =	vst v63  }
0x194: {  	v0 =	vld [tilespmem:s21+$0xD0];
	_ =	sdelay $0x6  }
0x195: {  	s24 =	simm.s32 $0x7800  }
0x196: {  	[tilespmem:s24], [sflag:$0x1] =	stream.indirect_vreg.gather [hbm4b:s3+s2], $0x40, v0, vm0, $0xb8;
	[tilespmem:$0x1A400] =	vst v63  }
0x197: {  	v0 =	vld [tilespmem:s21+$0xE0];
	_ =	sdelay $0x6  }
0x198: {  	s26 =	simm.s32 $0x7C00  }
0x199: {  	[tilespmem:s26], [sflag:$0x1] =	stream.indirect_vreg.gather [hbm4b:s3+s2], $0x40, v0, vm0, $0xb8;
	[tilespmem:$0x1A400] =	vst v63  }
0x19a: {  	v0 =	vld [tilespmem:s21+$0xF0];
	_ =	sdelay $0x6  }
0x19b: {  	s24 =	simm.s32 $0x8000  }
0x19c: {  	[tilespmem:s24], [sflag:$0x1] =	stream.indirect_vreg.gather [hbm4b:s3+s2], $0x40, v0, vm0, $0xb8;
	[tilespmem:$0x1A400] =	vst v63  }
0x19d: {  	_ =	swait.ge [sflag:s11], $0x2000  }
0x19e: {  	[sflag:s11] =	ssyncset.done $0x0;
	s26 =	rddreg [dreg:$0xa]  }
0x19f: {  	s24 =	simm.s32 $0xC400;
	[sflag:s11] =	ssyncadd.s32 $0xFFFFE000;
	s5 =	sadd.s32 s31, s26  }
0x1a0: {  	[hbm4b:s5+s2] =	stream.linear.scatter [tilespmem:s24], [sflag:$0xE], $0x2000, $0x38;
	[tilespmem:$0x1A400] =	vst v63  }
0x1a1: {  	s24 =	simm.s32 $0xC  }
0x1a2: {  	_ =	swait.ge [sflag:s24], $0x2000  }
0x1a3: {  	[sflag:s24] =	ssyncset.done $0x0  }
0x1a4: {  	[sflag:s24] =	ssyncadd.s32 $0xFFFFE000  }
0x1a5: {  	v63 =	vld [tilespmem:s21+$0x100];
	_ =	sdelay $0x7  }
0x1a6: {  	[tilespmem:s28], [sflag:$0x2] =	stream.indirect_vreg.gather [hbm4b:s3+s2], $0x40, v63, vm0, $0xb8;
	[tilespmem:$0x1A400] =	vst v63  }
0x1a7: {  	v0 =	vld [tilespmem:s21+$0x110];
	_ =	sdelay $0x6  }
0x1a8: {  	s26 =	simm.s32 $0x8800  }
0x1a9: {  	[tilespmem:s26], [sflag:$0x2] =	stream.indirect_vreg.gather [hbm4b:s3+s2], $0x40, v0, vm0, $0xb8;
	[tilespmem:$0x1A400] =	vst v63  }
0x1aa: {  	v0 =	vld [tilespmem:s21+$0x120];
	_ =	sdelay $0x6  }
0x1ab: {  	s24 =	simm.s32 $0x8C00  }
0x1ac: {  	[tilespmem:s24], [sflag:$0x2] =	stream.indirect_vreg.gather [hbm4b:s3+s2], $0x40, v0, vm0, $0xb8;
	[tilespmem:$0x1A400] =	vst v63  }
0x1ad: {  	v0 =	vld [tilespmem:s21+$0x130];
	_ =	sdelay $0x6  }
0x1ae: {  	s26 =	simm.s32 $0x9000  }
0x1af: {  	[tilespmem:s26], [sflag:$0x2] =	stream.indirect_vreg.gather [hbm4b:s3+s2], $0x40, v0, vm0, $0xb8;
	[tilespmem:$0x1A400] =	vst v63  }
0x1b0: {  	v0 =	vld [tilespmem:s21+$0x140];
	_ =	sdelay $0x6  }
0x1b1: {  	s24 =	simm.s32 $0x9400  }
0x1b2: {  	[tilespmem:s24], [sflag:$0x2] =	stream.indirect_vreg.gather [hbm4b:s3+s2], $0x40, v0, vm0, $0xb8;
	[tilespmem:$0x1A400] =	vst v63  }
0x1b3: {  	v0 =	vld [tilespmem:s21+$0x150];
	_ =	sdelay $0x6  }
0x1b4: {  	s26 =	simm.s32 $0x9800  }
0x1b5: {  	[tilespmem:s26], [sflag:$0x2] =	stream.indirect_vreg.gather [hbm4b:s3+s2], $0x40, v0, vm0, $0xb8;
	[tilespmem:$0x1A400] =	vst v63  }
0x1b6: {  	v0 =	vld [tilespmem:s21+$0x160];
	_ =	sdelay $0x6  }
0x1b7: {  	s24 =	simm.s32 $0x9C00  }
0x1b8: {  	[tilespmem:s24], [sflag:$0x2] =	stream.indirect_vreg.gather [hbm4b:s3+s2], $0x40, v0, vm0, $0xb8;
	[tilespmem:$0x1A400] =	vst v63  }
0x1b9: {  	v0 =	vld [tilespmem:s21+$0x170];
	_ =	sdelay $0x6  }
0x1ba: {  	s26 =	simm.s32 $0xA000  }
0x1bb: {  	[tilespmem:s26], [sflag:$0x2] =	stream.indirect_vreg.gather [hbm4b:s3+s2], $0x40, v0, vm0, $0xb8;
	[tilespmem:$0x1A400] =	vst v63  }
.LBB2_5:
.Ltmp4:
0x1bc: {  	(pc) =	sbr.rel @!p0 .LBB2_6-.Ltmp4, $4  }
0x1bd: {  	_ =	swait.ge [sflag:s13], $0x2000  }
0x1be: {  	[sflag:s13] =	ssyncset.done $0x0  }
0x1bf: {  	s5 =	sadd.s32 s31, s12;
	s24 =	simm.s32 $0xE400;
	[sflag:s13] =	ssyncadd.s32 $0xFFFFE000  }
0x1c0: {  	[hbm4b:s5+s2] =	stream.linear.scatter [tilespmem:s24], [sflag:$0xF], $0x2000, $0x38;
	[tilespmem:$0x1A400] =	vst v63  }
.Ltmp5:
0x1c1: {  	(pc) =	sbr.rel .LBB2_8-.Ltmp5, $4  }
0x1c2: {  	_ =	swait.ge [sflag:s4], $0x2000  }
0x1c3: {  	[sflag:s4] =	ssyncset.done $0x0  }
0x1c4: {  	s24 =	simm.s32 $0x10400;
	s5 =	rddreg [dreg:$0x6];
	[sflag:s4] =	ssyncadd.s32 $0xFFFFE000  }
0x1c5: {  	[hbm4b:s5+s2] =	stream.linear.scatter [tilespmem:s24], [sflag:$0x10], $0x2000, $0x38;
	[tilespmem:$0x1A400] =	vst v63  }
.LBB2_6:
0x1c6: {  	_ =	swait.ge [sflag:s1], $0x2000  }
0x1c7: {  	[sflag:s1] =	ssyncset.done $0x0  }
0x1c8: {  	[sflag:s1] =	ssyncadd.s32 $0xFFFFE000  }
0x1c9: {  	v0 =	vld [tilespmem:s21+$0x180];
	_ =	sdelay $0x6  }
0x1ca: {  	s5 =	simm.s32 $0xA400  }
0x1cb: {  	[tilespmem:s5], [sflag:$0x3] =	stream.indirect_vreg.gather [hbm4b:s3+s2], $0x40, v0, vm0, $0xb8;
	[tilespmem:$0x1A400] =	vst v63  }
0x1cc: {  	v0 =	vld [tilespmem:s21+$0x190];
	_ =	sdelay $0x6  }
0x1cd: {  	s24 =	simm.s32 $0xA800  }
0x1ce: {  	[tilespmem:s24], [sflag:$0x3] =	stream.indirect_vreg.gather [hbm4b:s3+s2], $0x40, v0, vm0, $0xb8;
	[tilespmem:$0x1A400] =	vst v63  }
0x1cf: {  	v0 =	vld [tilespmem:s21+$0x1A0];
	_ =	sdelay $0x6  }
0x1d0: {  	s26 =	simm.s32 $0xAC00  }
0x1d1: {  	[tilespmem:s26], [sflag:$0x3] =	stream.indirect_vreg.gather [hbm4b:s3+s2], $0x40, v0, vm0, $0xb8;
	[tilespmem:$0x1A400] =	vst v63  }
0x1d2: {  	v0 =	vld [tilespmem:s21+$0x1B0];
	_ =	sdelay $0x6  }
0x1d3: {  	s24 =	simm.s32 $0xB000  }
0x1d4: {  	[tilespmem:s24], [sflag:$0x3] =	stream.indirect_vreg.gather [hbm4b:s3+s2], $0x40, v0, vm0, $0xb8;
	[tilespmem:$0x1A400] =	vst v63  }
0x1d5: {  	v0 =	vld [tilespmem:s21+$0x1C0];
	_ =	sdelay $0x6  }
0x1d6: {  	s26 =	simm.s32 $0xB400  }
0x1d7: {  	[tilespmem:s26], [sflag:$0x3] =	stream.indirect_vreg.gather [hbm4b:s3+s2], $0x40, v0, vm0, $0xb8;
	[tilespmem:$0x1A400] =	vst v63  }
0x1d8: {  	v0 =	vld [tilespmem:s21+$0x1D0];
	_ =	sdelay $0x6  }
0x1d9: {  	s24 =	simm.s32 $0xB800  }
0x1da: {  	[tilespmem:s24], [sflag:$0x3] =	stream.indirect_vreg.gather [hbm4b:s3+s2], $0x40, v0, vm0, $0xb8;
	[tilespmem:$0x1A400] =	vst v63  }
0x1db: {  	v0 =	vld [tilespmem:s21+$0x1E0];
	_ =	sdelay $0x6  }
0x1dc: {  	s26 =	simm.s32 $0xBC00  }
0x1dd: {  	[tilespmem:s26], [sflag:$0x3] =	stream.indirect_vreg.gather [hbm4b:s3+s2], $0x40, v0, vm0, $0xb8;
	[tilespmem:$0x1A400] =	vst v63  }
0x1de: {  	v0 =	vld [tilespmem:s21+$0x1F0];
	_ =	sdelay $0x6  }
0x1df: {  	s24 =	simm.s32 $0xC000  }
0x1e0: {  	[tilespmem:s24], [sflag:$0x3] =	stream.indirect_vreg.gather [hbm4b:s3+s2], $0x40, v0, vm0, $0xb8;
	[tilespmem:$0x1A400] =	vst v63  }
0x1e1: {  	_ =	swait.ge [sflag:s4], $0x2000  }
0x1e2: {  	[sflag:s4] =	ssyncset.done $0x0;
	s26 =	rddreg [dreg:$0x9]  }
0x1e3: {  	s24 =	simm.s32 $0x10400;
	[sflag:s4] =	ssyncadd.s32 $0xFFFFE000;
	s5 =	sadd.s32 s31, s26  }
0x1e4: {  	[hbm4b:s5+s2] =	stream.linear.scatter [tilespmem:s24], [sflag:$0x10], $0x2000, $0x38;
	[tilespmem:$0x1A400] =	vst v63  }
0x1e5: {  	_ =	swait.ge [sflag:s30], $0x2000  }
0x1e6: {  	[sflag:s30] =	ssyncset.done $0x0  }
0x1e7: {  	[sflag:s30] =	ssyncadd.s32 $0xFFFFE000  }
0x1e8: {  	v63 =	vld [tilespmem:s21+$0x200];
	_ =	sdelay $0x6  }
0x1e9: {  	s24 =	simm.s32 $0xC400  }
0x1ea: {  	[tilespmem:s24], [sflag:$0x4] =	stream.indirect_vreg.gather [hbm4b:s3+s2], $0x40, v63, vm0, $0xb8;
	[tilespmem:$0x1A400] =	vst v63  }
0x1eb: {  	v0 =	vld [tilespmem:s21+$0x210];
	_ =	sdelay $0x6  }
0x1ec: {  	s26 =	simm.s32 $0xC800  }
0x1ed: {  	[tilespmem:s26], [sflag:$0x4] =	stream.indirect_vreg.gather [hbm4b:s3+s2], $0x40, v0, vm0, $0xb8;
	[tilespmem:$0x1A400] =	vst v63  }
0x1ee: {  	v0 =	vld [tilespmem:s21+$0x220];
	_ =	sdelay $0x6  }
0x1ef: {  	s24 =	simm.s32 $0xCC00  }
0x1f0: {  	[tilespmem:s24], [sflag:$0x4] =	stream.indirect_vreg.gather [hbm4b:s3+s2], $0x40, v0, vm0, $0xb8;
	[tilespmem:$0x1A400] =	vst v63  }
0x1f1: {  	v0 =	vld [tilespmem:s21+$0x230];
	_ =	sdelay $0x6  }
0x1f2: {  	s26 =	simm.s32 $0xD000  }
0x1f3: {  	[tilespmem:s26], [sflag:$0x4] =	stream.indirect_vreg.gather [hbm4b:s3+s2], $0x40, v0, vm0, $0xb8;
	[tilespmem:$0x1A400] =	vst v63  }
0x1f4: {  	v0 =	vld [tilespmem:s21+$0x240];
	_ =	sdelay $0x6  }
0x1f5: {  	s24 =	simm.s32 $0xD400  }
0x1f6: {  	[tilespmem:s24], [sflag:$0x4] =	stream.indirect_vreg.gather [hbm4b:s3+s2], $0x40, v0, vm0, $0xb8;
	[tilespmem:$0x1A400] =	vst v63  }
0x1f7: {  	v0 =	vld [tilespmem:s21+$0x250];
	_ =	sdelay $0x6  }
0x1f8: {  	s26 =	simm.s32 $0xD800  }
0x1f9: {  	[tilespmem:s26], [sflag:$0x4] =	stream.indirect_vreg.gather [hbm4b:s3+s2], $0x40, v0, vm0, $0xb8;
	[tilespmem:$0x1A400] =	vst v63  }
0x1fa: {  	v0 =	vld [tilespmem:s21+$0x260];
	_ =	sdelay $0x6  }
0x1fb: {  	s24 =	simm.s32 $0xDC00  }
0x1fc: {  	[tilespmem:s24], [sflag:$0x4] =	stream.indirect_vreg.gather [hbm4b:s3+s2], $0x40, v0, vm0, $0xb8;
	[tilespmem:$0x1A400] =	vst v63  }
0x1fd: {  	v0 =	vld [tilespmem:s21+$0x270];
	_ =	sdelay $0x6  }
0x1fe: {  	s26 =	simm.s32 $0xE000  }
0x1ff: {  	[tilespmem:s26], [sflag:$0x4] =	stream.indirect_vreg.gather [hbm4b:s3+s2], $0x40, v0, vm0, $0xb8;
	[tilespmem:$0x1A400] =	vst v63  }
.LBB2_8:
.Ltmp6:
0x200: {  	(pc) =	sbr.rel @!p0 .LBB2_9-.Ltmp6, $4  }
0x201: {  	_ =	swait.ge [sflag:s19], $0x2000  }
0x202: {  	[sflag:s19] =	ssyncset.done $0x0  }
0x203: {  	s5 =	sadd.s32 s31, s10;
	s24 =	simm.s32 $0x12400;
	[sflag:s19] =	ssyncadd.s32 $0xFFFFE000  }
0x204: {  	[hbm4b:s5+s2] =	stream.linear.scatter [tilespmem:s24], [sflag:$0x11], $0x2000, $0x38;
	[tilespmem:$0x1A400] =	vst v63  }
.Ltmp7:
0x205: {  	(pc) =	sbr.rel .LBB2_11-.Ltmp7, $4  }
0x206: {  	_ =	swait.ge [sflag:s22], $0x2000  }
0x207: {  	[sflag:s22] =	ssyncset.done $0x0  }
0x208: {  	s5 =	rddreg [dreg:$0x7];
	[sflag:s22] =	ssyncadd.s32 $0xFFFFE000  }
0x209: {  	[hbm4b:s5+s2] =	stream.linear.scatter [tilespmem:s0], [sflag:$0x12], $0x2000, $0x38;
	[tilespmem:$0x1A400] =	vst v63  }
.LBB2_9:
0x20a: {  	_ =	swait.ge [sflag:s6], $0x2000  }
0x20b: {  	[sflag:s6] =	ssyncset.done $0x0  }
0x20c: {  	[sflag:s6] =	ssyncadd.s32 $0xFFFFE000  }
0x20d: {  	v0 =	vld [tilespmem:s21+$0x280];
	_ =	sdelay $0x6  }
0x20e: {  	s5 =	simm.s32 $0xE400  }
0x20f: {  	[tilespmem:s5], [sflag:$0x5] =	stream.indirect_vreg.gather [hbm4b:s3+s2], $0x40, v0, vm0, $0xb8;
	[tilespmem:$0x1A400] =	vst v63  }
0x210: {  	v0 =	vld [tilespmem:s21+$0x290];
	_ =	sdelay $0x6  }
0x211: {  	s24 =	simm.s32 $0xE800  }
0x212: {  	[tilespmem:s24], [sflag:$0x5] =	stream.indirect_vreg.gather [hbm4b:s3+s2], $0x40, v0, vm0, $0xb8;
	[tilespmem:$0x1A400] =	vst v63  }
0x213: {  	v0 =	vld [tilespmem:s21+$0x2A0];
	_ =	sdelay $0x6  }
0x214: {  	s26 =	simm.s32 $0xEC00  }
0x215: {  	[tilespmem:s26], [sflag:$0x5] =	stream.indirect_vreg.gather [hbm4b:s3+s2], $0x40, v0, vm0, $0xb8;
	[tilespmem:$0x1A400] =	vst v63  }
0x216: {  	v0 =	vld [tilespmem:s21+$0x2B0];
	_ =	sdelay $0x6  }
0x217: {  	s24 =	simm.s32 $0xF000  }
0x218: {  	[tilespmem:s24], [sflag:$0x5] =	stream.indirect_vreg.gather [hbm4b:s3+s2], $0x40, v0, vm0, $0xb8;
	[tilespmem:$0x1A400] =	vst v63  }
0x219: {  	v0 =	vld [tilespmem:s21+$0x2C0];
	_ =	sdelay $0x6  }
0x21a: {  	s26 =	simm.s32 $0xF400  }
0x21b: {  	[tilespmem:s26], [sflag:$0x5] =	stream.indirect_vreg.gather [hbm4b:s3+s2], $0x40, v0, vm0, $0xb8;
	[tilespmem:$0x1A400] =	vst v63  }
0x21c: {  	v0 =	vld [tilespmem:s21+$0x2D0];
	_ =	sdelay $0x6  }
0x21d: {  	s24 =	simm.s32 $0xF800  }
0x21e: {  	[tilespmem:s24], [sflag:$0x5] =	stream.indirect_vreg.gather [hbm4b:s3+s2], $0x40, v0, vm0, $0xb8;
	[tilespmem:$0x1A400] =	vst v63  }
0x21f: {  	v0 =	vld [tilespmem:s21+$0x2E0];
	_ =	sdelay $0x6  }
0x220: {  	s26 =	simm.s32 $0xFC00  }
0x221: {  	[tilespmem:s26], [sflag:$0x5] =	stream.indirect_vreg.gather [hbm4b:s3+s2], $0x40, v0, vm0, $0xb8;
	[tilespmem:$0x1A400] =	vst v63  }
0x222: {  	v0 =	vld [tilespmem:s21+$0x2F0];
	_ =	sdelay $0x6  }
0x223: {  	s24 =	simm.s32 $0x10000  }
0x224: {  	[tilespmem:s24], [sflag:$0x5] =	stream.indirect_vreg.gather [hbm4b:s3+s2], $0x40, v0, vm0, $0xb8;
	[tilespmem:$0x1A400] =	vst v63  }
0x225: {  	_ =	swait.ge [sflag:s22], $0x2000  }
0x226: {  	[sflag:s22] =	ssyncset.done $0x0;
	s26 =	rddreg [dreg:$0x8]  }
0x227: {  	[sflag:s22] =	ssyncadd.s32 $0xFFFFE000;
	s5 =	sadd.s32 s31, s26  }
0x228: {  	[hbm4b:s5+s2] =	stream.linear.scatter [tilespmem:s0], [sflag:$0x12], $0x2000, $0x38;
	[tilespmem:$0x1A400] =	vst v63  }
0x229: {  	_ =	swait.ge [sflag:s20], $0x2000  }
0x22a: {  	[sflag:s20] =	ssyncset.done $0x0  }
0x22b: {  	[sflag:s20] =	ssyncadd.s32 $0xFFFFE000  }
0x22c: {  	v63 =	vld [tilespmem:s21+$0x300];
	_ =	sdelay $0x6  }
0x22d: {  	s24 =	simm.s32 $0x10400  }
0x22e: {  	[tilespmem:s24], [sflag:$0x6] =	stream.indirect_vreg.gather [hbm4b:s3+s2], $0x40, v63, vm0, $0xb8;
	[tilespmem:$0x1A400] =	vst v63  }
0x22f: {  	v0 =	vld [tilespmem:s21+$0x310];
	_ =	sdelay $0x6  }
0x230: {  	s26 =	simm.s32 $0x10800  }
0x231: {  	[tilespmem:s26], [sflag:$0x6] =	stream.indirect_vreg.gather [hbm4b:s3+s2], $0x40, v0, vm0, $0xb8;
	[tilespmem:$0x1A400] =	vst v63  }
0x232: {  	v0 =	vld [tilespmem:s21+$0x320];
	_ =	sdelay $0x6  }
0x233: {  	s24 =	simm.s32 $0x10C00  }
0x234: {  	[tilespmem:s24], [sflag:$0x6] =	stream.indirect_vreg.gather [hbm4b:s3+s2], $0x40, v0, vm0, $0xb8;
	[tilespmem:$0x1A400] =	vst v63  }
0x235: {  	v0 =	vld [tilespmem:s21+$0x330];
	_ =	sdelay $0x6  }
0x236: {  	s26 =	simm.s32 $0x11000  }
0x237: {  	[tilespmem:s26], [sflag:$0x6] =	stream.indirect_vreg.gather [hbm4b:s3+s2], $0x40, v0, vm0, $0xb8;
	[tilespmem:$0x1A400] =	vst v63  }
0x238: {  	v0 =	vld [tilespmem:s21+$0x340];
	_ =	sdelay $0x6  }
0x239: {  	s24 =	simm.s32 $0x11400  }
0x23a: {  	[tilespmem:s24], [sflag:$0x6] =	stream.indirect_vreg.gather [hbm4b:s3+s2], $0x40, v0, vm0, $0xb8;
	[tilespmem:$0x1A400] =	vst v63  }
0x23b: {  	v0 =	vld [tilespmem:s21+$0x350];
	_ =	sdelay $0x6  }
0x23c: {  	s26 =	simm.s32 $0x11800  }
0x23d: {  	[tilespmem:s26], [sflag:$0x6] =	stream.indirect_vreg.gather [hbm4b:s3+s2], $0x40, v0, vm0, $0xb8;
	[tilespmem:$0x1A400] =	vst v63  }
0x23e: {  	v0 =	vld [tilespmem:s21+$0x360];
	_ =	sdelay $0x6  }
0x23f: {  	s24 =	simm.s32 $0x11C00  }
0x240: {  	[tilespmem:s24], [sflag:$0x6] =	stream.indirect_vreg.gather [hbm4b:s3+s2], $0x40, v0, vm0, $0xb8;
	[tilespmem:$0x1A400] =	vst v63  }
0x241: {  	v0 =	vld [tilespmem:s21+$0x370];
	_ =	sdelay $0x6  }
0x242: {  	s26 =	simm.s32 $0x12000  }
0x243: {  	[tilespmem:s26], [sflag:$0x6] =	stream.indirect_vreg.gather [hbm4b:s3+s2], $0x40, v0, vm0, $0xb8;
	[tilespmem:$0x1A400] =	vst v63  }
.LBB2_11:
0x244: {  	_ =	swait.ge [sflag:s23], $0x2000  }
0x245: {  	[sflag:s23] =	ssyncset.done $0x0  }
0x246: {  	s5 =	sadd.s32 s31, s16;
	s24 =	simm.s32 $0x16400;
	[sflag:s23] =	ssyncadd.s32 $0xFFFFE000  }
0x247: {  	[hbm4b:s5+s2] =	stream.linear.scatter [tilespmem:s24], [sflag:$0x13], $0x2000, $0x38;
	[tilespmem:$0x1A400] =	vst v63  }
0x248: {  	s5 =	simm.s32 @!p0 $0x11  }
0x249: {  	_ =	swait.ge @!p0 [sflag:s5], $0x2000  }
0x24a: {  	[sflag:s5] =	ssyncset.done @!p0 $0x0  }
0x24b: {  	[sflag:s5] =	ssyncadd.s32 @!p0 $0xFFFFE000  }
0x24c: {  	v0 =	vld @!p0 [tilespmem:s21+$0x380];
	_ =	sdelay $0x6  }
0x24d: {  	vm1 =	vmmov @!p0 $0xffff;
	s24 =	simm.s32 @!p0 $0x12400;
	s5 =	simm.s32 @!p0 $0x0  }
0x24e: {  	[tilespmem:s24], [sflag:$0x7] =	stream.indirect_vreg.gather @!p0 [hbm4b:s3+s5], $0x40, v0, vm1, $0xb8;
	[tilespmem:$0x1A400] =	vst v63  }
0x24f: {  	v0 =	vld @!p0 [tilespmem:s21+$0x390];
	_ =	sdelay $0x6  }
0x250: {  	s24 =	simm.s32 @!p0 $0x12800  }
0x251: {  	[tilespmem:s24], [sflag:$0x7] =	stream.indirect_vreg.gather @!p0 [hbm4b:s3+s5], $0x40, v0, vm1, $0xb8;
	[tilespmem:$0x1A400] =	vst v63  }
0x252: {  	v0 =	vld @!p0 [tilespmem:s21+$0x3A0];
	_ =	sdelay $0x6  }
0x253: {  	s24 =	simm.s32 @!p0 $0x12C00  }
0x254: {  	[tilespmem:s24], [sflag:$0x7] =	stream.indirect_vreg.gather @!p0 [hbm4b:s3+s5], $0x40, v0, vm1, $0xb8;
	[tilespmem:$0x1A400] =	vst v63  }
0x255: {  	v0 =	vld @!p0 [tilespmem:s21+$0x3B0];
	_ =	sdelay $0x6  }
0x256: {  	s24 =	simm.s32 @!p0 $0x13000  }
0x257: {  	[tilespmem:s24], [sflag:$0x7] =	stream.indirect_vreg.gather @!p0 [hbm4b:s3+s5], $0x40, v0, vm1, $0xb8;
	[tilespmem:$0x1A400] =	vst v63  }
0x258: {  	v0 =	vld @!p0 [tilespmem:s21+$0x3C0];
	_ =	sdelay $0x6  }
0x259: {  	s24 =	simm.s32 @!p0 $0x13400  }
0x25a: {  	[tilespmem:s24], [sflag:$0x7] =	stream.indirect_vreg.gather @!p0 [hbm4b:s3+s5], $0x40, v0, vm1, $0xb8;
	[tilespmem:$0x1A400] =	vst v63  }
0x25b: {  	v0 =	vld @!p0 [tilespmem:s21+$0x3D0];
	_ =	sdelay $0x6  }
0x25c: {  	s24 =	simm.s32 @!p0 $0x13800  }
0x25d: {  	[tilespmem:s24], [sflag:$0x7] =	stream.indirect_vreg.gather @!p0 [hbm4b:s3+s5], $0x40, v0, vm1, $0xb8;
	[tilespmem:$0x1A400] =	vst v63  }
0x25e: {  	v0 =	vld @!p0 [tilespmem:s21+$0x3E0];
	_ =	sdelay $0x6  }
0x25f: {  	s24 =	simm.s32 @!p0 $0x13C00  }
0x260: {  	[tilespmem:s24], [sflag:$0x7] =	stream.indirect_vreg.gather @!p0 [hbm4b:s3+s5], $0x40, v0, vm1, $0xb8;
	[tilespmem:$0x1A400] =	vst v63  }
0x261: {  	v0 =	vld @!p0 [tilespmem:s21+$0x3F0];
	_ =	sdelay $0x6  }
0x262: {  	s24 =	simm.s32 @!p0 $0x14000  }
0x263: {  	[tilespmem:s24], [sflag:$0x7] =	stream.indirect_vreg.gather @!p0 [hbm4b:s3+s5], $0x40, v0, vm1, $0xb8;
	[tilespmem:$0x1A400] =	vst v63  }
.Ltmp8:
0x264: {  	_ = 	snop;
	(pc) =	sbr.rel @p0 .LBB2_13-.Ltmp8, $4  }
0x265: {  	_ =	swait.ge [sflag:s25], $0x2000  }
0x266: {  	[sflag:s25] =	ssyncset.done $0x0  }
0x267: {  	s26 =	simm.s32 $0x18400;
	s24 =	sadd.s32 s31, s17;
	[sflag:s25] =	ssyncadd.s32 $0xFFFFE000  }
0x268: {  	[hbm4b:s24+s2] =	stream.linear.scatter [tilespmem:s26], [sflag:$0x14], $0x2000, $0x38;
	[tilespmem:$0x1A400] =	vst v63  }
0x269: {  	_ =	swait.ge [sflag:s29], $0x2000  }
0x26a: {  	[sflag:s29] =	ssyncset.done $0x0  }
0x26b: {  	[sflag:s29] =	ssyncadd.s32 $0xFFFFE000  }
0x26c: {  	v0 =	vld [tilespmem:s21+$0x400];
	_ =	sdelay $0x7  }
0x26d: {  	[tilespmem:s0], [sflag:$0x8] =	stream.indirect_vreg.gather [hbm4b:s3+s2], $0x40, v0, vm0, $0xb8;
	[tilespmem:$0x1A400] =	vst v63  }
0x26e: {  	v0 =	vld [tilespmem:s21+$0x410];
	_ =	sdelay $0x6  }
0x26f: {  	s5 =	simm.s32 $0x14800  }
0x270: {  	[tilespmem:s5], [sflag:$0x8] =	stream.indirect_vreg.gather [hbm4b:s3+s2], $0x40, v0, vm0, $0xb8;
	[tilespmem:$0x1A400] =	vst v63  }
0x271: {  	v0 =	vld [tilespmem:s21+$0x420];
	_ =	sdelay $0x6  }
0x272: {  	s24 =	simm.s32 $0x14C00  }
0x273: {  	[tilespmem:s24], [sflag:$0x8] =	stream.indirect_vreg.gather [hbm4b:s3+s2], $0x40, v0, vm0, $0xb8;
	[tilespmem:$0x1A400] =	vst v63  }
0x274: {  	v0 =	vld [tilespmem:s21+$0x430];
	_ =	sdelay $0x6  }
0x275: {  	s26 =	simm.s32 $0x15000  }
0x276: {  	[tilespmem:s26], [sflag:$0x8] =	stream.indirect_vreg.gather [hbm4b:s3+s2], $0x40, v0, vm0, $0xb8;
	[tilespmem:$0x1A400] =	vst v63  }
0x277: {  	v0 =	vld [tilespmem:s21+$0x440];
	_ =	sdelay $0x6  }
0x278: {  	s24 =	simm.s32 $0x15400  }
0x279: {  	[tilespmem:s24], [sflag:$0x8] =	stream.indirect_vreg.gather [hbm4b:s3+s2], $0x40, v0, vm0, $0xb8;
	[tilespmem:$0x1A400] =	vst v63  }
0x27a: {  	v0 =	vld [tilespmem:s21+$0x450];
	_ =	sdelay $0x6  }
0x27b: {  	s26 =	simm.s32 $0x15800  }
0x27c: {  	[tilespmem:s26], [sflag:$0x8] =	stream.indirect_vreg.gather [hbm4b:s3+s2], $0x40, v0, vm0, $0xb8;
	[tilespmem:$0x1A400] =	vst v63  }
0x27d: {  	v0 =	vld [tilespmem:s21+$0x460];
	_ =	sdelay $0x6  }
0x27e: {  	s24 =	simm.s32 $0x15C00  }
0x27f: {  	[tilespmem:s24], [sflag:$0x8] =	stream.indirect_vreg.gather [hbm4b:s3+s2], $0x40, v0, vm0, $0xb8;
	[tilespmem:$0x1A400] =	vst v63  }
0x280: {  	v0 =	vld [tilespmem:s21+$0x470];
	_ =	sdelay $0x3  }
.Ltmp9:
0x281: {  	_ = 	snop;
	(pc) =	sbr.rel .LBB2_2-.Ltmp9, $4  }
0x282: {  	_ = 	snop  }
0x283: {  	s31 =	sadd.s32 $0x2800, s31  }
0x284: {  	s5 =	simm.s32 $0x6400;
	s26 =	simm.s32 $0x16000;
	s21 =	sadd.s32 $0x500, s21  }
0x285: {  	[tilespmem:s26], [sflag:$0x8] =	stream.indirect_vreg.gather [hbm4b:s3+s2], $0x40, v0, vm0, $0xb8;
	[tilespmem:$0x1A400] =	vst v63  }
.LBB2_14:
0x286: {  	_ =	sfence.sel $0x180000  }
0x287: {  	[bflag:$0x0] =	sbarrier.arrive $0xFFFF  }
0x288: {  	_ =	strace $0x90000047  }
0x289: {  	s0 =	stileid.u32;
	[bflag:$0x2] =	sbarrier.arrive $0xFFFF  }
0x28a: {  	p0 =	sne.s32 s0, $0x0;
	s0 =	rddreg [dreg:$0x2]  }
0x28b: {  	s0 =	sadd.s32 @!p0 $0x100000, s0  }
0x28c: {  	[sflag:s0] =	ssyncadd.tile.s32 @!p0 $0x1;
	_ =	shalt  }
.Lfunc_end2:
_tile_overlayer_lowered:
.L_overlay_start_2:
0x28d: {  	(tag) =	ssettag $0x2  }
0x28e: {  	s0 =	rddreg [dreg:$0x0];
	s2 =	stileid.u32  }
0x28f: {  	s1 =	rddreg [dreg:$0x1];
	p0 =	sne.s32 s2, $0x0  }
0x290: {  	s3 =	rddreg [dreg:$0x2];
	[bflag:$0x3] =	sbarrier.arrive $0xFFFF;
	s2 =	simm.s32 @!p0 $0x1C15  }
0x291: {  	[timem:s3], [sflag:s2] =	dma.local @!p0 [hbm:s0], s1  }
0x292: {  	s0 =	simm.s32 @!p0 $0x15  }
0x293: {  	_ =	swait.ge @!p0 [sflag:s0], s1  }
0x294: {  	s1 =	ssub.s32 @!p0 $0x0, s1;
	[sflag:s0] =	ssyncset.done @!p0 $0x0  }
0x295: {  	[sflag:s0] =	ssyncadd.s32 @!p0 s1  }
0x296: {  	[bflag:$0x3] =	sbarrier.arrive $0xFFFF  }
0x297: {  	_ =	shalt  }

// kernel: sparse-core-data-format-call.cloned.1.call-start
scs
called_computation_lowered:
.L_overlay_start_0:
0x0: {  	s2 =	sld [smem:$0x3FD9]  }
0x1: {  	s3 =	sld [smem:$0x3FFE];
	_ =	sdelay $0x1  }
0x2: {  	s1 =	srdreg.scid  }
0x3: {  	s0 =	sand.u32 $0x1, s1  }
0x4: {  	s18 =	sshll.u32 s0, $0xA;
	s2 =	sadd.s32 s3, s2  }
0x5: {  	s2 =	sadd.s32 s2, s18  }
0x6: {  	[smem:$0x3FC6] =	sst s2  }
0x7: {  	_ = 	snop  }
0x8: {  	s2 =	sld [smem:$0x3FD0];
	(tm) =	ssettm $0x1  }
0x9: {  	s19 =	sld [smem:$0x3FFB];
	_ =	sdelay $0x3  }
0xa: {  	_ =	strace s19  }
0xb: {  	s3 =	sld [smem:$0x3FFC];
	_ =	sdelay $0x3  }
0xc: {  	_ =	strace s3  }
0xd: {  	s3 =	sld [smem:$0x3FFD];
	_ =	sdelay $0x3  }
0xe: {  	_ =	strace s3  }
0xf: {  	_ =	strace $0x8FFFFFFF  }
0x10: {  	s20 =	sld [smem:$0x3FDB];
	_ =	sdelay $0x1  }
0x11: {  	s4 =	simm.s32 $_scs_section_size  }
0x12: {  	s5 =	simm.s32 $_size__tile_overlayer_lowered;
	s6 =	simm.s32 $_tile_overlayer_lowered  }
0x13: {  	s23 =	simm.s32 $0x1BFF;
	s22 =	sshll.u32 s6, $0x1;
	s3 =	sadd.s32 s4, s20  }
0x14: {  	s7 =	simm.s32 $0x0;
	s21 =	sshll.u32 s5, $0x1;
	s5 =	sadd.s32 s22, s3  }
0x15: {  	[timem:s7], [sflag:s23] =	dma.local [hbm:s5], s21  }
0x16: {  	_ =	swait.ge [sflag:s23], s21  }
0x17: {  	s4 =	ssub.s32 $0x0, s21;
	[sflag:s23] =	ssyncset.done $0x0  }
0x18: {  	[sflag:s23] =	ssyncadd.s32 s4;
	_ =	sdelay $0x1  }
0x19: {  	s24 =	simm.s32 $0x1B8B  }
0x1a: {  	_ =	swait.ge [sflag:s24], $0x1  }
0x1b: {  	[sflag:s24] =	ssyncset.done $0x0  }
0x1c: {  	s26 =	simm.s32 $0x1B8E;
	s25 =	sld [smem:$0x3FFE];
	[sflag:s24] =	ssyncadd.s32 $0xFFFFFFFF  }
0x1d: {  	s27 =	simm.s32 $execute0_lowered;
	[smem:$0x3FD2] =	sst s26  }
0x1e: {  	s5 =	sshll.u32 s27, $0x1;
	_ =	strace $0x80000049;
	[dreg:$0x1] =	wrdreg $0xFFFFFFFF  }
0x1f: {  	s28 =	simm.s32 $_size_execute0_lowered;
	s3 =	sadd.s32 s3, s5;
	[dreg:$0x0] =	wrdreg $0x0  }
0x20: {  	s5 =	sshll.u32 s28, $0x1;
	[dreg:$0x2] =	wrdreg s3  }
0x21: {  	[dreg:$0x3] =	wrdreg s5  }
0x22: {  	[dreg:$0x4] =	wrdreg $0xC0  }
0x23: {  	_ =	task [dreg:s7], $0x5FFFF  }
0x24: {  	[dreg:$0x1] =	wrdreg $0xFFFFFFFF  }
0x25: {  	[dreg:$0x0] =	wrdreg $0x60  }
0x26: {  	[dreg:$0x2] =	wrdreg s25  }
0x27: {  	[dreg:$0x3] =	wrdreg s2  }
0x28: {  	[dreg:$0x4] =	wrdreg $0x9  }
0x29: {  	_ =	task.clear_ibuf [dreg:s7], $0x5FFFF;
	_ =	strace $0x90000049  }
0x2a: {  	s29 =	simm.s32 $0x9;
	_ =	strace $0x8000004B  }
0x2b: {  	_ =	swait.ge [sflag:s29], $0x1  }
0x2c: {  	[sflag:s29] =	ssyncadd.s32 $0xFFFFFFFF  }
0x2d: {  	_ =	strace $0x9000004B  }
0x2e: {  	_ =	sfence  }
0x2f: {  	s30 =	sld [smem:$0x0];
	_ =	sdelay $0x2  }
0x30: {  	s31 =	sshll.u32 s1, $0xD;
	s1 =	sshrl.u32 s1, $0x2  }
0x31: {  	s3 =	sand.u32 $0x4000, s31;
	s1 =	sadd.s32 s1, s30  }
0x32: {  	s0 =	sor.u32 s3, s0;
	s1 =	sshll.u32 s1, $0x11  }
0x33: {  	s0 =	sor.u32 s1, s0  }
0x34: {  	s0 =	sadd.s32 $0x8F2B, s0  }
0x35: {  	[sflag:s0] =	ssyncadd.remote.s32 $0x1  }
0x36: {  	_ =	sfence.sel $0xFFFF  }
0x37: {  	[dreg:$0x0] =	wrdreg $0xFFFFFFFF;
	(pc) =	sbr.abs _section_cstart, $3  }
0x38: {  	[dreg:$0x1] =	wrdreg $0xFFFFFFFF  }
0x39: {  	_ =	task.clear_ibuf [dreg:s7], $0x2FFFF;
	_ =	strace $0x9FFFFFFF  }
0x3a: {  	(tm) =	ssettm $0x7FFFFFFF  }
0x3b: {  	_ =	shalt  }
tec
execute0_lowered:
.L_overlay_start_1:
0x0: {  	(tag) =	ssettag $0x1  }
0x1: {  	s0 =	srdreg.scid  }
0x2: {  	s1 =	sshll.u32 s0, $0x4  }
0x3: {  	s0 =	stileid.u32;
	s1 =	sand.u32 $0x10, s1  }
0x4: {  	s1 =	sor.u32 s0, s1  }
0x5: {  	s6 =	rddreg [dreg:$0x0];
	s4 =	simm.s32 $0x1;
	s2 =	sshll.u32 s1, $0x7  }
0x6: {  	s7 =	simm.s32 $0x2;
	s12 =	simm.s32 $0x0;
	s1 =	ssub.s32 $0x1000, s2  }
0x7: {  	s8 =	simm.s32 $0x8000;
	s13 =	simm.s32 $0x0;
	s3 =	sand.u32 $0xF80, s1  }
0x8: {  	s9 =	simm.s32 $0x0;
	s5 =	sshrl.u32 s1, $0xC;
	p0 =	sne.s32 s3, $0x0  }
.Ltmp0:
0x9: {  	s1 =	rddreg [dreg:$0x2];
	s4 =	simm.s32 @!p0 $0x0;
	(pc) =	sbr.rel .LBB1_1-.Ltmp0, $4  }
0xa: {  	s11 =	simm.s32 $0x0;
	s3 =	rddreg [dreg:$0x1];
	s5 =	sadd.s32 s4, s5  }
0xb: {  	_ =	strace $0x8000004A;
	s4 =	simm.s32 $0x1;
	s5 =	smul.u32 $0xC8, s5  }
0xc: {  	s6 =	sadd.s32 $0xA00, s6;
	s10 =	smov.u32 s2;
	[sflag:s4] =	ssyncpa.u1 $0x0  }
0xd: {  	p0 =	por $0x0, $0x0;
	[sflag:s7] =	ssyncpa.u1 $0x0;
	s7 =	sor.u32 $0x1, s5  }
.LBB1_4:
0xe: {  	s16 =	sshll.u32 s13, $0x3;
	s17 =	sand.u32 $0x78, s13  }
0xf: {  	s30 =	sand.u32 $0x7E00, s13;
	s12 =	sshll.u32 s12, $0xF;
	s16 =	sand.u32 $0xC00, s16  }
0x10: {  	[tilespmem:s15+$0x810 ss:$0x81] =	vst.msk $0xffff, v2;
	s31 =	sand.u32 $0x7, s13;
	s16 =	sor.u32 s17, s16;
	s17 =	sadd.s32 s3, s30  }
0x11: {  	[tilespmem:s15+$0x1020 ss:$0x81] =	vst.msk $0xffff, v0;
	s13 =	sshll.u32 s31, $0x12;
	s12 =	sadd.s32 s12, s17;
	s16 =	sshrl.u32 s16, $0x3  }
0x12: {  	[tilespmem:s15+$0x0 ss:$0x81] =	vst.msk $0xffff, v1;
	s13 =	sor.u32 $0x400, s13;
	s12 =	sadd.s32 s16, s12  }
0x13: {  	[hbm4b:s12+s13] =	stream.strided.scatter [tilespmem:s14], [sflag:$0x2], $0x2000, s8, s13, $0x20;
	[tilespmem:$0x8080] =	vst v63  }
.LBB1_5:
0x14: {  	s14 =	sadd.s32 $0x1, s9  }
0x15: {  	s12 =	sadd.s32 $0x1000, s10;
	s16 =	smov.u32 s10;
	p2 =	sgt.s32 s14, $0xC7  }
0x16: {  	s16 =	smov.u32 @p2 s12  }
0x17: {  	s14 =	simm.s32 @p2 $0x0;
	p2 =	sgt.s32 s16, $0xFFF  }
0x18: {  	s16 =	smov.u32 @p2 s2;
	p2 =	sne.s32 s11, s7  }
.Ltmp1:
0x19: {  	p1 =	slt.u32 s11, $0x2;
	(pc) =	sbr.rel @!p2 .LBB1_6-.Ltmp1, $4  }
0x1a: {  	s15 =	simm.s32 @!p1 $0x2  }
0x1b: {  	s13 =	smov.u32 s10;
	p0 =	por !p0, !p0;
	_ =	swait.ge @!p1 [sflag:s15], $0x2000  }
0x1c: {  	s12 =	smov.u32 s9;
	[sflag:s15] =	ssyncset.done @!p1 $0x0;
	s9 =	smov.u32 s14  }
0x1d: {  	s11 =	sadd.s32 $0x1, s11;
	[sflag:s15] =	ssyncadd.s32 @!p1 $0xFFFFE000;
	s10 =	smov.u32 s16  }
.LBB1_1:
0x1e: {  	p1 =	sge.u32 s11, s5  }
0x1f: {  	s14 =	sand.u32 @!p1 $0x1FFFFFF, s9  }
0x20: {  	s15 =	smulhi.u32 @!p1 $0x147AE15, s14;
	_ =	sdelay $0x1  }
0x21: {  	s15 =	smul.u32 @!p1 $0xC8, s15  }
0x22: {  	s16 =	sxor.u32 @!p1 $0xFFFFFFFF, s11;
	s17 =	smul.u32 @!p1 $0xC80, s10  }
0x23: {  	s31 =	sadd.s32 $0xFFFFFFFF, s11;
	s16 =	sshll.u32 @!p1 s16, $0xD;
	s14 =	ssub.s32 @!p1 s14, s15  }
0x24: {  	s15 =	sand.u32 @!p1 $0x2000, s16;
	s16 =	sadd.s32 @!p1 s6, s17;
	s14 =	sshll.u32 @!p1 s14, $0x4  }
0x25: {  	s17 =	simm.s32 @!p1 $0x6400;
	s14 =	sadd.s32 @!p1 s14, s16;
	s16 =	simm.s32 @!p1 $0x40  }
0x26: {  	[tilespmem:s15], [sflag:$0x1] =	stream.strided.gather @!p1 [hbm4b:s14+s16], $0x2000, s17, s16, $0x38;
	[tilespmem:$0x8080] =	vst v63  }
0x27: {  	p1 =	sge.u32 s31, s5  }
.Ltmp2:
0x28: {  	_ = 	snop;
	(pc) =	sbr.rel @p1 .LBB1_5-.Ltmp2, $1  }
0x29: {  	_ =	sdelay $0x3  }
0x2a: {  	s14 =	simm.s32 $0x1  }
0x2b: {  	_ =	swait.ge [sflag:s4], $0x2000;
	s14 =	simm.s32 @!p0 $0x0  }
0x2c: {  	[sflag:s4] =	ssyncset.done $0x0;
	s15 =	sshll.u32 s14, $0xD  }
0x2d: {  	[sflag:s4] =	ssyncadd.s32 $0xFFFFE000;
	s18 =	sor.u32 $0x20, s15  }
0x2e: {  	s14 =	smul.u32 $0x8100, s14;
	v3 =	vld [tilespmem:s18+$0x10]  }
0x2f: {  	s30 =	sand.u32 $0x1, s11;
	v2 =	vld [tilespmem:s18+$0xFFFFFFF0]  }
0x30: {  	s15 =	smul.u32 $0x8100, s30;
	s14 =	sshrl.u32 s14, $0x2;
	v0 =	vld [tilespmem:s18+$0x0]  }
0x31: {  	v1 =	vld [tilespmem:s18+$0xFFFFFFE0];
	s16 =	sor.u32 $0x4000, s14  }
0x32: {  	s31 =	sshrl.u32 s15, $0x2;
	s15 =	sadd.s32 $0x0, s16  }
0x33: {  	s17 =	simm.s32 $0x4;
	s18 =	sadd.s32 $0x40, s18;
	s14 =	sor.u32 $0x4000, s31;
	[tilespmem:s15+$0x1830 ss:$0x81] =	vst.msk $0xffff, v3  }
.LBB1_3:
0x34: {  	v3 =	vld [tilespmem:s18+$0x10];
	p1 =	sne.s32 s17, $0x1FC;
	[tilespmem:s15+$0x810 ss:$0x81] =	vst.msk $0xffff, v2;
	s19 =	smov.u32 s17;
	s17 =	sadd.s32 $0x4, s17  }
.Ltmp3:
0x35: {  	v2 =	vld [tilespmem:s18+$0xFFFFFFF0];
	[tilespmem:s15+$0x1020 ss:$0x81] =	vst.msk $0xffff, v0;
	(pc) =	sbr.rel @p1 .LBB1_3-.Ltmp3, $4  }
0x36: {  	v0 =	vld [tilespmem:s18+$0x0];
	[tilespmem:s15+$0x0 ss:$0x81] =	vst.msk $0xffff, v1  }
0x37: {  	s15 =	sshra.s32 s19, $0x2;
	v1 =	vld [tilespmem:s18+$0xFFFFFFE0]  }
0x38: {  	s15 =	sadd.s32 s15, s16  }
0x39: {  	s18 =	sadd.s32 $0x40, s18;
	[tilespmem:s15+$0x1830 ss:$0x81] =	vst.msk $0xffff, v3  }
.Ltmp4:
0x3a: {  	_ = 	snop;
	(pc) =	sbr.rel .LBB1_4-.Ltmp4, $1  }
0x3b: {  	_ =	sdelay $0x3  }
.LBB1_6:
0x3c: {  	_ =	sfence.sel $0x180000  }
0x3d: {  	s2 =	simm.s32 $0x1;
	[bflag:$0x0] =	sbarrier.arrive $0xFFFF  }
0x3e: {  	s31 =	simm.s32 $0x2;
	[sflag:s2] =	ssyncpa.u1 $0x1  }
0x3f: {  	[sflag:s31] =	ssyncpa.u1 $0x1  }
0x40: {  	p0 =	sne.s32 s0, $0x0;
	_ =	strace $0x9000004A  }
0x41: {  	s0 =	sadd.s32 @!p0 $0x100000, s1;
	[bflag:$0x2] =	sbarrier.arrive $0xFFFF  }
0x42: {  	[sflag:s0] =	ssyncadd.tile.s32 @!p0 $0x1;
	_ =	shalt  }
.Lfunc_end1:
_tile_overlayer_lowered:
.L_overlay_start_2:
0x43: {  	(tag) =	ssettag $0x2  }
0x44: {  	s0 =	rddreg [dreg:$0x0];
	s2 =	stileid.u32  }
0x45: {  	s1 =	rddreg [dreg:$0x1];
	p0 =	sne.s32 s2, $0x0  }
0x46: {  	s3 =	rddreg [dreg:$0x2];
	[bflag:$0x3] =	sbarrier.arrive $0xFFFF;
	s2 =	simm.s32 @!p0 $0x1C01  }
0x47: {  	[timem:s3], [sflag:s2] =	dma.local @!p0 [hbm:s0], s1  }
0x48: {  	s0 =	simm.s32 @!p0 $0x1  }
0x49: {  	_ =	swait.ge @!p0 [sflag:s0], s1  }
0x4a: {  	s1 =	ssub.s32 @!p0 $0x0, s1;
	[sflag:s0] =	ssyncset.done @!p0 $0x0  }
0x4b: {  	[sflag:s0] =	ssyncadd.s32 @!p0 s1  }
0x4c: {  	[bflag:$0x3] =	sbarrier.arrive $0xFFFF  }
0x4d: {  	_ =	shalt  }

</sc_bundles>
